<compile_context>
chip_gen: v7x
topology: tpu7x:2x2x1
jax: 0.10.2.dev20260603
libtpu: 0.0.44.dev20260713+nightly
codegen_flags: <defaults>
</compile_context>

<pallas_src>
import functools

import jax
import jax.numpy as jnp
from jax import lax
from jax.experimental import pallas as pl
from jax.experimental.pallas import tpu as pltpu
from jax.experimental.pallas import tpu_sc as plsc

VOCAB = 100000
D = 128
BATCH = 4096
CTX = 20

NC = 2
NS = 16
NW = NC * NS

B_PER_W = BATCH // NW
CHUNK_B = 4
N_CHUNKS = B_PER_W // CHUNK_B
IDX_PER_CHUNK = CHUNK_B * CTX


def _gather_mean_body(x_hbm, emb_hbm, out_hbm, idx_v, rows_v, hacc_v, sem):
    wid = lax.axis_index("s") * NC + lax.axis_index("c")
    pltpu.sync_copy(x_hbm.at[wid], idx_v)

    def chunk_body(cc, carry):
        pltpu.async_copy(emb_hbm.at[idx_v.at[cc]], rows_v, sem).wait()
        for r in range(CHUNK_B):
            base = r * CTX
            for c in range(D // 16):
                acc = rows_v[base, pl.ds(c * 16, 16)]
                for j in range(1, CTX):
                    acc = acc + rows_v[base + j, pl.ds(c * 16, 16)]
                hacc_v[cc * CHUNK_B + r, pl.ds(c * 16, 16)] = acc * (1.0 / CTX)
        return carry

    lax.fori_loop(0, N_CHUNKS, chunk_body, 0)

    pltpu.sync_copy(hacc_v, out_hbm.at[pl.ds(wid * B_PER_W, B_PER_W)])


@functools.partial(jax.jit, static_argnames=())
def _gather_mean(x_grouped, emb):
    mesh = plsc.VectorSubcoreMesh(core_axis_name="c", subcore_axis_name="s")
    return pl.kernel(
        _gather_mean_body,
        out_type=jax.ShapeDtypeStruct((BATCH, D), jnp.float32),
        mesh=mesh,
        scratch_types=[
            pltpu.VMEM((N_CHUNKS, IDX_PER_CHUNK), jnp.int32),
            pltpu.VMEM((IDX_PER_CHUNK, D), jnp.float32),
            pltpu.VMEM((B_PER_W, D), jnp.float32),
            pltpu.SemaphoreType.DMA,
        ],
    )(x_grouped, emb)


BN = 512


def _mm_body(h_ref, w_ref, b_ref, out_ref):
    out_ref[...] = lax.dot_general(
        h_ref[...], w_ref[...],
        (((1,), (1,)), ((), ())),
        preferred_element_type=jnp.float32,
    ) + b_ref[...]


def _matmul(h, W, b2d):
    grid = (pl.cdiv(VOCAB, BN),)
    return pl.pallas_call(
        _mm_body,
        grid=grid,
        in_specs=[
            pl.BlockSpec((BATCH, D), lambda n: (0, 0)),
            pl.BlockSpec((BN, D), lambda n: (n, 0)),
            pl.BlockSpec((1, BN), lambda n: (0, n)),
        ],
        out_specs=pl.BlockSpec((BATCH, BN), lambda n: (0, n)),
        out_shape=jax.ShapeDtypeStruct((BATCH, VOCAB), jnp.float32),
    )(h, W, b2d)


def kernel(x, emb, W, b):
    x_grouped = x.astype(jnp.int32).reshape(NW, N_CHUNKS, IDX_PER_CHUNK)
    h = _gather_mean(x_grouped, emb)
    return _matmul(h, W, b.reshape(1, VOCAB))

# --- scband reference (transcript-rebuilt; emitter-appended) ---
"""Pipeline reference for scband-cbow-21552145891530 (READ-ONLY COPY).

The authoritative reference and input builder live on the scoring server;
editing this copy changes nothing except your own understanding.
"""

import jax, jax.numpy as jnp
import numpy as np

VOCAB = 100000
D_MODEL = 128
BATCH = 4096
CTX = 20

def setup_inputs(seed: int = 0) -> dict:
    key = jax.random.key(seed)
    k1, k2, k3 = jax.random.split(key, 3)
    x = jax.random.randint(k1, (BATCH, CTX), 0, VOCAB, dtype=jnp.int64 if jax.config.jax_enable_x64 else jnp.int32)
    emb = jax.random.normal(k2, (VOCAB, D_MODEL), dtype=jnp.float32) * 0.02
    W = jax.random.normal(k3, (VOCAB, D_MODEL), dtype=jnp.float32) * 0.02
    b = jnp.zeros((VOCAB,), dtype=jnp.float32)
    return {"x": x, "emb": emb, "W": W, "b": b}

def reference(x, emb, W, b):
    # embedding lookup: gather rows of emb by token ids
    gathered = jnp.take(emb, x, axis=0)          # [B, CTX, D]
    h = jnp.mean(gathered, axis=1)               # [B, D]
    # fc: Linear(d_model -> vocab), torch weight is [out, in]
    logits = h @ W.T + b                         # [B, VOCAB]
    return logits

if __name__ == "__main__":
    import jax
    _d = setup_inputs()
    print(jax.jit(kernel)(*tuple(_d.values())))

</pallas_src>

<mosaic_0001>
#map = affine_map<(d0, d1) -> (0, 0, 0)>
#map1 = affine_map<(d0, d1) -> (0, 0)>
module attributes {stable_mosaic.version = 14 : i64} {
  func.func @_gather_mean_body(%arg0: i32, %arg1: i32, %arg2: memref<32x32x80xi32, #tpu.memory_space<hbm>>, %arg3: memref<100000x128xf32, #tpu.memory_space<hbm>>, %arg4: memref<4096x128xf32, #tpu.memory_space<hbm>>, %arg5: memref<32x80xi32, #tpu.memory_space<vmem>>, %arg6: memref<80x128xf32, #tpu.memory_space<vmem>>, %arg7: memref<128x128xf32, #tpu.memory_space<vmem>>, %arg8: memref<!tpu.dma_semaphore, #tpu.memory_space<semaphore_mem>>) attributes {dimension_semantics = [#tpu.dimension_semantics<core_parallel>, #tpu.dimension_semantics<subcore_parallel>], iteration_bounds = array<i64: 2, 16>, scalar_prefetch = 0 : i64, scratch_operands = 4 : i64, tpu.core_type = #tpu.core_type<sc_vector_subcore>, window_params = [{transform_indices = #map}, {transform_indices = #map1}, {transform_indices = #map1}]} {
    %mul3A = arith.constant 2 : i32
    %mul3A_0 = arith.muli %arg1, %mul3A : i32
    %add3A = arith.addi %mul3A_0, %arg0 : i32
    "tpu.region"() ({
      %run_scoped3A = tpu.sem_alloc : memref<!tpu.dma_semaphore, #tpu.memory_space<semaphore_mem>>
      %dma_start3A = arith.constant 0 : i32
      %dma_start3A_8 = arith.constant 0 : i32
      %dma_start3A_9 = tpu.memref_slice %arg2[%add3A, %dma_start3A, %dma_start3A_8] : memref<32x32x80xi32, #tpu.memory_space<hbm>> -> memref<1x32x80xi32, #tpu.memory_space<hbm>>
      %dma_start3A_10 = tpu.memref_squeeze %dma_start3A_9 : memref<1x32x80xi32, #tpu.memory_space<hbm>> -> memref<32x80xi32, #tpu.memory_space<hbm>>
      %dma_start3A_11 = arith.constant 0 : i32
      %dma_start3A_12 = arith.constant 0 : i32
      %dma_start3A_13 = tpu.memref_slice %arg2[%add3A, %dma_start3A_11, %dma_start3A_12] : memref<32x32x80xi32, #tpu.memory_space<hbm>> -> memref<1x32x80xi32, #tpu.memory_space<hbm>>
      %dma_start3A_14 = tpu.memref_squeeze %dma_start3A_13 : memref<1x32x80xi32, #tpu.memory_space<hbm>> -> memref<32x80xi32, #tpu.memory_space<hbm>>
      tpu.enqueue_dma source(%dma_start3A_14 : memref<32x80xi32, #tpu.memory_space<hbm>>) target(%arg5 : memref<32x80xi32, #tpu.memory_space<vmem>>) target_semaphore(%run_scoped3A : memref<!tpu.dma_semaphore, #tpu.memory_space<semaphore_mem>>)
      %dma_wait3A = arith.constant 0 : i32
      %dma_wait3A_15 = arith.constant 0 : i32
      %dma_wait3A_16 = tpu.memref_slice %arg2[%add3A, %dma_wait3A, %dma_wait3A_15] : memref<32x32x80xi32, #tpu.memory_space<hbm>> -> memref<1x32x80xi32, #tpu.memory_space<hbm>>
      %dma_wait3A_17 = tpu.memref_squeeze %dma_wait3A_16 : memref<1x32x80xi32, #tpu.memory_space<hbm>> -> memref<32x80xi32, #tpu.memory_space<hbm>>
      %dma_wait3A_18 = arith.constant 0 : i32
      %dma_wait3A_19 = arith.constant 0 : i32
      %dma_wait3A_20 = tpu.memref_slice %arg2[%add3A, %dma_wait3A_18, %dma_wait3A_19] : memref<32x32x80xi32, #tpu.memory_space<hbm>> -> memref<1x32x80xi32, #tpu.memory_space<hbm>>
      %dma_wait3A_21 = tpu.memref_squeeze %dma_wait3A_20 : memref<1x32x80xi32, #tpu.memory_space<hbm>> -> memref<32x80xi32, #tpu.memory_space<hbm>>
      tpu.wait_dma2 semaphore(%run_scoped3A : memref<!tpu.dma_semaphore, #tpu.memory_space<semaphore_mem>>) src(%dma_wait3A_21 : memref<32x80xi32, #tpu.memory_space<hbm>>) dst(%arg5 : memref<32x80xi32, #tpu.memory_space<vmem>>)
      tpu.yield
    }) : () -> ()
    %scan3A = arith.constant 0 : i32
    %scan3A_1 = arith.constant 0 : i32
    %scan3A_2 = arith.constant 32 : i32
    %scan3A_3 = arith.addi %scan3A_1, %scan3A_2 : i32
    %scan3A_4 = arith.constant 1 : i32
    scf.for %scan3A_8 = %scan3A_1 to %scan3A_3 step %scan3A_4  : i32 {
      %dma_start3A = arith.constant 0 : i32
      %dma_start3A_9 = tpu.memref_slice %arg5[%scan3A_8, %dma_start3A] : memref<32x80xi32, #tpu.memory_space<vmem>> -> memref<1x80xi32, #tpu.memory_space<vmem>>
      %dma_start3A_10 = tpu.memref_squeeze %dma_start3A_9 : memref<1x80xi32, #tpu.memory_space<vmem>> -> memref<80xi32, #tpu.memory_space<vmem>>
      %dma_start3A_11 = arith.constant 0 : i32
      %dma_start3A_12 = arith.constant 0 : i32
      %dma_start3A_13 = tpu.memref_slice %arg3[%dma_start3A_11, %dma_start3A_12] : memref<100000x128xf32, #tpu.memory_space<hbm>> -> memref<100000x128xf32, #tpu.memory_space<hbm>>
      tpu.enqueue_indirect_dma source(%dma_start3A_13 : memref<100000x128xf32, #tpu.memory_space<hbm>>) target(%arg6 : memref<80x128xf32, #tpu.memory_space<vmem>>) offsets(%dma_start3A_10 : memref<80xi32, #tpu.memory_space<vmem>>) semaphore(%arg8 : memref<!tpu.dma_semaphore, #tpu.memory_space<semaphore_mem>>)
      %dma_wait3A = arith.constant 0 : i32
      %dma_wait3A_14 = tpu.memref_slice %arg5[%scan3A_8, %dma_wait3A] : memref<32x80xi32, #tpu.memory_space<vmem>> -> memref<1x80xi32, #tpu.memory_space<vmem>>
      %dma_wait3A_15 = tpu.memref_squeeze %dma_wait3A_14 : memref<1x80xi32, #tpu.memory_space<vmem>> -> memref<80xi32, #tpu.memory_space<vmem>>
      %dma_wait3A_16 = arith.constant 0 : i32
      %dma_wait3A_17 = arith.constant 0 : i32
      %dma_wait3A_18 = tpu.memref_slice %arg3[%dma_wait3A_16, %dma_wait3A_17] : memref<100000x128xf32, #tpu.memory_space<hbm>> -> memref<100000x128xf32, #tpu.memory_space<hbm>>
      tpu.wait_indirect_dma semaphore(%arg8 : memref<!tpu.dma_semaphore, #tpu.memory_space<semaphore_mem>>) src(%dma_wait3A_18 : memref<100000x128xf32, #tpu.memory_space<hbm>>) dst(%arg6 : memref<80x128xf32, #tpu.memory_space<vmem>>)
      %get3A = arith.constant 0 : i32
      %get3A_19 = arith.index_cast %get3A : i32 to index
      %get3A_20 = arith.constant 0 : index
      %get3A_21 = tpu.vector_load %arg6[%get3A_19, %get3A_20] {strides = array<i32>} : memref<80x128xf32, #tpu.memory_space<vmem>>, vector<1x16xf32>,
      %get3A_22 = vector.shape_cast %get3A_21 : vector<1x16xf32> to vector<16xf32>
      %get3A_23 = arith.constant 1 : i32
      %get3A_24 = arith.index_cast %get3A_23 : i32 to index
      %get3A_25 = arith.constant 0 : index
      %get3A_26 = tpu.vector_load %arg6[%get3A_24, %get3A_25] {strides = array<i32>} : memref<80x128xf32, #tpu.memory_space<vmem>>, vector<1x16xf32>,
      %get3A_27 = vector.shape_cast %get3A_26 : vector<1x16xf32> to vector<16xf32>
      %add3A_28 = arith.addf %get3A_22, %get3A_27 : vector<16xf32>
      %get3A_29 = arith.constant 2 : i32
      %get3A_30 = arith.index_cast %get3A_29 : i32 to index
      %get3A_31 = arith.constant 0 : index
      %get3A_32 = tpu.vector_load %arg6[%get3A_30, %get3A_31] {strides = array<i32>} : memref<80x128xf32, #tpu.memory_space<vmem>>, vector<1x16xf32>,
      %get3A_33 = vector.shape_cast %get3A_32 : vector<1x16xf32> to vector<16xf32>
      %add3A_34 = arith.addf %add3A_28, %get3A_33 : vector<16xf32>
      %get3A_35 = arith.constant 3 : i32
      %get3A_36 = arith.index_cast %get3A_35 : i32 to index
      %get3A_37 = arith.constant 0 : index
      %get3A_38 = tpu.vector_load %arg6[%get3A_36, %get3A_37] {strides = array<i32>} : memref<80x128xf32, #tpu.memory_space<vmem>>, vector<1x16xf32>,
      %get3A_39 = vector.shape_cast %get3A_38 : vector<1x16xf32> to vector<16xf32>
      %add3A_40 = arith.addf %add3A_34, %get3A_39 : vector<16xf32>
      %get3A_41 = arith.constant 4 : i32
      %get3A_42 = arith.index_cast %get3A_41 : i32 to index
      %get3A_43 = arith.constant 0 : index
      %get3A_44 = tpu.vector_load %arg6[%get3A_42, %get3A_43] {strides = array<i32>} : memref<80x128xf32, #tpu.memory_space<vmem>>, vector<1x16xf32>,
      %get3A_45 = vector.shape_cast %get3A_44 : vector<1x16xf32> to vector<16xf32>
      %add3A_46 = arith.addf %add3A_40, %get3A_45 : vector<16xf32>
      %get3A_47 = arith.constant 5 : i32
      %get3A_48 = arith.index_cast %get3A_47 : i32 to index
      %get3A_49 = arith.constant 0 : index
      %get3A_50 = tpu.vector_load %arg6[%get3A_48, %get3A_49] {strides = array<i32>} : memref<80x128xf32, #tpu.memory_space<vmem>>, vector<1x16xf32>,
      %get3A_51 = vector.shape_cast %get3A_50 : vector<1x16xf32> to vector<16xf32>
      %add3A_52 = arith.addf %add3A_46, %get3A_51 : vector<16xf32>
      %get3A_53 = arith.constant 6 : i32
      %get3A_54 = arith.index_cast %get3A_53 : i32 to index
      %get3A_55 = arith.constant 0 : index
      %get3A_56 = tpu.vector_load %arg6[%get3A_54, %get3A_55] {strides = array<i32>} : memref<80x128xf32, #tpu.memory_space<vmem>>, vector<1x16xf32>,
      %get3A_57 = vector.shape_cast %get3A_56 : vector<1x16xf32> to vector<16xf32>
      %add3A_58 = arith.addf %add3A_52, %get3A_57 : vector<16xf32>
      %get3A_59 = arith.constant 7 : i32
      %get3A_60 = arith.index_cast %get3A_59 : i32 to index
      %get3A_61 = arith.constant 0 : index
      %get3A_62 = tpu.vector_load %arg6[%get3A_60, %get3A_61] {strides = array<i32>} : memref<80x128xf32, #tpu.memory_space<vmem>>, vector<1x16xf32>,
      %get3A_63 = vector.shape_cast %get3A_62 : vector<1x16xf32> to vector<16xf32>
      %add3A_64 = arith.addf %add3A_58, %get3A_63 : vector<16xf32>
      %get3A_65 = arith.constant 8 : i32
      %get3A_66 = arith.index_cast %get3A_65 : i32 to index
      %get3A_67 = arith.constant 0 : index
      %get3A_68 = tpu.vector_load %arg6[%get3A_66, %get3A_67] {strides = array<i32>} : memref<80x128xf32, #tpu.memory_space<vmem>>, vector<1x16xf32>,
      %get3A_69 = vector.shape_cast %get3A_68 : vector<1x16xf32> to vector<16xf32>
      %add3A_70 = arith.addf %add3A_64, %get3A_69 : vector<16xf32>
      %get3A_71 = arith.constant 9 : i32
      %get3A_72 = arith.index_cast %get3A_71 : i32 to index
      %get3A_73 = arith.constant 0 : index
      %get3A_74 = tpu.vector_load %arg6[%get3A_72, %get3A_73] {strides = array<i32>} : memref<80x128xf32, #tpu.memory_space<vmem>>, vector<1x16xf32>,
      %get3A_75 = vector.shape_cast %get3A_74 : vector<1x16xf32> to vector<16xf32>
      %add3A_76 = arith.addf %add3A_70, %get3A_75 : vector<16xf32>
      %get3A_77 = arith.constant 10 : i32
      %get3A_78 = arith.index_cast %get3A_77 : i32 to index
      %get3A_79 = arith.constant 0 : index
      %get3A_80 = tpu.vector_load %arg6[%get3A_78, %get3A_79] {strides = array<i32>} : memref<80x128xf32, #tpu.memory_space<vmem>>, vector<1x16xf32>,
      %get3A_81 = vector.shape_cast %get3A_80 : vector<1x16xf32> to vector<16xf32>
      %add3A_82 = arith.addf %add3A_76, %get3A_81 : vector<16xf32>
      %get3A_83 = arith.constant 11 : i32
      %get3A_84 = arith.index_cast %get3A_83 : i32 to index
      %get3A_85 = arith.constant 0 : index
      %get3A_86 = tpu.vector_load %arg6[%get3A_84, %get3A_85] {strides = array<i32>} : memref<80x128xf32, #tpu.memory_space<vmem>>, vector<1x16xf32>,
      %get3A_87 = vector.shape_cast %get3A_86 : vector<1x16xf32> to vector<16xf32>
      %add3A_88 = arith.addf %add3A_82, %get3A_87 : vector<16xf32>
      %get3A_89 = arith.constant 12 : i32
      %get3A_90 = arith.index_cast %get3A_89 : i32 to index
      %get3A_91 = arith.constant 0 : index
      %get3A_92 = tpu.vector_load %arg6[%get3A_90, %get3A_91] {strides = array<i32>} : memref<80x128xf32, #tpu.memory_space<vmem>>, vector<1x16xf32>,
      %get3A_93 = vector.shape_cast %get3A_92 : vector<1x16xf32> to vector<16xf32>
      %add3A_94 = arith.addf %add3A_88, %get3A_93 : vector<16xf32>
      %get3A_95 = arith.constant 13 : i32
      %get3A_96 = arith.index_cast %get3A_95 : i32 to index
      %get3A_97 = arith.constant 0 : index
      %get3A_98 = tpu.vector_load %arg6[%get3A_96, %get3A_97] {strides = array<i32>} : memref<80x128xf32, #tpu.memory_space<vmem>>, vector<1x16xf32>,
      %get3A_99 = vector.shape_cast %get3A_98 : vector<1x16xf32> to vector<16xf32>
      %add3A_100 = arith.addf %add3A_94, %get3A_99 : vector<16xf32>
      %get3A_101 = arith.constant 14 : i32
      %get3A_102 = arith.index_cast %get3A_101 : i32 to index
      %get3A_103 = arith.constant 0 : index
      %get3A_104 = tpu.vector_load %arg6[%get3A_102, %get3A_103] {strides = array<i32>} : memref<80x128xf32, #tpu.memory_space<vmem>>, vector<1x16xf32>,
      %get3A_105 = vector.shape_cast %get3A_104 : vector<1x16xf32> to vector<16xf32>
      %add3A_106 = arith.addf %add3A_100, %get3A_105 : vector<16xf32>
      %get3A_107 = arith.constant 15 : i32
      %get3A_108 = arith.index_cast %get3A_107 : i32 to index
      %get3A_109 = arith.constant 0 : index
      %get3A_110 = tpu.vector_load %arg6[%get3A_108, %get3A_109] {strides = array<i32>} : memref<80x128xf32, #tpu.memory_space<vmem>>, vector<1x16xf32>,
      %get3A_111 = vector.shape_cast %get3A_110 : vector<1x16xf32> to vector<16xf32>
      %add3A_112 = arith.addf %add3A_106, %get3A_111 : vector<16xf32>
      %get3A_113 = arith.constant 16 : i32
      %get3A_114 = arith.index_cast %get3A_113 : i32 to index
      %get3A_115 = arith.constant 0 : index
      %get3A_116 = tpu.vector_load %arg6[%get3A_114, %get3A_115] {strides = array<i32>} : memref<80x128xf32, #tpu.memory_space<vmem>>, vector<1x16xf32>,
      %get3A_117 = vector.shape_cast %get3A_116 : vector<1x16xf32> to vector<16xf32>
      %add3A_118 = arith.addf %add3A_112, %get3A_117 : vector<16xf32>
      %get3A_119 = arith.constant 17 : i32
      %get3A_120 = arith.index_cast %get3A_119 : i32 to index
      %get3A_121 = arith.constant 0 : index
      %get3A_122 = tpu.vector_load %arg6[%get3A_120, %get3A_121] {strides = array<i32>} : memref<80x128xf32, #tpu.memory_space<vmem>>, vector<1x16xf32>,
      %get3A_123 = vector.shape_cast %get3A_122 : vector<1x16xf32> to vector<16xf32>
      %add3A_124 = arith.addf %add3A_118, %get3A_123 : vector<16xf32>
      %get3A_125 = arith.constant 18 : i32
      %get3A_126 = arith.index_cast %get3A_125 : i32 to index
      %get3A_127 = arith.constant 0 : index
      %get3A_128 = tpu.vector_load %arg6[%get3A_126, %get3A_127] {strides = array<i32>} : memref<80x128xf32, #tpu.memory_space<vmem>>, vector<1x16xf32>,
      %get3A_129 = vector.shape_cast %get3A_128 : vector<1x16xf32> to vector<16xf32>
      %add3A_130 = arith.addf %add3A_124, %get3A_129 : vector<16xf32>
      %get3A_131 = arith.constant 19 : i32
      %get3A_132 = arith.index_cast %get3A_131 : i32 to index
      %get3A_133 = arith.constant 0 : index
      %get3A_134 = tpu.vector_load %arg6[%get3A_132, %get3A_133] {strides = array<i32>} : memref<80x128xf32, #tpu.memory_space<vmem>>, vector<1x16xf32>,
      %get3A_135 = vector.shape_cast %get3A_134 : vector<1x16xf32> to vector<16xf32>
      %add3A_136 = arith.addf %add3A_130, %get3A_135 : vector<16xf32>
      %mul3A_137 = arith.constant 5.000000e-02 : f32
      %mul3A_138 = vector.broadcast %mul3A_137 : f32 to vector<16xf32>
      %mul3A_139 = arith.mulf %add3A_136, %mul3A_138 : vector<16xf32>
      %mul3A_140 = arith.constant 4 : i32
      %mul3A_141 = arith.muli %scan3A_8, %mul3A_140 : i32
      %add3A_142 = arith.constant 0 : i32
      %add3A_143 = arith.addi %mul3A_141, %add3A_142 : i32
      %swap3A = arith.index_cast %add3A_143 : i32 to index
      %swap3A_144 = arith.constant 0 : index
      %swap3A_145 = tpu.vector_load %arg7[%swap3A, %swap3A_144] {strides = array<i32>} : memref<128x128xf32, #tpu.memory_space<vmem>>, vector<1x16xf32>,
      %swap3A_146 = vector.shape_cast %swap3A_145 : vector<1x16xf32> to vector<16xf32>
      %swap3A_147 = vector.shape_cast %mul3A_139 : vector<16xf32> to vector<1x16xf32>
      tpu.vector_store %arg7[%swap3A, %swap3A_144], %swap3A_147 {strides = array<i32>} : memref<128x128xf32, #tpu.memory_space<vmem>>, vector<1x16xf32>,
      %get3A_148 = arith.constant 0 : i32
      %get3A_149 = arith.index_cast %get3A_148 : i32 to index
      %get3A_150 = arith.constant 16 : index
      %get3A_151 = tpu.vector_load %arg6[%get3A_149, %get3A_150] {strides = array<i32>} : memref<80x128xf32, #tpu.memory_space<vmem>>, vector<1x16xf32>,
      %get3A_152 = vector.shape_cast %get3A_151 : vector<1x16xf32> to vector<16xf32>
      %get3A_153 = arith.constant 1 : i32
      %get3A_154 = arith.index_cast %get3A_153 : i32 to index
      %get3A_155 = arith.constant 16 : index
      %get3A_156 = tpu.vector_load %arg6[%get3A_154, %get3A_155] {strides = array<i32>} : memref<80x128xf32, #tpu.memory_space<vmem>>, vector<1x16xf32>,
      %get3A_157 = vector.shape_cast %get3A_156 : vector<1x16xf32> to vector<16xf32>
      %add3A_158 = arith.addf %get3A_152, %get3A_157 : vector<16xf32>
      %get3A_159 = arith.constant 2 : i32
      %get3A_160 = arith.index_cast %get3A_159 : i32 to index
      %get3A_161 = arith.constant 16 : index
      %get3A_162 = tpu.vector_load %arg6[%get3A_160, %get3A_161] {strides = array<i32>} : memref<80x128xf32, #tpu.memory_space<vmem>>, vector<1x16xf32>,
      %get3A_163 = vector.shape_cast %get3A_162 : vector<1x16xf32> to vector<16xf32>
      %add3A_164 = arith.addf %add3A_158, %get3A_163 : vector<16xf32>
      %get3A_165 = arith.constant 3 : i32
      %get3A_166 = arith.index_cast %get3A_165 : i32 to index
      %get3A_167 = arith.constant 16 : index
      %get3A_168 = tpu.vector_load %arg6[%get3A_166, %get3A_167] {strides = array<i32>} : memref<80x128xf32, #tpu.memory_space<vmem>>, vector<1x16xf32>,
      %get3A_169 = vector.shape_cast %get3A_168 : vector<1x16xf32> to vector<16xf32>
      %add3A_170 = arith.addf %add3A_164, %get3A_169 : vector<16xf32>
      %get3A_171 = arith.constant 4 : i32
      %get3A_172 = arith.index_cast %get3A_171 : i32 to index
      %get3A_173 = arith.constant 16 : index
      %get3A_174 = tpu.vector_load %arg6[%get3A_172, %get3A_173] {strides = array<i32>} : memref<80x128xf32, #tpu.memory_space<vmem>>, vector<1x16xf32>,
      %get3A_175 = vector.shape_cast %get3A_174 : vector<1x16xf32> to vector<16xf32>
      %add3A_176 = arith.addf %add3A_170, %get3A_175 : vector<16xf32>
      %get3A_177 = arith.constant 5 : i32
      %get3A_178 = arith.index_cast %get3A_177 : i32 to index
      %get3A_179 = arith.constant 16 : index
      %get3A_180 = tpu.vector_load %arg6[%get3A_178, %get3A_179] {strides = array<i32>} : memref<80x128xf32, #tpu.memory_space<vmem>>, vector<1x16xf32>,
      %get3A_181 = vector.shape_cast %get3A_180 : vector<1x16xf32> to vector<16xf32>
      %add3A_182 = arith.addf %add3A_176, %get3A_181 : vector<16xf32>
      %get3A_183 = arith.constant 6 : i32
      %get3A_184 = arith.index_cast %get3A_183 : i32 to index
      %get3A_185 = arith.constant 16 : index
      %get3A_186 = tpu.vector_load %arg6[%get3A_184, %get3A_185] {strides = array<i32>} : memref<80x128xf32, #tpu.memory_space<vmem>>, vector<1x16xf32>,
      %get3A_187 = vector.shape_cast %get3A_186 : vector<1x16xf32> to vector<16xf32>
      %add3A_188 = arith.addf %add3A_182, %get3A_187 : vector<16xf32>
      %get3A_189 = arith.constant 7 : i32
      %get3A_190 = arith.index_cast %get3A_189 : i32 to index
      %get3A_191 = arith.constant 16 : index
      %get3A_192 = tpu.vector_load %arg6[%get3A_190, %get3A_191] {strides = array<i32>} : memref<80x128xf32, #tpu.memory_space<vmem>>, vector<1x16xf32>,
      %get3A_193 = vector.shape_cast %get3A_192 : vector<1x16xf32> to vector<16xf32>
      %add3A_194 = arith.addf %add3A_188, %get3A_193 : vector<16xf32>
      %get3A_195 = arith.constant 8 : i32
      %get3A_196 = arith.index_cast %get3A_195 : i32 to index
      %get3A_197 = arith.constant 16 : index
      %get3A_198 = tpu.vector_load %arg6[%get3A_196, %get3A_197] {strides = array<i32>} : memref<80x128xf32, #tpu.memory_space<vmem>>, vector<1x16xf32>,
      %get3A_199 = vector.shape_cast %get3A_198 : vector<1x16xf32> to vector<16xf32>
      %add3A_200 = arith.addf %add3A_194, %get3A_199 : vector<16xf32>
      %get3A_201 = arith.constant 9 : i32
      %get3A_202 = arith.index_cast %get3A_201 : i32 to index
      %get3A_203 = arith.constant 16 : index
      %get3A_204 = tpu.vector_load %arg6[%get3A_202, %get3A_203] {strides = array<i32>} : memref<80x128xf32, #tpu.memory_space<vmem>>, vector<1x16xf32>,
      %get3A_205 = vector.shape_cast %get3A_204 : vector<1x16xf32> to vector<16xf32>
      %add3A_206 = arith.addf %add3A_200, %get3A_205 : vector<16xf32>
      %get3A_207 = arith.constant 10 : i32
      %get3A_208 = arith.index_cast %get3A_207 : i32 to index
      %get3A_209 = arith.constant 16 : index
      %get3A_210 = tpu.vector_load %arg6[%get3A_208, %get3A_209] {strides = array<i32>} : memref<80x128xf32, #tpu.memory_space<vmem>>, vector<1x16xf32>,
      %get3A_211 = vector.shape_cast %get3A_210 : vector<1x16xf32> to vector<16xf32>
      %add3A_212 = arith.addf %add3A_206, %get3A_211 : vector<16xf32>
      %get3A_213 = arith.constant 11 : i32
      %get3A_214 = arith.index_cast %get3A_213 : i32 to index
      %get3A_215 = arith.constant 16 : index
      %get3A_216 = tpu.vector_load %arg6[%get3A_214, %get3A_215] {strides = array<i32>} : memref<80x128xf32, #tpu.memory_space<vmem>>, vector<1x16xf32>,
      %get3A_217 = vector.shape_cast %get3A_216 : vector<1x16xf32> to vector<16xf32>
      %add3A_218 = arith.addf %add3A_212, %get3A_217 : vector<16xf32>
      %get3A_219 = arith.constant 12 : i32
      %get3A_220 = arith.index_cast %get3A_219 : i32 to index
      %get3A_221 = arith.constant 16 : index
      %get3A_222 = tpu.vector_load %arg6[%get3A_220, %get3A_221] {strides = array<i32>} : memref<80x128xf32, #tpu.memory_space<vmem>>, vector<1x16xf32>,
      %get3A_223 = vector.shape_cast %get3A_222 : vector<1x16xf32> to vector<16xf32>
      %add3A_224 = arith.addf %add3A_218, %get3A_223 : vector<16xf32>
      %get3A_225 = arith.constant 13 : i32
      %get3A_226 = arith.index_cast %get3A_225 : i32 to index
      %get3A_227 = arith.constant 16 : index
      %get3A_228 = tpu.vector_load %arg6[%get3A_226, %get3A_227] {strides = array<i32>} : memref<80x128xf32, #tpu.memory_space<vmem>>, vector<1x16xf32>,
      %get3A_229 = vector.shape_cast %get3A_228 : vector<1x16xf32> to vector<16xf32>
      %add3A_230 = arith.addf %add3A_224, %get3A_229 : vector<16xf32>
      %get3A_231 = arith.constant 14 : i32
      %get3A_232 = arith.index_cast %get3A_231 : i32 to index
      %get3A_233 = arith.constant 16 : index
      %get3A_234 = tpu.vector_load %arg6[%get3A_232, %get3A_233] {strides = array<i32>} : memref<80x128xf32, #tpu.memory_space<vmem>>, vector<1x16xf32>,
      %get3A_235 = vector.shape_cast %get3A_234 : vector<1x16xf32> to vector<16xf32>
      %add3A_236 = arith.addf %add3A_230, %get3A_235 : vector<16xf32>
      %get3A_237 = arith.constant 15 : i32
      %get3A_238 = arith.index_cast %get3A_237 : i32 to index
      %get3A_239 = arith.constant 16 : index
      %get3A_240 = tpu.vector_load %arg6[%get3A_238, %get3A_239] {strides = array<i32>} : memref<80x128xf32, #tpu.memory_space<vmem>>, vector<1x16xf32>,
      %get3A_241 = vector.shape_cast %get3A_240 : vector<1x16xf32> to vector<16xf32>
      %add3A_242 = arith.addf %add3A_236, %get3A_241 : vector<16xf32>
      %get3A_243 = arith.constant 16 : i32
      %get3A_244 = arith.index_cast %get3A_243 : i32 to index
      %get3A_245 = arith.constant 16 : index
      %get3A_246 = tpu.vector_load %arg6[%get3A_244, %get3A_245] {strides = array<i32>} : memref<80x128xf32, #tpu.memory_space<vmem>>, vector<1x16xf32>,
      %get3A_247 = vector.shape_cast %get3A_246 : vector<1x16xf32> to vector<16xf32>
      %add3A_248 = arith.addf %add3A_242, %get3A_247 : vector<16xf32>
      %get3A_249 = arith.constant 17 : i32
      %get3A_250 = arith.index_cast %get3A_249 : i32 to index
      %get3A_251 = arith.constant 16 : index
      %get3A_252 = tpu.vector_load %arg6[%get3A_250, %get3A_251] {strides = array<i32>} : memref<80x128xf32, #tpu.memory_space<vmem>>, vector<1x16xf32>,
      %get3A_253 = vector.shape_cast %get3A_252 : vector<1x16xf32> to vector<16xf32>
      %add3A_254 = arith.addf %add3A_248, %get3A_253 : vector<16xf32>
      %get3A_255 = arith.constant 18 : i32
      %get3A_256 = arith.index_cast %get3A_255 : i32 to index
      %get3A_257 = arith.constant 16 : index
      %get3A_258 = tpu.vector_load %arg6[%get3A_256, %get3A_257] {strides = array<i32>} : memref<80x128xf32, #tpu.memory_space<vmem>>, vector<1x16xf32>,
      %get3A_259 = vector.shape_cast %get3A_258 : vector<1x16xf32> to vector<16xf32>
      %add3A_260 = arith.addf %add3A_254, %get3A_259 : vector<16xf32>
      %get3A_261 = arith.constant 19 : i32
      %get3A_262 = arith.index_cast %get3A_261 : i32 to index
      %get3A_263 = arith.constant 16 : index
      %get3A_264 = tpu.vector_load %arg6[%get3A_262, %get3A_263] {strides = array<i32>} : memref<80x128xf32, #tpu.memory_space<vmem>>, vector<1x16xf32>,
      %get3A_265 = vector.shape_cast %get3A_264 : vector<1x16xf32> to vector<16xf32>
      %add3A_266 = arith.addf %add3A_260, %get3A_265 : vector<16xf32>
      %mul3A_267 = arith.constant 5.000000e-02 : f32
      %mul3A_268 = vector.broadcast %mul3A_267 : f32 to vector<16xf32>
      %mul3A_269 = arith.mulf %add3A_266, %mul3A_268 : vector<16xf32>
      %mul3A_270 = arith.constant 4 : i32
      %mul3A_271 = arith.muli %scan3A_8, %mul3A_270 : i32
      %add3A_272 = arith.constant 0 : i32
      %add3A_273 = arith.addi %mul3A_271, %add3A_272 : i32
      %swap3A_274 = arith.index_cast %add3A_273 : i32 to index
      %swap3A_275 = arith.constant 16 : index
      %swap3A_276 = tpu.vector_load %arg7[%swap3A_274, %swap3A_275] {strides = array<i32>} : memref<128x128xf32, #tpu.memory_space<vmem>>, vector<1x16xf32>,
      %swap3A_277 = vector.shape_cast %swap3A_276 : vector<1x16xf32> to vector<16xf32>
      %swap3A_278 = vector.shape_cast %mul3A_269 : vector<16xf32> to vector<1x16xf32>
      tpu.vector_store %arg7[%swap3A_274, %swap3A_275], %swap3A_278 {strides = array<i32>} : memref<128x128xf32, #tpu.memory_space<vmem>>, vector<1x16xf32>,
      %get3A_279 = arith.constant 0 : i32
      %get3A_280 = arith.index_cast %get3A_279 : i32 to index
      %get3A_281 = arith.constant 32 : index
      %get3A_282 = tpu.vector_load %arg6[%get3A_280, %get3A_281] {strides = array<i32>} : memref<80x128xf32, #tpu.memory_space<vmem>>, vector<1x16xf32>,
      %get3A_283 = vector.shape_cast %get3A_282 : vector<1x16xf32> to vector<16xf32>
      %get3A_284 = arith.constant 1 : i32
      %get3A_285 = arith.index_cast %get3A_284 : i32 to index
      %get3A_286 = arith.constant 32 : index
      %get3A_287 = tpu.vector_load %arg6[%get3A_285, %get3A_286] {strides = array<i32>} : memref<80x128xf32, #tpu.memory_space<vmem>>, vector<1x16xf32>,
      %get3A_288 = vector.shape_cast %get3A_287 : vector<1x16xf32> to vector<16xf32>
      %add3A_289 = arith.addf %get3A_283, %get3A_288 : vector<16xf32>
      %get3A_290 = arith.constant 2 : i32
      %get3A_291 = arith.index_cast %get3A_290 : i32 to index
      %get3A_292 = arith.constant 32 : index
      %get3A_293 = tpu.vector_load %arg6[%get3A_291, %get3A_292] {strides = array<i32>} : memref<80x128xf32, #tpu.memory_space<vmem>>, vector<1x16xf32>,
      %get3A_294 = vector.shape_cast %get3A_293 : vector<1x16xf32> to vector<16xf32>
      %add3A_295 = arith.addf %add3A_289, %get3A_294 : vector<16xf32>
      %get3A_296 = arith.constant 3 : i32
      %get3A_297 = arith.index_cast %get3A_296 : i32 to index
      %get3A_298 = arith.constant 32 : index
      %get3A_299 = tpu.vector_load %arg6[%get3A_297, %get3A_298] {strides = array<i32>} : memref<80x128xf32, #tpu.memory_space<vmem>>, vector<1x16xf32>,
      %get3A_300 = vector.shape_cast %get3A_299 : vector<1x16xf32> to vector<16xf32>
      %add3A_301 = arith.addf %add3A_295, %get3A_300 : vector<16xf32>
      %get3A_302 = arith.constant 4 : i32
      %get3A_303 = arith.index_cast %get3A_302 : i32 to index
      %get3A_304 = arith.constant 32 : index
      %get3A_305 = tpu.vector_load %arg6[%get3A_303, %get3A_304] {strides = array<i32>} : memref<80x128xf32, #tpu.memory_space<vmem>>, vector<1x16xf32>,
      %get3A_306 = vector.shape_cast %get3A_305 : vector<1x16xf32> to vector<16xf32>
      %add3A_307 = arith.addf %add3A_301, %get3A_306 : vector<16xf32>
      %get3A_308 = arith.constant 5 : i32
      %get3A_309 = arith.index_cast %get3A_308 : i32 to index
      %get3A_310 = arith.constant 32 : index
      %get3A_311 = tpu.vector_load %arg6[%get3A_309, %get3A_310] {strides = array<i32>} : memref<80x128xf32, #tpu.memory_space<vmem>>, vector<1x16xf32>,
      %get3A_312 = vector.shape_cast %get3A_311 : vector<1x16xf32> to vector<16xf32>
      %add3A_313 = arith.addf %add3A_307, %get3A_312 : vector<16xf32>
      %get3A_314 = arith.constant 6 : i32
      %get3A_315 = arith.index_cast %get3A_314 : i32 to index
      %get3A_316 = arith.constant 32 : index
      %get3A_317 = tpu.vector_load %arg6[%get3A_315, %get3A_316] {strides = array<i32>} : memref<80x128xf32, #tpu.memory_space<vmem>>, vector<1x16xf32>,
      %get3A_318 = vector.shape_cast %get3A_317 : vector<1x16xf32> to vector<16xf32>
      %add3A_319 = arith.addf %add3A_313, %get3A_318 : vector<16xf32>
      %get3A_320 = arith.constant 7 : i32
      %get3A_321 = arith.index_cast %get3A_320 : i32 to index
      %get3A_322 = arith.constant 32 : index
      %get3A_323 = tpu.vector_load %arg6[%get3A_321, %get3A_322] {strides = array<i32>} : memref<80x128xf32, #tpu.memory_space<vmem>>, vector<1x16xf32>,
      %get3A_324 = vector.shape_cast %get3A_323 : vector<1x16xf32> to vector<16xf32>
      %add3A_325 = arith.addf %add3A_319, %get3A_324 : vector<16xf32>
      %get3A_326 = arith.constant 8 : i32
      %get3A_327 = arith.index_cast %get3A_326 : i32 to index
      %get3A_328 = arith.constant 32 : index
      %get3A_329 = tpu.vector_load %arg6[%get3A_327, %get3A_328] {strides = array<i32>} : memref<80x128xf32, #tpu.memory_space<vmem>>, vector<1x16xf32>,
      %get3A_330 = vector.shape_cast %get3A_329 : vector<1x16xf32> to vector<16xf32>
      %add3A_331 = arith.addf %add3A_325, %get3A_330 : vector<16xf32>
      %get3A_332 = arith.constant 9 : i32
      %get3A_333 = arith.index_cast %get3A_332 : i32 to index
      %get3A_334 = arith.constant 32 : index
      %get3A_335 = tpu.vector_load %arg6[%get3A_333, %get3A_334] {strides = array<i32>} : memref<80x128xf32, #tpu.memory_space<vmem>>, vector<1x16xf32>,
      %get3A_336 = vector.shape_cast %get3A_335 : vector<1x16xf32> to vector<16xf32>
      %add3A_337 = arith.addf %add3A_331, %get3A_336 : vector<16xf32>
      %get3A_338 = arith.constant 10 : i32
      %get3A_339 = arith.index_cast %get3A_338 : i32 to index
      %get3A_340 = arith.constant 32 : index
      %get3A_341 = tpu.vector_load %arg6[%get3A_339, %get3A_340] {strides = array<i32>} : memref<80x128xf32, #tpu.memory_space<vmem>>, vector<1x16xf32>,
      %get3A_342 = vector.shape_cast %get3A_341 : vector<1x16xf32> to vector<16xf32>
      %add3A_343 = arith.addf %add3A_337, %get3A_342 : vector<16xf32>
      %get3A_344 = arith.constant 11 : i32
      %get3A_345 = arith.index_cast %get3A_344 : i32 to index
      %get3A_346 = arith.constant 32 : index
      %get3A_347 = tpu.vector_load %arg6[%get3A_345, %get3A_346] {strides = array<i32>} : memref<80x128xf32, #tpu.memory_space<vmem>>, vector<1x16xf32>,
      %get3A_348 = vector.shape_cast %get3A_347 : vector<1x16xf32> to vector<16xf32>
      %add3A_349 = arith.addf %add3A_343, %get3A_348 : vector<16xf32>
      %get3A_350 = arith.constant 12 : i32
      %get3A_351 = arith.index_cast %get3A_350 : i32 to index
      %get3A_352 = arith.constant 32 : index
      %get3A_353 = tpu.vector_load %arg6[%get3A_351, %get3A_352] {strides = array<i32>} : memref<80x128xf32, #tpu.memory_space<vmem>>, vector<1x16xf32>,
      %get3A_354 = vector.shape_cast %get3A_353 : vector<1x16xf32> to vector<16xf32>
      %add3A_355 = arith.addf %add3A_349, %get3A_354 : vector<16xf32>
      %get3A_356 = arith.constant 13 : i32
      %get3A_357 = arith.index_cast %get3A_356 : i32 to index
      %get3A_358 = arith.constant 32 : index
      %get3A_359 = tpu.vector_load %arg6[%get3A_357, %get3A_358] {strides = array<i32>} : memref<80x128xf32, #tpu.memory_space<vmem>>, vector<1x16xf32>,
      %get3A_360 = vector.shape_cast %get3A_359 : vector<1x16xf32> to vector<16xf32>
      %add3A_361 = arith.addf %add3A_355, %get3A_360 : vector<16xf32>
      %get3A_362 = arith.constant 14 : i32
      %get3A_363 = arith.index_cast %get3A_362 : i32 to index
      %get3A_364 = arith.constant 32 : index
      %get3A_365 = tpu.vector_load %arg6[%get3A_363, %get3A_364] {strides = array<i32>} : memref<80x128xf32, #tpu.memory_space<vmem>>, vector<1x16xf32>,
      %get3A_366 = vector.shape_cast %get3A_365 : vector<1x16xf32> to vector<16xf32>
      %add3A_367 = arith.addf %add3A_361, %get3A_366 : vector<16xf32>
      %get3A_368 = arith.constant 15 : i32
      %get3A_369 = arith.index_cast %get3A_368 : i32 to index
      %get3A_370 = arith.constant 32 : index
      %get3A_371 = tpu.vector_load %arg6[%get3A_369, %get3A_370] {strides = array<i32>} : memref<80x128xf32, #tpu.memory_space<vmem>>, vector<1x16xf32>,
      %get3A_372 = vector.shape_cast %get3A_371 : vector<1x16xf32> to vector<16xf32>
      %add3A_373 = arith.addf %add3A_367, %get3A_372 : vector<16xf32>
      %get3A_374 = arith.constant 16 : i32
      %get3A_375 = arith.index_cast %get3A_374 : i32 to index
      %get3A_376 = arith.constant 32 : index
      %get3A_377 = tpu.vector_load %arg6[%get3A_375, %get3A_376] {strides = array<i32>} : memref<80x128xf32, #tpu.memory_space<vmem>>, vector<1x16xf32>,
      %get3A_378 = vector.shape_cast %get3A_377 : vector<1x16xf32> to vector<16xf32>
      %add3A_379 = arith.addf %add3A_373, %get3A_378 : vector<16xf32>
      %get3A_380 = arith.constant 17 : i32
      %get3A_381 = arith.index_cast %get3A_380 : i32 to index
      %get3A_382 = arith.constant 32 : index
      %get3A_383 = tpu.vector_load %arg6[%get3A_381, %get3A_382] {strides = array<i32>} : memref<80x128xf32, #tpu.memory_space<vmem>>, vector<1x16xf32>,
      %get3A_384 = vector.shape_cast %get3A_383 : vector<1x16xf32> to vector<16xf32>
      %add3A_385 = arith.addf %add3A_379, %get3A_384 : vector<16xf32>
      %get3A_386 = arith.constant 18 : i32
      %get3A_387 = arith.index_cast %get3A_386 : i32 to index
      %get3A_388 = arith.constant 32 : index
      %get3A_389 = tpu.vector_load %arg6[%get3A_387, %get3A_388] {strides = array<i32>} : memref<80x128xf32, #tpu.memory_space<vmem>>, vector<1x16xf32>,
      %get3A_390 = vector.shape_cast %get3A_389 : vector<1x16xf32> to vector<16xf32>
      %add3A_391 = arith.addf %add3A_385, %get3A_390 : vector<16xf32>
      %get3A_392 = arith.constant 19 : i32
      %get3A_393 = arith.index_cast %get3A_392 : i32 to index
      %get3A_394 = arith.constant 32 : index
      %get3A_395 = tpu.vector_load %arg6[%get3A_393, %get3A_394] {strides = array<i32>} : memref<80x128xf32, #tpu.memory_space<vmem>>, vector<1x16xf32>,
      %get3A_396 = vector.shape_cast %get3A_395 : vector<1x16xf32> to vector<16xf32>
      %add3A_397 = arith.addf %add3A_391, %get3A_396 : vector<16xf32>
      %mul3A_398 = arith.constant 5.000000e-02 : f32
      %mul3A_399 = vector.broadcast %mul3A_398 : f32 to vector<16xf32>
      %mul3A_400 = arith.mulf %add3A_397, %mul3A_399 : vector<16xf32>
      %mul3A_401 = arith.constant 4 : i32
      %mul3A_402 = arith.muli %scan3A_8, %mul3A_401 : i32
      %add3A_403 = arith.constant 0 : i32
      %add3A_404 = arith.addi %mul3A_402, %add3A_403 : i32
      %swap3A_405 = arith.index_cast %add3A_404 : i32 to index
      %swap3A_406 = arith.constant 32 : index
      %swap3A_407 = tpu.vector_load %arg7[%swap3A_405, %swap3A_406] {strides = array<i32>} : memref<128x128xf32, #tpu.memory_space<vmem>>, vector<1x16xf32>,
      %swap3A_408 = vector.shape_cast %swap3A_407 : vector<1x16xf32> to vector<16xf32>
      %swap3A_409 = vector.shape_cast %mul3A_400 : vector<16xf32> to vector<1x16xf32>
      tpu.vector_store %arg7[%swap3A_405, %swap3A_406], %swap3A_409 {strides = array<i32>} : memref<128x128xf32, #tpu.memory_space<vmem>>, vector<1x16xf32>,
      %get3A_410 = arith.constant 0 : i32
      %get3A_411 = arith.index_cast %get3A_410 : i32 to index
      %get3A_412 = arith.constant 48 : index
      %get3A_413 = tpu.vector_load %arg6[%get3A_411, %get3A_412] {strides = array<i32>} : memref<80x128xf32, #tpu.memory_space<vmem>>, vector<1x16xf32>,
      %get3A_414 = vector.shape_cast %get3A_413 : vector<1x16xf32> to vector<16xf32>
      %get3A_415 = arith.constant 1 : i32
      %get3A_416 = arith.index_cast %get3A_415 : i32 to index
      %get3A_417 = arith.constant 48 : index
      %get3A_418 = tpu.vector_load %arg6[%get3A_416, %get3A_417] {strides = array<i32>} : memref<80x128xf32, #tpu.memory_space<vmem>>, vector<1x16xf32>,
      %get3A_419 = vector.shape_cast %get3A_418 : vector<1x16xf32> to vector<16xf32>
      %add3A_420 = arith.addf %get3A_414, %get3A_419 : vector<16xf32>
      %get3A_421 = arith.constant 2 : i32
      %get3A_422 = arith.index_cast %get3A_421 : i32 to index
      %get3A_423 = arith.constant 48 : index
      %get3A_424 = tpu.vector_load %arg6[%get3A_422, %get3A_423] {strides = array<i32>} : memref<80x128xf32, #tpu.memory_space<vmem>>, vector<1x16xf32>,
      %get3A_425 = vector.shape_cast %get3A_424 : vector<1x16xf32> to vector<16xf32>
      %add3A_426 = arith.addf %add3A_420, %get3A_425 : vector<16xf32>
      %get3A_427 = arith.constant 3 : i32
      %get3A_428 = arith.index_cast %get3A_427 : i32 to index
      %get3A_429 = arith.constant 48 : index
      %get3A_430 = tpu.vector_load %arg6[%get3A_428, %get3A_429] {strides = array<i32>} : memref<80x128xf32, #tpu.memory_space<vmem>>, vector<1x16xf32>,
      %get3A_431 = vector.shape_cast %get3A_430 : vector<1x16xf32> to vector<16xf32>
      %add3A_432 = arith.addf %add3A_426, %get3A_431 : vector<16xf32>
      %get3A_433 = arith.constant 4 : i32
      %get3A_434 = arith.index_cast %get3A_433 : i32 to index
      %get3A_435 = arith.constant 48 : index
      %get3A_436 = tpu.vector_load %arg6[%get3A_434, %get3A_435] {strides = array<i32>} : memref<80x128xf32, #tpu.memory_space<vmem>>, vector<1x16xf32>,
      %get3A_437 = vector.shape_cast %get3A_436 : vector<1x16xf32> to vector<16xf32>
      %add3A_438 = arith.addf %add3A_432, %get3A_437 : vector<16xf32>
      %get3A_439 = arith.constant 5 : i32
      %get3A_440 = arith.index_cast %get3A_439 : i32 to index
      %get3A_441 = arith.constant 48 : index
      %get3A_442 = tpu.vector_load %arg6[%get3A_440, %get3A_441] {strides = array<i32>} : memref<80x128xf32, #tpu.memory_space<vmem>>, vector<1x16xf32>,
      %get3A_443 = vector.shape_cast %get3A_442 : vector<1x16xf32> to vector<16xf32>
      %add3A_444 = arith.addf %add3A_438, %get3A_443 : vector<16xf32>
      %get3A_445 = arith.constant 6 : i32
      %get3A_446 = arith.index_cast %get3A_445 : i32 to index
      %get3A_447 = arith.constant 48 : index
      %get3A_448 = tpu.vector_load %arg6[%get3A_446, %get3A_447] {strides = array<i32>} : memref<80x128xf32, #tpu.memory_space<vmem>>, vector<1x16xf32>,
      %get3A_449 = vector.shape_cast %get3A_448 : vector<1x16xf32> to vector<16xf32>
      %add3A_450 = arith.addf %add3A_444, %get3A_449 : vector<16xf32>
      %get3A_451 = arith.constant 7 : i32
      %get3A_452 = arith.index_cast %get3A_451 : i32 to index
      %get3A_453 = arith.constant 48 : index
      %get3A_454 = tpu.vector_load %arg6[%get3A_452, %get3A_453] {strides = array<i32>} : memref<80x128xf32, #tpu.memory_space<vmem>>, vector<1x16xf32>,
      %get3A_455 = vector.shape_cast %get3A_454 : vector<1x16xf32> to vector<16xf32>
      %add3A_456 = arith.addf %add3A_450, %get3A_455 : vector<16xf32>
      %get3A_457 = arith.constant 8 : i32
      %get3A_458 = arith.index_cast %get3A_457 : i32 to index
      %get3A_459 = arith.constant 48 : index
      %get3A_460 = tpu.vector_load %arg6[%get3A_458, %get3A_459] {strides = array<i32>} : memref<80x128xf32, #tpu.memory_space<vmem>>, vector<1x16xf32>,
      %get3A_461 = vector.shape_cast %get3A_460 : vector<1x16xf32> to vector<16xf32>
      %add3A_462 = arith.addf %add3A_456, %get3A_461 : vector<16xf32>
      %get3A_463 = arith.constant 9 : i32
      %get3A_464 = arith.index_cast %get3A_463 : i32 to index
      %get3A_465 = arith.constant 48 : index
      %get3A_466 = tpu.vector_load %arg6[%get3A_464, %get3A_465] {strides = array<i32>} : memref<80x128xf32, #tpu.memory_space<vmem>>, vector<1x16xf32>,
      %get3A_467 = vector.shape_cast %get3A_466 : vector<1x16xf32> to vector<16xf32>
      %add3A_468 = arith.addf %add3A_462, %get3A_467 : vector<16xf32>
      %get3A_469 = arith.constant 10 : i32
      %get3A_470 = arith.index_cast %get3A_469 : i32 to index
      %get3A_471 = arith.constant 48 : index
      %get3A_472 = tpu.vector_load %arg6[%get3A_470, %get3A_471] {strides = array<i32>} : memref<80x128xf32, #tpu.memory_space<vmem>>, vector<1x16xf32>,
      %get3A_473 = vector.shape_cast %get3A_472 : vector<1x16xf32> to vector<16xf32>
      %add3A_474 = arith.addf %add3A_468, %get3A_473 : vector<16xf32>
      %get3A_475 = arith.constant 11 : i32
      %get3A_476 = arith.index_cast %get3A_475 : i32 to index
      %get3A_477 = arith.constant 48 : index
      %get3A_478 = tpu.vector_load %arg6[%get3A_476, %get3A_477] {strides = array<i32>} : memref<80x128xf32, #tpu.memory_space<vmem>>, vector<1x16xf32>,
      %get3A_479 = vector.shape_cast %get3A_478 : vector<1x16xf32> to vector<16xf32>
      %add3A_480 = arith.addf %add3A_474, %get3A_479 : vector<16xf32>
      %get3A_481 = arith.constant 12 : i32
      %get3A_482 = arith.index_cast %get3A_481 : i32 to index
      %get3A_483 = arith.constant 48 : index
      %get3A_484 = tpu.vector_load %arg6[%get3A_482, %get3A_483] {strides = array<i32>} : memref<80x128xf32, #tpu.memory_space<vmem>>, vector<1x16xf32>,
      %get3A_485 = vector.shape_cast %get3A_484 : vector<1x16xf32> to vector<16xf32>
      %add3A_486 = arith.addf %add3A_480, %get3A_485 : vector<16xf32>
      %get3A_487 = arith.constant 13 : i32
      %get3A_488 = arith.index_cast %get3A_487 : i32 to index
      %get3A_489 = arith.constant 48 : index
      %get3A_490 = tpu.vector_load %arg6[%get3A_488, %get3A_489] {strides = array<i32>} : memref<80x128xf32, #tpu.memory_space<vmem>>, vector<1x16xf32>,
      %get3A_491 = vector.shape_cast %get3A_490 : vector<1x16xf32> to vector<16xf32>
      %add3A_492 = arith.addf %add3A_486, %get3A_491 : vector<16xf32>
      %get3A_493 = arith.constant 14 : i32
      %get3A_494 = arith.index_cast %get3A_493 : i32 to index
      %get3A_495 = arith.constant 48 : index
      %get3A_496 = tpu.vector_load %arg6[%get3A_494, %get3A_495] {strides = array<i32>} : memref<80x128xf32, #tpu.memory_space<vmem>>, vector<1x16xf32>,
      %get3A_497 = vector.shape_cast %get3A_496 : vector<1x16xf32> to vector<16xf32>
      %add3A_498 = arith.addf %add3A_492, %get3A_497 : vector<16xf32>
      %get3A_499 = arith.constant 15 : i32
      %get3A_500 = arith.index_cast %get3A_499 : i32 to index
      %get3A_501 = arith.constant 48 : index
      %get3A_502 = tpu.vector_load %arg6[%get3A_500, %get3A_501] {strides = array<i32>} : memref<80x128xf32, #tpu.memory_space<vmem>>, vector<1x16xf32>,
      %get3A_503 = vector.shape_cast %get3A_502 : vector<1x16xf32> to vector<16xf32>
      %add3A_504 = arith.addf %add3A_498, %get3A_503 : vector<16xf32>
      %get3A_505 = arith.constant 16 : i32
      %get3A_506 = arith.index_cast %get3A_505 : i32 to index
      %get3A_507 = arith.constant 48 : index
      %get3A_508 = tpu.vector_load %arg6[%get3A_506, %get3A_507] {strides = array<i32>} : memref<80x128xf32, #tpu.memory_space<vmem>>, vector<1x16xf32>,
      %get3A_509 = vector.shape_cast %get3A_508 : vector<1x16xf32> to vector<16xf32>
      %add3A_510 = arith.addf %add3A_504, %get3A_509 : vector<16xf32>
      %get3A_511 = arith.constant 17 : i32
      %get3A_512 = arith.index_cast %get3A_511 : i32 to index
      %get3A_513 = arith.constant 48 : index
      %get3A_514 = tpu.vector_load %arg6[%get3A_512, %get3A_513] {strides = array<i32>} : memref<80x128xf32, #tpu.memory_space<vmem>>, vector<1x16xf32>,
      %get3A_515 = vector.shape_cast %get3A_514 : vector<1x16xf32> to vector<16xf32>
      %add3A_516 = arith.addf %add3A_510, %get3A_515 : vector<16xf32>
      %get3A_517 = arith.constant 18 : i32
      %get3A_518 = arith.index_cast %get3A_517 : i32 to index
      %get3A_519 = arith.constant 48 : index
      %get3A_520 = tpu.vector_load %arg6[%get3A_518, %get3A_519] {strides = array<i32>} : memref<80x128xf32, #tpu.memory_space<vmem>>, vector<1x16xf32>,
      %get3A_521 = vector.shape_cast %get3A_520 : vector<1x16xf32> to vector<16xf32>
      %add3A_522 = arith.addf %add3A_516, %get3A_521 : vector<16xf32>
      %get3A_523 = arith.constant 19 : i32
      %get3A_524 = arith.index_cast %get3A_523 : i32 to index
      %get3A_525 = arith.constant 48 : index
      %get3A_526 = tpu.vector_load %arg6[%get3A_524, %get3A_525] {strides = array<i32>} : memref<80x128xf32, #tpu.memory_space<vmem>>, vector<1x16xf32>,
      %get3A_527 = vector.shape_cast %get3A_526 : vector<1x16xf32> to vector<16xf32>
      %add3A_528 = arith.addf %add3A_522, %get3A_527 : vector<16xf32>
      %mul3A_529 = arith.constant 5.000000e-02 : f32
      %mul3A_530 = vector.broadcast %mul3A_529 : f32 to vector<16xf32>
      %mul3A_531 = arith.mulf %add3A_528, %mul3A_530 : vector<16xf32>
      %mul3A_532 = arith.constant 4 : i32
      %mul3A_533 = arith.muli %scan3A_8, %mul3A_532 : i32
      %add3A_534 = arith.constant 0 : i32
      %add3A_535 = arith.addi %mul3A_533, %add3A_534 : i32
      %swap3A_536 = arith.index_cast %add3A_535 : i32 to index
      %swap3A_537 = arith.constant 48 : index
      %swap3A_538 = tpu.vector_load %arg7[%swap3A_536, %swap3A_537] {strides = array<i32>} : memref<128x128xf32, #tpu.memory_space<vmem>>, vector<1x16xf32>,
      %swap3A_539 = vector.shape_cast %swap3A_538 : vector<1x16xf32> to vector<16xf32>
      %swap3A_540 = vector.shape_cast %mul3A_531 : vector<16xf32> to vector<1x16xf32>
      tpu.vector_store %arg7[%swap3A_536, %swap3A_537], %swap3A_540 {strides = array<i32>} : memref<128x128xf32, #tpu.memory_space<vmem>>, vector<1x16xf32>,
      %get3A_541 = arith.constant 0 : i32
      %get3A_542 = arith.index_cast %get3A_541 : i32 to index
      %get3A_543 = arith.constant 64 : index
      %get3A_544 = tpu.vector_load %arg6[%get3A_542, %get3A_543] {strides = array<i32>} : memref<80x128xf32, #tpu.memory_space<vmem>>, vector<1x16xf32>,
      %get3A_545 = vector.shape_cast %get3A_544 : vector<1x16xf32> to vector<16xf32>
      %get3A_546 = arith.constant 1 : i32
      %get3A_547 = arith.index_cast %get3A_546 : i32 to index
      %get3A_548 = arith.constant 64 : index
      %get3A_549 = tpu.vector_load %arg6[%get3A_547, %get3A_548] {strides = array<i32>} : memref<80x128xf32, #tpu.memory_space<vmem>>, vector<1x16xf32>,
      %get3A_550 = vector.shape_cast %get3A_549 : vector<1x16xf32> to vector<16xf32>
      %add3A_551 = arith.addf %get3A_545, %get3A_550 : vector<16xf32>
      %get3A_552 = arith.constant 2 : i32
      %get3A_553 = arith.index_cast %get3A_552 : i32 to index
      %get3A_554 = arith.constant 64 : index
      %get3A_555 = tpu.vector_load %arg6[%get3A_553, %get3A_554] {strides = array<i32>} : memref<80x128xf32, #tpu.memory_space<vmem>>, vector<1x16xf32>,
      %get3A_556 = vector.shape_cast %get3A_555 : vector<1x16xf32> to vector<16xf32>
      %add3A_557 = arith.addf %add3A_551, %get3A_556 : vector<16xf32>
      %get3A_558 = arith.constant 3 : i32
      %get3A_559 = arith.index_cast %get3A_558 : i32 to index
      %get3A_560 = arith.constant 64 : index
      %get3A_561 = tpu.vector_load %arg6[%get3A_559, %get3A_560] {strides = array<i32>} : memref<80x128xf32, #tpu.memory_space<vmem>>, vector<1x16xf32>,
      %get3A_562 = vector.shape_cast %get3A_561 : vector<1x16xf32> to vector<16xf32>
      %add3A_563 = arith.addf %add3A_557, %get3A_562 : vector<16xf32>
      %get3A_564 = arith.constant 4 : i32
      %get3A_565 = arith.index_cast %get3A_564 : i32 to index
      %get3A_566 = arith.constant 64 : index
      %get3A_567 = tpu.vector_load %arg6[%get3A_565, %get3A_566] {strides = array<i32>} : memref<80x128xf32, #tpu.memory_space<vmem>>, vector<1x16xf32>,
      %get3A_568 = vector.shape_cast %get3A_567 : vector<1x16xf32> to vector<16xf32>
      %add3A_569 = arith.addf %add3A_563, %get3A_568 : vector<16xf32>
      %get3A_570 = arith.constant 5 : i32
      %get3A_571 = arith.index_cast %get3A_570 : i32 to index
      %get3A_572 = arith.constant 64 : index
      %get3A_573 = tpu.vector_load %arg6[%get3A_571, %get3A_572] {strides = array<i32>} : memref<80x128xf32, #tpu.memory_space<vmem>>, vector<1x16xf32>,
      %get3A_574 = vector.shape_cast %get3A_573 : vector<1x16xf32> to vector<16xf32>
      %add3A_575 = arith.addf %add3A_569, %get3A_574 : vector<16xf32>
      %get3A_576 = arith.constant 6 : i32
      %get3A_577 = arith.index_cast %get3A_576 : i32 to index
      %get3A_578 = arith.constant 64 : index
      %get3A_579 = tpu.vector_load %arg6[%get3A_577, %get3A_578] {strides = array<i32>} : memref<80x128xf32, #tpu.memory_space<vmem>>, vector<1x16xf32>,
      %get3A_580 = vector.shape_cast %get3A_579 : vector<1x16xf32> to vector<16xf32>
      %add3A_581 = arith.addf %add3A_575, %get3A_580 : vector<16xf32>
      %get3A_582 = arith.constant 7 : i32
      %get3A_583 = arith.index_cast %get3A_582 : i32 to index
      %get3A_584 = arith.constant 64 : index
      %get3A_585 = tpu.vector_load %arg6[%get3A_583, %get3A_584] {strides = array<i32>} : memref<80x128xf32, #tpu.memory_space<vmem>>, vector<1x16xf32>,
      %get3A_586 = vector.shape_cast %get3A_585 : vector<1x16xf32> to vector<16xf32>
      %add3A_587 = arith.addf %add3A_581, %get3A_586 : vector<16xf32>
      %get3A_588 = arith.constant 8 : i32
      %get3A_589 = arith.index_cast %get3A_588 : i32 to index
      %get3A_590 = arith.constant 64 : index
      %get3A_591 = tpu.vector_load %arg6[%get3A_589, %get3A_590] {strides = array<i32>} : memref<80x128xf32, #tpu.memory_space<vmem>>, vector<1x16xf32>,
      %get3A_592 = vector.shape_cast %get3A_591 : vector<1x16xf32> to vector<16xf32>
      %add3A_593 = arith.addf %add3A_587, %get3A_592 : vector<16xf32>
      %get3A_594 = arith.constant 9 : i32
      %get3A_595 = arith.index_cast %get3A_594 : i32 to index
      %get3A_596 = arith.constant 64 : index
      %get3A_597 = tpu.vector_load %arg6[%get3A_595, %get3A_596] {strides = array<i32>} : memref<80x128xf32, #tpu.memory_space<vmem>>, vector<1x16xf32>,
      %get3A_598 = vector.shape_cast %get3A_597 : vector<1x16xf32> to vector<16xf32>
      %add3A_599 = arith.addf %add3A_593, %get3A_598 : vector<16xf32>
      %get3A_600 = arith.constant 10 : i32
      %get3A_601 = arith.index_cast %get3A_600 : i32 to index
      %get3A_602 = arith.constant 64 : index
      %get3A_603 = tpu.vector_load %arg6[%get3A_601, %get3A_602] {strides = array<i32>} : memref<80x128xf32, #tpu.memory_space<vmem>>, vector<1x16xf32>,
      %get3A_604 = vector.shape_cast %get3A_603 : vector<1x16xf32> to vector<16xf32>
      %add3A_605 = arith.addf %add3A_599, %get3A_604 : vector<16xf32>
      %get3A_606 = arith.constant 11 : i32
      %get3A_607 = arith.index_cast %get3A_606 : i32 to index
      %get3A_608 = arith.constant 64 : index
      %get3A_609 = tpu.vector_load %arg6[%get3A_607, %get3A_608] {strides = array<i32>} : memref<80x128xf32, #tpu.memory_space<vmem>>, vector<1x16xf32>,
      %get3A_610 = vector.shape_cast %get3A_609 : vector<1x16xf32> to vector<16xf32>
      %add3A_611 = arith.addf %add3A_605, %get3A_610 : vector<16xf32>
      %get3A_612 = arith.constant 12 : i32
      %get3A_613 = arith.index_cast %get3A_612 : i32 to index
      %get3A_614 = arith.constant 64 : index
      %get3A_615 = tpu.vector_load %arg6[%get3A_613, %get3A_614] {strides = array<i32>} : memref<80x128xf32, #tpu.memory_space<vmem>>, vector<1x16xf32>,
      %get3A_616 = vector.shape_cast %get3A_615 : vector<1x16xf32> to vector<16xf32>
      %add3A_617 = arith.addf %add3A_611, %get3A_616 : vector<16xf32>
      %get3A_618 = arith.constant 13 : i32
      %get3A_619 = arith.index_cast %get3A_618 : i32 to index
      %get3A_620 = arith.constant 64 : index
      %get3A_621 = tpu.vector_load %arg6[%get3A_619, %get3A_620] {strides = array<i32>} : memref<80x128xf32, #tpu.memory_space<vmem>>, vector<1x16xf32>,
      %get3A_622 = vector.shape_cast %get3A_621 : vector<1x16xf32> to vector<16xf32>
      %add3A_623 = arith.addf %add3A_617, %get3A_622 : vector<16xf32>
      %get3A_624 = arith.constant 14 : i32
      %get3A_625 = arith.index_cast %get3A_624 : i32 to index
      %get3A_626 = arith.constant 64 : index
      %get3A_627 = tpu.vector_load %arg6[%get3A_625, %get3A_626] {strides = array<i32>} : memref<80x128xf32, #tpu.memory_space<vmem>>, vector<1x16xf32>,
      %get3A_628 = vector.shape_cast %get3A_627 : vector<1x16xf32> to vector<16xf32>
      %add3A_629 = arith.addf %add3A_623, %get3A_628 : vector<16xf32>
      %get3A_630 = arith.constant 15 : i32
      %get3A_631 = arith.index_cast %get3A_630 : i32 to index
      %get3A_632 = arith.constant 64 : index
      %get3A_633 = tpu.vector_load %arg6[%get3A_631, %get3A_632] {strides = array<i32>} : memref<80x128xf32, #tpu.memory_space<vmem>>, vector<1x16xf32>,
      %get3A_634 = vector.shape_cast %get3A_633 : vector<1x16xf32> to vector<16xf32>
      %add3A_635 = arith.addf %add3A_629, %get3A_634 : vector<16xf32>
      %get3A_636 = arith.constant 16 : i32
      %get3A_637 = arith.index_cast %get3A_636 : i32 to index
      %get3A_638 = arith.constant 64 : index
      %get3A_639 = tpu.vector_load %arg6[%get3A_637, %get3A_638] {strides = array<i32>} : memref<80x128xf32, #tpu.memory_space<vmem>>, vector<1x16xf32>,
      %get3A_640 = vector.shape_cast %get3A_639 : vector<1x16xf32> to vector<16xf32>
      %add3A_641 = arith.addf %add3A_635, %get3A_640 : vector<16xf32>
      %get3A_642 = arith.constant 17 : i32
      %get3A_643 = arith.index_cast %get3A_642 : i32 to index
      %get3A_644 = arith.constant 64 : index
      %get3A_645 = tpu.vector_load %arg6[%get3A_643, %get3A_644] {strides = array<i32>} : memref<80x128xf32, #tpu.memory_space<vmem>>, vector<1x16xf32>,
      %get3A_646 = vector.shape_cast %get3A_645 : vector<1x16xf32> to vector<16xf32>
      %add3A_647 = arith.addf %add3A_641, %get3A_646 : vector<16xf32>
      %get3A_648 = arith.constant 18 : i32
      %get3A_649 = arith.index_cast %get3A_648 : i32 to index
      %get3A_650 = arith.constant 64 : index
      %get3A_651 = tpu.vector_load %arg6[%get3A_649, %get3A_650] {strides = array<i32>} : memref<80x128xf32, #tpu.memory_space<vmem>>, vector<1x16xf32>,
      %get3A_652 = vector.shape_cast %get3A_651 : vector<1x16xf32> to vector<16xf32>
      %add3A_653 = arith.addf %add3A_647, %get3A_652 : vector<16xf32>
      %get3A_654 = arith.constant 19 : i32
      %get3A_655 = arith.index_cast %get3A_654 : i32 to index
      %get3A_656 = arith.constant 64 : index
      %get3A_657 = tpu.vector_load %arg6[%get3A_655, %get3A_656] {strides = array<i32>} : memref<80x128xf32, #tpu.memory_space<vmem>>, vector<1x16xf32>,
      %get3A_658 = vector.shape_cast %get3A_657 : vector<1x16xf32> to vector<16xf32>
      %add3A_659 = arith.addf %add3A_653, %get3A_658 : vector<16xf32>
      %mul3A_660 = arith.constant 5.000000e-02 : f32
      %mul3A_661 = vector.broadcast %mul3A_660 : f32 to vector<16xf32>
      %mul3A_662 = arith.mulf %add3A_659, %mul3A_661 : vector<16xf32>
      %mul3A_663 = arith.constant 4 : i32
      %mul3A_664 = arith.muli %scan3A_8, %mul3A_663 : i32
      %add3A_665 = arith.constant 0 : i32
      %add3A_666 = arith.addi %mul3A_664, %add3A_665 : i32
      %swap3A_667 = arith.index_cast %add3A_666 : i32 to index
      %swap3A_668 = arith.constant 64 : index
      %swap3A_669 = tpu.vector_load %arg7[%swap3A_667, %swap3A_668] {strides = array<i32>} : memref<128x128xf32, #tpu.memory_space<vmem>>, vector<1x16xf32>,
      %swap3A_670 = vector.shape_cast %swap3A_669 : vector<1x16xf32> to vector<16xf32>
      %swap3A_671 = vector.shape_cast %mul3A_662 : vector<16xf32> to vector<1x16xf32>
      tpu.vector_store %arg7[%swap3A_667, %swap3A_668], %swap3A_671 {strides = array<i32>} : memref<128x128xf32, #tpu.memory_space<vmem>>, vector<1x16xf32>,
      %get3A_672 = arith.constant 0 : i32
      %get3A_673 = arith.index_cast %get3A_672 : i32 to index
      %get3A_674 = arith.constant 80 : index
      %get3A_675 = tpu.vector_load %arg6[%get3A_673, %get3A_674] {strides = array<i32>} : memref<80x128xf32, #tpu.memory_space<vmem>>, vector<1x16xf32>,
      %get3A_676 = vector.shape_cast %get3A_675 : vector<1x16xf32> to vector<16xf32>
      %get3A_677 = arith.constant 1 : i32
      %get3A_678 = arith.index_cast %get3A_677 : i32 to index
      %get3A_679 = arith.constant 80 : index
      %get3A_680 = tpu.vector_load %arg6[%get3A_678, %get3A_679] {strides = array<i32>} : memref<80x128xf32, #tpu.memory_space<vmem>>, vector<1x16xf32>,
      %get3A_681 = vector.shape_cast %get3A_680 : vector<1x16xf32> to vector<16xf32>
      %add3A_682 = arith.addf %get3A_676, %get3A_681 : vector<16xf32>
      %get3A_683 = arith.constant 2 : i32
      %get3A_684 = arith.index_cast %get3A_683 : i32 to index
      %get3A_685 = arith.constant 80 : index
      %get3A_686 = tpu.vector_load %arg6[%get3A_684, %get3A_685] {strides = array<i32>} : memref<80x128xf32, #tpu.memory_space<vmem>>, vector<1x16xf32>,
      %get3A_687 = vector.shape_cast %get3A_686 : vector<1x16xf32> to vector<16xf32>
      %add3A_688 = arith.addf %add3A_682, %get3A_687 : vector<16xf32>
      %get3A_689 = arith.constant 3 : i32
      %get3A_690 = arith.index_cast %get3A_689 : i32 to index
      %get3A_691 = arith.constant 80 : index
      %get3A_692 = tpu.vector_load %arg6[%get3A_690, %get3A_691] {strides = array<i32>} : memref<80x128xf32, #tpu.memory_space<vmem>>, vector<1x16xf32>,
      %get3A_693 = vector.shape_cast %get3A_692 : vector<1x16xf32> to vector<16xf32>
      %add3A_694 = arith.addf %add3A_688, %get3A_693 : vector<16xf32>
      %get3A_695 = arith.constant 4 : i32
      %get3A_696 = arith.index_cast %get3A_695 : i32 to index
      %get3A_697 = arith.constant 80 : index
      %get3A_698 = tpu.vector_load %arg6[%get3A_696, %get3A_697] {strides = array<i32>} : memref<80x128xf32, #tpu.memory_space<vmem>>, vector<1x16xf32>,
      %get3A_699 = vector.shape_cast %get3A_698 : vector<1x16xf32> to vector<16xf32>
      %add3A_700 = arith.addf %add3A_694, %get3A_699 : vector<16xf32>
      %get3A_701 = arith.constant 5 : i32
      %get3A_702 = arith.index_cast %get3A_701 : i32 to index
      %get3A_703 = arith.constant 80 : index
      %get3A_704 = tpu.vector_load %arg6[%get3A_702, %get3A_703] {strides = array<i32>} : memref<80x128xf32, #tpu.memory_space<vmem>>, vector<1x16xf32>,
      %get3A_705 = vector.shape_cast %get3A_704 : vector<1x16xf32> to vector<16xf32>
      %add3A_706 = arith.addf %add3A_700, %get3A_705 : vector<16xf32>
      %get3A_707 = arith.constant 6 : i32
      %get3A_708 = arith.index_cast %get3A_707 : i32 to index
      %get3A_709 = arith.constant 80 : index
      %get3A_710 = tpu.vector_load %arg6[%get3A_708, %get3A_709] {strides = array<i32>} : memref<80x128xf32, #tpu.memory_space<vmem>>, vector<1x16xf32>,
      %get3A_711 = vector.shape_cast %get3A_710 : vector<1x16xf32> to vector<16xf32>
      %add3A_712 = arith.addf %add3A_706, %get3A_711 : vector<16xf32>
      %get3A_713 = arith.constant 7 : i32
      %get3A_714 = arith.index_cast %get3A_713 : i32 to index
      %get3A_715 = arith.constant 80 : index
      %get3A_716 = tpu.vector_load %arg6[%get3A_714, %get3A_715] {strides = array<i32>} : memref<80x128xf32, #tpu.memory_space<vmem>>, vector<1x16xf32>,
      %get3A_717 = vector.shape_cast %get3A_716 : vector<1x16xf32> to vector<16xf32>
      %add3A_718 = arith.addf %add3A_712, %get3A_717 : vector<16xf32>
      %get3A_719 = arith.constant 8 : i32
      %get3A_720 = arith.index_cast %get3A_719 : i32 to index
      %get3A_721 = arith.constant 80 : index
      %get3A_722 = tpu.vector_load %arg6[%get3A_720, %get3A_721] {strides = array<i32>} : memref<80x128xf32, #tpu.memory_space<vmem>>, vector<1x16xf32>,
      %get3A_723 = vector.shape_cast %get3A_722 : vector<1x16xf32> to vector<16xf32>
      %add3A_724 = arith.addf %add3A_718, %get3A_723 : vector<16xf32>
      %get3A_725 = arith.constant 9 : i32
      %get3A_726 = arith.index_cast %get3A_725 : i32 to index
      %get3A_727 = arith.constant 80 : index
      %get3A_728 = tpu.vector_load %arg6[%get3A_726, %get3A_727] {strides = array<i32>} : memref<80x128xf32, #tpu.memory_space<vmem>>, vector<1x16xf32>,
      %get3A_729 = vector.shape_cast %get3A_728 : vector<1x16xf32> to vector<16xf32>
      %add3A_730 = arith.addf %add3A_724, %get3A_729 : vector<16xf32>
      %get3A_731 = arith.constant 10 : i32
      %get3A_732 = arith.index_cast %get3A_731 : i32 to index
      %get3A_733 = arith.constant 80 : index
      %get3A_734 = tpu.vector_load %arg6[%get3A_732, %get3A_733] {strides = array<i32>} : memref<80x128xf32, #tpu.memory_space<vmem>>, vector<1x16xf32>,
      %get3A_735 = vector.shape_cast %get3A_734 : vector<1x16xf32> to vector<16xf32>
      %add3A_736 = arith.addf %add3A_730, %get3A_735 : vector<16xf32>
      %get3A_737 = arith.constant 11 : i32
      %get3A_738 = arith.index_cast %get3A_737 : i32 to index
      %get3A_739 = arith.constant 80 : index
      %get3A_740 = tpu.vector_load %arg6[%get3A_738, %get3A_739] {strides = array<i32>} : memref<80x128xf32, #tpu.memory_space<vmem>>, vector<1x16xf32>,
      %get3A_741 = vector.shape_cast %get3A_740 : vector<1x16xf32> to vector<16xf32>
      %add3A_742 = arith.addf %add3A_736, %get3A_741 : vector<16xf32>
      %get3A_743 = arith.constant 12 : i32
      %get3A_744 = arith.index_cast %get3A_743 : i32 to index
      %get3A_745 = arith.constant 80 : index
      %get3A_746 = tpu.vector_load %arg6[%get3A_744, %get3A_745] {strides = array<i32>} : memref<80x128xf32, #tpu.memory_space<vmem>>, vector<1x16xf32>,
      %get3A_747 = vector.shape_cast %get3A_746 : vector<1x16xf32> to vector<16xf32>
      %add3A_748 = arith.addf %add3A_742, %get3A_747 : vector<16xf32>
      %get3A_749 = arith.constant 13 : i32
      %get3A_750 = arith.index_cast %get3A_749 : i32 to index
      %get3A_751 = arith.constant 80 : index
      %get3A_752 = tpu.vector_load %arg6[%get3A_750, %get3A_751] {strides = array<i32>} : memref<80x128xf32, #tpu.memory_space<vmem>>, vector<1x16xf32>,
      %get3A_753 = vector.shape_cast %get3A_752 : vector<1x16xf32> to vector<16xf32>
      %add3A_754 = arith.addf %add3A_748, %get3A_753 : vector<16xf32>
      %get3A_755 = arith.constant 14 : i32
      %get3A_756 = arith.index_cast %get3A_755 : i32 to index
      %get3A_757 = arith.constant 80 : index
      %get3A_758 = tpu.vector_load %arg6[%get3A_756, %get3A_757] {strides = array<i32>} : memref<80x128xf32, #tpu.memory_space<vmem>>, vector<1x16xf32>,
      %get3A_759 = vector.shape_cast %get3A_758 : vector<1x16xf32> to vector<16xf32>
      %add3A_760 = arith.addf %add3A_754, %get3A_759 : vector<16xf32>
      %get3A_761 = arith.constant 15 : i32
      %get3A_762 = arith.index_cast %get3A_761 : i32 to index
      %get3A_763 = arith.constant 80 : index
      %get3A_764 = tpu.vector_load %arg6[%get3A_762, %get3A_763] {strides = array<i32>} : memref<80x128xf32, #tpu.memory_space<vmem>>, vector<1x16xf32>,
      %get3A_765 = vector.shape_cast %get3A_764 : vector<1x16xf32> to vector<16xf32>
      %add3A_766 = arith.addf %add3A_760, %get3A_765 : vector<16xf32>
      %get3A_767 = arith.constant 16 : i32
      %get3A_768 = arith.index_cast %get3A_767 : i32 to index
      %get3A_769 = arith.constant 80 : index
      %get3A_770 = tpu.vector_load %arg6[%get3A_768, %get3A_769] {strides = array<i32>} : memref<80x128xf32, #tpu.memory_space<vmem>>, vector<1x16xf32>,
      %get3A_771 = vector.shape_cast %get3A_770 : vector<1x16xf32> to vector<16xf32>
      %add3A_772 = arith.addf %add3A_766, %get3A_771 : vector<16xf32>
      %get3A_773 = arith.constant 17 : i32
      %get3A_774 = arith.index_cast %get3A_773 : i32 to index
      %get3A_775 = arith.constant 80 : index
      %get3A_776 = tpu.vector_load %arg6[%get3A_774, %get3A_775] {strides = array<i32>} : memref<80x128xf32, #tpu.memory_space<vmem>>, vector<1x16xf32>,
      %get3A_777 = vector.shape_cast %get3A_776 : vector<1x16xf32> to vector<16xf32>
      %add3A_778 = arith.addf %add3A_772, %get3A_777 : vector<16xf32>
      %get3A_779 = arith.constant 18 : i32
      %get3A_780 = arith.index_cast %get3A_779 : i32 to index
      %get3A_781 = arith.constant 80 : index
      %get3A_782 = tpu.vector_load %arg6[%get3A_780, %get3A_781] {strides = array<i32>} : memref<80x128xf32, #tpu.memory_space<vmem>>, vector<1x16xf32>,
      %get3A_783 = vector.shape_cast %get3A_782 : vector<1x16xf32> to vector<16xf32>
      %add3A_784 = arith.addf %add3A_778, %get3A_783 : vector<16xf32>
      %get3A_785 = arith.constant 19 : i32
      %get3A_786 = arith.index_cast %get3A_785 : i32 to index
      %get3A_787 = arith.constant 80 : index
      %get3A_788 = tpu.vector_load %arg6[%get3A_786, %get3A_787] {strides = array<i32>} : memref<80x128xf32, #tpu.memory_space<vmem>>, vector<1x16xf32>,
      %get3A_789 = vector.shape_cast %get3A_788 : vector<1x16xf32> to vector<16xf32>
      %add3A_790 = arith.addf %add3A_784, %get3A_789 : vector<16xf32>
      %mul3A_791 = arith.constant 5.000000e-02 : f32
      %mul3A_792 = vector.broadcast %mul3A_791 : f32 to vector<16xf32>
      %mul3A_793 = arith.mulf %add3A_790, %mul3A_792 : vector<16xf32>
      %mul3A_794 = arith.constant 4 : i32
      %mul3A_795 = arith.muli %scan3A_8, %mul3A_794 : i32
      %add3A_796 = arith.constant 0 : i32
      %add3A_797 = arith.addi %mul3A_795, %add3A_796 : i32
      %swap3A_798 = arith.index_cast %add3A_797 : i32 to index
      %swap3A_799 = arith.constant 80 : index
      %swap3A_800 = tpu.vector_load %arg7[%swap3A_798, %swap3A_799] {strides = array<i32>} : memref<128x128xf32, #tpu.memory_space<vmem>>, vector<1x16xf32>,
      %swap3A_801 = vector.shape_cast %swap3A_800 : vector<1x16xf32> to vector<16xf32>
      %swap3A_802 = vector.shape_cast %mul3A_793 : vector<16xf32> to vector<1x16xf32>
      tpu.vector_store %arg7[%swap3A_798, %swap3A_799], %swap3A_802 {strides = array<i32>} : memref<128x128xf32, #tpu.memory_space<vmem>>, vector<1x16xf32>,
      %get3A_803 = arith.constant 0 : i32
      %get3A_804 = arith.index_cast %get3A_803 : i32 to index
      %get3A_805 = arith.constant 96 : index
      %get3A_806 = tpu.vector_load %arg6[%get3A_804, %get3A_805] {strides = array<i32>} : memref<80x128xf32, #tpu.memory_space<vmem>>, vector<1x16xf32>,
      %get3A_807 = vector.shape_cast %get3A_806 : vector<1x16xf32> to vector<16xf32>
      %get3A_808 = arith.constant 1 : i32
      %get3A_809 = arith.index_cast %get3A_808 : i32 to index
      %get3A_810 = arith.constant 96 : index
      %get3A_811 = tpu.vector_load %arg6[%get3A_809, %get3A_810] {strides = array<i32>} : memref<80x128xf32, #tpu.memory_space<vmem>>, vector<1x16xf32>,
      %get3A_812 = vector.shape_cast %get3A_811 : vector<1x16xf32> to vector<16xf32>
      %add3A_813 = arith.addf %get3A_807, %get3A_812 : vector<16xf32>
      %get3A_814 = arith.constant 2 : i32
      %get3A_815 = arith.index_cast %get3A_814 : i32 to index
      %get3A_816 = arith.constant 96 : index
      %get3A_817 = tpu.vector_load %arg6[%get3A_815, %get3A_816] {strides = array<i32>} : memref<80x128xf32, #tpu.memory_space<vmem>>, vector<1x16xf32>,
      %get3A_818 = vector.shape_cast %get3A_817 : vector<1x16xf32> to vector<16xf32>
      %add3A_819 = arith.addf %add3A_813, %get3A_818 : vector<16xf32>
      %get3A_820 = arith.constant 3 : i32
      %get3A_821 = arith.index_cast %get3A_820 : i32 to index
      %get3A_822 = arith.constant 96 : index
      %get3A_823 = tpu.vector_load %arg6[%get3A_821, %get3A_822] {strides = array<i32>} : memref<80x128xf32, #tpu.memory_space<vmem>>, vector<1x16xf32>,
      %get3A_824 = vector.shape_cast %get3A_823 : vector<1x16xf32> to vector<16xf32>
      %add3A_825 = arith.addf %add3A_819, %get3A_824 : vector<16xf32>
      %get3A_826 = arith.constant 4 : i32
      %get3A_827 = arith.index_cast %get3A_826 : i32 to index
      %get3A_828 = arith.constant 96 : index
      %get3A_829 = tpu.vector_load %arg6[%get3A_827, %get3A_828] {strides = array<i32>} : memref<80x128xf32, #tpu.memory_space<vmem>>, vector<1x16xf32>,
      %get3A_830 = vector.shape_cast %get3A_829 : vector<1x16xf32> to vector<16xf32>
      %add3A_831 = arith.addf %add3A_825, %get3A_830 : vector<16xf32>
      %get3A_832 = arith.constant 5 : i32
      %get3A_833 = arith.index_cast %get3A_832 : i32 to index
      %get3A_834 = arith.constant 96 : index
      %get3A_835 = tpu.vector_load %arg6[%get3A_833, %get3A_834] {strides = array<i32>} : memref<80x128xf32, #tpu.memory_space<vmem>>, vector<1x16xf32>,
      %get3A_836 = vector.shape_cast %get3A_835 : vector<1x16xf32> to vector<16xf32>
      %add3A_837 = arith.addf %add3A_831, %get3A_836 : vector<16xf32>
      %get3A_838 = arith.constant 6 : i32
      %get3A_839 = arith.index_cast %get3A_838 : i32 to index
      %get3A_840 = arith.constant 96 : index
      %get3A_841 = tpu.vector_load %arg6[%get3A_839, %get3A_840] {strides = array<i32>} : memref<80x128xf32, #tpu.memory_space<vmem>>, vector<1x16xf32>,
      %get3A_842 = vector.shape_cast %get3A_841 : vector<1x16xf32> to vector<16xf32>
      %add3A_843 = arith.addf %add3A_837, %get3A_842 : vector<16xf32>
      %get3A_844 = arith.constant 7 : i32
      %get3A_845 = arith.index_cast %get3A_844 : i32 to index
      %get3A_846 = arith.constant 96 : index
      %get3A_847 = tpu.vector_load %arg6[%get3A_845, %get3A_846] {strides = array<i32>} : memref<80x128xf32, #tpu.memory_space<vmem>>, vector<1x16xf32>,
      %get3A_848 = vector.shape_cast %get3A_847 : vector<1x16xf32> to vector<16xf32>
      %add3A_849 = arith.addf %add3A_843, %get3A_848 : vector<16xf32>
      %get3A_850 = arith.constant 8 : i32
      %get3A_851 = arith.index_cast %get3A_850 : i32 to index
      %get3A_852 = arith.constant 96 : index
      %get3A_853 = tpu.vector_load %arg6[%get3A_851, %get3A_852] {strides = array<i32>} : memref<80x128xf32, #tpu.memory_space<vmem>>, vector<1x16xf32>,
      %get3A_854 = vector.shape_cast %get3A_853 : vector<1x16xf32> to vector<16xf32>
      %add3A_855 = arith.addf %add3A_849, %get3A_854 : vector<16xf32>
      %get3A_856 = arith.constant 9 : i32
      %get3A_857 = arith.index_cast %get3A_856 : i32 to index
      %get3A_858 = arith.constant 96 : index
      %get3A_859 = tpu.vector_load %arg6[%get3A_857, %get3A_858] {strides = array<i32>} : memref<80x128xf32, #tpu.memory_space<vmem>>, vector<1x16xf32>,
      %get3A_860 = vector.shape_cast %get3A_859 : vector<1x16xf32> to vector<16xf32>
      %add3A_861 = arith.addf %add3A_855, %get3A_860 : vector<16xf32>
      %get3A_862 = arith.constant 10 : i32
      %get3A_863 = arith.index_cast %get3A_862 : i32 to index
      %get3A_864 = arith.constant 96 : index
      %get3A_865 = tpu.vector_load %arg6[%get3A_863, %get3A_864] {strides = array<i32>} : memref<80x128xf32, #tpu.memory_space<vmem>>, vector<1x16xf32>,
      %get3A_866 = vector.shape_cast %get3A_865 : vector<1x16xf32> to vector<16xf32>
      %add3A_867 = arith.addf %add3A_861, %get3A_866 : vector<16xf32>
      %get3A_868 = arith.constant 11 : i32
      %get3A_869 = arith.index_cast %get3A_868 : i32 to index
      %get3A_870 = arith.constant 96 : index
      %get3A_871 = tpu.vector_load %arg6[%get3A_869, %get3A_870] {strides = array<i32>} : memref<80x128xf32, #tpu.memory_space<vmem>>, vector<1x16xf32>,
      %get3A_872 = vector.shape_cast %get3A_871 : vector<1x16xf32> to vector<16xf32>
      %add3A_873 = arith.addf %add3A_867, %get3A_872 : vector<16xf32>
      %get3A_874 = arith.constant 12 : i32
      %get3A_875 = arith.index_cast %get3A_874 : i32 to index
      %get3A_876 = arith.constant 96 : index
      %get3A_877 = tpu.vector_load %arg6[%get3A_875, %get3A_876] {strides = array<i32>} : memref<80x128xf32, #tpu.memory_space<vmem>>, vector<1x16xf32>,
      %get3A_878 = vector.shape_cast %get3A_877 : vector<1x16xf32> to vector<16xf32>
      %add3A_879 = arith.addf %add3A_873, %get3A_878 : vector<16xf32>
      %get3A_880 = arith.constant 13 : i32
      %get3A_881 = arith.index_cast %get3A_880 : i32 to index
      %get3A_882 = arith.constant 96 : index
      %get3A_883 = tpu.vector_load %arg6[%get3A_881, %get3A_882] {strides = array<i32>} : memref<80x128xf32, #tpu.memory_space<vmem>>, vector<1x16xf32>,
      %get3A_884 = vector.shape_cast %get3A_883 : vector<1x16xf32> to vector<16xf32>
      %add3A_885 = arith.addf %add3A_879, %get3A_884 : vector<16xf32>
      %get3A_886 = arith.constant 14 : i32
      %get3A_887 = arith.index_cast %get3A_886 : i32 to index
      %get3A_888 = arith.constant 96 : index
      %get3A_889 = tpu.vector_load %arg6[%get3A_887, %get3A_888] {strides = array<i32>} : memref<80x128xf32, #tpu.memory_space<vmem>>, vector<1x16xf32>,
      %get3A_890 = vector.shape_cast %get3A_889 : vector<1x16xf32> to vector<16xf32>
      %add3A_891 = arith.addf %add3A_885, %get3A_890 : vector<16xf32>
      %get3A_892 = arith.constant 15 : i32
      %get3A_893 = arith.index_cast %get3A_892 : i32 to index
      %get3A_894 = arith.constant 96 : index
      %get3A_895 = tpu.vector_load %arg6[%get3A_893, %get3A_894] {strides = array<i32>} : memref<80x128xf32, #tpu.memory_space<vmem>>, vector<1x16xf32>,
      %get3A_896 = vector.shape_cast %get3A_895 : vector<1x16xf32> to vector<16xf32>
      %add3A_897 = arith.addf %add3A_891, %get3A_896 : vector<16xf32>
      %get3A_898 = arith.constant 16 : i32
      %get3A_899 = arith.index_cast %get3A_898 : i32 to index
      %get3A_900 = arith.constant 96 : index
      %get3A_901 = tpu.vector_load %arg6[%get3A_899, %get3A_900] {strides = array<i32>} : memref<80x128xf32, #tpu.memory_space<vmem>>, vector<1x16xf32>,
      %get3A_902 = vector.shape_cast %get3A_901 : vector<1x16xf32> to vector<16xf32>
      %add3A_903 = arith.addf %add3A_897, %get3A_902 : vector<16xf32>
      %get3A_904 = arith.constant 17 : i32
      %get3A_905 = arith.index_cast %get3A_904 : i32 to index
      %get3A_906 = arith.constant 96 : index
      %get3A_907 = tpu.vector_load %arg6[%get3A_905, %get3A_906] {strides = array<i32>} : memref<80x128xf32, #tpu.memory_space<vmem>>, vector<1x16xf32>,
      %get3A_908 = vector.shape_cast %get3A_907 : vector<1x16xf32> to vector<16xf32>
      %add3A_909 = arith.addf %add3A_903, %get3A_908 : vector<16xf32>
      %get3A_910 = arith.constant 18 : i32
      %get3A_911 = arith.index_cast %get3A_910 : i32 to index
      %get3A_912 = arith.constant 96 : index
      %get3A_913 = tpu.vector_load %arg6[%get3A_911, %get3A_912] {strides = array<i32>} : memref<80x128xf32, #tpu.memory_space<vmem>>, vector<1x16xf32>,
      %get3A_914 = vector.shape_cast %get3A_913 : vector<1x16xf32> to vector<16xf32>
      %add3A_915 = arith.addf %add3A_909, %get3A_914 : vector<16xf32>
      %get3A_916 = arith.constant 19 : i32
      %get3A_917 = arith.index_cast %get3A_916 : i32 to index
      %get3A_918 = arith.constant 96 : index
      %get3A_919 = tpu.vector_load %arg6[%get3A_917, %get3A_918] {strides = array<i32>} : memref<80x128xf32, #tpu.memory_space<vmem>>, vector<1x16xf32>,
      %get3A_920 = vector.shape_cast %get3A_919 : vector<1x16xf32> to vector<16xf32>
      %add3A_921 = arith.addf %add3A_915, %get3A_920 : vector<16xf32>
      %mul3A_922 = arith.constant 5.000000e-02 : f32
      %mul3A_923 = vector.broadcast %mul3A_922 : f32 to vector<16xf32>
      %mul3A_924 = arith.mulf %add3A_921, %mul3A_923 : vector<16xf32>
      %mul3A_925 = arith.constant 4 : i32
      %mul3A_926 = arith.muli %scan3A_8, %mul3A_925 : i32
      %add3A_927 = arith.constant 0 : i32
      %add3A_928 = arith.addi %mul3A_926, %add3A_927 : i32
      %swap3A_929 = arith.index_cast %add3A_928 : i32 to index
      %swap3A_930 = arith.constant 96 : index
      %swap3A_931 = tpu.vector_load %arg7[%swap3A_929, %swap3A_930] {strides = array<i32>} : memref<128x128xf32, #tpu.memory_space<vmem>>, vector<1x16xf32>,
      %swap3A_932 = vector.shape_cast %swap3A_931 : vector<1x16xf32> to vector<16xf32>
      %swap3A_933 = vector.shape_cast %mul3A_924 : vector<16xf32> to vector<1x16xf32>
      tpu.vector_store %arg7[%swap3A_929, %swap3A_930], %swap3A_933 {strides = array<i32>} : memref<128x128xf32, #tpu.memory_space<vmem>>, vector<1x16xf32>,
      %get3A_934 = arith.constant 0 : i32
      %get3A_935 = arith.index_cast %get3A_934 : i32 to index
      %get3A_936 = arith.constant 112 : index
      %get3A_937 = tpu.vector_load %arg6[%get3A_935, %get3A_936] {strides = array<i32>} : memref<80x128xf32, #tpu.memory_space<vmem>>, vector<1x16xf32>,
      %get3A_938 = vector.shape_cast %get3A_937 : vector<1x16xf32> to vector<16xf32>
      %get3A_939 = arith.constant 1 : i32
      %get3A_940 = arith.index_cast %get3A_939 : i32 to index
      %get3A_941 = arith.constant 112 : index
      %get3A_942 = tpu.vector_load %arg6[%get3A_940, %get3A_941] {strides = array<i32>} : memref<80x128xf32, #tpu.memory_space<vmem>>, vector<1x16xf32>,
      %get3A_943 = vector.shape_cast %get3A_942 : vector<1x16xf32> to vector<16xf32>
      %add3A_944 = arith.addf %get3A_938, %get3A_943 : vector<16xf32>
      %get3A_945 = arith.constant 2 : i32
      %get3A_946 = arith.index_cast %get3A_945 : i32 to index
      %get3A_947 = arith.constant 112 : index
      %get3A_948 = tpu.vector_load %arg6[%get3A_946, %get3A_947] {strides = array<i32>} : memref<80x128xf32, #tpu.memory_space<vmem>>, vector<1x16xf32>,
      %get3A_949 = vector.shape_cast %get3A_948 : vector<1x16xf32> to vector<16xf32>
      %add3A_950 = arith.addf %add3A_944, %get3A_949 : vector<16xf32>
      %get3A_951 = arith.constant 3 : i32
      %get3A_952 = arith.index_cast %get3A_951 : i32 to index
      %get3A_953 = arith.constant 112 : index
      %get3A_954 = tpu.vector_load %arg6[%get3A_952, %get3A_953] {strides = array<i32>} : memref<80x128xf32, #tpu.memory_space<vmem>>, vector<1x16xf32>,
      %get3A_955 = vector.shape_cast %get3A_954 : vector<1x16xf32> to vector<16xf32>
      %add3A_956 = arith.addf %add3A_950, %get3A_955 : vector<16xf32>
      %get3A_957 = arith.constant 4 : i32
      %get3A_958 = arith.index_cast %get3A_957 : i32 to index
      %get3A_959 = arith.constant 112 : index
      %get3A_960 = tpu.vector_load %arg6[%get3A_958, %get3A_959] {strides = array<i32>} : memref<80x128xf32, #tpu.memory_space<vmem>>, vector<1x16xf32>,
      %get3A_961 = vector.shape_cast %get3A_960 : vector<1x16xf32> to vector<16xf32>
      %add3A_962 = arith.addf %add3A_956, %get3A_961 : vector<16xf32>
      %get3A_963 = arith.constant 5 : i32
      %get3A_964 = arith.index_cast %get3A_963 : i32 to index
      %get3A_965 = arith.constant 112 : index
      %get3A_966 = tpu.vector_load %arg6[%get3A_964, %get3A_965] {strides = array<i32>} : memref<80x128xf32, #tpu.memory_space<vmem>>, vector<1x16xf32>,
      %get3A_967 = vector.shape_cast %get3A_966 : vector<1x16xf32> to vector<16xf32>
      %add3A_968 = arith.addf %add3A_962, %get3A_967 : vector<16xf32>
      %get3A_969 = arith.constant 6 : i32
      %get3A_970 = arith.index_cast %get3A_969 : i32 to index
      %get3A_971 = arith.constant 112 : index
      %get3A_972 = tpu.vector_load %arg6[%get3A_970, %get3A_971] {strides = array<i32>} : memref<80x128xf32, #tpu.memory_space<vmem>>, vector<1x16xf32>,
      %get3A_973 = vector.shape_cast %get3A_972 : vector<1x16xf32> to vector<16xf32>
      %add3A_974 = arith.addf %add3A_968, %get3A_973 : vector<16xf32>
      %get3A_975 = arith.constant 7 : i32
      %get3A_976 = arith.index_cast %get3A_975 : i32 to index
      %get3A_977 = arith.constant 112 : index
      %get3A_978 = tpu.vector_load %arg6[%get3A_976, %get3A_977] {strides = array<i32>} : memref<80x128xf32, #tpu.memory_space<vmem>>, vector<1x16xf32>,
      %get3A_979 = vector.shape_cast %get3A_978 : vector<1x16xf32> to vector<16xf32>
      %add3A_980 = arith.addf %add3A_974, %get3A_979 : vector<16xf32>
      %get3A_981 = arith.constant 8 : i32
      %get3A_982 = arith.index_cast %get3A_981 : i32 to index
      %get3A_983 = arith.constant 112 : index
      %get3A_984 = tpu.vector_load %arg6[%get3A_982, %get3A_983] {strides = array<i32>} : memref<80x128xf32, #tpu.memory_space<vmem>>, vector<1x16xf32>,
      %get3A_985 = vector.shape_cast %get3A_984 : vector<1x16xf32> to vector<16xf32>
      %add3A_986 = arith.addf %add3A_980, %get3A_985 : vector<16xf32>
      %get3A_987 = arith.constant 9 : i32
      %get3A_988 = arith.index_cast %get3A_987 : i32 to index
      %get3A_989 = arith.constant 112 : index
      %get3A_990 = tpu.vector_load %arg6[%get3A_988, %get3A_989] {strides = array<i32>} : memref<80x128xf32, #tpu.memory_space<vmem>>, vector<1x16xf32>,
      %get3A_991 = vector.shape_cast %get3A_990 : vector<1x16xf32> to vector<16xf32>
      %add3A_992 = arith.addf %add3A_986, %get3A_991 : vector<16xf32>
      %get3A_993 = arith.constant 10 : i32
      %get3A_994 = arith.index_cast %get3A_993 : i32 to index
      %get3A_995 = arith.constant 112 : index
      %get3A_996 = tpu.vector_load %arg6[%get3A_994, %get3A_995] {strides = array<i32>} : memref<80x128xf32, #tpu.memory_space<vmem>>, vector<1x16xf32>,
      %get3A_997 = vector.shape_cast %get3A_996 : vector<1x16xf32> to vector<16xf32>
      %add3A_998 = arith.addf %add3A_992, %get3A_997 : vector<16xf32>
      %get3A_999 = arith.constant 11 : i32
      %get3A_1000 = arith.index_cast %get3A_999 : i32 to index
      %get3A_1001 = arith.constant 112 : index
      %get3A_1002 = tpu.vector_load %arg6[%get3A_1000, %get3A_1001] {strides = array<i32>} : memref<80x128xf32, #tpu.memory_space<vmem>>, vector<1x16xf32>,
      %get3A_1003 = vector.shape_cast %get3A_1002 : vector<1x16xf32> to vector<16xf32>
      %add3A_1004 = arith.addf %add3A_998, %get3A_1003 : vector<16xf32>
      %get3A_1005 = arith.constant 12 : i32
      %get3A_1006 = arith.index_cast %get3A_1005 : i32 to index
      %get3A_1007 = arith.constant 112 : index
      %get3A_1008 = tpu.vector_load %arg6[%get3A_1006, %get3A_1007] {strides = array<i32>} : memref<80x128xf32, #tpu.memory_space<vmem>>, vector<1x16xf32>,
      %get3A_1009 = vector.shape_cast %get3A_1008 : vector<1x16xf32> to vector<16xf32>
      %add3A_1010 = arith.addf %add3A_1004, %get3A_1009 : vector<16xf32>
      %get3A_1011 = arith.constant 13 : i32
      %get3A_1012 = arith.index_cast %get3A_1011 : i32 to index
      %get3A_1013 = arith.constant 112 : index
      %get3A_1014 = tpu.vector_load %arg6[%get3A_1012, %get3A_1013] {strides = array<i32>} : memref<80x128xf32, #tpu.memory_space<vmem>>, vector<1x16xf32>,
      %get3A_1015 = vector.shape_cast %get3A_1014 : vector<1x16xf32> to vector<16xf32>
      %add3A_1016 = arith.addf %add3A_1010, %get3A_1015 : vector<16xf32>
      %get3A_1017 = arith.constant 14 : i32
      %get3A_1018 = arith.index_cast %get3A_1017 : i32 to index
      %get3A_1019 = arith.constant 112 : index
      %get3A_1020 = tpu.vector_load %arg6[%get3A_1018, %get3A_1019] {strides = array<i32>} : memref<80x128xf32, #tpu.memory_space<vmem>>, vector<1x16xf32>,
      %get3A_1021 = vector.shape_cast %get3A_1020 : vector<1x16xf32> to vector<16xf32>
      %add3A_1022 = arith.addf %add3A_1016, %get3A_1021 : vector<16xf32>
      %get3A_1023 = arith.constant 15 : i32
      %get3A_1024 = arith.index_cast %get3A_1023 : i32 to index
      %get3A_1025 = arith.constant 112 : index
      %get3A_1026 = tpu.vector_load %arg6[%get3A_1024, %get3A_1025] {strides = array<i32>} : memref<80x128xf32, #tpu.memory_space<vmem>>, vector<1x16xf32>,
      %get3A_1027 = vector.shape_cast %get3A_1026 : vector<1x16xf32> to vector<16xf32>
      %add3A_1028 = arith.addf %add3A_1022, %get3A_1027 : vector<16xf32>
      %get3A_1029 = arith.constant 16 : i32
      %get3A_1030 = arith.index_cast %get3A_1029 : i32 to index
      %get3A_1031 = arith.constant 112 : index
      %get3A_1032 = tpu.vector_load %arg6[%get3A_1030, %get3A_1031] {strides = array<i32>} : memref<80x128xf32, #tpu.memory_space<vmem>>, vector<1x16xf32>,
      %get3A_1033 = vector.shape_cast %get3A_1032 : vector<1x16xf32> to vector<16xf32>
      %add3A_1034 = arith.addf %add3A_1028, %get3A_1033 : vector<16xf32>
      %get3A_1035 = arith.constant 17 : i32
      %get3A_1036 = arith.index_cast %get3A_1035 : i32 to index
      %get3A_1037 = arith.constant 112 : index
      %get3A_1038 = tpu.vector_load %arg6[%get3A_1036, %get3A_1037] {strides = array<i32>} : memref<80x128xf32, #tpu.memory_space<vmem>>, vector<1x16xf32>,
      %get3A_1039 = vector.shape_cast %get3A_1038 : vector<1x16xf32> to vector<16xf32>
      %add3A_1040 = arith.addf %add3A_1034, %get3A_1039 : vector<16xf32>
      %get3A_1041 = arith.constant 18 : i32
      %get3A_1042 = arith.index_cast %get3A_1041 : i32 to index
      %get3A_1043 = arith.constant 112 : index
      %get3A_1044 = tpu.vector_load %arg6[%get3A_1042, %get3A_1043] {strides = array<i32>} : memref<80x128xf32, #tpu.memory_space<vmem>>, vector<1x16xf32>,
      %get3A_1045 = vector.shape_cast %get3A_1044 : vector<1x16xf32> to vector<16xf32>
      %add3A_1046 = arith.addf %add3A_1040, %get3A_1045 : vector<16xf32>
      %get3A_1047 = arith.constant 19 : i32
      %get3A_1048 = arith.index_cast %get3A_1047 : i32 to index
      %get3A_1049 = arith.constant 112 : index
      %get3A_1050 = tpu.vector_load %arg6[%get3A_1048, %get3A_1049] {strides = array<i32>} : memref<80x128xf32, #tpu.memory_space<vmem>>, vector<1x16xf32>,
      %get3A_1051 = vector.shape_cast %get3A_1050 : vector<1x16xf32> to vector<16xf32>
      %add3A_1052 = arith.addf %add3A_1046, %get3A_1051 : vector<16xf32>
      %mul3A_1053 = arith.constant 5.000000e-02 : f32
      %mul3A_1054 = vector.broadcast %mul3A_1053 : f32 to vector<16xf32>
      %mul3A_1055 = arith.mulf %add3A_1052, %mul3A_1054 : vector<16xf32>
      %mul3A_1056 = arith.constant 4 : i32
      %mul3A_1057 = arith.muli %scan3A_8, %mul3A_1056 : i32
      %add3A_1058 = arith.constant 0 : i32
      %add3A_1059 = arith.addi %mul3A_1057, %add3A_1058 : i32
      %swap3A_1060 = arith.index_cast %add3A_1059 : i32 to index
      %swap3A_1061 = arith.constant 112 : index
      %swap3A_1062 = tpu.vector_load %arg7[%swap3A_1060, %swap3A_1061] {strides = array<i32>} : memref<128x128xf32, #tpu.memory_space<vmem>>, vector<1x16xf32>,
      %swap3A_1063 = vector.shape_cast %swap3A_1062 : vector<1x16xf32> to vector<16xf32>
      %swap3A_1064 = vector.shape_cast %mul3A_1055 : vector<16xf32> to vector<1x16xf32>
      tpu.vector_store %arg7[%swap3A_1060, %swap3A_1061], %swap3A_1064 {strides = array<i32>} : memref<128x128xf32, #tpu.memory_space<vmem>>, vector<1x16xf32>,
      %get3A_1065 = arith.constant 20 : i32
      %get3A_1066 = arith.index_cast %get3A_1065 : i32 to index
      %get3A_1067 = arith.constant 0 : index
      %get3A_1068 = tpu.vector_load %arg6[%get3A_1066, %get3A_1067] {strides = array<i32>} : memref<80x128xf32, #tpu.memory_space<vmem>>, vector<1x16xf32>,
      %get3A_1069 = vector.shape_cast %get3A_1068 : vector<1x16xf32> to vector<16xf32>
      %get3A_1070 = arith.constant 21 : i32
      %get3A_1071 = arith.index_cast %get3A_1070 : i32 to index
      %get3A_1072 = arith.constant 0 : index
      %get3A_1073 = tpu.vector_load %arg6[%get3A_1071, %get3A_1072] {strides = array<i32>} : memref<80x128xf32, #tpu.memory_space<vmem>>, vector<1x16xf32>,
      %get3A_1074 = vector.shape_cast %get3A_1073 : vector<1x16xf32> to vector<16xf32>
      %add3A_1075 = arith.addf %get3A_1069, %get3A_1074 : vector<16xf32>
      %get3A_1076 = arith.constant 22 : i32
      %get3A_1077 = arith.index_cast %get3A_1076 : i32 to index
      %get3A_1078 = arith.constant 0 : index
      %get3A_1079 = tpu.vector_load %arg6[%get3A_1077, %get3A_1078] {strides = array<i32>} : memref<80x128xf32, #tpu.memory_space<vmem>>, vector<1x16xf32>,
      %get3A_1080 = vector.shape_cast %get3A_1079 : vector<1x16xf32> to vector<16xf32>
      %add3A_1081 = arith.addf %add3A_1075, %get3A_1080 : vector<16xf32>
      %get3A_1082 = arith.constant 23 : i32
      %get3A_1083 = arith.index_cast %get3A_1082 : i32 to index
      %get3A_1084 = arith.constant 0 : index
      %get3A_1085 = tpu.vector_load %arg6[%get3A_1083, %get3A_1084] {strides = array<i32>} : memref<80x128xf32, #tpu.memory_space<vmem>>, vector<1x16xf32>,
      %get3A_1086 = vector.shape_cast %get3A_1085 : vector<1x16xf32> to vector<16xf32>
      %add3A_1087 = arith.addf %add3A_1081, %get3A_1086 : vector<16xf32>
      %get3A_1088 = arith.constant 24 : i32
      %get3A_1089 = arith.index_cast %get3A_1088 : i32 to index
      %get3A_1090 = arith.constant 0 : index
      %get3A_1091 = tpu.vector_load %arg6[%get3A_1089, %get3A_1090] {strides = array<i32>} : memref<80x128xf32, #tpu.memory_space<vmem>>, vector<1x16xf32>,
      %get3A_1092 = vector.shape_cast %get3A_1091 : vector<1x16xf32> to vector<16xf32>
      %add3A_1093 = arith.addf %add3A_1087, %get3A_1092 : vector<16xf32>
      %get3A_1094 = arith.constant 25 : i32
      %get3A_1095 = arith.index_cast %get3A_1094 : i32 to index
      %get3A_1096 = arith.constant 0 : index
      %get3A_1097 = tpu.vector_load %arg6[%get3A_1095, %get3A_1096] {strides = array<i32>} : memref<80x128xf32, #tpu.memory_space<vmem>>, vector<1x16xf32>,
      %get3A_1098 = vector.shape_cast %get3A_1097 : vector<1x16xf32> to vector<16xf32>
      %add3A_1099 = arith.addf %add3A_1093, %get3A_1098 : vector<16xf32>
      %get3A_1100 = arith.constant 26 : i32
      %get3A_1101 = arith.index_cast %get3A_1100 : i32 to index
      %get3A_1102 = arith.constant 0 : index
      %get3A_1103 = tpu.vector_load %arg6[%get3A_1101, %get3A_1102] {strides = array<i32>} : memref<80x128xf32, #tpu.memory_space<vmem>>, vector<1x16xf32>,
      %get3A_1104 = vector.shape_cast %get3A_1103 : vector<1x16xf32> to vector<16xf32>
      %add3A_1105 = arith.addf %add3A_1099, %get3A_1104 : vector<16xf32>
      %get3A_1106 = arith.constant 27 : i32
      %get3A_1107 = arith.index_cast %get3A_1106 : i32 to index
      %get3A_1108 = arith.constant 0 : index
      %get3A_1109 = tpu.vector_load %arg6[%get3A_1107, %get3A_1108] {strides = array<i32>} : memref<80x128xf32, #tpu.memory_space<vmem>>, vector<1x16xf32>,
      %get3A_1110 = vector.shape_cast %get3A_1109 : vector<1x16xf32> to vector<16xf32>
      %add3A_1111 = arith.addf %add3A_1105, %get3A_1110 : vector<16xf32>
      %get3A_1112 = arith.constant 28 : i32
      %get3A_1113 = arith.index_cast %get3A_1112 : i32 to index
      %get3A_1114 = arith.constant 0 : index
      %get3A_1115 = tpu.vector_load %arg6[%get3A_1113, %get3A_1114] {strides = array<i32>} : memref<80x128xf32, #tpu.memory_space<vmem>>, vector<1x16xf32>,
      %get3A_1116 = vector.shape_cast %get3A_1115 : vector<1x16xf32> to vector<16xf32>
      %add3A_1117 = arith.addf %add3A_1111, %get3A_1116 : vector<16xf32>
      %get3A_1118 = arith.constant 29 : i32
      %get3A_1119 = arith.index_cast %get3A_1118 : i32 to index
      %get3A_1120 = arith.constant 0 : index
      %get3A_1121 = tpu.vector_load %arg6[%get3A_1119, %get3A_1120] {strides = array<i32>} : memref<80x128xf32, #tpu.memory_space<vmem>>, vector<1x16xf32>,
      %get3A_1122 = vector.shape_cast %get3A_1121 : vector<1x16xf32> to vector<16xf32>
      %add3A_1123 = arith.addf %add3A_1117, %get3A_1122 : vector<16xf32>
      %get3A_1124 = arith.constant 30 : i32
      %get3A_1125 = arith.index_cast %get3A_1124 : i32 to index
      %get3A_1126 = arith.constant 0 : index
      %get3A_1127 = tpu.vector_load %arg6[%get3A_1125, %get3A_1126] {strides = array<i32>} : memref<80x128xf32, #tpu.memory_space<vmem>>, vector<1x16xf32>,
      %get3A_1128 = vector.shape_cast %get3A_1127 : vector<1x16xf32> to vector<16xf32>
      %add3A_1129 = arith.addf %add3A_1123, %get3A_1128 : vector<16xf32>
      %get3A_1130 = arith.constant 31 : i32
      %get3A_1131 = arith.index_cast %get3A_1130 : i32 to index
      %get3A_1132 = arith.constant 0 : index
      %get3A_1133 = tpu.vector_load %arg6[%get3A_1131, %get3A_1132] {strides = array<i32>} : memref<80x128xf32, #tpu.memory_space<vmem>>, vector<1x16xf32>,
      %get3A_1134 = vector.shape_cast %get3A_1133 : vector<1x16xf32> to vector<16xf32>
      %add3A_1135 = arith.addf %add3A_1129, %get3A_1134 : vector<16xf32>
      %get3A_1136 = arith.constant 32 : i32
      %get3A_1137 = arith.index_cast %get3A_1136 : i32 to index
      %get3A_1138 = arith.constant 0 : index
      %get3A_1139 = tpu.vector_load %arg6[%get3A_1137, %get3A_1138] {strides = array<i32>} : memref<80x128xf32, #tpu.memory_space<vmem>>, vector<1x16xf32>,
      %get3A_1140 = vector.shape_cast %get3A_1139 : vector<1x16xf32> to vector<16xf32>
      %add3A_1141 = arith.addf %add3A_1135, %get3A_1140 : vector<16xf32>
      %get3A_1142 = arith.constant 33 : i32
      %get3A_1143 = arith.index_cast %get3A_1142 : i32 to index
      %get3A_1144 = arith.constant 0 : index
      %get3A_1145 = tpu.vector_load %arg6[%get3A_1143, %get3A_1144] {strides = array<i32>} : memref<80x128xf32, #tpu.memory_space<vmem>>, vector<1x16xf32>,
      %get3A_1146 = vector.shape_cast %get3A_1145 : vector<1x16xf32> to vector<16xf32>
      %add3A_1147 = arith.addf %add3A_1141, %get3A_1146 : vector<16xf32>
      %get3A_1148 = arith.constant 34 : i32
      %get3A_1149 = arith.index_cast %get3A_1148 : i32 to index
      %get3A_1150 = arith.constant 0 : index
      %get3A_1151 = tpu.vector_load %arg6[%get3A_1149, %get3A_1150] {strides = array<i32>} : memref<80x128xf32, #tpu.memory_space<vmem>>, vector<1x16xf32>,
      %get3A_1152 = vector.shape_cast %get3A_1151 : vector<1x16xf32> to vector<16xf32>
      %add3A_1153 = arith.addf %add3A_1147, %get3A_1152 : vector<16xf32>
      %get3A_1154 = arith.constant 35 : i32
      %get3A_1155 = arith.index_cast %get3A_1154 : i32 to index
      %get3A_1156 = arith.constant 0 : index
      %get3A_1157 = tpu.vector_load %arg6[%get3A_1155, %get3A_1156] {strides = array<i32>} : memref<80x128xf32, #tpu.memory_space<vmem>>, vector<1x16xf32>,
      %get3A_1158 = vector.shape_cast %get3A_1157 : vector<1x16xf32> to vector<16xf32>
      %add3A_1159 = arith.addf %add3A_1153, %get3A_1158 : vector<16xf32>
      %get3A_1160 = arith.constant 36 : i32
      %get3A_1161 = arith.index_cast %get3A_1160 : i32 to index
      %get3A_1162 = arith.constant 0 : index
      %get3A_1163 = tpu.vector_load %arg6[%get3A_1161, %get3A_1162] {strides = array<i32>} : memref<80x128xf32, #tpu.memory_space<vmem>>, vector<1x16xf32>,
      %get3A_1164 = vector.shape_cast %get3A_1163 : vector<1x16xf32> to vector<16xf32>
      %add3A_1165 = arith.addf %add3A_1159, %get3A_1164 : vector<16xf32>
      %get3A_1166 = arith.constant 37 : i32
      %get3A_1167 = arith.index_cast %get3A_1166 : i32 to index
      %get3A_1168 = arith.constant 0 : index
      %get3A_1169 = tpu.vector_load %arg6[%get3A_1167, %get3A_1168] {strides = array<i32>} : memref<80x128xf32, #tpu.memory_space<vmem>>, vector<1x16xf32>,
      %get3A_1170 = vector.shape_cast %get3A_1169 : vector<1x16xf32> to vector<16xf32>
      %add3A_1171 = arith.addf %add3A_1165, %get3A_1170 : vector<16xf32>
      %get3A_1172 = arith.constant 38 : i32
      %get3A_1173 = arith.index_cast %get3A_1172 : i32 to index
      %get3A_1174 = arith.constant 0 : index
      %get3A_1175 = tpu.vector_load %arg6[%get3A_1173, %get3A_1174] {strides = array<i32>} : memref<80x128xf32, #tpu.memory_space<vmem>>, vector<1x16xf32>,
      %get3A_1176 = vector.shape_cast %get3A_1175 : vector<1x16xf32> to vector<16xf32>
      %add3A_1177 = arith.addf %add3A_1171, %get3A_1176 : vector<16xf32>
      %get3A_1178 = arith.constant 39 : i32
      %get3A_1179 = arith.index_cast %get3A_1178 : i32 to index
      %get3A_1180 = arith.constant 0 : index
      %get3A_1181 = tpu.vector_load %arg6[%get3A_1179, %get3A_1180] {strides = array<i32>} : memref<80x128xf32, #tpu.memory_space<vmem>>, vector<1x16xf32>,
      %get3A_1182 = vector.shape_cast %get3A_1181 : vector<1x16xf32> to vector<16xf32>
      %add3A_1183 = arith.addf %add3A_1177, %get3A_1182 : vector<16xf32>
      %mul3A_1184 = arith.constant 5.000000e-02 : f32
      %mul3A_1185 = vector.broadcast %mul3A_1184 : f32 to vector<16xf32>
      %mul3A_1186 = arith.mulf %add3A_1183, %mul3A_1185 : vector<16xf32>
      %mul3A_1187 = arith.constant 4 : i32
      %mul3A_1188 = arith.muli %scan3A_8, %mul3A_1187 : i32
      %add3A_1189 = arith.constant 1 : i32
      %add3A_1190 = arith.addi %mul3A_1188, %add3A_1189 : i32
      %swap3A_1191 = arith.index_cast %add3A_1190 : i32 to index
      %swap3A_1192 = arith.constant 0 : index
      %swap3A_1193 = tpu.vector_load %arg7[%swap3A_1191, %swap3A_1192] {strides = array<i32>} : memref<128x128xf32, #tpu.memory_space<vmem>>, vector<1x16xf32>,
      %swap3A_1194 = vector.shape_cast %swap3A_1193 : vector<1x16xf32> to vector<16xf32>
      %swap3A_1195 = vector.shape_cast %mul3A_1186 : vector<16xf32> to vector<1x16xf32>
      tpu.vector_store %arg7[%swap3A_1191, %swap3A_1192], %swap3A_1195 {strides = array<i32>} : memref<128x128xf32, #tpu.memory_space<vmem>>, vector<1x16xf32>,
      %get3A_1196 = arith.constant 20 : i32
      %get3A_1197 = arith.index_cast %get3A_1196 : i32 to index
      %get3A_1198 = arith.constant 16 : index
      %get3A_1199 = tpu.vector_load %arg6[%get3A_1197, %get3A_1198] {strides = array<i32>} : memref<80x128xf32, #tpu.memory_space<vmem>>, vector<1x16xf32>,
      %get3A_1200 = vector.shape_cast %get3A_1199 : vector<1x16xf32> to vector<16xf32>
      %get3A_1201 = arith.constant 21 : i32
      %get3A_1202 = arith.index_cast %get3A_1201 : i32 to index
      %get3A_1203 = arith.constant 16 : index
      %get3A_1204 = tpu.vector_load %arg6[%get3A_1202, %get3A_1203] {strides = array<i32>} : memref<80x128xf32, #tpu.memory_space<vmem>>, vector<1x16xf32>,
      %get3A_1205 = vector.shape_cast %get3A_1204 : vector<1x16xf32> to vector<16xf32>
      %add3A_1206 = arith.addf %get3A_1200, %get3A_1205 : vector<16xf32>
      %get3A_1207 = arith.constant 22 : i32
      %get3A_1208 = arith.index_cast %get3A_1207 : i32 to index
      %get3A_1209 = arith.constant 16 : index
      %get3A_1210 = tpu.vector_load %arg6[%get3A_1208, %get3A_1209] {strides = array<i32>} : memref<80x128xf32, #tpu.memory_space<vmem>>, vector<1x16xf32>,
      %get3A_1211 = vector.shape_cast %get3A_1210 : vector<1x16xf32> to vector<16xf32>
      %add3A_1212 = arith.addf %add3A_1206, %get3A_1211 : vector<16xf32>
      %get3A_1213 = arith.constant 23 : i32
      %get3A_1214 = arith.index_cast %get3A_1213 : i32 to index
      %get3A_1215 = arith.constant 16 : index
      %get3A_1216 = tpu.vector_load %arg6[%get3A_1214, %get3A_1215] {strides = array<i32>} : memref<80x128xf32, #tpu.memory_space<vmem>>, vector<1x16xf32>,
      %get3A_1217 = vector.shape_cast %get3A_1216 : vector<1x16xf32> to vector<16xf32>
      %add3A_1218 = arith.addf %add3A_1212, %get3A_1217 : vector<16xf32>
      %get3A_1219 = arith.constant 24 : i32
      %get3A_1220 = arith.index_cast %get3A_1219 : i32 to index
      %get3A_1221 = arith.constant 16 : index
      %get3A_1222 = tpu.vector_load %arg6[%get3A_1220, %get3A_1221] {strides = array<i32>} : memref<80x128xf32, #tpu.memory_space<vmem>>, vector<1x16xf32>,
      %get3A_1223 = vector.shape_cast %get3A_1222 : vector<1x16xf32> to vector<16xf32>
      %add3A_1224 = arith.addf %add3A_1218, %get3A_1223 : vector<16xf32>
      %get3A_1225 = arith.constant 25 : i32
      %get3A_1226 = arith.index_cast %get3A_1225 : i32 to index
      %get3A_1227 = arith.constant 16 : index
      %get3A_1228 = tpu.vector_load %arg6[%get3A_1226, %get3A_1227] {strides = array<i32>} : memref<80x128xf32, #tpu.memory_space<vmem>>, vector<1x16xf32>,
      %get3A_1229 = vector.shape_cast %get3A_1228 : vector<1x16xf32> to vector<16xf32>
      %add3A_1230 = arith.addf %add3A_1224, %get3A_1229 : vector<16xf32>
      %get3A_1231 = arith.constant 26 : i32
      %get3A_1232 = arith.index_cast %get3A_1231 : i32 to index
      %get3A_1233 = arith.constant 16 : index
      %get3A_1234 = tpu.vector_load %arg6[%get3A_1232, %get3A_1233] {strides = array<i32>} : memref<80x128xf32, #tpu.memory_space<vmem>>, vector<1x16xf32>,
      %get3A_1235 = vector.shape_cast %get3A_1234 : vector<1x16xf32> to vector<16xf32>
      %add3A_1236 = arith.addf %add3A_1230, %get3A_1235 : vector<16xf32>
      %get3A_1237 = arith.constant 27 : i32
      %get3A_1238 = arith.index_cast %get3A_1237 : i32 to index
      %get3A_1239 = arith.constant 16 : index
      %get3A_1240 = tpu.vector_load %arg6[%get3A_1238, %get3A_1239] {strides = array<i32>} : memref<80x128xf32, #tpu.memory_space<vmem>>, vector<1x16xf32>,
      %get3A_1241 = vector.shape_cast %get3A_1240 : vector<1x16xf32> to vector<16xf32>
      %add3A_1242 = arith.addf %add3A_1236, %get3A_1241 : vector<16xf32>
      %get3A_1243 = arith.constant 28 : i32
      %get3A_1244 = arith.index_cast %get3A_1243 : i32 to index
      %get3A_1245 = arith.constant 16 : index
      %get3A_1246 = tpu.vector_load %arg6[%get3A_1244, %get3A_1245] {strides = array<i32>} : memref<80x128xf32, #tpu.memory_space<vmem>>, vector<1x16xf32>,
      %get3A_1247 = vector.shape_cast %get3A_1246 : vector<1x16xf32> to vector<16xf32>
      %add3A_1248 = arith.addf %add3A_1242, %get3A_1247 : vector<16xf32>
      %get3A_1249 = arith.constant 29 : i32
      %get3A_1250 = arith.index_cast %get3A_1249 : i32 to index
      %get3A_1251 = arith.constant 16 : index
      %get3A_1252 = tpu.vector_load %arg6[%get3A_1250, %get3A_1251] {strides = array<i32>} : memref<80x128xf32, #tpu.memory_space<vmem>>, vector<1x16xf32>,
      %get3A_1253 = vector.shape_cast %get3A_1252 : vector<1x16xf32> to vector<16xf32>
      %add3A_1254 = arith.addf %add3A_1248, %get3A_1253 : vector<16xf32>
      %get3A_1255 = arith.constant 30 : i32
      %get3A_1256 = arith.index_cast %get3A_1255 : i32 to index
      %get3A_1257 = arith.constant 16 : index
      %get3A_1258 = tpu.vector_load %arg6[%get3A_1256, %get3A_1257] {strides = array<i32>} : memref<80x128xf32, #tpu.memory_space<vmem>>, vector<1x16xf32>,
      %get3A_1259 = vector.shape_cast %get3A_1258 : vector<1x16xf32> to vector<16xf32>
      %add3A_1260 = arith.addf %add3A_1254, %get3A_1259 : vector<16xf32>
      %get3A_1261 = arith.constant 31 : i32
      %get3A_1262 = arith.index_cast %get3A_1261 : i32 to index
      %get3A_1263 = arith.constant 16 : index
      %get3A_1264 = tpu.vector_load %arg6[%get3A_1262, %get3A_1263] {strides = array<i32>} : memref<80x128xf32, #tpu.memory_space<vmem>>, vector<1x16xf32>,
      %get3A_1265 = vector.shape_cast %get3A_1264 : vector<1x16xf32> to vector<16xf32>
      %add3A_1266 = arith.addf %add3A_1260, %get3A_1265 : vector<16xf32>
      %get3A_1267 = arith.constant 32 : i32
      %get3A_1268 = arith.index_cast %get3A_1267 : i32 to index
      %get3A_1269 = arith.constant 16 : index
      %get3A_1270 = tpu.vector_load %arg6[%get3A_1268, %get3A_1269] {strides = array<i32>} : memref<80x128xf32, #tpu.memory_space<vmem>>, vector<1x16xf32>,
      %get3A_1271 = vector.shape_cast %get3A_1270 : vector<1x16xf32> to vector<16xf32>
      %add3A_1272 = arith.addf %add3A_1266, %get3A_1271 : vector<16xf32>
      %get3A_1273 = arith.constant 33 : i32
      %get3A_1274 = arith.index_cast %get3A_1273 : i32 to index
      %get3A_1275 = arith.constant 16 : index
      %get3A_1276 = tpu.vector_load %arg6[%get3A_1274, %get3A_1275] {strides = array<i32>} : memref<80x128xf32, #tpu.memory_space<vmem>>, vector<1x16xf32>,
      %get3A_1277 = vector.shape_cast %get3A_1276 : vector<1x16xf32> to vector<16xf32>
      %add3A_1278 = arith.addf %add3A_1272, %get3A_1277 : vector<16xf32>
      %get3A_1279 = arith.constant 34 : i32
      %get3A_1280 = arith.index_cast %get3A_1279 : i32 to index
      %get3A_1281 = arith.constant 16 : index
      %get3A_1282 = tpu.vector_load %arg6[%get3A_1280, %get3A_1281] {strides = array<i32>} : memref<80x128xf32, #tpu.memory_space<vmem>>, vector<1x16xf32>,
      %get3A_1283 = vector.shape_cast %get3A_1282 : vector<1x16xf32> to vector<16xf32>
      %add3A_1284 = arith.addf %add3A_1278, %get3A_1283 : vector<16xf32>
      %get3A_1285 = arith.constant 35 : i32
      %get3A_1286 = arith.index_cast %get3A_1285 : i32 to index
      %get3A_1287 = arith.constant 16 : index
      %get3A_1288 = tpu.vector_load %arg6[%get3A_1286, %get3A_1287] {strides = array<i32>} : memref<80x128xf32, #tpu.memory_space<vmem>>, vector<1x16xf32>,
      %get3A_1289 = vector.shape_cast %get3A_1288 : vector<1x16xf32> to vector<16xf32>
      %add3A_1290 = arith.addf %add3A_1284, %get3A_1289 : vector<16xf32>
      %get3A_1291 = arith.constant 36 : i32
      %get3A_1292 = arith.index_cast %get3A_1291 : i32 to index
      %get3A_1293 = arith.constant 16 : index
      %get3A_1294 = tpu.vector_load %arg6[%get3A_1292, %get3A_1293] {strides = array<i32>} : memref<80x128xf32, #tpu.memory_space<vmem>>, vector<1x16xf32>,
      %get3A_1295 = vector.shape_cast %get3A_1294 : vector<1x16xf32> to vector<16xf32>
      %add3A_1296 = arith.addf %add3A_1290, %get3A_1295 : vector<16xf32>
      %get3A_1297 = arith.constant 37 : i32
      %get3A_1298 = arith.index_cast %get3A_1297 : i32 to index
      %get3A_1299 = arith.constant 16 : index
      %get3A_1300 = tpu.vector_load %arg6[%get3A_1298, %get3A_1299] {strides = array<i32>} : memref<80x128xf32, #tpu.memory_space<vmem>>, vector<1x16xf32>,
      %get3A_1301 = vector.shape_cast %get3A_1300 : vector<1x16xf32> to vector<16xf32>
      %add3A_1302 = arith.addf %add3A_1296, %get3A_1301 : vector<16xf32>
      %get3A_1303 = arith.constant 38 : i32
      %get3A_1304 = arith.index_cast %get3A_1303 : i32 to index
      %get3A_1305 = arith.constant 16 : index
      %get3A_1306 = tpu.vector_load %arg6[%get3A_1304, %get3A_1305] {strides = array<i32>} : memref<80x128xf32, #tpu.memory_space<vmem>>, vector<1x16xf32>,
      %get3A_1307 = vector.shape_cast %get3A_1306 : vector<1x16xf32> to vector<16xf32>
      %add3A_1308 = arith.addf %add3A_1302, %get3A_1307 : vector<16xf32>
      %get3A_1309 = arith.constant 39 : i32
      %get3A_1310 = arith.index_cast %get3A_1309 : i32 to index
      %get3A_1311 = arith.constant 16 : index
      %get3A_1312 = tpu.vector_load %arg6[%get3A_1310, %get3A_1311] {strides = array<i32>} : memref<80x128xf32, #tpu.memory_space<vmem>>, vector<1x16xf32>,
      %get3A_1313 = vector.shape_cast %get3A_1312 : vector<1x16xf32> to vector<16xf32>
      %add3A_1314 = arith.addf %add3A_1308, %get3A_1313 : vector<16xf32>
      %mul3A_1315 = arith.constant 5.000000e-02 : f32
      %mul3A_1316 = vector.broadcast %mul3A_1315 : f32 to vector<16xf32>
      %mul3A_1317 = arith.mulf %add3A_1314, %mul3A_1316 : vector<16xf32>
      %mul3A_1318 = arith.constant 4 : i32
      %mul3A_1319 = arith.muli %scan3A_8, %mul3A_1318 : i32
      %add3A_1320 = arith.constant 1 : i32
      %add3A_1321 = arith.addi %mul3A_1319, %add3A_1320 : i32
      %swap3A_1322 = arith.index_cast %add3A_1321 : i32 to index
      %swap3A_1323 = arith.constant 16 : index
      %swap3A_1324 = tpu.vector_load %arg7[%swap3A_1322, %swap3A_1323] {strides = array<i32>} : memref<128x128xf32, #tpu.memory_space<vmem>>, vector<1x16xf32>,
      %swap3A_1325 = vector.shape_cast %swap3A_1324 : vector<1x16xf32> to vector<16xf32>
      %swap3A_1326 = vector.shape_cast %mul3A_1317 : vector<16xf32> to vector<1x16xf32>
      tpu.vector_store %arg7[%swap3A_1322, %swap3A_1323], %swap3A_1326 {strides = array<i32>} : memref<128x128xf32, #tpu.memory_space<vmem>>, vector<1x16xf32>,
      %get3A_1327 = arith.constant 20 : i32
      %get3A_1328 = arith.index_cast %get3A_1327 : i32 to index
      %get3A_1329 = arith.constant 32 : index
      %get3A_1330 = tpu.vector_load %arg6[%get3A_1328, %get3A_1329] {strides = array<i32>} : memref<80x128xf32, #tpu.memory_space<vmem>>, vector<1x16xf32>,
      %get3A_1331 = vector.shape_cast %get3A_1330 : vector<1x16xf32> to vector<16xf32>
      %get3A_1332 = arith.constant 21 : i32
      %get3A_1333 = arith.index_cast %get3A_1332 : i32 to index
      %get3A_1334 = arith.constant 32 : index
      %get3A_1335 = tpu.vector_load %arg6[%get3A_1333, %get3A_1334] {strides = array<i32>} : memref<80x128xf32, #tpu.memory_space<vmem>>, vector<1x16xf32>,
      %get3A_1336 = vector.shape_cast %get3A_1335 : vector<1x16xf32> to vector<16xf32>
      %add3A_1337 = arith.addf %get3A_1331, %get3A_1336 : vector<16xf32>
      %get3A_1338 = arith.constant 22 : i32
      %get3A_1339 = arith.index_cast %get3A_1338 : i32 to index
      %get3A_1340 = arith.constant 32 : index
      %get3A_1341 = tpu.vector_load %arg6[%get3A_1339, %get3A_1340] {strides = array<i32>} : memref<80x128xf32, #tpu.memory_space<vmem>>, vector<1x16xf32>,
      %get3A_1342 = vector.shape_cast %get3A_1341 : vector<1x16xf32> to vector<16xf32>
      %add3A_1343 = arith.addf %add3A_1337, %get3A_1342 : vector<16xf32>
      %get3A_1344 = arith.constant 23 : i32
      %get3A_1345 = arith.index_cast %get3A_1344 : i32 to index
      %get3A_1346 = arith.constant 32 : index
      %get3A_1347 = tpu.vector_load %arg6[%get3A_1345, %get3A_1346] {strides = array<i32>} : memref<80x128xf32, #tpu.memory_space<vmem>>, vector<1x16xf32>,
      %get3A_1348 = vector.shape_cast %get3A_1347 : vector<1x16xf32> to vector<16xf32>
      %add3A_1349 = arith.addf %add3A_1343, %get3A_1348 : vector<16xf32>
      %get3A_1350 = arith.constant 24 : i32
      %get3A_1351 = arith.index_cast %get3A_1350 : i32 to index
      %get3A_1352 = arith.constant 32 : index
      %get3A_1353 = tpu.vector_load %arg6[%get3A_1351, %get3A_1352] {strides = array<i32>} : memref<80x128xf32, #tpu.memory_space<vmem>>, vector<1x16xf32>,
      %get3A_1354 = vector.shape_cast %get3A_1353 : vector<1x16xf32> to vector<16xf32>
      %add3A_1355 = arith.addf %add3A_1349, %get3A_1354 : vector<16xf32>
      %get3A_1356 = arith.constant 25 : i32
      %get3A_1357 = arith.index_cast %get3A_1356 : i32 to index
      %get3A_1358 = arith.constant 32 : index
      %get3A_1359 = tpu.vector_load %arg6[%get3A_1357, %get3A_1358] {strides = array<i32>} : memref<80x128xf32, #tpu.memory_space<vmem>>, vector<1x16xf32>,
      %get3A_1360 = vector.shape_cast %get3A_1359 : vector<1x16xf32> to vector<16xf32>
      %add3A_1361 = arith.addf %add3A_1355, %get3A_1360 : vector<16xf32>
      %get3A_1362 = arith.constant 26 : i32
      %get3A_1363 = arith.index_cast %get3A_1362 : i32 to index
      %get3A_1364 = arith.constant 32 : index
      %get3A_1365 = tpu.vector_load %arg6[%get3A_1363, %get3A_1364] {strides = array<i32>} : memref<80x128xf32, #tpu.memory_space<vmem>>, vector<1x16xf32>,
      %get3A_1366 = vector.shape_cast %get3A_1365 : vector<1x16xf32> to vector<16xf32>
      %add3A_1367 = arith.addf %add3A_1361, %get3A_1366 : vector<16xf32>
      %get3A_1368 = arith.constant 27 : i32
      %get3A_1369 = arith.index_cast %get3A_1368 : i32 to index
      %get3A_1370 = arith.constant 32 : index
      %get3A_1371 = tpu.vector_load %arg6[%get3A_1369, %get3A_1370] {strides = array<i32>} : memref<80x128xf32, #tpu.memory_space<vmem>>, vector<1x16xf32>,
      %get3A_1372 = vector.shape_cast %get3A_1371 : vector<1x16xf32> to vector<16xf32>
      %add3A_1373 = arith.addf %add3A_1367, %get3A_1372 : vector<16xf32>
      %get3A_1374 = arith.constant 28 : i32
      %get3A_1375 = arith.index_cast %get3A_1374 : i32 to index
      %get3A_1376 = arith.constant 32 : index
      %get3A_1377 = tpu.vector_load %arg6[%get3A_1375, %get3A_1376] {strides = array<i32>} : memref<80x128xf32, #tpu.memory_space<vmem>>, vector<1x16xf32>,
      %get3A_1378 = vector.shape_cast %get3A_1377 : vector<1x16xf32> to vector<16xf32>
      %add3A_1379 = arith.addf %add3A_1373, %get3A_1378 : vector<16xf32>
      %get3A_1380 = arith.constant 29 : i32
      %get3A_1381 = arith.index_cast %get3A_1380 : i32 to index
      %get3A_1382 = arith.constant 32 : index
      %get3A_1383 = tpu.vector_load %arg6[%get3A_1381, %get3A_1382] {strides = array<i32>} : memref<80x128xf32, #tpu.memory_space<vmem>>, vector<1x16xf32>,
      %get3A_1384 = vector.shape_cast %get3A_1383 : vector<1x16xf32> to vector<16xf32>
      %add3A_1385 = arith.addf %add3A_1379, %get3A_1384 : vector<16xf32>
      %get3A_1386 = arith.constant 30 : i32
      %get3A_1387 = arith.index_cast %get3A_1386 : i32 to index
      %get3A_1388 = arith.constant 32 : index
      %get3A_1389 = tpu.vector_load %arg6[%get3A_1387, %get3A_1388] {strides = array<i32>} : memref<80x128xf32, #tpu.memory_space<vmem>>, vector<1x16xf32>,
      %get3A_1390 = vector.shape_cast %get3A_1389 : vector<1x16xf32> to vector<16xf32>
      %add3A_1391 = arith.addf %add3A_1385, %get3A_1390 : vector<16xf32>
      %get3A_1392 = arith.constant 31 : i32
      %get3A_1393 = arith.index_cast %get3A_1392 : i32 to index
      %get3A_1394 = arith.constant 32 : index
      %get3A_1395 = tpu.vector_load %arg6[%get3A_1393, %get3A_1394] {strides = array<i32>} : memref<80x128xf32, #tpu.memory_space<vmem>>, vector<1x16xf32>,
      %get3A_1396 = vector.shape_cast %get3A_1395 : vector<1x16xf32> to vector<16xf32>
      %add3A_1397 = arith.addf %add3A_1391, %get3A_1396 : vector<16xf32>
      %get3A_1398 = arith.constant 32 : i32
      %get3A_1399 = arith.index_cast %get3A_1398 : i32 to index
      %get3A_1400 = arith.constant 32 : index
      %get3A_1401 = tpu.vector_load %arg6[%get3A_1399, %get3A_1400] {strides = array<i32>} : memref<80x128xf32, #tpu.memory_space<vmem>>, vector<1x16xf32>,
      %get3A_1402 = vector.shape_cast %get3A_1401 : vector<1x16xf32> to vector<16xf32>
      %add3A_1403 = arith.addf %add3A_1397, %get3A_1402 : vector<16xf32>
      %get3A_1404 = arith.constant 33 : i32
      %get3A_1405 = arith.index_cast %get3A_1404 : i32 to index
      %get3A_1406 = arith.constant 32 : index
      %get3A_1407 = tpu.vector_load %arg6[%get3A_1405, %get3A_1406] {strides = array<i32>} : memref<80x128xf32, #tpu.memory_space<vmem>>, vector<1x16xf32>,
      %get3A_1408 = vector.shape_cast %get3A_1407 : vector<1x16xf32> to vector<16xf32>
      %add3A_1409 = arith.addf %add3A_1403, %get3A_1408 : vector<16xf32>
      %get3A_1410 = arith.constant 34 : i32
      %get3A_1411 = arith.index_cast %get3A_1410 : i32 to index
      %get3A_1412 = arith.constant 32 : index
      %get3A_1413 = tpu.vector_load %arg6[%get3A_1411, %get3A_1412] {strides = array<i32>} : memref<80x128xf32, #tpu.memory_space<vmem>>, vector<1x16xf32>,
      %get3A_1414 = vector.shape_cast %get3A_1413 : vector<1x16xf32> to vector<16xf32>
      %add3A_1415 = arith.addf %add3A_1409, %get3A_1414 : vector<16xf32>
      %get3A_1416 = arith.constant 35 : i32
      %get3A_1417 = arith.index_cast %get3A_1416 : i32 to index
      %get3A_1418 = arith.constant 32 : index
      %get3A_1419 = tpu.vector_load %arg6[%get3A_1417, %get3A_1418] {strides = array<i32>} : memref<80x128xf32, #tpu.memory_space<vmem>>, vector<1x16xf32>,
      %get3A_1420 = vector.shape_cast %get3A_1419 : vector<1x16xf32> to vector<16xf32>
      %add3A_1421 = arith.addf %add3A_1415, %get3A_1420 : vector<16xf32>
      %get3A_1422 = arith.constant 36 : i32
      %get3A_1423 = arith.index_cast %get3A_1422 : i32 to index
      %get3A_1424 = arith.constant 32 : index
      %get3A_1425 = tpu.vector_load %arg6[%get3A_1423, %get3A_1424] {strides = array<i32>} : memref<80x128xf32, #tpu.memory_space<vmem>>, vector<1x16xf32>,
      %get3A_1426 = vector.shape_cast %get3A_1425 : vector<1x16xf32> to vector<16xf32>
      %add3A_1427 = arith.addf %add3A_1421, %get3A_1426 : vector<16xf32>
      %get3A_1428 = arith.constant 37 : i32
      %get3A_1429 = arith.index_cast %get3A_1428 : i32 to index
      %get3A_1430 = arith.constant 32 : index
      %get3A_1431 = tpu.vector_load %arg6[%get3A_1429, %get3A_1430] {strides = array<i32>} : memref<80x128xf32, #tpu.memory_space<vmem>>, vector<1x16xf32>,
      %get3A_1432 = vector.shape_cast %get3A_1431 : vector<1x16xf32> to vector<16xf32>
      %add3A_1433 = arith.addf %add3A_1427, %get3A_1432 : vector<16xf32>
      %get3A_1434 = arith.constant 38 : i32
      %get3A_1435 = arith.index_cast %get3A_1434 : i32 to index
      %get3A_1436 = arith.constant 32 : index
      %get3A_1437 = tpu.vector_load %arg6[%get3A_1435, %get3A_1436] {strides = array<i32>} : memref<80x128xf32, #tpu.memory_space<vmem>>, vector<1x16xf32>,
      %get3A_1438 = vector.shape_cast %get3A_1437 : vector<1x16xf32> to vector<16xf32>
      %add3A_1439 = arith.addf %add3A_1433, %get3A_1438 : vector<16xf32>
      %get3A_1440 = arith.constant 39 : i32
      %get3A_1441 = arith.index_cast %get3A_1440 : i32 to index
      %get3A_1442 = arith.constant 32 : index
      %get3A_1443 = tpu.vector_load %arg6[%get3A_1441, %get3A_1442] {strides = array<i32>} : memref<80x128xf32, #tpu.memory_space<vmem>>, vector<1x16xf32>,
      %get3A_1444 = vector.shape_cast %get3A_1443 : vector<1x16xf32> to vector<16xf32>
      %add3A_1445 = arith.addf %add3A_1439, %get3A_1444 : vector<16xf32>
      %mul3A_1446 = arith.constant 5.000000e-02 : f32
      %mul3A_1447 = vector.broadcast %mul3A_1446 : f32 to vector<16xf32>
      %mul3A_1448 = arith.mulf %add3A_1445, %mul3A_1447 : vector<16xf32>
      %mul3A_1449 = arith.constant 4 : i32
      %mul3A_1450 = arith.muli %scan3A_8, %mul3A_1449 : i32
      %add3A_1451 = arith.constant 1 : i32
      %add3A_1452 = arith.addi %mul3A_1450, %add3A_1451 : i32
      %swap3A_1453 = arith.index_cast %add3A_1452 : i32 to index
      %swap3A_1454 = arith.constant 32 : index
      %swap3A_1455 = tpu.vector_load %arg7[%swap3A_1453, %swap3A_1454] {strides = array<i32>} : memref<128x128xf32, #tpu.memory_space<vmem>>, vector<1x16xf32>,
      %swap3A_1456 = vector.shape_cast %swap3A_1455 : vector<1x16xf32> to vector<16xf32>
      %swap3A_1457 = vector.shape_cast %mul3A_1448 : vector<16xf32> to vector<1x16xf32>
      tpu.vector_store %arg7[%swap3A_1453, %swap3A_1454], %swap3A_1457 {strides = array<i32>} : memref<128x128xf32, #tpu.memory_space<vmem>>, vector<1x16xf32>,
      %get3A_1458 = arith.constant 20 : i32
      %get3A_1459 = arith.index_cast %get3A_1458 : i32 to index
      %get3A_1460 = arith.constant 48 : index
      %get3A_1461 = tpu.vector_load %arg6[%get3A_1459, %get3A_1460] {strides = array<i32>} : memref<80x128xf32, #tpu.memory_space<vmem>>, vector<1x16xf32>,
      %get3A_1462 = vector.shape_cast %get3A_1461 : vector<1x16xf32> to vector<16xf32>
      %get3A_1463 = arith.constant 21 : i32
      %get3A_1464 = arith.index_cast %get3A_1463 : i32 to index
      %get3A_1465 = arith.constant 48 : index
      %get3A_1466 = tpu.vector_load %arg6[%get3A_1464, %get3A_1465] {strides = array<i32>} : memref<80x128xf32, #tpu.memory_space<vmem>>, vector<1x16xf32>,
      %get3A_1467 = vector.shape_cast %get3A_1466 : vector<1x16xf32> to vector<16xf32>
      %add3A_1468 = arith.addf %get3A_1462, %get3A_1467 : vector<16xf32>
      %get3A_1469 = arith.constant 22 : i32
      %get3A_1470 = arith.index_cast %get3A_1469 : i32 to index
      %get3A_1471 = arith.constant 48 : index
      %get3A_1472 = tpu.vector_load %arg6[%get3A_1470, %get3A_1471] {strides = array<i32>} : memref<80x128xf32, #tpu.memory_space<vmem>>, vector<1x16xf32>,
      %get3A_1473 = vector.shape_cast %get3A_1472 : vector<1x16xf32> to vector<16xf32>
      %add3A_1474 = arith.addf %add3A_1468, %get3A_1473 : vector<16xf32>
      %get3A_1475 = arith.constant 23 : i32
      %get3A_1476 = arith.index_cast %get3A_1475 : i32 to index
      %get3A_1477 = arith.constant 48 : index
      %get3A_1478 = tpu.vector_load %arg6[%get3A_1476, %get3A_1477] {strides = array<i32>} : memref<80x128xf32, #tpu.memory_space<vmem>>, vector<1x16xf32>,
      %get3A_1479 = vector.shape_cast %get3A_1478 : vector<1x16xf32> to vector<16xf32>
      %add3A_1480 = arith.addf %add3A_1474, %get3A_1479 : vector<16xf32>
      %get3A_1481 = arith.constant 24 : i32
      %get3A_1482 = arith.index_cast %get3A_1481 : i32 to index
      %get3A_1483 = arith.constant 48 : index
      %get3A_1484 = tpu.vector_load %arg6[%get3A_1482, %get3A_1483] {strides = array<i32>} : memref<80x128xf32, #tpu.memory_space<vmem>>, vector<1x16xf32>,
      %get3A_1485 = vector.shape_cast %get3A_1484 : vector<1x16xf32> to vector<16xf32>
      %add3A_1486 = arith.addf %add3A_1480, %get3A_1485 : vector<16xf32>
      %get3A_1487 = arith.constant 25 : i32
      %get3A_1488 = arith.index_cast %get3A_1487 : i32 to index
      %get3A_1489 = arith.constant 48 : index
      %get3A_1490 = tpu.vector_load %arg6[%get3A_1488, %get3A_1489] {strides = array<i32>} : memref<80x128xf32, #tpu.memory_space<vmem>>, vector<1x16xf32>,
      %get3A_1491 = vector.shape_cast %get3A_1490 : vector<1x16xf32> to vector<16xf32>
      %add3A_1492 = arith.addf %add3A_1486, %get3A_1491 : vector<16xf32>
      %get3A_1493 = arith.constant 26 : i32
      %get3A_1494 = arith.index_cast %get3A_1493 : i32 to index
      %get3A_1495 = arith.constant 48 : index
      %get3A_1496 = tpu.vector_load %arg6[%get3A_1494, %get3A_1495] {strides = array<i32>} : memref<80x128xf32, #tpu.memory_space<vmem>>, vector<1x16xf32>,
      %get3A_1497 = vector.shape_cast %get3A_1496 : vector<1x16xf32> to vector<16xf32>
      %add3A_1498 = arith.addf %add3A_1492, %get3A_1497 : vector<16xf32>
      %get3A_1499 = arith.constant 27 : i32
      %get3A_1500 = arith.index_cast %get3A_1499 : i32 to index
      %get3A_1501 = arith.constant 48 : index
      %get3A_1502 = tpu.vector_load %arg6[%get3A_1500, %get3A_1501] {strides = array<i32>} : memref<80x128xf32, #tpu.memory_space<vmem>>, vector<1x16xf32>,
      %get3A_1503 = vector.shape_cast %get3A_1502 : vector<1x16xf32> to vector<16xf32>
      %add3A_1504 = arith.addf %add3A_1498, %get3A_1503 : vector<16xf32>
      %get3A_1505 = arith.constant 28 : i32
      %get3A_1506 = arith.index_cast %get3A_1505 : i32 to index
      %get3A_1507 = arith.constant 48 : index
      %get3A_1508 = tpu.vector_load %arg6[%get3A_1506, %get3A_1507] {strides = array<i32>} : memref<80x128xf32, #tpu.memory_space<vmem>>, vector<1x16xf32>,
      %get3A_1509 = vector.shape_cast %get3A_1508 : vector<1x16xf32> to vector<16xf32>
      %add3A_1510 = arith.addf %add3A_1504, %get3A_1509 : vector<16xf32>
      %get3A_1511 = arith.constant 29 : i32
      %get3A_1512 = arith.index_cast %get3A_1511 : i32 to index
      %get3A_1513 = arith.constant 48 : index
      %get3A_1514 = tpu.vector_load %arg6[%get3A_1512, %get3A_1513] {strides = array<i32>} : memref<80x128xf32, #tpu.memory_space<vmem>>, vector<1x16xf32>,
      %get3A_1515 = vector.shape_cast %get3A_1514 : vector<1x16xf32> to vector<16xf32>
      %add3A_1516 = arith.addf %add3A_1510, %get3A_1515 : vector<16xf32>
      %get3A_1517 = arith.constant 30 : i32
      %get3A_1518 = arith.index_cast %get3A_1517 : i32 to index
      %get3A_1519 = arith.constant 48 : index
      %get3A_1520 = tpu.vector_load %arg6[%get3A_1518, %get3A_1519] {strides = array<i32>} : memref<80x128xf32, #tpu.memory_space<vmem>>, vector<1x16xf32>,
      %get3A_1521 = vector.shape_cast %get3A_1520 : vector<1x16xf32> to vector<16xf32>
      %add3A_1522 = arith.addf %add3A_1516, %get3A_1521 : vector<16xf32>
      %get3A_1523 = arith.constant 31 : i32
      %get3A_1524 = arith.index_cast %get3A_1523 : i32 to index
      %get3A_1525 = arith.constant 48 : index
      %get3A_1526 = tpu.vector_load %arg6[%get3A_1524, %get3A_1525] {strides = array<i32>} : memref<80x128xf32, #tpu.memory_space<vmem>>, vector<1x16xf32>,
      %get3A_1527 = vector.shape_cast %get3A_1526 : vector<1x16xf32> to vector<16xf32>
      %add3A_1528 = arith.addf %add3A_1522, %get3A_1527 : vector<16xf32>
      %get3A_1529 = arith.constant 32 : i32
      %get3A_1530 = arith.index_cast %get3A_1529 : i32 to index
      %get3A_1531 = arith.constant 48 : index
      %get3A_1532 = tpu.vector_load %arg6[%get3A_1530, %get3A_1531] {strides = array<i32>} : memref<80x128xf32, #tpu.memory_space<vmem>>, vector<1x16xf32>,
      %get3A_1533 = vector.shape_cast %get3A_1532 : vector<1x16xf32> to vector<16xf32>
      %add3A_1534 = arith.addf %add3A_1528, %get3A_1533 : vector<16xf32>
      %get3A_1535 = arith.constant 33 : i32
      %get3A_1536 = arith.index_cast %get3A_1535 : i32 to index
      %get3A_1537 = arith.constant 48 : index
      %get3A_1538 = tpu.vector_load %arg6[%get3A_1536, %get3A_1537] {strides = array<i32>} : memref<80x128xf32, #tpu.memory_space<vmem>>, vector<1x16xf32>,
      %get3A_1539 = vector.shape_cast %get3A_1538 : vector<1x16xf32> to vector<16xf32>
      %add3A_1540 = arith.addf %add3A_1534, %get3A_1539 : vector<16xf32>
      %get3A_1541 = arith.constant 34 : i32
      %get3A_1542 = arith.index_cast %get3A_1541 : i32 to index
      %get3A_1543 = arith.constant 48 : index
      %get3A_1544 = tpu.vector_load %arg6[%get3A_1542, %get3A_1543] {strides = array<i32>} : memref<80x128xf32, #tpu.memory_space<vmem>>, vector<1x16xf32>,
      %get3A_1545 = vector.shape_cast %get3A_1544 : vector<1x16xf32> to vector<16xf32>
      %add3A_1546 = arith.addf %add3A_1540, %get3A_1545 : vector<16xf32>
      %get3A_1547 = arith.constant 35 : i32
      %get3A_1548 = arith.index_cast %get3A_1547 : i32 to index
      %get3A_1549 = arith.constant 48 : index
      %get3A_1550 = tpu.vector_load %arg6[%get3A_1548, %get3A_1549] {strides = array<i32>} : memref<80x128xf32, #tpu.memory_space<vmem>>, vector<1x16xf32>,
      %get3A_1551 = vector.shape_cast %get3A_1550 : vector<1x16xf32> to vector<16xf32>
      %add3A_1552 = arith.addf %add3A_1546, %get3A_1551 : vector<16xf32>
      %get3A_1553 = arith.constant 36 : i32
      %get3A_1554 = arith.index_cast %get3A_1553 : i32 to index
      %get3A_1555 = arith.constant 48 : index
      %get3A_1556 = tpu.vector_load %arg6[%get3A_1554, %get3A_1555] {strides = array<i32>} : memref<80x128xf32, #tpu.memory_space<vmem>>, vector<1x16xf32>,
      %get3A_1557 = vector.shape_cast %get3A_1556 : vector<1x16xf32> to vector<16xf32>
      %add3A_1558 = arith.addf %add3A_1552, %get3A_1557 : vector<16xf32>
      %get3A_1559 = arith.constant 37 : i32
      %get3A_1560 = arith.index_cast %get3A_1559 : i32 to index
      %get3A_1561 = arith.constant 48 : index
      %get3A_1562 = tpu.vector_load %arg6[%get3A_1560, %get3A_1561] {strides = array<i32>} : memref<80x128xf32, #tpu.memory_space<vmem>>, vector<1x16xf32>,
      %get3A_1563 = vector.shape_cast %get3A_1562 : vector<1x16xf32> to vector<16xf32>
      %add3A_1564 = arith.addf %add3A_1558, %get3A_1563 : vector<16xf32>
      %get3A_1565 = arith.constant 38 : i32
      %get3A_1566 = arith.index_cast %get3A_1565 : i32 to index
      %get3A_1567 = arith.constant 48 : index
      %get3A_1568 = tpu.vector_load %arg6[%get3A_1566, %get3A_1567] {strides = array<i32>} : memref<80x128xf32, #tpu.memory_space<vmem>>, vector<1x16xf32>,
      %get3A_1569 = vector.shape_cast %get3A_1568 : vector<1x16xf32> to vector<16xf32>
      %add3A_1570 = arith.addf %add3A_1564, %get3A_1569 : vector<16xf32>
      %get3A_1571 = arith.constant 39 : i32
      %get3A_1572 = arith.index_cast %get3A_1571 : i32 to index
      %get3A_1573 = arith.constant 48 : index
      %get3A_1574 = tpu.vector_load %arg6[%get3A_1572, %get3A_1573] {strides = array<i32>} : memref<80x128xf32, #tpu.memory_space<vmem>>, vector<1x16xf32>,
      %get3A_1575 = vector.shape_cast %get3A_1574 : vector<1x16xf32> to vector<16xf32>
      %add3A_1576 = arith.addf %add3A_1570, %get3A_1575 : vector<16xf32>
      %mul3A_1577 = arith.constant 5.000000e-02 : f32
      %mul3A_1578 = vector.broadcast %mul3A_1577 : f32 to vector<16xf32>
      %mul3A_1579 = arith.mulf %add3A_1576, %mul3A_1578 : vector<16xf32>
      %mul3A_1580 = arith.constant 4 : i32
      %mul3A_1581 = arith.muli %scan3A_8, %mul3A_1580 : i32
      %add3A_1582 = arith.constant 1 : i32
      %add3A_1583 = arith.addi %mul3A_1581, %add3A_1582 : i32
      %swap3A_1584 = arith.index_cast %add3A_1583 : i32 to index
      %swap3A_1585 = arith.constant 48 : index
      %swap3A_1586 = tpu.vector_load %arg7[%swap3A_1584, %swap3A_1585] {strides = array<i32>} : memref<128x128xf32, #tpu.memory_space<vmem>>, vector<1x16xf32>,
      %swap3A_1587 = vector.shape_cast %swap3A_1586 : vector<1x16xf32> to vector<16xf32>
      %swap3A_1588 = vector.shape_cast %mul3A_1579 : vector<16xf32> to vector<1x16xf32>
      tpu.vector_store %arg7[%swap3A_1584, %swap3A_1585], %swap3A_1588 {strides = array<i32>} : memref<128x128xf32, #tpu.memory_space<vmem>>, vector<1x16xf32>,
      %get3A_1589 = arith.constant 20 : i32
      %get3A_1590 = arith.index_cast %get3A_1589 : i32 to index
      %get3A_1591 = arith.constant 64 : index
      %get3A_1592 = tpu.vector_load %arg6[%get3A_1590, %get3A_1591] {strides = array<i32>} : memref<80x128xf32, #tpu.memory_space<vmem>>, vector<1x16xf32>,
      %get3A_1593 = vector.shape_cast %get3A_1592 : vector<1x16xf32> to vector<16xf32>
      %get3A_1594 = arith.constant 21 : i32
      %get3A_1595 = arith.index_cast %get3A_1594 : i32 to index
      %get3A_1596 = arith.constant 64 : index
      %get3A_1597 = tpu.vector_load %arg6[%get3A_1595, %get3A_1596] {strides = array<i32>} : memref<80x128xf32, #tpu.memory_space<vmem>>, vector<1x16xf32>,
      %get3A_1598 = vector.shape_cast %get3A_1597 : vector<1x16xf32> to vector<16xf32>
      %add3A_1599 = arith.addf %get3A_1593, %get3A_1598 : vector<16xf32>
      %get3A_1600 = arith.constant 22 : i32
      %get3A_1601 = arith.index_cast %get3A_1600 : i32 to index
      %get3A_1602 = arith.constant 64 : index
      %get3A_1603 = tpu.vector_load %arg6[%get3A_1601, %get3A_1602] {strides = array<i32>} : memref<80x128xf32, #tpu.memory_space<vmem>>, vector<1x16xf32>,
      %get3A_1604 = vector.shape_cast %get3A_1603 : vector<1x16xf32> to vector<16xf32>
      %add3A_1605 = arith.addf %add3A_1599, %get3A_1604 : vector<16xf32>
      %get3A_1606 = arith.constant 23 : i32
      %get3A_1607 = arith.index_cast %get3A_1606 : i32 to index
      %get3A_1608 = arith.constant 64 : index
      %get3A_1609 = tpu.vector_load %arg6[%get3A_1607, %get3A_1608] {strides = array<i32>} : memref<80x128xf32, #tpu.memory_space<vmem>>, vector<1x16xf32>,
      %get3A_1610 = vector.shape_cast %get3A_1609 : vector<1x16xf32> to vector<16xf32>
      %add3A_1611 = arith.addf %add3A_1605, %get3A_1610 : vector<16xf32>
      %get3A_1612 = arith.constant 24 : i32
      %get3A_1613 = arith.index_cast %get3A_1612 : i32 to index
      %get3A_1614 = arith.constant 64 : index
      %get3A_1615 = tpu.vector_load %arg6[%get3A_1613, %get3A_1614] {strides = array<i32>} : memref<80x128xf32, #tpu.memory_space<vmem>>, vector<1x16xf32>,
      %get3A_1616 = vector.shape_cast %get3A_1615 : vector<1x16xf32> to vector<16xf32>
      %add3A_1617 = arith.addf %add3A_1611, %get3A_1616 : vector<16xf32>
      %get3A_1618 = arith.constant 25 : i32
      %get3A_1619 = arith.index_cast %get3A_1618 : i32 to index
      %get3A_1620 = arith.constant 64 : index
      %get3A_1621 = tpu.vector_load %arg6[%get3A_1619, %get3A_1620] {strides = array<i32>} : memref<80x128xf32, #tpu.memory_space<vmem>>, vector<1x16xf32>,
      %get3A_1622 = vector.shape_cast %get3A_1621 : vector<1x16xf32> to vector<16xf32>
      %add3A_1623 = arith.addf %add3A_1617, %get3A_1622 : vector<16xf32>
      %get3A_1624 = arith.constant 26 : i32
      %get3A_1625 = arith.index_cast %get3A_1624 : i32 to index
      %get3A_1626 = arith.constant 64 : index
      %get3A_1627 = tpu.vector_load %arg6[%get3A_1625, %get3A_1626] {strides = array<i32>} : memref<80x128xf32, #tpu.memory_space<vmem>>, vector<1x16xf32>,
      %get3A_1628 = vector.shape_cast %get3A_1627 : vector<1x16xf32> to vector<16xf32>
      %add3A_1629 = arith.addf %add3A_1623, %get3A_1628 : vector<16xf32>
      %get3A_1630 = arith.constant 27 : i32
      %get3A_1631 = arith.index_cast %get3A_1630 : i32 to index
      %get3A_1632 = arith.constant 64 : index
      %get3A_1633 = tpu.vector_load %arg6[%get3A_1631, %get3A_1632] {strides = array<i32>} : memref<80x128xf32, #tpu.memory_space<vmem>>, vector<1x16xf32>,
      %get3A_1634 = vector.shape_cast %get3A_1633 : vector<1x16xf32> to vector<16xf32>
      %add3A_1635 = arith.addf %add3A_1629, %get3A_1634 : vector<16xf32>
      %get3A_1636 = arith.constant 28 : i32
      %get3A_1637 = arith.index_cast %get3A_1636 : i32 to index
      %get3A_1638 = arith.constant 64 : index
      %get3A_1639 = tpu.vector_load %arg6[%get3A_1637, %get3A_1638] {strides = array<i32>} : memref<80x128xf32, #tpu.memory_space<vmem>>, vector<1x16xf32>,
      %get3A_1640 = vector.shape_cast %get3A_1639 : vector<1x16xf32> to vector<16xf32>
      %add3A_1641 = arith.addf %add3A_1635, %get3A_1640 : vector<16xf32>
      %get3A_1642 = arith.constant 29 : i32
      %get3A_1643 = arith.index_cast %get3A_1642 : i32 to index
      %get3A_1644 = arith.constant 64 : index
      %get3A_1645 = tpu.vector_load %arg6[%get3A_1643, %get3A_1644] {strides = array<i32>} : memref<80x128xf32, #tpu.memory_space<vmem>>, vector<1x16xf32>,
      %get3A_1646 = vector.shape_cast %get3A_1645 : vector<1x16xf32> to vector<16xf32>
      %add3A_1647 = arith.addf %add3A_1641, %get3A_1646 : vector<16xf32>
      %get3A_1648 = arith.constant 30 : i32
      %get3A_1649 = arith.index_cast %get3A_1648 : i32 to index
      %get3A_1650 = arith.constant 64 : index
      %get3A_1651 = tpu.vector_load %arg6[%get3A_1649, %get3A_1650] {strides = array<i32>} : memref<80x128xf32, #tpu.memory_space<vmem>>, vector<1x16xf32>,
      %get3A_1652 = vector.shape_cast %get3A_1651 : vector<1x16xf32> to vector<16xf32>
      %add3A_1653 = arith.addf %add3A_1647, %get3A_1652 : vector<16xf32>
      %get3A_1654 = arith.constant 31 : i32
      %get3A_1655 = arith.index_cast %get3A_1654 : i32 to index
      %get3A_1656 = arith.constant 64 : index
      %get3A_1657 = tpu.vector_load %arg6[%get3A_1655, %get3A_1656] {strides = array<i32>} : memref<80x128xf32, #tpu.memory_space<vmem>>, vector<1x16xf32>,
      %get3A_1658 = vector.shape_cast %get3A_1657 : vector<1x16xf32> to vector<16xf32>
      %add3A_1659 = arith.addf %add3A_1653, %get3A_1658 : vector<16xf32>
      %get3A_1660 = arith.constant 32 : i32
      %get3A_1661 = arith.index_cast %get3A_1660 : i32 to index
      %get3A_1662 = arith.constant 64 : index
      %get3A_1663 = tpu.vector_load %arg6[%get3A_1661, %get3A_1662] {strides = array<i32>} : memref<80x128xf32, #tpu.memory_space<vmem>>, vector<1x16xf32>,
      %get3A_1664 = vector.shape_cast %get3A_1663 : vector<1x16xf32> to vector<16xf32>
      %add3A_1665 = arith.addf %add3A_1659, %get3A_1664 : vector<16xf32>
      %get3A_1666 = arith.constant 33 : i32
      %get3A_1667 = arith.index_cast %get3A_1666 : i32 to index
      %get3A_1668 = arith.constant 64 : index
      %get3A_1669 = tpu.vector_load %arg6[%get3A_1667, %get3A_1668] {strides = array<i32>} : memref<80x128xf32, #tpu.memory_space<vmem>>, vector<1x16xf32>,
      %get3A_1670 = vector.shape_cast %get3A_1669 : vector<1x16xf32> to vector<16xf32>
      %add3A_1671 = arith.addf %add3A_1665, %get3A_1670 : vector<16xf32>
      %get3A_1672 = arith.constant 34 : i32
      %get3A_1673 = arith.index_cast %get3A_1672 : i32 to index
      %get3A_1674 = arith.constant 64 : index
      %get3A_1675 = tpu.vector_load %arg6[%get3A_1673, %get3A_1674] {strides = array<i32>} : memref<80x128xf32, #tpu.memory_space<vmem>>, vector<1x16xf32>,
      %get3A_1676 = vector.shape_cast %get3A_1675 : vector<1x16xf32> to vector<16xf32>
      %add3A_1677 = arith.addf %add3A_1671, %get3A_1676 : vector<16xf32>
      %get3A_1678 = arith.constant 35 : i32
      %get3A_1679 = arith.index_cast %get3A_1678 : i32 to index
      %get3A_1680 = arith.constant 64 : index
      %get3A_1681 = tpu.vector_load %arg6[%get3A_1679, %get3A_1680] {strides = array<i32>} : memref<80x128xf32, #tpu.memory_space<vmem>>, vector<1x16xf32>,
      %get3A_1682 = vector.shape_cast %get3A_1681 : vector<1x16xf32> to vector<16xf32>
      %add3A_1683 = arith.addf %add3A_1677, %get3A_1682 : vector<16xf32>
      %get3A_1684 = arith.constant 36 : i32
      %get3A_1685 = arith.index_cast %get3A_1684 : i32 to index
      %get3A_1686 = arith.constant 64 : index
      %get3A_1687 = tpu.vector_load %arg6[%get3A_1685, %get3A_1686] {strides = array<i32>} : memref<80x128xf32, #tpu.memory_space<vmem>>, vector<1x16xf32>,
      %get3A_1688 = vector.shape_cast %get3A_1687 : vector<1x16xf32> to vector<16xf32>
      %add3A_1689 = arith.addf %add3A_1683, %get3A_1688 : vector<16xf32>
      %get3A_1690 = arith.constant 37 : i32
      %get3A_1691 = arith.index_cast %get3A_1690 : i32 to index
      %get3A_1692 = arith.constant 64 : index
      %get3A_1693 = tpu.vector_load %arg6[%get3A_1691, %get3A_1692] {strides = array<i32>} : memref<80x128xf32, #tpu.memory_space<vmem>>, vector<1x16xf32>,
      %get3A_1694 = vector.shape_cast %get3A_1693 : vector<1x16xf32> to vector<16xf32>
      %add3A_1695 = arith.addf %add3A_1689, %get3A_1694 : vector<16xf32>
      %get3A_1696 = arith.constant 38 : i32
      %get3A_1697 = arith.index_cast %get3A_1696 : i32 to index
      %get3A_1698 = arith.constant 64 : index
      %get3A_1699 = tpu.vector_load %arg6[%get3A_1697, %get3A_1698] {strides = array<i32>} : memref<80x128xf32, #tpu.memory_space<vmem>>, vector<1x16xf32>,
      %get3A_1700 = vector.shape_cast %get3A_1699 : vector<1x16xf32> to vector<16xf32>
      %add3A_1701 = arith.addf %add3A_1695, %get3A_1700 : vector<16xf32>
      %get3A_1702 = arith.constant 39 : i32
      %get3A_1703 = arith.index_cast %get3A_1702 : i32 to index
      %get3A_1704 = arith.constant 64 : index
      %get3A_1705 = tpu.vector_load %arg6[%get3A_1703, %get3A_1704] {strides = array<i32>} : memref<80x128xf32, #tpu.memory_space<vmem>>, vector<1x16xf32>,
      %get3A_1706 = vector.shape_cast %get3A_1705 : vector<1x16xf32> to vector<16xf32>
      %add3A_1707 = arith.addf %add3A_1701, %get3A_1706 : vector<16xf32>
      %mul3A_1708 = arith.constant 5.000000e-02 : f32
      %mul3A_1709 = vector.broadcast %mul3A_1708 : f32 to vector<16xf32>
      %mul3A_1710 = arith.mulf %add3A_1707, %mul3A_1709 : vector<16xf32>
      %mul3A_1711 = arith.constant 4 : i32
      %mul3A_1712 = arith.muli %scan3A_8, %mul3A_1711 : i32
      %add3A_1713 = arith.constant 1 : i32
      %add3A_1714 = arith.addi %mul3A_1712, %add3A_1713 : i32
      %swap3A_1715 = arith.index_cast %add3A_1714 : i32 to index
      %swap3A_1716 = arith.constant 64 : index
      %swap3A_1717 = tpu.vector_load %arg7[%swap3A_1715, %swap3A_1716] {strides = array<i32>} : memref<128x128xf32, #tpu.memory_space<vmem>>, vector<1x16xf32>,
      %swap3A_1718 = vector.shape_cast %swap3A_1717 : vector<1x16xf32> to vector<16xf32>
      %swap3A_1719 = vector.shape_cast %mul3A_1710 : vector<16xf32> to vector<1x16xf32>
      tpu.vector_store %arg7[%swap3A_1715, %swap3A_1716], %swap3A_1719 {strides = array<i32>} : memref<128x128xf32, #tpu.memory_space<vmem>>, vector<1x16xf32>,
      %get3A_1720 = arith.constant 20 : i32
      %get3A_1721 = arith.index_cast %get3A_1720 : i32 to index
      %get3A_1722 = arith.constant 80 : index
      %get3A_1723 = tpu.vector_load %arg6[%get3A_1721, %get3A_1722] {strides = array<i32>} : memref<80x128xf32, #tpu.memory_space<vmem>>, vector<1x16xf32>,
      %get3A_1724 = vector.shape_cast %get3A_1723 : vector<1x16xf32> to vector<16xf32>
      %get3A_1725 = arith.constant 21 : i32
      %get3A_1726 = arith.index_cast %get3A_1725 : i32 to index
      %get3A_1727 = arith.constant 80 : index
      %get3A_1728 = tpu.vector_load %arg6[%get3A_1726, %get3A_1727] {strides = array<i32>} : memref<80x128xf32, #tpu.memory_space<vmem>>, vector<1x16xf32>,
      %get3A_1729 = vector.shape_cast %get3A_1728 : vector<1x16xf32> to vector<16xf32>
      %add3A_1730 = arith.addf %get3A_1724, %get3A_1729 : vector<16xf32>
      %get3A_1731 = arith.constant 22 : i32
      %get3A_1732 = arith.index_cast %get3A_1731 : i32 to index
      %get3A_1733 = arith.constant 80 : index
      %get3A_1734 = tpu.vector_load %arg6[%get3A_1732, %get3A_1733] {strides = array<i32>} : memref<80x128xf32, #tpu.memory_space<vmem>>, vector<1x16xf32>,
      %get3A_1735 = vector.shape_cast %get3A_1734 : vector<1x16xf32> to vector<16xf32>
      %add3A_1736 = arith.addf %add3A_1730, %get3A_1735 : vector<16xf32>
      %get3A_1737 = arith.constant 23 : i32
      %get3A_1738 = arith.index_cast %get3A_1737 : i32 to index
      %get3A_1739 = arith.constant 80 : index
      %get3A_1740 = tpu.vector_load %arg6[%get3A_1738, %get3A_1739] {strides = array<i32>} : memref<80x128xf32, #tpu.memory_space<vmem>>, vector<1x16xf32>,
      %get3A_1741 = vector.shape_cast %get3A_1740 : vector<1x16xf32> to vector<16xf32>
      %add3A_1742 = arith.addf %add3A_1736, %get3A_1741 : vector<16xf32>
      %get3A_1743 = arith.constant 24 : i32
      %get3A_1744 = arith.index_cast %get3A_1743 : i32 to index
      %get3A_1745 = arith.constant 80 : index
      %get3A_1746 = tpu.vector_load %arg6[%get3A_1744, %get3A_1745] {strides = array<i32>} : memref<80x128xf32, #tpu.memory_space<vmem>>, vector<1x16xf32>,
      %get3A_1747 = vector.shape_cast %get3A_1746 : vector<1x16xf32> to vector<16xf32>
      %add3A_1748 = arith.addf %add3A_1742, %get3A_1747 : vector<16xf32>
      %get3A_1749 = arith.constant 25 : i32
      %get3A_1750 = arith.index_cast %get3A_1749 : i32 to index
      %get3A_1751 = arith.constant 80 : index
      %get3A_1752 = tpu.vector_load %arg6[%get3A_1750, %get3A_1751] {strides = array<i32>} : memref<80x128xf32, #tpu.memory_space<vmem>>, vector<1x16xf32>,
      %get3A_1753 = vector.shape_cast %get3A_1752 : vector<1x16xf32> to vector<16xf32>
      %add3A_1754 = arith.addf %add3A_1748, %get3A_1753 : vector<16xf32>
      %get3A_1755 = arith.constant 26 : i32
      %get3A_1756 = arith.index_cast %get3A_1755 : i32 to index
      %get3A_1757 = arith.constant 80 : index
      %get3A_1758 = tpu.vector_load %arg6[%get3A_1756, %get3A_1757] {strides = array<i32>} : memref<80x128xf32, #tpu.memory_space<vmem>>, vector<1x16xf32>,
      %get3A_1759 = vector.shape_cast %get3A_1758 : vector<1x16xf32> to vector<16xf32>
      %add3A_1760 = arith.addf %add3A_1754, %get3A_1759 : vector<16xf32>
      %get3A_1761 = arith.constant 27 : i32
      %get3A_1762 = arith.index_cast %get3A_1761 : i32 to index
      %get3A_1763 = arith.constant 80 : index
      %get3A_1764 = tpu.vector_load %arg6[%get3A_1762, %get3A_1763] {strides = array<i32>} : memref<80x128xf32, #tpu.memory_space<vmem>>, vector<1x16xf32>,
      %get3A_1765 = vector.shape_cast %get3A_1764 : vector<1x16xf32> to vector<16xf32>
      %add3A_1766 = arith.addf %add3A_1760, %get3A_1765 : vector<16xf32>
      %get3A_1767 = arith.constant 28 : i32
      %get3A_1768 = arith.index_cast %get3A_1767 : i32 to index
      %get3A_1769 = arith.constant 80 : index
      %get3A_1770 = tpu.vector_load %arg6[%get3A_1768, %get3A_1769] {strides = array<i32>} : memref<80x128xf32, #tpu.memory_space<vmem>>, vector<1x16xf32>,
      %get3A_1771 = vector.shape_cast %get3A_1770 : vector<1x16xf32> to vector<16xf32>
      %add3A_1772 = arith.addf %add3A_1766, %get3A_1771 : vector<16xf32>
      %get3A_1773 = arith.constant 29 : i32
      %get3A_1774 = arith.index_cast %get3A_1773 : i32 to index
      %get3A_1775 = arith.constant 80 : index
      %get3A_1776 = tpu.vector_load %arg6[%get3A_1774, %get3A_1775] {strides = array<i32>} : memref<80x128xf32, #tpu.memory_space<vmem>>, vector<1x16xf32>,
      %get3A_1777 = vector.shape_cast %get3A_1776 : vector<1x16xf32> to vector<16xf32>
      %add3A_1778 = arith.addf %add3A_1772, %get3A_1777 : vector<16xf32>
      %get3A_1779 = arith.constant 30 : i32
      %get3A_1780 = arith.index_cast %get3A_1779 : i32 to index
      %get3A_1781 = arith.constant 80 : index
      %get3A_1782 = tpu.vector_load %arg6[%get3A_1780, %get3A_1781] {strides = array<i32>} : memref<80x128xf32, #tpu.memory_space<vmem>>, vector<1x16xf32>,
      %get3A_1783 = vector.shape_cast %get3A_1782 : vector<1x16xf32> to vector<16xf32>
      %add3A_1784 = arith.addf %add3A_1778, %get3A_1783 : vector<16xf32>
      %get3A_1785 = arith.constant 31 : i32
      %get3A_1786 = arith.index_cast %get3A_1785 : i32 to index
      %get3A_1787 = arith.constant 80 : index
      %get3A_1788 = tpu.vector_load %arg6[%get3A_1786, %get3A_1787] {strides = array<i32>} : memref<80x128xf32, #tpu.memory_space<vmem>>, vector<1x16xf32>,
      %get3A_1789 = vector.shape_cast %get3A_1788 : vector<1x16xf32> to vector<16xf32>
      %add3A_1790 = arith.addf %add3A_1784, %get3A_1789 : vector<16xf32>
      %get3A_1791 = arith.constant 32 : i32
      %get3A_1792 = arith.index_cast %get3A_1791 : i32 to index
      %get3A_1793 = arith.constant 80 : index
      %get3A_1794 = tpu.vector_load %arg6[%get3A_1792, %get3A_1793] {strides = array<i32>} : memref<80x128xf32, #tpu.memory_space<vmem>>, vector<1x16xf32>,
      %get3A_1795 = vector.shape_cast %get3A_1794 : vector<1x16xf32> to vector<16xf32>
      %add3A_1796 = arith.addf %add3A_1790, %get3A_1795 : vector<16xf32>
      %get3A_1797 = arith.constant 33 : i32
      %get3A_1798 = arith.index_cast %get3A_1797 : i32 to index
      %get3A_1799 = arith.constant 80 : index
      %get3A_1800 = tpu.vector_load %arg6[%get3A_1798, %get3A_1799] {strides = array<i32>} : memref<80x128xf32, #tpu.memory_space<vmem>>, vector<1x16xf32>,
      %get3A_1801 = vector.shape_cast %get3A_1800 : vector<1x16xf32> to vector<16xf32>
      %add3A_1802 = arith.addf %add3A_1796, %get3A_1801 : vector<16xf32>
      %get3A_1803 = arith.constant 34 : i32
      %get3A_1804 = arith.index_cast %get3A_1803 : i32 to index
      %get3A_1805 = arith.constant 80 : index
      %get3A_1806 = tpu.vector_load %arg6[%get3A_1804, %get3A_1805] {strides = array<i32>} : memref<80x128xf32, #tpu.memory_space<vmem>>, vector<1x16xf32>,
      %get3A_1807 = vector.shape_cast %get3A_1806 : vector<1x16xf32> to vector<16xf32>
      %add3A_1808 = arith.addf %add3A_1802, %get3A_1807 : vector<16xf32>
      %get3A_1809 = arith.constant 35 : i32
      %get3A_1810 = arith.index_cast %get3A_1809 : i32 to index
      %get3A_1811 = arith.constant 80 : index
      %get3A_1812 = tpu.vector_load %arg6[%get3A_1810, %get3A_1811] {strides = array<i32>} : memref<80x128xf32, #tpu.memory_space<vmem>>, vector<1x16xf32>,
      %get3A_1813 = vector.shape_cast %get3A_1812 : vector<1x16xf32> to vector<16xf32>
      %add3A_1814 = arith.addf %add3A_1808, %get3A_1813 : vector<16xf32>
      %get3A_1815 = arith.constant 36 : i32
      %get3A_1816 = arith.index_cast %get3A_1815 : i32 to index
      %get3A_1817 = arith.constant 80 : index
      %get3A_1818 = tpu.vector_load %arg6[%get3A_1816, %get3A_1817] {strides = array<i32>} : memref<80x128xf32, #tpu.memory_space<vmem>>, vector<1x16xf32>,
      %get3A_1819 = vector.shape_cast %get3A_1818 : vector<1x16xf32> to vector<16xf32>
      %add3A_1820 = arith.addf %add3A_1814, %get3A_1819 : vector<16xf32>
      %get3A_1821 = arith.constant 37 : i32
      %get3A_1822 = arith.index_cast %get3A_1821 : i32 to index
      %get3A_1823 = arith.constant 80 : index
      %get3A_1824 = tpu.vector_load %arg6[%get3A_1822, %get3A_1823] {strides = array<i32>} : memref<80x128xf32, #tpu.memory_space<vmem>>, vector<1x16xf32>,
      %get3A_1825 = vector.shape_cast %get3A_1824 : vector<1x16xf32> to vector<16xf32>
      %add3A_1826 = arith.addf %add3A_1820, %get3A_1825 : vector<16xf32>
      %get3A_1827 = arith.constant 38 : i32
      %get3A_1828 = arith.index_cast %get3A_1827 : i32 to index
      %get3A_1829 = arith.constant 80 : index
      %get3A_1830 = tpu.vector_load %arg6[%get3A_1828, %get3A_1829] {strides = array<i32>} : memref<80x128xf32, #tpu.memory_space<vmem>>, vector<1x16xf32>,
      %get3A_1831 = vector.shape_cast %get3A_1830 : vector<1x16xf32> to vector<16xf32>
      %add3A_1832 = arith.addf %add3A_1826, %get3A_1831 : vector<16xf32>
      %get3A_1833 = arith.constant 39 : i32
      %get3A_1834 = arith.index_cast %get3A_1833 : i32 to index
      %get3A_1835 = arith.constant 80 : index
      %get3A_1836 = tpu.vector_load %arg6[%get3A_1834, %get3A_1835] {strides = array<i32>} : memref<80x128xf32, #tpu.memory_space<vmem>>, vector<1x16xf32>,
      %get3A_1837 = vector.shape_cast %get3A_1836 : vector<1x16xf32> to vector<16xf32>
      %add3A_1838 = arith.addf %add3A_1832, %get3A_1837 : vector<16xf32>
      %mul3A_1839 = arith.constant 5.000000e-02 : f32
      %mul3A_1840 = vector.broadcast %mul3A_1839 : f32 to vector<16xf32>
      %mul3A_1841 = arith.mulf %add3A_1838, %mul3A_1840 : vector<16xf32>
      %mul3A_1842 = arith.constant 4 : i32
      %mul3A_1843 = arith.muli %scan3A_8, %mul3A_1842 : i32
      %add3A_1844 = arith.constant 1 : i32
      %add3A_1845 = arith.addi %mul3A_1843, %add3A_1844 : i32
      %swap3A_1846 = arith.index_cast %add3A_1845 : i32 to index
      %swap3A_1847 = arith.constant 80 : index
      %swap3A_1848 = tpu.vector_load %arg7[%swap3A_1846, %swap3A_1847] {strides = array<i32>} : memref<128x128xf32, #tpu.memory_space<vmem>>, vector<1x16xf32>,
      %swap3A_1849 = vector.shape_cast %swap3A_1848 : vector<1x16xf32> to vector<16xf32>
      %swap3A_1850 = vector.shape_cast %mul3A_1841 : vector<16xf32> to vector<1x16xf32>
      tpu.vector_store %arg7[%swap3A_1846, %swap3A_1847], %swap3A_1850 {strides = array<i32>} : memref<128x128xf32, #tpu.memory_space<vmem>>, vector<1x16xf32>,
      %get3A_1851 = arith.constant 20 : i32
      %get3A_1852 = arith.index_cast %get3A_1851 : i32 to index
      %get3A_1853 = arith.constant 96 : index
      %get3A_1854 = tpu.vector_load %arg6[%get3A_1852, %get3A_1853] {strides = array<i32>} : memref<80x128xf32, #tpu.memory_space<vmem>>, vector<1x16xf32>,
      %get3A_1855 = vector.shape_cast %get3A_1854 : vector<1x16xf32> to vector<16xf32>
      %get3A_1856 = arith.constant 21 : i32
      %get3A_1857 = arith.index_cast %get3A_1856 : i32 to index
      %get3A_1858 = arith.constant 96 : index
      %get3A_1859 = tpu.vector_load %arg6[%get3A_1857, %get3A_1858] {strides = array<i32>} : memref<80x128xf32, #tpu.memory_space<vmem>>, vector<1x16xf32>,
      %get3A_1860 = vector.shape_cast %get3A_1859 : vector<1x16xf32> to vector<16xf32>
      %add3A_1861 = arith.addf %get3A_1855, %get3A_1860 : vector<16xf32>
      %get3A_1862 = arith.constant 22 : i32
      %get3A_1863 = arith.index_cast %get3A_1862 : i32 to index
      %get3A_1864 = arith.constant 96 : index
      %get3A_1865 = tpu.vector_load %arg6[%get3A_1863, %get3A_1864] {strides = array<i32>} : memref<80x128xf32, #tpu.memory_space<vmem>>, vector<1x16xf32>,
      %get3A_1866 = vector.shape_cast %get3A_1865 : vector<1x16xf32> to vector<16xf32>
      %add3A_1867 = arith.addf %add3A_1861, %get3A_1866 : vector<16xf32>
      %get3A_1868 = arith.constant 23 : i32
      %get3A_1869 = arith.index_cast %get3A_1868 : i32 to index
      %get3A_1870 = arith.constant 96 : index
      %get3A_1871 = tpu.vector_load %arg6[%get3A_1869, %get3A_1870] {strides = array<i32>} : memref<80x128xf32, #tpu.memory_space<vmem>>, vector<1x16xf32>,
      %get3A_1872 = vector.shape_cast %get3A_1871 : vector<1x16xf32> to vector<16xf32>
      %add3A_1873 = arith.addf %add3A_1867, %get3A_1872 : vector<16xf32>
      %get3A_1874 = arith.constant 24 : i32
      %get3A_1875 = arith.index_cast %get3A_1874 : i32 to index
      %get3A_1876 = arith.constant 96 : index
      %get3A_1877 = tpu.vector_load %arg6[%get3A_1875, %get3A_1876] {strides = array<i32>} : memref<80x128xf32, #tpu.memory_space<vmem>>, vector<1x16xf32>,
      %get3A_1878 = vector.shape_cast %get3A_1877 : vector<1x16xf32> to vector<16xf32>
      %add3A_1879 = arith.addf %add3A_1873, %get3A_1878 : vector<16xf32>
      %get3A_1880 = arith.constant 25 : i32
      %get3A_1881 = arith.index_cast %get3A_1880 : i32 to index
      %get3A_1882 = arith.constant 96 : index
      %get3A_1883 = tpu.vector_load %arg6[%get3A_1881, %get3A_1882] {strides = array<i32>} : memref<80x128xf32, #tpu.memory_space<vmem>>, vector<1x16xf32>,
      %get3A_1884 = vector.shape_cast %get3A_1883 : vector<1x16xf32> to vector<16xf32>
      %add3A_1885 = arith.addf %add3A_1879, %get3A_1884 : vector<16xf32>
      %get3A_1886 = arith.constant 26 : i32
      %get3A_1887 = arith.index_cast %get3A_1886 : i32 to index
      %get3A_1888 = arith.constant 96 : index
      %get3A_1889 = tpu.vector_load %arg6[%get3A_1887, %get3A_1888] {strides = array<i32>} : memref<80x128xf32, #tpu.memory_space<vmem>>, vector<1x16xf32>,
      %get3A_1890 = vector.shape_cast %get3A_1889 : vector<1x16xf32> to vector<16xf32>
      %add3A_1891 = arith.addf %add3A_1885, %get3A_1890 : vector<16xf32>
      %get3A_1892 = arith.constant 27 : i32
      %get3A_1893 = arith.index_cast %get3A_1892 : i32 to index
      %get3A_1894 = arith.constant 96 : index
      %get3A_1895 = tpu.vector_load %arg6[%get3A_1893, %get3A_1894] {strides = array<i32>} : memref<80x128xf32, #tpu.memory_space<vmem>>, vector<1x16xf32>,
      %get3A_1896 = vector.shape_cast %get3A_1895 : vector<1x16xf32> to vector<16xf32>
      %add3A_1897 = arith.addf %add3A_1891, %get3A_1896 : vector<16xf32>
      %get3A_1898 = arith.constant 28 : i32
      %get3A_1899 = arith.index_cast %get3A_1898 : i32 to index
      %get3A_1900 = arith.constant 96 : index
      %get3A_1901 = tpu.vector_load %arg6[%get3A_1899, %get3A_1900] {strides = array<i32>} : memref<80x128xf32, #tpu.memory_space<vmem>>, vector<1x16xf32>,
      %get3A_1902 = vector.shape_cast %get3A_1901 : vector<1x16xf32> to vector<16xf32>
      %add3A_1903 = arith.addf %add3A_1897, %get3A_1902 : vector<16xf32>
      %get3A_1904 = arith.constant 29 : i32
      %get3A_1905 = arith.index_cast %get3A_1904 : i32 to index
      %get3A_1906 = arith.constant 96 : index
      %get3A_1907 = tpu.vector_load %arg6[%get3A_1905, %get3A_1906] {strides = array<i32>} : memref<80x128xf32, #tpu.memory_space<vmem>>, vector<1x16xf32>,
      %get3A_1908 = vector.shape_cast %get3A_1907 : vector<1x16xf32> to vector<16xf32>
      %add3A_1909 = arith.addf %add3A_1903, %get3A_1908 : vector<16xf32>
      %get3A_1910 = arith.constant 30 : i32
      %get3A_1911 = arith.index_cast %get3A_1910 : i32 to index
      %get3A_1912 = arith.constant 96 : index
      %get3A_1913 = tpu.vector_load %arg6[%get3A_1911, %get3A_1912] {strides = array<i32>} : memref<80x128xf32, #tpu.memory_space<vmem>>, vector<1x16xf32>,
      %get3A_1914 = vector.shape_cast %get3A_1913 : vector<1x16xf32> to vector<16xf32>
      %add3A_1915 = arith.addf %add3A_1909, %get3A_1914 : vector<16xf32>
      %get3A_1916 = arith.constant 31 : i32
      %get3A_1917 = arith.index_cast %get3A_1916 : i32 to index
      %get3A_1918 = arith.constant 96 : index
      %get3A_1919 = tpu.vector_load %arg6[%get3A_1917, %get3A_1918] {strides = array<i32>} : memref<80x128xf32, #tpu.memory_space<vmem>>, vector<1x16xf32>,
      %get3A_1920 = vector.shape_cast %get3A_1919 : vector<1x16xf32> to vector<16xf32>
      %add3A_1921 = arith.addf %add3A_1915, %get3A_1920 : vector<16xf32>
      %get3A_1922 = arith.constant 32 : i32
      %get3A_1923 = arith.index_cast %get3A_1922 : i32 to index
      %get3A_1924 = arith.constant 96 : index
      %get3A_1925 = tpu.vector_load %arg6[%get3A_1923, %get3A_1924] {strides = array<i32>} : memref<80x128xf32, #tpu.memory_space<vmem>>, vector<1x16xf32>,
      %get3A_1926 = vector.shape_cast %get3A_1925 : vector<1x16xf32> to vector<16xf32>
      %add3A_1927 = arith.addf %add3A_1921, %get3A_1926 : vector<16xf32>
      %get3A_1928 = arith.constant 33 : i32
      %get3A_1929 = arith.index_cast %get3A_1928 : i32 to index
      %get3A_1930 = arith.constant 96 : index
      %get3A_1931 = tpu.vector_load %arg6[%get3A_1929, %get3A_1930] {strides = array<i32>} : memref<80x128xf32, #tpu.memory_space<vmem>>, vector<1x16xf32>,
      %get3A_1932 = vector.shape_cast %get3A_1931 : vector<1x16xf32> to vector<16xf32>
      %add3A_1933 = arith.addf %add3A_1927, %get3A_1932 : vector<16xf32>
      %get3A_1934 = arith.constant 34 : i32
      %get3A_1935 = arith.index_cast %get3A_1934 : i32 to index
      %get3A_1936 = arith.constant 96 : index
      %get3A_1937 = tpu.vector_load %arg6[%get3A_1935, %get3A_1936] {strides = array<i32>} : memref<80x128xf32, #tpu.memory_space<vmem>>, vector<1x16xf32>,
      %get3A_1938 = vector.shape_cast %get3A_1937 : vector<1x16xf32> to vector<16xf32>
      %add3A_1939 = arith.addf %add3A_1933, %get3A_1938 : vector<16xf32>
      %get3A_1940 = arith.constant 35 : i32
      %get3A_1941 = arith.index_cast %get3A_1940 : i32 to index
      %get3A_1942 = arith.constant 96 : index
      %get3A_1943 = tpu.vector_load %arg6[%get3A_1941, %get3A_1942] {strides = array<i32>} : memref<80x128xf32, #tpu.memory_space<vmem>>, vector<1x16xf32>,
      %get3A_1944 = vector.shape_cast %get3A_1943 : vector<1x16xf32> to vector<16xf32>
      %add3A_1945 = arith.addf %add3A_1939, %get3A_1944 : vector<16xf32>
      %get3A_1946 = arith.constant 36 : i32
      %get3A_1947 = arith.index_cast %get3A_1946 : i32 to index
      %get3A_1948 = arith.constant 96 : index
      %get3A_1949 = tpu.vector_load %arg6[%get3A_1947, %get3A_1948] {strides = array<i32>} : memref<80x128xf32, #tpu.memory_space<vmem>>, vector<1x16xf32>,
      %get3A_1950 = vector.shape_cast %get3A_1949 : vector<1x16xf32> to vector<16xf32>
      %add3A_1951 = arith.addf %add3A_1945, %get3A_1950 : vector<16xf32>
      %get3A_1952 = arith.constant 37 : i32
      %get3A_1953 = arith.index_cast %get3A_1952 : i32 to index
      %get3A_1954 = arith.constant 96 : index
      %get3A_1955 = tpu.vector_load %arg6[%get3A_1953, %get3A_1954] {strides = array<i32>} : memref<80x128xf32, #tpu.memory_space<vmem>>, vector<1x16xf32>,
      %get3A_1956 = vector.shape_cast %get3A_1955 : vector<1x16xf32> to vector<16xf32>
      %add3A_1957 = arith.addf %add3A_1951, %get3A_1956 : vector<16xf32>
      %get3A_1958 = arith.constant 38 : i32
      %get3A_1959 = arith.index_cast %get3A_1958 : i32 to index
      %get3A_1960 = arith.constant 96 : index
      %get3A_1961 = tpu.vector_load %arg6[%get3A_1959, %get3A_1960] {strides = array<i32>} : memref<80x128xf32, #tpu.memory_space<vmem>>, vector<1x16xf32>,
      %get3A_1962 = vector.shape_cast %get3A_1961 : vector<1x16xf32> to vector<16xf32>
      %add3A_1963 = arith.addf %add3A_1957, %get3A_1962 : vector<16xf32>
      %get3A_1964 = arith.constant 39 : i32
      %get3A_1965 = arith.index_cast %get3A_1964 : i32 to index
      %get3A_1966 = arith.constant 96 : index
      %get3A_1967 = tpu.vector_load %arg6[%get3A_1965, %get3A_1966] {strides = array<i32>} : memref<80x128xf32, #tpu.memory_space<vmem>>, vector<1x16xf32>,
      %get3A_1968 = vector.shape_cast %get3A_1967 : vector<1x16xf32> to vector<16xf32>
      %add3A_1969 = arith.addf %add3A_1963, %get3A_1968 : vector<16xf32>
      %mul3A_1970 = arith.constant 5.000000e-02 : f32
      %mul3A_1971 = vector.broadcast %mul3A_1970 : f32 to vector<16xf32>
      %mul3A_1972 = arith.mulf %add3A_1969, %mul3A_1971 : vector<16xf32>
      %mul3A_1973 = arith.constant 4 : i32
      %mul3A_1974 = arith.muli %scan3A_8, %mul3A_1973 : i32
      %add3A_1975 = arith.constant 1 : i32
      %add3A_1976 = arith.addi %mul3A_1974, %add3A_1975 : i32
      %swap3A_1977 = arith.index_cast %add3A_1976 : i32 to index
      %swap3A_1978 = arith.constant 96 : index
      %swap3A_1979 = tpu.vector_load %arg7[%swap3A_1977, %swap3A_1978] {strides = array<i32>} : memref<128x128xf32, #tpu.memory_space<vmem>>, vector<1x16xf32>,
      %swap3A_1980 = vector.shape_cast %swap3A_1979 : vector<1x16xf32> to vector<16xf32>
      %swap3A_1981 = vector.shape_cast %mul3A_1972 : vector<16xf32> to vector<1x16xf32>
      tpu.vector_store %arg7[%swap3A_1977, %swap3A_1978], %swap3A_1981 {strides = array<i32>} : memref<128x128xf32, #tpu.memory_space<vmem>>, vector<1x16xf32>,
      %get3A_1982 = arith.constant 20 : i32
      %get3A_1983 = arith.index_cast %get3A_1982 : i32 to index
      %get3A_1984 = arith.constant 112 : index
      %get3A_1985 = tpu.vector_load %arg6[%get3A_1983, %get3A_1984] {strides = array<i32>} : memref<80x128xf32, #tpu.memory_space<vmem>>, vector<1x16xf32>,
      %get3A_1986 = vector.shape_cast %get3A_1985 : vector<1x16xf32> to vector<16xf32>
      %get3A_1987 = arith.constant 21 : i32
      %get3A_1988 = arith.index_cast %get3A_1987 : i32 to index
      %get3A_1989 = arith.constant 112 : index
      %get3A_1990 = tpu.vector_load %arg6[%get3A_1988, %get3A_1989] {strides = array<i32>} : memref<80x128xf32, #tpu.memory_space<vmem>>, vector<1x16xf32>,
      %get3A_1991 = vector.shape_cast %get3A_1990 : vector<1x16xf32> to vector<16xf32>
      %add3A_1992 = arith.addf %get3A_1986, %get3A_1991 : vector<16xf32>
      %get3A_1993 = arith.constant 22 : i32
      %get3A_1994 = arith.index_cast %get3A_1993 : i32 to index
      %get3A_1995 = arith.constant 112 : index
      %get3A_1996 = tpu.vector_load %arg6[%get3A_1994, %get3A_1995] {strides = array<i32>} : memref<80x128xf32, #tpu.memory_space<vmem>>, vector<1x16xf32>,
      %get3A_1997 = vector.shape_cast %get3A_1996 : vector<1x16xf32> to vector<16xf32>
      %add3A_1998 = arith.addf %add3A_1992, %get3A_1997 : vector<16xf32>
      %get3A_1999 = arith.constant 23 : i32
      %get3A_2000 = arith.index_cast %get3A_1999 : i32 to index
      %get3A_2001 = arith.constant 112 : index
      %get3A_2002 = tpu.vector_load %arg6[%get3A_2000, %get3A_2001] {strides = array<i32>} : memref<80x128xf32, #tpu.memory_space<vmem>>, vector<1x16xf32>,
      %get3A_2003 = vector.shape_cast %get3A_2002 : vector<1x16xf32> to vector<16xf32>
      %add3A_2004 = arith.addf %add3A_1998, %get3A_2003 : vector<16xf32>
      %get3A_2005 = arith.constant 24 : i32
      %get3A_2006 = arith.index_cast %get3A_2005 : i32 to index
      %get3A_2007 = arith.constant 112 : index
      %get3A_2008 = tpu.vector_load %arg6[%get3A_2006, %get3A_2007] {strides = array<i32>} : memref<80x128xf32, #tpu.memory_space<vmem>>, vector<1x16xf32>,
      %get3A_2009 = vector.shape_cast %get3A_2008 : vector<1x16xf32> to vector<16xf32>
      %add3A_2010 = arith.addf %add3A_2004, %get3A_2009 : vector<16xf32>
      %get3A_2011 = arith.constant 25 : i32
      %get3A_2012 = arith.index_cast %get3A_2011 : i32 to index
      %get3A_2013 = arith.constant 112 : index
      %get3A_2014 = tpu.vector_load %arg6[%get3A_2012, %get3A_2013] {strides = array<i32>} : memref<80x128xf32, #tpu.memory_space<vmem>>, vector<1x16xf32>,
      %get3A_2015 = vector.shape_cast %get3A_2014 : vector<1x16xf32> to vector<16xf32>
      %add3A_2016 = arith.addf %add3A_2010, %get3A_2015 : vector<16xf32>
      %get3A_2017 = arith.constant 26 : i32
      %get3A_2018 = arith.index_cast %get3A_2017 : i32 to index
      %get3A_2019 = arith.constant 112 : index
      %get3A_2020 = tpu.vector_load %arg6[%get3A_2018, %get3A_2019] {strides = array<i32>} : memref<80x128xf32, #tpu.memory_space<vmem>>, vector<1x16xf32>,
      %get3A_2021 = vector.shape_cast %get3A_2020 : vector<1x16xf32> to vector<16xf32>
      %add3A_2022 = arith.addf %add3A_2016, %get3A_2021 : vector<16xf32>
      %get3A_2023 = arith.constant 27 : i32
      %get3A_2024 = arith.index_cast %get3A_2023 : i32 to index
      %get3A_2025 = arith.constant 112 : index
      %get3A_2026 = tpu.vector_load %arg6[%get3A_2024, %get3A_2025] {strides = array<i32>} : memref<80x128xf32, #tpu.memory_space<vmem>>, vector<1x16xf32>,
      %get3A_2027 = vector.shape_cast %get3A_2026 : vector<1x16xf32> to vector<16xf32>
      %add3A_2028 = arith.addf %add3A_2022, %get3A_2027 : vector<16xf32>
      %get3A_2029 = arith.constant 28 : i32
      %get3A_2030 = arith.index_cast %get3A_2029 : i32 to index
      %get3A_2031 = arith.constant 112 : index
      %get3A_2032 = tpu.vector_load %arg6[%get3A_2030, %get3A_2031] {strides = array<i32>} : memref<80x128xf32, #tpu.memory_space<vmem>>, vector<1x16xf32>,
      %get3A_2033 = vector.shape_cast %get3A_2032 : vector<1x16xf32> to vector<16xf32>
      %add3A_2034 = arith.addf %add3A_2028, %get3A_2033 : vector<16xf32>
      %get3A_2035 = arith.constant 29 : i32
      %get3A_2036 = arith.index_cast %get3A_2035 : i32 to index
      %get3A_2037 = arith.constant 112 : index
      %get3A_2038 = tpu.vector_load %arg6[%get3A_2036, %get3A_2037] {strides = array<i32>} : memref<80x128xf32, #tpu.memory_space<vmem>>, vector<1x16xf32>,
      %get3A_2039 = vector.shape_cast %get3A_2038 : vector<1x16xf32> to vector<16xf32>
      %add3A_2040 = arith.addf %add3A_2034, %get3A_2039 : vector<16xf32>
      %get3A_2041 = arith.constant 30 : i32
      %get3A_2042 = arith.index_cast %get3A_2041 : i32 to index
      %get3A_2043 = arith.constant 112 : index
      %get3A_2044 = tpu.vector_load %arg6[%get3A_2042, %get3A_2043] {strides = array<i32>} : memref<80x128xf32, #tpu.memory_space<vmem>>, vector<1x16xf32>,
      %get3A_2045 = vector.shape_cast %get3A_2044 : vector<1x16xf32> to vector<16xf32>
      %add3A_2046 = arith.addf %add3A_2040, %get3A_2045 : vector<16xf32>
      %get3A_2047 = arith.constant 31 : i32
      %get3A_2048 = arith.index_cast %get3A_2047 : i32 to index
      %get3A_2049 = arith.constant 112 : index
      %get3A_2050 = tpu.vector_load %arg6[%get3A_2048, %get3A_2049] {strides = array<i32>} : memref<80x128xf32, #tpu.memory_space<vmem>>, vector<1x16xf32>,
      %get3A_2051 = vector.shape_cast %get3A_2050 : vector<1x16xf32> to vector<16xf32>
      %add3A_2052 = arith.addf %add3A_2046, %get3A_2051 : vector<16xf32>
      %get3A_2053 = arith.constant 32 : i32
      %get3A_2054 = arith.index_cast %get3A_2053 : i32 to index
      %get3A_2055 = arith.constant 112 : index
      %get3A_2056 = tpu.vector_load %arg6[%get3A_2054, %get3A_2055] {strides = array<i32>} : memref<80x128xf32, #tpu.memory_space<vmem>>, vector<1x16xf32>,
      %get3A_2057 = vector.shape_cast %get3A_2056 : vector<1x16xf32> to vector<16xf32>
      %add3A_2058 = arith.addf %add3A_2052, %get3A_2057 : vector<16xf32>
      %get3A_2059 = arith.constant 33 : i32
      %get3A_2060 = arith.index_cast %get3A_2059 : i32 to index
      %get3A_2061 = arith.constant 112 : index
      %get3A_2062 = tpu.vector_load %arg6[%get3A_2060, %get3A_2061] {strides = array<i32>} : memref<80x128xf32, #tpu.memory_space<vmem>>, vector<1x16xf32>,
      %get3A_2063 = vector.shape_cast %get3A_2062 : vector<1x16xf32> to vector<16xf32>
      %add3A_2064 = arith.addf %add3A_2058, %get3A_2063 : vector<16xf32>
      %get3A_2065 = arith.constant 34 : i32
      %get3A_2066 = arith.index_cast %get3A_2065 : i32 to index
      %get3A_2067 = arith.constant 112 : index
      %get3A_2068 = tpu.vector_load %arg6[%get3A_2066, %get3A_2067] {strides = array<i32>} : memref<80x128xf32, #tpu.memory_space<vmem>>, vector<1x16xf32>,
      %get3A_2069 = vector.shape_cast %get3A_2068 : vector<1x16xf32> to vector<16xf32>
      %add3A_2070 = arith.addf %add3A_2064, %get3A_2069 : vector<16xf32>
      %get3A_2071 = arith.constant 35 : i32
      %get3A_2072 = arith.index_cast %get3A_2071 : i32 to index
      %get3A_2073 = arith.constant 112 : index
      %get3A_2074 = tpu.vector_load %arg6[%get3A_2072, %get3A_2073] {strides = array<i32>} : memref<80x128xf32, #tpu.memory_space<vmem>>, vector<1x16xf32>,
      %get3A_2075 = vector.shape_cast %get3A_2074 : vector<1x16xf32> to vector<16xf32>
      %add3A_2076 = arith.addf %add3A_2070, %get3A_2075 : vector<16xf32>
      %get3A_2077 = arith.constant 36 : i32
      %get3A_2078 = arith.index_cast %get3A_2077 : i32 to index
      %get3A_2079 = arith.constant 112 : index
      %get3A_2080 = tpu.vector_load %arg6[%get3A_2078, %get3A_2079] {strides = array<i32>} : memref<80x128xf32, #tpu.memory_space<vmem>>, vector<1x16xf32>,
      %get3A_2081 = vector.shape_cast %get3A_2080 : vector<1x16xf32> to vector<16xf32>
      %add3A_2082 = arith.addf %add3A_2076, %get3A_2081 : vector<16xf32>
      %get3A_2083 = arith.constant 37 : i32
      %get3A_2084 = arith.index_cast %get3A_2083 : i32 to index
      %get3A_2085 = arith.constant 112 : index
      %get3A_2086 = tpu.vector_load %arg6[%get3A_2084, %get3A_2085] {strides = array<i32>} : memref<80x128xf32, #tpu.memory_space<vmem>>, vector<1x16xf32>,
      %get3A_2087 = vector.shape_cast %get3A_2086 : vector<1x16xf32> to vector<16xf32>
      %add3A_2088 = arith.addf %add3A_2082, %get3A_2087 : vector<16xf32>
      %get3A_2089 = arith.constant 38 : i32
      %get3A_2090 = arith.index_cast %get3A_2089 : i32 to index
      %get3A_2091 = arith.constant 112 : index
      %get3A_2092 = tpu.vector_load %arg6[%get3A_2090, %get3A_2091] {strides = array<i32>} : memref<80x128xf32, #tpu.memory_space<vmem>>, vector<1x16xf32>,
      %get3A_2093 = vector.shape_cast %get3A_2092 : vector<1x16xf32> to vector<16xf32>
      %add3A_2094 = arith.addf %add3A_2088, %get3A_2093 : vector<16xf32>
      %get3A_2095 = arith.constant 39 : i32
      %get3A_2096 = arith.index_cast %get3A_2095 : i32 to index
      %get3A_2097 = arith.constant 112 : index
      %get3A_2098 = tpu.vector_load %arg6[%get3A_2096, %get3A_2097] {strides = array<i32>} : memref<80x128xf32, #tpu.memory_space<vmem>>, vector<1x16xf32>,
      %get3A_2099 = vector.shape_cast %get3A_2098 : vector<1x16xf32> to vector<16xf32>
      %add3A_2100 = arith.addf %add3A_2094, %get3A_2099 : vector<16xf32>
      %mul3A_2101 = arith.constant 5.000000e-02 : f32
      %mul3A_2102 = vector.broadcast %mul3A_2101 : f32 to vector<16xf32>
      %mul3A_2103 = arith.mulf %add3A_2100, %mul3A_2102 : vector<16xf32>
      %mul3A_2104 = arith.constant 4 : i32
      %mul3A_2105 = arith.muli %scan3A_8, %mul3A_2104 : i32
      %add3A_2106 = arith.constant 1 : i32
      %add3A_2107 = arith.addi %mul3A_2105, %add3A_2106 : i32
      %swap3A_2108 = arith.index_cast %add3A_2107 : i32 to index
      %swap3A_2109 = arith.constant 112 : index
      %swap3A_2110 = tpu.vector_load %arg7[%swap3A_2108, %swap3A_2109] {strides = array<i32>} : memref<128x128xf32, #tpu.memory_space<vmem>>, vector<1x16xf32>,
      %swap3A_2111 = vector.shape_cast %swap3A_2110 : vector<1x16xf32> to vector<16xf32>
      %swap3A_2112 = vector.shape_cast %mul3A_2103 : vector<16xf32> to vector<1x16xf32>
      tpu.vector_store %arg7[%swap3A_2108, %swap3A_2109], %swap3A_2112 {strides = array<i32>} : memref<128x128xf32, #tpu.memory_space<vmem>>, vector<1x16xf32>,
      %get3A_2113 = arith.constant 40 : i32
      %get3A_2114 = arith.index_cast %get3A_2113 : i32 to index
      %get3A_2115 = arith.constant 0 : index
      %get3A_2116 = tpu.vector_load %arg6[%get3A_2114, %get3A_2115] {strides = array<i32>} : memref<80x128xf32, #tpu.memory_space<vmem>>, vector<1x16xf32>,
      %get3A_2117 = vector.shape_cast %get3A_2116 : vector<1x16xf32> to vector<16xf32>
      %get3A_2118 = arith.constant 41 : i32
      %get3A_2119 = arith.index_cast %get3A_2118 : i32 to index
      %get3A_2120 = arith.constant 0 : index
      %get3A_2121 = tpu.vector_load %arg6[%get3A_2119, %get3A_2120] {strides = array<i32>} : memref<80x128xf32, #tpu.memory_space<vmem>>, vector<1x16xf32>,
      %get3A_2122 = vector.shape_cast %get3A_2121 : vector<1x16xf32> to vector<16xf32>
      %add3A_2123 = arith.addf %get3A_2117, %get3A_2122 : vector<16xf32>
      %get3A_2124 = arith.constant 42 : i32
      %get3A_2125 = arith.index_cast %get3A_2124 : i32 to index
      %get3A_2126 = arith.constant 0 : index
      %get3A_2127 = tpu.vector_load %arg6[%get3A_2125, %get3A_2126] {strides = array<i32>} : memref<80x128xf32, #tpu.memory_space<vmem>>, vector<1x16xf32>,
      %get3A_2128 = vector.shape_cast %get3A_2127 : vector<1x16xf32> to vector<16xf32>
      %add3A_2129 = arith.addf %add3A_2123, %get3A_2128 : vector<16xf32>
      %get3A_2130 = arith.constant 43 : i32
      %get3A_2131 = arith.index_cast %get3A_2130 : i32 to index
      %get3A_2132 = arith.constant 0 : index
      %get3A_2133 = tpu.vector_load %arg6[%get3A_2131, %get3A_2132] {strides = array<i32>} : memref<80x128xf32, #tpu.memory_space<vmem>>, vector<1x16xf32>,
      %get3A_2134 = vector.shape_cast %get3A_2133 : vector<1x16xf32> to vector<16xf32>
      %add3A_2135 = arith.addf %add3A_2129, %get3A_2134 : vector<16xf32>
      %get3A_2136 = arith.constant 44 : i32
      %get3A_2137 = arith.index_cast %get3A_2136 : i32 to index
      %get3A_2138 = arith.constant 0 : index
      %get3A_2139 = tpu.vector_load %arg6[%get3A_2137, %get3A_2138] {strides = array<i32>} : memref<80x128xf32, #tpu.memory_space<vmem>>, vector<1x16xf32>,
      %get3A_2140 = vector.shape_cast %get3A_2139 : vector<1x16xf32> to vector<16xf32>
      %add3A_2141 = arith.addf %add3A_2135, %get3A_2140 : vector<16xf32>
      %get3A_2142 = arith.constant 45 : i32
      %get3A_2143 = arith.index_cast %get3A_2142 : i32 to index
      %get3A_2144 = arith.constant 0 : index
      %get3A_2145 = tpu.vector_load %arg6[%get3A_2143, %get3A_2144] {strides = array<i32>} : memref<80x128xf32, #tpu.memory_space<vmem>>, vector<1x16xf32>,
      %get3A_2146 = vector.shape_cast %get3A_2145 : vector<1x16xf32> to vector<16xf32>
      %add3A_2147 = arith.addf %add3A_2141, %get3A_2146 : vector<16xf32>
      %get3A_2148 = arith.constant 46 : i32
      %get3A_2149 = arith.index_cast %get3A_2148 : i32 to index
      %get3A_2150 = arith.constant 0 : index
      %get3A_2151 = tpu.vector_load %arg6[%get3A_2149, %get3A_2150] {strides = array<i32>} : memref<80x128xf32, #tpu.memory_space<vmem>>, vector<1x16xf32>,
      %get3A_2152 = vector.shape_cast %get3A_2151 : vector<1x16xf32> to vector<16xf32>
      %add3A_2153 = arith.addf %add3A_2147, %get3A_2152 : vector<16xf32>
      %get3A_2154 = arith.constant 47 : i32
      %get3A_2155 = arith.index_cast %get3A_2154 : i32 to index
      %get3A_2156 = arith.constant 0 : index
      %get3A_2157 = tpu.vector_load %arg6[%get3A_2155, %get3A_2156] {strides = array<i32>} : memref<80x128xf32, #tpu.memory_space<vmem>>, vector<1x16xf32>,
      %get3A_2158 = vector.shape_cast %get3A_2157 : vector<1x16xf32> to vector<16xf32>
      %add3A_2159 = arith.addf %add3A_2153, %get3A_2158 : vector<16xf32>
      %get3A_2160 = arith.constant 48 : i32
      %get3A_2161 = arith.index_cast %get3A_2160 : i32 to index
      %get3A_2162 = arith.constant 0 : index
      %get3A_2163 = tpu.vector_load %arg6[%get3A_2161, %get3A_2162] {strides = array<i32>} : memref<80x128xf32, #tpu.memory_space<vmem>>, vector<1x16xf32>,
      %get3A_2164 = vector.shape_cast %get3A_2163 : vector<1x16xf32> to vector<16xf32>
      %add3A_2165 = arith.addf %add3A_2159, %get3A_2164 : vector<16xf32>
      %get3A_2166 = arith.constant 49 : i32
      %get3A_2167 = arith.index_cast %get3A_2166 : i32 to index
      %get3A_2168 = arith.constant 0 : index
      %get3A_2169 = tpu.vector_load %arg6[%get3A_2167, %get3A_2168] {strides = array<i32>} : memref<80x128xf32, #tpu.memory_space<vmem>>, vector<1x16xf32>,
      %get3A_2170 = vector.shape_cast %get3A_2169 : vector<1x16xf32> to vector<16xf32>
      %add3A_2171 = arith.addf %add3A_2165, %get3A_2170 : vector<16xf32>
      %get3A_2172 = arith.constant 50 : i32
      %get3A_2173 = arith.index_cast %get3A_2172 : i32 to index
      %get3A_2174 = arith.constant 0 : index
      %get3A_2175 = tpu.vector_load %arg6[%get3A_2173, %get3A_2174] {strides = array<i32>} : memref<80x128xf32, #tpu.memory_space<vmem>>, vector<1x16xf32>,
      %get3A_2176 = vector.shape_cast %get3A_2175 : vector<1x16xf32> to vector<16xf32>
      %add3A_2177 = arith.addf %add3A_2171, %get3A_2176 : vector<16xf32>
      %get3A_2178 = arith.constant 51 : i32
      %get3A_2179 = arith.index_cast %get3A_2178 : i32 to index
      %get3A_2180 = arith.constant 0 : index
      %get3A_2181 = tpu.vector_load %arg6[%get3A_2179, %get3A_2180] {strides = array<i32>} : memref<80x128xf32, #tpu.memory_space<vmem>>, vector<1x16xf32>,
      %get3A_2182 = vector.shape_cast %get3A_2181 : vector<1x16xf32> to vector<16xf32>
      %add3A_2183 = arith.addf %add3A_2177, %get3A_2182 : vector<16xf32>
      %get3A_2184 = arith.constant 52 : i32
      %get3A_2185 = arith.index_cast %get3A_2184 : i32 to index
      %get3A_2186 = arith.constant 0 : index
      %get3A_2187 = tpu.vector_load %arg6[%get3A_2185, %get3A_2186] {strides = array<i32>} : memref<80x128xf32, #tpu.memory_space<vmem>>, vector<1x16xf32>,
      %get3A_2188 = vector.shape_cast %get3A_2187 : vector<1x16xf32> to vector<16xf32>
      %add3A_2189 = arith.addf %add3A_2183, %get3A_2188 : vector<16xf32>
      %get3A_2190 = arith.constant 53 : i32
      %get3A_2191 = arith.index_cast %get3A_2190 : i32 to index
      %get3A_2192 = arith.constant 0 : index
      %get3A_2193 = tpu.vector_load %arg6[%get3A_2191, %get3A_2192] {strides = array<i32>} : memref<80x128xf32, #tpu.memory_space<vmem>>, vector<1x16xf32>,
      %get3A_2194 = vector.shape_cast %get3A_2193 : vector<1x16xf32> to vector<16xf32>
      %add3A_2195 = arith.addf %add3A_2189, %get3A_2194 : vector<16xf32>
      %get3A_2196 = arith.constant 54 : i32
      %get3A_2197 = arith.index_cast %get3A_2196 : i32 to index
      %get3A_2198 = arith.constant 0 : index
      %get3A_2199 = tpu.vector_load %arg6[%get3A_2197, %get3A_2198] {strides = array<i32>} : memref<80x128xf32, #tpu.memory_space<vmem>>, vector<1x16xf32>,
      %get3A_2200 = vector.shape_cast %get3A_2199 : vector<1x16xf32> to vector<16xf32>
      %add3A_2201 = arith.addf %add3A_2195, %get3A_2200 : vector<16xf32>
      %get3A_2202 = arith.constant 55 : i32
      %get3A_2203 = arith.index_cast %get3A_2202 : i32 to index
      %get3A_2204 = arith.constant 0 : index
      %get3A_2205 = tpu.vector_load %arg6[%get3A_2203, %get3A_2204] {strides = array<i32>} : memref<80x128xf32, #tpu.memory_space<vmem>>, vector<1x16xf32>,
      %get3A_2206 = vector.shape_cast %get3A_2205 : vector<1x16xf32> to vector<16xf32>
      %add3A_2207 = arith.addf %add3A_2201, %get3A_2206 : vector<16xf32>
      %get3A_2208 = arith.constant 56 : i32
      %get3A_2209 = arith.index_cast %get3A_2208 : i32 to index
      %get3A_2210 = arith.constant 0 : index
      %get3A_2211 = tpu.vector_load %arg6[%get3A_2209, %get3A_2210] {strides = array<i32>} : memref<80x128xf32, #tpu.memory_space<vmem>>, vector<1x16xf32>,
      %get3A_2212 = vector.shape_cast %get3A_2211 : vector<1x16xf32> to vector<16xf32>
      %add3A_2213 = arith.addf %add3A_2207, %get3A_2212 : vector<16xf32>
      %get3A_2214 = arith.constant 57 : i32
      %get3A_2215 = arith.index_cast %get3A_2214 : i32 to index
      %get3A_2216 = arith.constant 0 : index
      %get3A_2217 = tpu.vector_load %arg6[%get3A_2215, %get3A_2216] {strides = array<i32>} : memref<80x128xf32, #tpu.memory_space<vmem>>, vector<1x16xf32>,
      %get3A_2218 = vector.shape_cast %get3A_2217 : vector<1x16xf32> to vector<16xf32>
      %add3A_2219 = arith.addf %add3A_2213, %get3A_2218 : vector<16xf32>
      %get3A_2220 = arith.constant 58 : i32
      %get3A_2221 = arith.index_cast %get3A_2220 : i32 to index
      %get3A_2222 = arith.constant 0 : index
      %get3A_2223 = tpu.vector_load %arg6[%get3A_2221, %get3A_2222] {strides = array<i32>} : memref<80x128xf32, #tpu.memory_space<vmem>>, vector<1x16xf32>,
      %get3A_2224 = vector.shape_cast %get3A_2223 : vector<1x16xf32> to vector<16xf32>
      %add3A_2225 = arith.addf %add3A_2219, %get3A_2224 : vector<16xf32>
      %get3A_2226 = arith.constant 59 : i32
      %get3A_2227 = arith.index_cast %get3A_2226 : i32 to index
      %get3A_2228 = arith.constant 0 : index
      %get3A_2229 = tpu.vector_load %arg6[%get3A_2227, %get3A_2228] {strides = array<i32>} : memref<80x128xf32, #tpu.memory_space<vmem>>, vector<1x16xf32>,
      %get3A_2230 = vector.shape_cast %get3A_2229 : vector<1x16xf32> to vector<16xf32>
      %add3A_2231 = arith.addf %add3A_2225, %get3A_2230 : vector<16xf32>
      %mul3A_2232 = arith.constant 5.000000e-02 : f32
      %mul3A_2233 = vector.broadcast %mul3A_2232 : f32 to vector<16xf32>
      %mul3A_2234 = arith.mulf %add3A_2231, %mul3A_2233 : vector<16xf32>
      %mul3A_2235 = arith.constant 4 : i32
      %mul3A_2236 = arith.muli %scan3A_8, %mul3A_2235 : i32
      %add3A_2237 = arith.constant 2 : i32
      %add3A_2238 = arith.addi %mul3A_2236, %add3A_2237 : i32
      %swap3A_2239 = arith.index_cast %add3A_2238 : i32 to index
      %swap3A_2240 = arith.constant 0 : index
      %swap3A_2241 = tpu.vector_load %arg7[%swap3A_2239, %swap3A_2240] {strides = array<i32>} : memref<128x128xf32, #tpu.memory_space<vmem>>, vector<1x16xf32>,
      %swap3A_2242 = vector.shape_cast %swap3A_2241 : vector<1x16xf32> to vector<16xf32>
      %swap3A_2243 = vector.shape_cast %mul3A_2234 : vector<16xf32> to vector<1x16xf32>
      tpu.vector_store %arg7[%swap3A_2239, %swap3A_2240], %swap3A_2243 {strides = array<i32>} : memref<128x128xf32, #tpu.memory_space<vmem>>, vector<1x16xf32>,
      %get3A_2244 = arith.constant 40 : i32
      %get3A_2245 = arith.index_cast %get3A_2244 : i32 to index
      %get3A_2246 = arith.constant 16 : index
      %get3A_2247 = tpu.vector_load %arg6[%get3A_2245, %get3A_2246] {strides = array<i32>} : memref<80x128xf32, #tpu.memory_space<vmem>>, vector<1x16xf32>,
      %get3A_2248 = vector.shape_cast %get3A_2247 : vector<1x16xf32> to vector<16xf32>
      %get3A_2249 = arith.constant 41 : i32
      %get3A_2250 = arith.index_cast %get3A_2249 : i32 to index
      %get3A_2251 = arith.constant 16 : index
      %get3A_2252 = tpu.vector_load %arg6[%get3A_2250, %get3A_2251] {strides = array<i32>} : memref<80x128xf32, #tpu.memory_space<vmem>>, vector<1x16xf32>,
      %get3A_2253 = vector.shape_cast %get3A_2252 : vector<1x16xf32> to vector<16xf32>
      %add3A_2254 = arith.addf %get3A_2248, %get3A_2253 : vector<16xf32>
      %get3A_2255 = arith.constant 42 : i32
      %get3A_2256 = arith.index_cast %get3A_2255 : i32 to index
      %get3A_2257 = arith.constant 16 : index
      %get3A_2258 = tpu.vector_load %arg6[%get3A_2256, %get3A_2257] {strides = array<i32>} : memref<80x128xf32, #tpu.memory_space<vmem>>, vector<1x16xf32>,
      %get3A_2259 = vector.shape_cast %get3A_2258 : vector<1x16xf32> to vector<16xf32>
      %add3A_2260 = arith.addf %add3A_2254, %get3A_2259 : vector<16xf32>
      %get3A_2261 = arith.constant 43 : i32
      %get3A_2262 = arith.index_cast %get3A_2261 : i32 to index
      %get3A_2263 = arith.constant 16 : index
      %get3A_2264 = tpu.vector_load %arg6[%get3A_2262, %get3A_2263] {strides = array<i32>} : memref<80x128xf32, #tpu.memory_space<vmem>>, vector<1x16xf32>,
      %get3A_2265 = vector.shape_cast %get3A_2264 : vector<1x16xf32> to vector<16xf32>
      %add3A_2266 = arith.addf %add3A_2260, %get3A_2265 : vector<16xf32>
      %get3A_2267 = arith.constant 44 : i32
      %get3A_2268 = arith.index_cast %get3A_2267 : i32 to index
      %get3A_2269 = arith.constant 16 : index
      %get3A_2270 = tpu.vector_load %arg6[%get3A_2268, %get3A_2269] {strides = array<i32>} : memref<80x128xf32, #tpu.memory_space<vmem>>, vector<1x16xf32>,
      %get3A_2271 = vector.shape_cast %get3A_2270 : vector<1x16xf32> to vector<16xf32>
      %add3A_2272 = arith.addf %add3A_2266, %get3A_2271 : vector<16xf32>
      %get3A_2273 = arith.constant 45 : i32
      %get3A_2274 = arith.index_cast %get3A_2273 : i32 to index
      %get3A_2275 = arith.constant 16 : index
      %get3A_2276 = tpu.vector_load %arg6[%get3A_2274, %get3A_2275] {strides = array<i32>} : memref<80x128xf32, #tpu.memory_space<vmem>>, vector<1x16xf32>,
      %get3A_2277 = vector.shape_cast %get3A_2276 : vector<1x16xf32> to vector<16xf32>
      %add3A_2278 = arith.addf %add3A_2272, %get3A_2277 : vector<16xf32>
      %get3A_2279 = arith.constant 46 : i32
      %get3A_2280 = arith.index_cast %get3A_2279 : i32 to index
      %get3A_2281 = arith.constant 16 : index
      %get3A_2282 = tpu.vector_load %arg6[%get3A_2280, %get3A_2281] {strides = array<i32>} : memref<80x128xf32, #tpu.memory_space<vmem>>, vector<1x16xf32>,
      %get3A_2283 = vector.shape_cast %get3A_2282 : vector<1x16xf32> to vector<16xf32>
      %add3A_2284 = arith.addf %add3A_2278, %get3A_2283 : vector<16xf32>
      %get3A_2285 = arith.constant 47 : i32
      %get3A_2286 = arith.index_cast %get3A_2285 : i32 to index
      %get3A_2287 = arith.constant 16 : index
      %get3A_2288 = tpu.vector_load %arg6[%get3A_2286, %get3A_2287] {strides = array<i32>} : memref<80x128xf32, #tpu.memory_space<vmem>>, vector<1x16xf32>,
      %get3A_2289 = vector.shape_cast %get3A_2288 : vector<1x16xf32> to vector<16xf32>
      %add3A_2290 = arith.addf %add3A_2284, %get3A_2289 : vector<16xf32>
      %get3A_2291 = arith.constant 48 : i32
      %get3A_2292 = arith.index_cast %get3A_2291 : i32 to index
      %get3A_2293 = arith.constant 16 : index
      %get3A_2294 = tpu.vector_load %arg6[%get3A_2292, %get3A_2293] {strides = array<i32>} : memref<80x128xf32, #tpu.memory_space<vmem>>, vector<1x16xf32>,
      %get3A_2295 = vector.shape_cast %get3A_2294 : vector<1x16xf32> to vector<16xf32>
      %add3A_2296 = arith.addf %add3A_2290, %get3A_2295 : vector<16xf32>
      %get3A_2297 = arith.constant 49 : i32
      %get3A_2298 = arith.index_cast %get3A_2297 : i32 to index
      %get3A_2299 = arith.constant 16 : index
      %get3A_2300 = tpu.vector_load %arg6[%get3A_2298, %get3A_2299] {strides = array<i32>} : memref<80x128xf32, #tpu.memory_space<vmem>>, vector<1x16xf32>,
      %get3A_2301 = vector.shape_cast %get3A_2300 : vector<1x16xf32> to vector<16xf32>
      %add3A_2302 = arith.addf %add3A_2296, %get3A_2301 : vector<16xf32>
      %get3A_2303 = arith.constant 50 : i32
      %get3A_2304 = arith.index_cast %get3A_2303 : i32 to index
      %get3A_2305 = arith.constant 16 : index
      %get3A_2306 = tpu.vector_load %arg6[%get3A_2304, %get3A_2305] {strides = array<i32>} : memref<80x128xf32, #tpu.memory_space<vmem>>, vector<1x16xf32>,
      %get3A_2307 = vector.shape_cast %get3A_2306 : vector<1x16xf32> to vector<16xf32>
      %add3A_2308 = arith.addf %add3A_2302, %get3A_2307 : vector<16xf32>
      %get3A_2309 = arith.constant 51 : i32
      %get3A_2310 = arith.index_cast %get3A_2309 : i32 to index
      %get3A_2311 = arith.constant 16 : index
      %get3A_2312 = tpu.vector_load %arg6[%get3A_2310, %get3A_2311] {strides = array<i32>} : memref<80x128xf32, #tpu.memory_space<vmem>>, vector<1x16xf32>,
      %get3A_2313 = vector.shape_cast %get3A_2312 : vector<1x16xf32> to vector<16xf32>
      %add3A_2314 = arith.addf %add3A_2308, %get3A_2313 : vector<16xf32>
      %get3A_2315 = arith.constant 52 : i32
      %get3A_2316 = arith.index_cast %get3A_2315 : i32 to index
      %get3A_2317 = arith.constant 16 : index
      %get3A_2318 = tpu.vector_load %arg6[%get3A_2316, %get3A_2317] {strides = array<i32>} : memref<80x128xf32, #tpu.memory_space<vmem>>, vector<1x16xf32>,
      %get3A_2319 = vector.shape_cast %get3A_2318 : vector<1x16xf32> to vector<16xf32>
      %add3A_2320 = arith.addf %add3A_2314, %get3A_2319 : vector<16xf32>
      %get3A_2321 = arith.constant 53 : i32
      %get3A_2322 = arith.index_cast %get3A_2321 : i32 to index
      %get3A_2323 = arith.constant 16 : index
      %get3A_2324 = tpu.vector_load %arg6[%get3A_2322, %get3A_2323] {strides = array<i32>} : memref<80x128xf32, #tpu.memory_space<vmem>>, vector<1x16xf32>,
      %get3A_2325 = vector.shape_cast %get3A_2324 : vector<1x16xf32> to vector<16xf32>
      %add3A_2326 = arith.addf %add3A_2320, %get3A_2325 : vector<16xf32>
      %get3A_2327 = arith.constant 54 : i32
      %get3A_2328 = arith.index_cast %get3A_2327 : i32 to index
      %get3A_2329 = arith.constant 16 : index
      %get3A_2330 = tpu.vector_load %arg6[%get3A_2328, %get3A_2329] {strides = array<i32>} : memref<80x128xf32, #tpu.memory_space<vmem>>, vector<1x16xf32>,
      %get3A_2331 = vector.shape_cast %get3A_2330 : vector<1x16xf32> to vector<16xf32>
      %add3A_2332 = arith.addf %add3A_2326, %get3A_2331 : vector<16xf32>
      %get3A_2333 = arith.constant 55 : i32
      %get3A_2334 = arith.index_cast %get3A_2333 : i32 to index
      %get3A_2335 = arith.constant 16 : index
      %get3A_2336 = tpu.vector_load %arg6[%get3A_2334, %get3A_2335] {strides = array<i32>} : memref<80x128xf32, #tpu.memory_space<vmem>>, vector<1x16xf32>,
      %get3A_2337 = vector.shape_cast %get3A_2336 : vector<1x16xf32> to vector<16xf32>
      %add3A_2338 = arith.addf %add3A_2332, %get3A_2337 : vector<16xf32>
      %get3A_2339 = arith.constant 56 : i32
      %get3A_2340 = arith.index_cast %get3A_2339 : i32 to index
      %get3A_2341 = arith.constant 16 : index
      %get3A_2342 = tpu.vector_load %arg6[%get3A_2340, %get3A_2341] {strides = array<i32>} : memref<80x128xf32, #tpu.memory_space<vmem>>, vector<1x16xf32>,
      %get3A_2343 = vector.shape_cast %get3A_2342 : vector<1x16xf32> to vector<16xf32>
      %add3A_2344 = arith.addf %add3A_2338, %get3A_2343 : vector<16xf32>
      %get3A_2345 = arith.constant 57 : i32
      %get3A_2346 = arith.index_cast %get3A_2345 : i32 to index
      %get3A_2347 = arith.constant 16 : index
      %get3A_2348 = tpu.vector_load %arg6[%get3A_2346, %get3A_2347] {strides = array<i32>} : memref<80x128xf32, #tpu.memory_space<vmem>>, vector<1x16xf32>,
      %get3A_2349 = vector.shape_cast %get3A_2348 : vector<1x16xf32> to vector<16xf32>
      %add3A_2350 = arith.addf %add3A_2344, %get3A_2349 : vector<16xf32>
      %get3A_2351 = arith.constant 58 : i32
      %get3A_2352 = arith.index_cast %get3A_2351 : i32 to index
      %get3A_2353 = arith.constant 16 : index
      %get3A_2354 = tpu.vector_load %arg6[%get3A_2352, %get3A_2353] {strides = array<i32>} : memref<80x128xf32, #tpu.memory_space<vmem>>, vector<1x16xf32>,
      %get3A_2355 = vector.shape_cast %get3A_2354 : vector<1x16xf32> to vector<16xf32>
      %add3A_2356 = arith.addf %add3A_2350, %get3A_2355 : vector<16xf32>
      %get3A_2357 = arith.constant 59 : i32
      %get3A_2358 = arith.index_cast %get3A_2357 : i32 to index
      %get3A_2359 = arith.constant 16 : index
      %get3A_2360 = tpu.vector_load %arg6[%get3A_2358, %get3A_2359] {strides = array<i32>} : memref<80x128xf32, #tpu.memory_space<vmem>>, vector<1x16xf32>,
      %get3A_2361 = vector.shape_cast %get3A_2360 : vector<1x16xf32> to vector<16xf32>
      %add3A_2362 = arith.addf %add3A_2356, %get3A_2361 : vector<16xf32>
      %mul3A_2363 = arith.constant 5.000000e-02 : f32
      %mul3A_2364 = vector.broadcast %mul3A_2363 : f32 to vector<16xf32>
      %mul3A_2365 = arith.mulf %add3A_2362, %mul3A_2364 : vector<16xf32>
      %mul3A_2366 = arith.constant 4 : i32
      %mul3A_2367 = arith.muli %scan3A_8, %mul3A_2366 : i32
      %add3A_2368 = arith.constant 2 : i32
      %add3A_2369 = arith.addi %mul3A_2367, %add3A_2368 : i32
      %swap3A_2370 = arith.index_cast %add3A_2369 : i32 to index
      %swap3A_2371 = arith.constant 16 : index
      %swap3A_2372 = tpu.vector_load %arg7[%swap3A_2370, %swap3A_2371] {strides = array<i32>} : memref<128x128xf32, #tpu.memory_space<vmem>>, vector<1x16xf32>,
      %swap3A_2373 = vector.shape_cast %swap3A_2372 : vector<1x16xf32> to vector<16xf32>
      %swap3A_2374 = vector.shape_cast %mul3A_2365 : vector<16xf32> to vector<1x16xf32>
      tpu.vector_store %arg7[%swap3A_2370, %swap3A_2371], %swap3A_2374 {strides = array<i32>} : memref<128x128xf32, #tpu.memory_space<vmem>>, vector<1x16xf32>,
      %get3A_2375 = arith.constant 40 : i32
      %get3A_2376 = arith.index_cast %get3A_2375 : i32 to index
      %get3A_2377 = arith.constant 32 : index
      %get3A_2378 = tpu.vector_load %arg6[%get3A_2376, %get3A_2377] {strides = array<i32>} : memref<80x128xf32, #tpu.memory_space<vmem>>, vector<1x16xf32>,
      %get3A_2379 = vector.shape_cast %get3A_2378 : vector<1x16xf32> to vector<16xf32>
      %get3A_2380 = arith.constant 41 : i32
      %get3A_2381 = arith.index_cast %get3A_2380 : i32 to index
      %get3A_2382 = arith.constant 32 : index
      %get3A_2383 = tpu.vector_load %arg6[%get3A_2381, %get3A_2382] {strides = array<i32>} : memref<80x128xf32, #tpu.memory_space<vmem>>, vector<1x16xf32>,
      %get3A_2384 = vector.shape_cast %get3A_2383 : vector<1x16xf32> to vector<16xf32>
      %add3A_2385 = arith.addf %get3A_2379, %get3A_2384 : vector<16xf32>
      %get3A_2386 = arith.constant 42 : i32
      %get3A_2387 = arith.index_cast %get3A_2386 : i32 to index
      %get3A_2388 = arith.constant 32 : index
      %get3A_2389 = tpu.vector_load %arg6[%get3A_2387, %get3A_2388] {strides = array<i32>} : memref<80x128xf32, #tpu.memory_space<vmem>>, vector<1x16xf32>,
      %get3A_2390 = vector.shape_cast %get3A_2389 : vector<1x16xf32> to vector<16xf32>
      %add3A_2391 = arith.addf %add3A_2385, %get3A_2390 : vector<16xf32>
      %get3A_2392 = arith.constant 43 : i32
      %get3A_2393 = arith.index_cast %get3A_2392 : i32 to index
      %get3A_2394 = arith.constant 32 : index
      %get3A_2395 = tpu.vector_load %arg6[%get3A_2393, %get3A_2394] {strides = array<i32>} : memref<80x128xf32, #tpu.memory_space<vmem>>, vector<1x16xf32>,
      %get3A_2396 = vector.shape_cast %get3A_2395 : vector<1x16xf32> to vector<16xf32>
      %add3A_2397 = arith.addf %add3A_2391, %get3A_2396 : vector<16xf32>
      %get3A_2398 = arith.constant 44 : i32
      %get3A_2399 = arith.index_cast %get3A_2398 : i32 to index
      %get3A_2400 = arith.constant 32 : index
      %get3A_2401 = tpu.vector_load %arg6[%get3A_2399, %get3A_2400] {strides = array<i32>} : memref<80x128xf32, #tpu.memory_space<vmem>>, vector<1x16xf32>,
      %get3A_2402 = vector.shape_cast %get3A_2401 : vector<1x16xf32> to vector<16xf32>
      %add3A_2403 = arith.addf %add3A_2397, %get3A_2402 : vector<16xf32>
      %get3A_2404 = arith.constant 45 : i32
      %get3A_2405 = arith.index_cast %get3A_2404 : i32 to index
      %get3A_2406 = arith.constant 32 : index
      %get3A_2407 = tpu.vector_load %arg6[%get3A_2405, %get3A_2406] {strides = array<i32>} : memref<80x128xf32, #tpu.memory_space<vmem>>, vector<1x16xf32>,
      %get3A_2408 = vector.shape_cast %get3A_2407 : vector<1x16xf32> to vector<16xf32>
      %add3A_2409 = arith.addf %add3A_2403, %get3A_2408 : vector<16xf32>
      %get3A_2410 = arith.constant 46 : i32
      %get3A_2411 = arith.index_cast %get3A_2410 : i32 to index
      %get3A_2412 = arith.constant 32 : index
      %get3A_2413 = tpu.vector_load %arg6[%get3A_2411, %get3A_2412] {strides = array<i32>} : memref<80x128xf32, #tpu.memory_space<vmem>>, vector<1x16xf32>,
      %get3A_2414 = vector.shape_cast %get3A_2413 : vector<1x16xf32> to vector<16xf32>
      %add3A_2415 = arith.addf %add3A_2409, %get3A_2414 : vector<16xf32>
      %get3A_2416 = arith.constant 47 : i32
      %get3A_2417 = arith.index_cast %get3A_2416 : i32 to index
      %get3A_2418 = arith.constant 32 : index
      %get3A_2419 = tpu.vector_load %arg6[%get3A_2417, %get3A_2418] {strides = array<i32>} : memref<80x128xf32, #tpu.memory_space<vmem>>, vector<1x16xf32>,
      %get3A_2420 = vector.shape_cast %get3A_2419 : vector<1x16xf32> to vector<16xf32>
      %add3A_2421 = arith.addf %add3A_2415, %get3A_2420 : vector<16xf32>
      %get3A_2422 = arith.constant 48 : i32
      %get3A_2423 = arith.index_cast %get3A_2422 : i32 to index
      %get3A_2424 = arith.constant 32 : index
      %get3A_2425 = tpu.vector_load %arg6[%get3A_2423, %get3A_2424] {strides = array<i32>} : memref<80x128xf32, #tpu.memory_space<vmem>>, vector<1x16xf32>,
      %get3A_2426 = vector.shape_cast %get3A_2425 : vector<1x16xf32> to vector<16xf32>
      %add3A_2427 = arith.addf %add3A_2421, %get3A_2426 : vector<16xf32>
      %get3A_2428 = arith.constant 49 : i32
      %get3A_2429 = arith.index_cast %get3A_2428 : i32 to index
      %get3A_2430 = arith.constant 32 : index
      %get3A_2431 = tpu.vector_load %arg6[%get3A_2429, %get3A_2430] {strides = array<i32>} : memref<80x128xf32, #tpu.memory_space<vmem>>, vector<1x16xf32>,
      %get3A_2432 = vector.shape_cast %get3A_2431 : vector<1x16xf32> to vector<16xf32>
      %add3A_2433 = arith.addf %add3A_2427, %get3A_2432 : vector<16xf32>
      %get3A_2434 = arith.constant 50 : i32
      %get3A_2435 = arith.index_cast %get3A_2434 : i32 to index
      %get3A_2436 = arith.constant 32 : index
      %get3A_2437 = tpu.vector_load %arg6[%get3A_2435, %get3A_2436] {strides = array<i32>} : memref<80x128xf32, #tpu.memory_space<vmem>>, vector<1x16xf32>,
      %get3A_2438 = vector.shape_cast %get3A_2437 : vector<1x16xf32> to vector<16xf32>
      %add3A_2439 = arith.addf %add3A_2433, %get3A_2438 : vector<16xf32>
      %get3A_2440 = arith.constant 51 : i32
      %get3A_2441 = arith.index_cast %get3A_2440 : i32 to index
      %get3A_2442 = arith.constant 32 : index
      %get3A_2443 = tpu.vector_load %arg6[%get3A_2441, %get3A_2442] {strides = array<i32>} : memref<80x128xf32, #tpu.memory_space<vmem>>, vector<1x16xf32>,
      %get3A_2444 = vector.shape_cast %get3A_2443 : vector<1x16xf32> to vector<16xf32>
      %add3A_2445 = arith.addf %add3A_2439, %get3A_2444 : vector<16xf32>
      %get3A_2446 = arith.constant 52 : i32
      %get3A_2447 = arith.index_cast %get3A_2446 : i32 to index
      %get3A_2448 = arith.constant 32 : index
      %get3A_2449 = tpu.vector_load %arg6[%get3A_2447, %get3A_2448] {strides = array<i32>} : memref<80x128xf32, #tpu.memory_space<vmem>>, vector<1x16xf32>,
      %get3A_2450 = vector.shape_cast %get3A_2449 : vector<1x16xf32> to vector<16xf32>
      %add3A_2451 = arith.addf %add3A_2445, %get3A_2450 : vector<16xf32>
      %get3A_2452 = arith.constant 53 : i32
      %get3A_2453 = arith.index_cast %get3A_2452 : i32 to index
      %get3A_2454 = arith.constant 32 : index
      %get3A_2455 = tpu.vector_load %arg6[%get3A_2453, %get3A_2454] {strides = array<i32>} : memref<80x128xf32, #tpu.memory_space<vmem>>, vector<1x16xf32>,
      %get3A_2456 = vector.shape_cast %get3A_2455 : vector<1x16xf32> to vector<16xf32>
      %add3A_2457 = arith.addf %add3A_2451, %get3A_2456 : vector<16xf32>
      %get3A_2458 = arith.constant 54 : i32
      %get3A_2459 = arith.index_cast %get3A_2458 : i32 to index
      %get3A_2460 = arith.constant 32 : index
      %get3A_2461 = tpu.vector_load %arg6[%get3A_2459, %get3A_2460] {strides = array<i32>} : memref<80x128xf32, #tpu.memory_space<vmem>>, vector<1x16xf32>,
      %get3A_2462 = vector.shape_cast %get3A_2461 : vector<1x16xf32> to vector<16xf32>
      %add3A_2463 = arith.addf %add3A_2457, %get3A_2462 : vector<16xf32>
      %get3A_2464 = arith.constant 55 : i32
      %get3A_2465 = arith.index_cast %get3A_2464 : i32 to index
      %get3A_2466 = arith.constant 32 : index
      %get3A_2467 = tpu.vector_load %arg6[%get3A_2465, %get3A_2466] {strides = array<i32>} : memref<80x128xf32, #tpu.memory_space<vmem>>, vector<1x16xf32>,
      %get3A_2468 = vector.shape_cast %get3A_2467 : vector<1x16xf32> to vector<16xf32>
      %add3A_2469 = arith.addf %add3A_2463, %get3A_2468 : vector<16xf32>
      %get3A_2470 = arith.constant 56 : i32
      %get3A_2471 = arith.index_cast %get3A_2470 : i32 to index
      %get3A_2472 = arith.constant 32 : index
      %get3A_2473 = tpu.vector_load %arg6[%get3A_2471, %get3A_2472] {strides = array<i32>} : memref<80x128xf32, #tpu.memory_space<vmem>>, vector<1x16xf32>,
      %get3A_2474 = vector.shape_cast %get3A_2473 : vector<1x16xf32> to vector<16xf32>
      %add3A_2475 = arith.addf %add3A_2469, %get3A_2474 : vector<16xf32>
      %get3A_2476 = arith.constant 57 : i32
      %get3A_2477 = arith.index_cast %get3A_2476 : i32 to index
      %get3A_2478 = arith.constant 32 : index
      %get3A_2479 = tpu.vector_load %arg6[%get3A_2477, %get3A_2478] {strides = array<i32>} : memref<80x128xf32, #tpu.memory_space<vmem>>, vector<1x16xf32>,
      %get3A_2480 = vector.shape_cast %get3A_2479 : vector<1x16xf32> to vector<16xf32>
      %add3A_2481 = arith.addf %add3A_2475, %get3A_2480 : vector<16xf32>
      %get3A_2482 = arith.constant 58 : i32
      %get3A_2483 = arith.index_cast %get3A_2482 : i32 to index
      %get3A_2484 = arith.constant 32 : index
      %get3A_2485 = tpu.vector_load %arg6[%get3A_2483, %get3A_2484] {strides = array<i32>} : memref<80x128xf32, #tpu.memory_space<vmem>>, vector<1x16xf32>,
      %get3A_2486 = vector.shape_cast %get3A_2485 : vector<1x16xf32> to vector<16xf32>
      %add3A_2487 = arith.addf %add3A_2481, %get3A_2486 : vector<16xf32>
      %get3A_2488 = arith.constant 59 : i32
      %get3A_2489 = arith.index_cast %get3A_2488 : i32 to index
      %get3A_2490 = arith.constant 32 : index
      %get3A_2491 = tpu.vector_load %arg6[%get3A_2489, %get3A_2490] {strides = array<i32>} : memref<80x128xf32, #tpu.memory_space<vmem>>, vector<1x16xf32>,
      %get3A_2492 = vector.shape_cast %get3A_2491 : vector<1x16xf32> to vector<16xf32>
      %add3A_2493 = arith.addf %add3A_2487, %get3A_2492 : vector<16xf32>
      %mul3A_2494 = arith.constant 5.000000e-02 : f32
      %mul3A_2495 = vector.broadcast %mul3A_2494 : f32 to vector<16xf32>
      %mul3A_2496 = arith.mulf %add3A_2493, %mul3A_2495 : vector<16xf32>
      %mul3A_2497 = arith.constant 4 : i32
      %mul3A_2498 = arith.muli %scan3A_8, %mul3A_2497 : i32
      %add3A_2499 = arith.constant 2 : i32
      %add3A_2500 = arith.addi %mul3A_2498, %add3A_2499 : i32
      %swap3A_2501 = arith.index_cast %add3A_2500 : i32 to index
      %swap3A_2502 = arith.constant 32 : index
      %swap3A_2503 = tpu.vector_load %arg7[%swap3A_2501, %swap3A_2502] {strides = array<i32>} : memref<128x128xf32, #tpu.memory_space<vmem>>, vector<1x16xf32>,
      %swap3A_2504 = vector.shape_cast %swap3A_2503 : vector<1x16xf32> to vector<16xf32>
      %swap3A_2505 = vector.shape_cast %mul3A_2496 : vector<16xf32> to vector<1x16xf32>
      tpu.vector_store %arg7[%swap3A_2501, %swap3A_2502], %swap3A_2505 {strides = array<i32>} : memref<128x128xf32, #tpu.memory_space<vmem>>, vector<1x16xf32>,
      %get3A_2506 = arith.constant 40 : i32
      %get3A_2507 = arith.index_cast %get3A_2506 : i32 to index
      %get3A_2508 = arith.constant 48 : index
      %get3A_2509 = tpu.vector_load %arg6[%get3A_2507, %get3A_2508] {strides = array<i32>} : memref<80x128xf32, #tpu.memory_space<vmem>>, vector<1x16xf32>,
      %get3A_2510 = vector.shape_cast %get3A_2509 : vector<1x16xf32> to vector<16xf32>
      %get3A_2511 = arith.constant 41 : i32
      %get3A_2512 = arith.index_cast %get3A_2511 : i32 to index
      %get3A_2513 = arith.constant 48 : index
      %get3A_2514 = tpu.vector_load %arg6[%get3A_2512, %get3A_2513] {strides = array<i32>} : memref<80x128xf32, #tpu.memory_space<vmem>>, vector<1x16xf32>,
      %get3A_2515 = vector.shape_cast %get3A_2514 : vector<1x16xf32> to vector<16xf32>
      %add3A_2516 = arith.addf %get3A_2510, %get3A_2515 : vector<16xf32>
      %get3A_2517 = arith.constant 42 : i32
      %get3A_2518 = arith.index_cast %get3A_2517 : i32 to index
      %get3A_2519 = arith.constant 48 : index
      %get3A_2520 = tpu.vector_load %arg6[%get3A_2518, %get3A_2519] {strides = array<i32>} : memref<80x128xf32, #tpu.memory_space<vmem>>, vector<1x16xf32>,
      %get3A_2521 = vector.shape_cast %get3A_2520 : vector<1x16xf32> to vector<16xf32>
      %add3A_2522 = arith.addf %add3A_2516, %get3A_2521 : vector<16xf32>
      %get3A_2523 = arith.constant 43 : i32
      %get3A_2524 = arith.index_cast %get3A_2523 : i32 to index
      %get3A_2525 = arith.constant 48 : index
      %get3A_2526 = tpu.vector_load %arg6[%get3A_2524, %get3A_2525] {strides = array<i32>} : memref<80x128xf32, #tpu.memory_space<vmem>>, vector<1x16xf32>,
      %get3A_2527 = vector.shape_cast %get3A_2526 : vector<1x16xf32> to vector<16xf32>
      %add3A_2528 = arith.addf %add3A_2522, %get3A_2527 : vector<16xf32>
      %get3A_2529 = arith.constant 44 : i32
      %get3A_2530 = arith.index_cast %get3A_2529 : i32 to index
      %get3A_2531 = arith.constant 48 : index
      %get3A_2532 = tpu.vector_load %arg6[%get3A_2530, %get3A_2531] {strides = array<i32>} : memref<80x128xf32, #tpu.memory_space<vmem>>, vector<1x16xf32>,
      %get3A_2533 = vector.shape_cast %get3A_2532 : vector<1x16xf32> to vector<16xf32>
      %add3A_2534 = arith.addf %add3A_2528, %get3A_2533 : vector<16xf32>
      %get3A_2535 = arith.constant 45 : i32
      %get3A_2536 = arith.index_cast %get3A_2535 : i32 to index
      %get3A_2537 = arith.constant 48 : index
      %get3A_2538 = tpu.vector_load %arg6[%get3A_2536, %get3A_2537] {strides = array<i32>} : memref<80x128xf32, #tpu.memory_space<vmem>>, vector<1x16xf32>,
      %get3A_2539 = vector.shape_cast %get3A_2538 : vector<1x16xf32> to vector<16xf32>
      %add3A_2540 = arith.addf %add3A_2534, %get3A_2539 : vector<16xf32>
      %get3A_2541 = arith.constant 46 : i32
      %get3A_2542 = arith.index_cast %get3A_2541 : i32 to index
      %get3A_2543 = arith.constant 48 : index
      %get3A_2544 = tpu.vector_load %arg6[%get3A_2542, %get3A_2543] {strides = array<i32>} : memref<80x128xf32, #tpu.memory_space<vmem>>, vector<1x16xf32>,
      %get3A_2545 = vector.shape_cast %get3A_2544 : vector<1x16xf32> to vector<16xf32>
      %add3A_2546 = arith.addf %add3A_2540, %get3A_2545 : vector<16xf32>
      %get3A_2547 = arith.constant 47 : i32
      %get3A_2548 = arith.index_cast %get3A_2547 : i32 to index
      %get3A_2549 = arith.constant 48 : index
      %get3A_2550 = tpu.vector_load %arg6[%get3A_2548, %get3A_2549] {strides = array<i32>} : memref<80x128xf32, #tpu.memory_space<vmem>>, vector<1x16xf32>,
      %get3A_2551 = vector.shape_cast %get3A_2550 : vector<1x16xf32> to vector<16xf32>
      %add3A_2552 = arith.addf %add3A_2546, %get3A_2551 : vector<16xf32>
      %get3A_2553 = arith.constant 48 : i32
      %get3A_2554 = arith.index_cast %get3A_2553 : i32 to index
      %get3A_2555 = arith.constant 48 : index
      %get3A_2556 = tpu.vector_load %arg6[%get3A_2554, %get3A_2555] {strides = array<i32>} : memref<80x128xf32, #tpu.memory_space<vmem>>, vector<1x16xf32>,
      %get3A_2557 = vector.shape_cast %get3A_2556 : vector<1x16xf32> to vector<16xf32>
      %add3A_2558 = arith.addf %add3A_2552, %get3A_2557 : vector<16xf32>
      %get3A_2559 = arith.constant 49 : i32
      %get3A_2560 = arith.index_cast %get3A_2559 : i32 to index
      %get3A_2561 = arith.constant 48 : index
      %get3A_2562 = tpu.vector_load %arg6[%get3A_2560, %get3A_2561] {strides = array<i32>} : memref<80x128xf32, #tpu.memory_space<vmem>>, vector<1x16xf32>,
      %get3A_2563 = vector.shape_cast %get3A_2562 : vector<1x16xf32> to vector<16xf32>
      %add3A_2564 = arith.addf %add3A_2558, %get3A_2563 : vector<16xf32>
      %get3A_2565 = arith.constant 50 : i32
      %get3A_2566 = arith.index_cast %get3A_2565 : i32 to index
      %get3A_2567 = arith.constant 48 : index
      %get3A_2568 = tpu.vector_load %arg6[%get3A_2566, %get3A_2567] {strides = array<i32>} : memref<80x128xf32, #tpu.memory_space<vmem>>, vector<1x16xf32>,
      %get3A_2569 = vector.shape_cast %get3A_2568 : vector<1x16xf32> to vector<16xf32>
      %add3A_2570 = arith.addf %add3A_2564, %get3A_2569 : vector<16xf32>
      %get3A_2571 = arith.constant 51 : i32
      %get3A_2572 = arith.index_cast %get3A_2571 : i32 to index
      %get3A_2573 = arith.constant 48 : index
      %get3A_2574 = tpu.vector_load %arg6[%get3A_2572, %get3A_2573] {strides = array<i32>} : memref<80x128xf32, #tpu.memory_space<vmem>>, vector<1x16xf32>,
      %get3A_2575 = vector.shape_cast %get3A_2574 : vector<1x16xf32> to vector<16xf32>
      %add3A_2576 = arith.addf %add3A_2570, %get3A_2575 : vector<16xf32>
      %get3A_2577 = arith.constant 52 : i32
      %get3A_2578 = arith.index_cast %get3A_2577 : i32 to index
      %get3A_2579 = arith.constant 48 : index
      %get3A_2580 = tpu.vector_load %arg6[%get3A_2578, %get3A_2579] {strides = array<i32>} : memref<80x128xf32, #tpu.memory_space<vmem>>, vector<1x16xf32>,
      %get3A_2581 = vector.shape_cast %get3A_2580 : vector<1x16xf32> to vector<16xf32>
      %add3A_2582 = arith.addf %add3A_2576, %get3A_2581 : vector<16xf32>
      %get3A_2583 = arith.constant 53 : i32
      %get3A_2584 = arith.index_cast %get3A_2583 : i32 to index
      %get3A_2585 = arith.constant 48 : index
      %get3A_2586 = tpu.vector_load %arg6[%get3A_2584, %get3A_2585] {strides = array<i32>} : memref<80x128xf32, #tpu.memory_space<vmem>>, vector<1x16xf32>,
      %get3A_2587 = vector.shape_cast %get3A_2586 : vector<1x16xf32> to vector<16xf32>
      %add3A_2588 = arith.addf %add3A_2582, %get3A_2587 : vector<16xf32>
      %get3A_2589 = arith.constant 54 : i32
      %get3A_2590 = arith.index_cast %get3A_2589 : i32 to index
      %get3A_2591 = arith.constant 48 : index
      %get3A_2592 = tpu.vector_load %arg6[%get3A_2590, %get3A_2591] {strides = array<i32>} : memref<80x128xf32, #tpu.memory_space<vmem>>, vector<1x16xf32>,
      %get3A_2593 = vector.shape_cast %get3A_2592 : vector<1x16xf32> to vector<16xf32>
      %add3A_2594 = arith.addf %add3A_2588, %get3A_2593 : vector<16xf32>
      %get3A_2595 = arith.constant 55 : i32
      %get3A_2596 = arith.index_cast %get3A_2595 : i32 to index
      %get3A_2597 = arith.constant 48 : index
      %get3A_2598 = tpu.vector_load %arg6[%get3A_2596, %get3A_2597] {strides = array<i32>} : memref<80x128xf32, #tpu.memory_space<vmem>>, vector<1x16xf32>,
      %get3A_2599 = vector.shape_cast %get3A_2598 : vector<1x16xf32> to vector<16xf32>
      %add3A_2600 = arith.addf %add3A_2594, %get3A_2599 : vector<16xf32>
      %get3A_2601 = arith.constant 56 : i32
      %get3A_2602 = arith.index_cast %get3A_2601 : i32 to index
      %get3A_2603 = arith.constant 48 : index
      %get3A_2604 = tpu.vector_load %arg6[%get3A_2602, %get3A_2603] {strides = array<i32>} : memref<80x128xf32, #tpu.memory_space<vmem>>, vector<1x16xf32>,
      %get3A_2605 = vector.shape_cast %get3A_2604 : vector<1x16xf32> to vector<16xf32>
      %add3A_2606 = arith.addf %add3A_2600, %get3A_2605 : vector<16xf32>
      %get3A_2607 = arith.constant 57 : i32
      %get3A_2608 = arith.index_cast %get3A_2607 : i32 to index
      %get3A_2609 = arith.constant 48 : index
      %get3A_2610 = tpu.vector_load %arg6[%get3A_2608, %get3A_2609] {strides = array<i32>} : memref<80x128xf32, #tpu.memory_space<vmem>>, vector<1x16xf32>,
      %get3A_2611 = vector.shape_cast %get3A_2610 : vector<1x16xf32> to vector<16xf32>
      %add3A_2612 = arith.addf %add3A_2606, %get3A_2611 : vector<16xf32>
      %get3A_2613 = arith.constant 58 : i32
      %get3A_2614 = arith.index_cast %get3A_2613 : i32 to index
      %get3A_2615 = arith.constant 48 : index
      %get3A_2616 = tpu.vector_load %arg6[%get3A_2614, %get3A_2615] {strides = array<i32>} : memref<80x128xf32, #tpu.memory_space<vmem>>, vector<1x16xf32>,
      %get3A_2617 = vector.shape_cast %get3A_2616 : vector<1x16xf32> to vector<16xf32>
      %add3A_2618 = arith.addf %add3A_2612, %get3A_2617 : vector<16xf32>
      %get3A_2619 = arith.constant 59 : i32
      %get3A_2620 = arith.index_cast %get3A_2619 : i32 to index
      %get3A_2621 = arith.constant 48 : index
      %get3A_2622 = tpu.vector_load %arg6[%get3A_2620, %get3A_2621] {strides = array<i32>} : memref<80x128xf32, #tpu.memory_space<vmem>>, vector<1x16xf32>,
      %get3A_2623 = vector.shape_cast %get3A_2622 : vector<1x16xf32> to vector<16xf32>
      %add3A_2624 = arith.addf %add3A_2618, %get3A_2623 : vector<16xf32>
      %mul3A_2625 = arith.constant 5.000000e-02 : f32
      %mul3A_2626 = vector.broadcast %mul3A_2625 : f32 to vector<16xf32>
      %mul3A_2627 = arith.mulf %add3A_2624, %mul3A_2626 : vector<16xf32>
      %mul3A_2628 = arith.constant 4 : i32
      %mul3A_2629 = arith.muli %scan3A_8, %mul3A_2628 : i32
      %add3A_2630 = arith.constant 2 : i32
      %add3A_2631 = arith.addi %mul3A_2629, %add3A_2630 : i32
      %swap3A_2632 = arith.index_cast %add3A_2631 : i32 to index
      %swap3A_2633 = arith.constant 48 : index
      %swap3A_2634 = tpu.vector_load %arg7[%swap3A_2632, %swap3A_2633] {strides = array<i32>} : memref<128x128xf32, #tpu.memory_space<vmem>>, vector<1x16xf32>,
      %swap3A_2635 = vector.shape_cast %swap3A_2634 : vector<1x16xf32> to vector<16xf32>
      %swap3A_2636 = vector.shape_cast %mul3A_2627 : vector<16xf32> to vector<1x16xf32>
      tpu.vector_store %arg7[%swap3A_2632, %swap3A_2633], %swap3A_2636 {strides = array<i32>} : memref<128x128xf32, #tpu.memory_space<vmem>>, vector<1x16xf32>,
      %get3A_2637 = arith.constant 40 : i32
      %get3A_2638 = arith.index_cast %get3A_2637 : i32 to index
      %get3A_2639 = arith.constant 64 : index
      %get3A_2640 = tpu.vector_load %arg6[%get3A_2638, %get3A_2639] {strides = array<i32>} : memref<80x128xf32, #tpu.memory_space<vmem>>, vector<1x16xf32>,
      %get3A_2641 = vector.shape_cast %get3A_2640 : vector<1x16xf32> to vector<16xf32>
      %get3A_2642 = arith.constant 41 : i32
      %get3A_2643 = arith.index_cast %get3A_2642 : i32 to index
      %get3A_2644 = arith.constant 64 : index
      %get3A_2645 = tpu.vector_load %arg6[%get3A_2643, %get3A_2644] {strides = array<i32>} : memref<80x128xf32, #tpu.memory_space<vmem>>, vector<1x16xf32>,
      %get3A_2646 = vector.shape_cast %get3A_2645 : vector<1x16xf32> to vector<16xf32>
      %add3A_2647 = arith.addf %get3A_2641, %get3A_2646 : vector<16xf32>
      %get3A_2648 = arith.constant 42 : i32
      %get3A_2649 = arith.index_cast %get3A_2648 : i32 to index
      %get3A_2650 = arith.constant 64 : index
      %get3A_2651 = tpu.vector_load %arg6[%get3A_2649, %get3A_2650] {strides = array<i32>} : memref<80x128xf32, #tpu.memory_space<vmem>>, vector<1x16xf32>,
      %get3A_2652 = vector.shape_cast %get3A_2651 : vector<1x16xf32> to vector<16xf32>
      %add3A_2653 = arith.addf %add3A_2647, %get3A_2652 : vector<16xf32>
      %get3A_2654 = arith.constant 43 : i32
      %get3A_2655 = arith.index_cast %get3A_2654 : i32 to index
      %get3A_2656 = arith.constant 64 : index
      %get3A_2657 = tpu.vector_load %arg6[%get3A_2655, %get3A_2656] {strides = array<i32>} : memref<80x128xf32, #tpu.memory_space<vmem>>, vector<1x16xf32>,
      %get3A_2658 = vector.shape_cast %get3A_2657 : vector<1x16xf32> to vector<16xf32>
      %add3A_2659 = arith.addf %add3A_2653, %get3A_2658 : vector<16xf32>
      %get3A_2660 = arith.constant 44 : i32
      %get3A_2661 = arith.index_cast %get3A_2660 : i32 to index
      %get3A_2662 = arith.constant 64 : index
      %get3A_2663 = tpu.vector_load %arg6[%get3A_2661, %get3A_2662] {strides = array<i32>} : memref<80x128xf32, #tpu.memory_space<vmem>>, vector<1x16xf32>,
      %get3A_2664 = vector.shape_cast %get3A_2663 : vector<1x16xf32> to vector<16xf32>
      %add3A_2665 = arith.addf %add3A_2659, %get3A_2664 : vector<16xf32>
      %get3A_2666 = arith.constant 45 : i32
      %get3A_2667 = arith.index_cast %get3A_2666 : i32 to index
      %get3A_2668 = arith.constant 64 : index
      %get3A_2669 = tpu.vector_load %arg6[%get3A_2667, %get3A_2668] {strides = array<i32>} : memref<80x128xf32, #tpu.memory_space<vmem>>, vector<1x16xf32>,
      %get3A_2670 = vector.shape_cast %get3A_2669 : vector<1x16xf32> to vector<16xf32>
      %add3A_2671 = arith.addf %add3A_2665, %get3A_2670 : vector<16xf32>
      %get3A_2672 = arith.constant 46 : i32
      %get3A_2673 = arith.index_cast %get3A_2672 : i32 to index
      %get3A_2674 = arith.constant 64 : index
      %get3A_2675 = tpu.vector_load %arg6[%get3A_2673, %get3A_2674] {strides = array<i32>} : memref<80x128xf32, #tpu.memory_space<vmem>>, vector<1x16xf32>,
      %get3A_2676 = vector.shape_cast %get3A_2675 : vector<1x16xf32> to vector<16xf32>
      %add3A_2677 = arith.addf %add3A_2671, %get3A_2676 : vector<16xf32>
      %get3A_2678 = arith.constant 47 : i32
      %get3A_2679 = arith.index_cast %get3A_2678 : i32 to index
      %get3A_2680 = arith.constant 64 : index
      %get3A_2681 = tpu.vector_load %arg6[%get3A_2679, %get3A_2680] {strides = array<i32>} : memref<80x128xf32, #tpu.memory_space<vmem>>, vector<1x16xf32>,
      %get3A_2682 = vector.shape_cast %get3A_2681 : vector<1x16xf32> to vector<16xf32>
      %add3A_2683 = arith.addf %add3A_2677, %get3A_2682 : vector<16xf32>
      %get3A_2684 = arith.constant 48 : i32
      %get3A_2685 = arith.index_cast %get3A_2684 : i32 to index
      %get3A_2686 = arith.constant 64 : index
      %get3A_2687 = tpu.vector_load %arg6[%get3A_2685, %get3A_2686] {strides = array<i32>} : memref<80x128xf32, #tpu.memory_space<vmem>>, vector<1x16xf32>,
      %get3A_2688 = vector.shape_cast %get3A_2687 : vector<1x16xf32> to vector<16xf32>
      %add3A_2689 = arith.addf %add3A_2683, %get3A_2688 : vector<16xf32>
      %get3A_2690 = arith.constant 49 : i32
      %get3A_2691 = arith.index_cast %get3A_2690 : i32 to index
      %get3A_2692 = arith.constant 64 : index
      %get3A_2693 = tpu.vector_load %arg6[%get3A_2691, %get3A_2692] {strides = array<i32>} : memref<80x128xf32, #tpu.memory_space<vmem>>, vector<1x16xf32>,
      %get3A_2694 = vector.shape_cast %get3A_2693 : vector<1x16xf32> to vector<16xf32>
      %add3A_2695 = arith.addf %add3A_2689, %get3A_2694 : vector<16xf32>
      %get3A_2696 = arith.constant 50 : i32
      %get3A_2697 = arith.index_cast %get3A_2696 : i32 to index
      %get3A_2698 = arith.constant 64 : index
      %get3A_2699 = tpu.vector_load %arg6[%get3A_2697, %get3A_2698] {strides = array<i32>} : memref<80x128xf32, #tpu.memory_space<vmem>>, vector<1x16xf32>,
      %get3A_2700 = vector.shape_cast %get3A_2699 : vector<1x16xf32> to vector<16xf32>
      %add3A_2701 = arith.addf %add3A_2695, %get3A_2700 : vector<16xf32>
      %get3A_2702 = arith.constant 51 : i32
      %get3A_2703 = arith.index_cast %get3A_2702 : i32 to index
      %get3A_2704 = arith.constant 64 : index
      %get3A_2705 = tpu.vector_load %arg6[%get3A_2703, %get3A_2704] {strides = array<i32>} : memref<80x128xf32, #tpu.memory_space<vmem>>, vector<1x16xf32>,
      %get3A_2706 = vector.shape_cast %get3A_2705 : vector<1x16xf32> to vector<16xf32>
      %add3A_2707 = arith.addf %add3A_2701, %get3A_2706 : vector<16xf32>
      %get3A_2708 = arith.constant 52 : i32
      %get3A_2709 = arith.index_cast %get3A_2708 : i32 to index
      %get3A_2710 = arith.constant 64 : index
      %get3A_2711 = tpu.vector_load %arg6[%get3A_2709, %get3A_2710] {strides = array<i32>} : memref<80x128xf32, #tpu.memory_space<vmem>>, vector<1x16xf32>,
      %get3A_2712 = vector.shape_cast %get3A_2711 : vector<1x16xf32> to vector<16xf32>
      %add3A_2713 = arith.addf %add3A_2707, %get3A_2712 : vector<16xf32>
      %get3A_2714 = arith.constant 53 : i32
      %get3A_2715 = arith.index_cast %get3A_2714 : i32 to index
      %get3A_2716 = arith.constant 64 : index
      %get3A_2717 = tpu.vector_load %arg6[%get3A_2715, %get3A_2716] {strides = array<i32>} : memref<80x128xf32, #tpu.memory_space<vmem>>, vector<1x16xf32>,
      %get3A_2718 = vector.shape_cast %get3A_2717 : vector<1x16xf32> to vector<16xf32>
      %add3A_2719 = arith.addf %add3A_2713, %get3A_2718 : vector<16xf32>
      %get3A_2720 = arith.constant 54 : i32
      %get3A_2721 = arith.index_cast %get3A_2720 : i32 to index
      %get3A_2722 = arith.constant 64 : index
      %get3A_2723 = tpu.vector_load %arg6[%get3A_2721, %get3A_2722] {strides = array<i32>} : memref<80x128xf32, #tpu.memory_space<vmem>>, vector<1x16xf32>,
      %get3A_2724 = vector.shape_cast %get3A_2723 : vector<1x16xf32> to vector<16xf32>
      %add3A_2725 = arith.addf %add3A_2719, %get3A_2724 : vector<16xf32>
      %get3A_2726 = arith.constant 55 : i32
      %get3A_2727 = arith.index_cast %get3A_2726 : i32 to index
      %get3A_2728 = arith.constant 64 : index
      %get3A_2729 = tpu.vector_load %arg6[%get3A_2727, %get3A_2728] {strides = array<i32>} : memref<80x128xf32, #tpu.memory_space<vmem>>, vector<1x16xf32>,
      %get3A_2730 = vector.shape_cast %get3A_2729 : vector<1x16xf32> to vector<16xf32>
      %add3A_2731 = arith.addf %add3A_2725, %get3A_2730 : vector<16xf32>
      %get3A_2732 = arith.constant 56 : i32
      %get3A_2733 = arith.index_cast %get3A_2732 : i32 to index
      %get3A_2734 = arith.constant 64 : index
      %get3A_2735 = tpu.vector_load %arg6[%get3A_2733, %get3A_2734] {strides = array<i32>} : memref<80x128xf32, #tpu.memory_space<vmem>>, vector<1x16xf32>,
      %get3A_2736 = vector.shape_cast %get3A_2735 : vector<1x16xf32> to vector<16xf32>
      %add3A_2737 = arith.addf %add3A_2731, %get3A_2736 : vector<16xf32>
      %get3A_2738 = arith.constant 57 : i32
      %get3A_2739 = arith.index_cast %get3A_2738 : i32 to index
      %get3A_2740 = arith.constant 64 : index
      %get3A_2741 = tpu.vector_load %arg6[%get3A_2739, %get3A_2740] {strides = array<i32>} : memref<80x128xf32, #tpu.memory_space<vmem>>, vector<1x16xf32>,
      %get3A_2742 = vector.shape_cast %get3A_2741 : vector<1x16xf32> to vector<16xf32>
      %add3A_2743 = arith.addf %add3A_2737, %get3A_2742 : vector<16xf32>
      %get3A_2744 = arith.constant 58 : i32
      %get3A_2745 = arith.index_cast %get3A_2744 : i32 to index
      %get3A_2746 = arith.constant 64 : index
      %get3A_2747 = tpu.vector_load %arg6[%get3A_2745, %get3A_2746] {strides = array<i32>} : memref<80x128xf32, #tpu.memory_space<vmem>>, vector<1x16xf32>,
      %get3A_2748 = vector.shape_cast %get3A_2747 : vector<1x16xf32> to vector<16xf32>
      %add3A_2749 = arith.addf %add3A_2743, %get3A_2748 : vector<16xf32>
      %get3A_2750 = arith.constant 59 : i32
      %get3A_2751 = arith.index_cast %get3A_2750 : i32 to index
      %get3A_2752 = arith.constant 64 : index
      %get3A_2753 = tpu.vector_load %arg6[%get3A_2751, %get3A_2752] {strides = array<i32>} : memref<80x128xf32, #tpu.memory_space<vmem>>, vector<1x16xf32>,
      %get3A_2754 = vector.shape_cast %get3A_2753 : vector<1x16xf32> to vector<16xf32>
      %add3A_2755 = arith.addf %add3A_2749, %get3A_2754 : vector<16xf32>
      %mul3A_2756 = arith.constant 5.000000e-02 : f32
      %mul3A_2757 = vector.broadcast %mul3A_2756 : f32 to vector<16xf32>
      %mul3A_2758 = arith.mulf %add3A_2755, %mul3A_2757 : vector<16xf32>
      %mul3A_2759 = arith.constant 4 : i32
      %mul3A_2760 = arith.muli %scan3A_8, %mul3A_2759 : i32
      %add3A_2761 = arith.constant 2 : i32
      %add3A_2762 = arith.addi %mul3A_2760, %add3A_2761 : i32
      %swap3A_2763 = arith.index_cast %add3A_2762 : i32 to index
      %swap3A_2764 = arith.constant 64 : index
      %swap3A_2765 = tpu.vector_load %arg7[%swap3A_2763, %swap3A_2764] {strides = array<i32>} : memref<128x128xf32, #tpu.memory_space<vmem>>, vector<1x16xf32>,
      %swap3A_2766 = vector.shape_cast %swap3A_2765 : vector<1x16xf32> to vector<16xf32>
      %swap3A_2767 = vector.shape_cast %mul3A_2758 : vector<16xf32> to vector<1x16xf32>
      tpu.vector_store %arg7[%swap3A_2763, %swap3A_2764], %swap3A_2767 {strides = array<i32>} : memref<128x128xf32, #tpu.memory_space<vmem>>, vector<1x16xf32>,
      %get3A_2768 = arith.constant 40 : i32
      %get3A_2769 = arith.index_cast %get3A_2768 : i32 to index
      %get3A_2770 = arith.constant 80 : index
      %get3A_2771 = tpu.vector_load %arg6[%get3A_2769, %get3A_2770] {strides = array<i32>} : memref<80x128xf32, #tpu.memory_space<vmem>>, vector<1x16xf32>,
      %get3A_2772 = vector.shape_cast %get3A_2771 : vector<1x16xf32> to vector<16xf32>
      %get3A_2773 = arith.constant 41 : i32
      %get3A_2774 = arith.index_cast %get3A_2773 : i32 to index
      %get3A_2775 = arith.constant 80 : index
      %get3A_2776 = tpu.vector_load %arg6[%get3A_2774, %get3A_2775] {strides = array<i32>} : memref<80x128xf32, #tpu.memory_space<vmem>>, vector<1x16xf32>,
      %get3A_2777 = vector.shape_cast %get3A_2776 : vector<1x16xf32> to vector<16xf32>
      %add3A_2778 = arith.addf %get3A_2772, %get3A_2777 : vector<16xf32>
      %get3A_2779 = arith.constant 42 : i32
      %get3A_2780 = arith.index_cast %get3A_2779 : i32 to index
      %get3A_2781 = arith.constant 80 : index
      %get3A_2782 = tpu.vector_load %arg6[%get3A_2780, %get3A_2781] {strides = array<i32>} : memref<80x128xf32, #tpu.memory_space<vmem>>, vector<1x16xf32>,
      %get3A_2783 = vector.shape_cast %get3A_2782 : vector<1x16xf32> to vector<16xf32>
      %add3A_2784 = arith.addf %add3A_2778, %get3A_2783 : vector<16xf32>
      %get3A_2785 = arith.constant 43 : i32
      %get3A_2786 = arith.index_cast %get3A_2785 : i32 to index
      %get3A_2787 = arith.constant 80 : index
      %get3A_2788 = tpu.vector_load %arg6[%get3A_2786, %get3A_2787] {strides = array<i32>} : memref<80x128xf32, #tpu.memory_space<vmem>>, vector<1x16xf32>,
      %get3A_2789 = vector.shape_cast %get3A_2788 : vector<1x16xf32> to vector<16xf32>
      %add3A_2790 = arith.addf %add3A_2784, %get3A_2789 : vector<16xf32>
      %get3A_2791 = arith.constant 44 : i32
      %get3A_2792 = arith.index_cast %get3A_2791 : i32 to index
      %get3A_2793 = arith.constant 80 : index
      %get3A_2794 = tpu.vector_load %arg6[%get3A_2792, %get3A_2793] {strides = array<i32>} : memref<80x128xf32, #tpu.memory_space<vmem>>, vector<1x16xf32>,
      %get3A_2795 = vector.shape_cast %get3A_2794 : vector<1x16xf32> to vector<16xf32>
      %add3A_2796 = arith.addf %add3A_2790, %get3A_2795 : vector<16xf32>
      %get3A_2797 = arith.constant 45 : i32
      %get3A_2798 = arith.index_cast %get3A_2797 : i32 to index
      %get3A_2799 = arith.constant 80 : index
      %get3A_2800 = tpu.vector_load %arg6[%get3A_2798, %get3A_2799] {strides = array<i32>} : memref<80x128xf32, #tpu.memory_space<vmem>>, vector<1x16xf32>,
      %get3A_2801 = vector.shape_cast %get3A_2800 : vector<1x16xf32> to vector<16xf32>
      %add3A_2802 = arith.addf %add3A_2796, %get3A_2801 : vector<16xf32>
      %get3A_2803 = arith.constant 46 : i32
      %get3A_2804 = arith.index_cast %get3A_2803 : i32 to index
      %get3A_2805 = arith.constant 80 : index
      %get3A_2806 = tpu.vector_load %arg6[%get3A_2804, %get3A_2805] {strides = array<i32>} : memref<80x128xf32, #tpu.memory_space<vmem>>, vector<1x16xf32>,
      %get3A_2807 = vector.shape_cast %get3A_2806 : vector<1x16xf32> to vector<16xf32>
      %add3A_2808 = arith.addf %add3A_2802, %get3A_2807 : vector<16xf32>
      %get3A_2809 = arith.constant 47 : i32
      %get3A_2810 = arith.index_cast %get3A_2809 : i32 to index
      %get3A_2811 = arith.constant 80 : index
      %get3A_2812 = tpu.vector_load %arg6[%get3A_2810, %get3A_2811] {strides = array<i32>} : memref<80x128xf32, #tpu.memory_space<vmem>>, vector<1x16xf32>,
      %get3A_2813 = vector.shape_cast %get3A_2812 : vector<1x16xf32> to vector<16xf32>
      %add3A_2814 = arith.addf %add3A_2808, %get3A_2813 : vector<16xf32>
      %get3A_2815 = arith.constant 48 : i32
      %get3A_2816 = arith.index_cast %get3A_2815 : i32 to index
      %get3A_2817 = arith.constant 80 : index
      %get3A_2818 = tpu.vector_load %arg6[%get3A_2816, %get3A_2817] {strides = array<i32>} : memref<80x128xf32, #tpu.memory_space<vmem>>, vector<1x16xf32>,
      %get3A_2819 = vector.shape_cast %get3A_2818 : vector<1x16xf32> to vector<16xf32>
      %add3A_2820 = arith.addf %add3A_2814, %get3A_2819 : vector<16xf32>
      %get3A_2821 = arith.constant 49 : i32
      %get3A_2822 = arith.index_cast %get3A_2821 : i32 to index
      %get3A_2823 = arith.constant 80 : index
      %get3A_2824 = tpu.vector_load %arg6[%get3A_2822, %get3A_2823] {strides = array<i32>} : memref<80x128xf32, #tpu.memory_space<vmem>>, vector<1x16xf32>,
      %get3A_2825 = vector.shape_cast %get3A_2824 : vector<1x16xf32> to vector<16xf32>
      %add3A_2826 = arith.addf %add3A_2820, %get3A_2825 : vector<16xf32>
      %get3A_2827 = arith.constant 50 : i32
      %get3A_2828 = arith.index_cast %get3A_2827 : i32 to index
      %get3A_2829 = arith.constant 80 : index
      %get3A_2830 = tpu.vector_load %arg6[%get3A_2828, %get3A_2829] {strides = array<i32>} : memref<80x128xf32, #tpu.memory_space<vmem>>, vector<1x16xf32>,
      %get3A_2831 = vector.shape_cast %get3A_2830 : vector<1x16xf32> to vector<16xf32>
      %add3A_2832 = arith.addf %add3A_2826, %get3A_2831 : vector<16xf32>
      %get3A_2833 = arith.constant 51 : i32
      %get3A_2834 = arith.index_cast %get3A_2833 : i32 to index
      %get3A_2835 = arith.constant 80 : index
      %get3A_2836 = tpu.vector_load %arg6[%get3A_2834, %get3A_2835] {strides = array<i32>} : memref<80x128xf32, #tpu.memory_space<vmem>>, vector<1x16xf32>,
      %get3A_2837 = vector.shape_cast %get3A_2836 : vector<1x16xf32> to vector<16xf32>
      %add3A_2838 = arith.addf %add3A_2832, %get3A_2837 : vector<16xf32>
      %get3A_2839 = arith.constant 52 : i32
      %get3A_2840 = arith.index_cast %get3A_2839 : i32 to index
      %get3A_2841 = arith.constant 80 : index
      %get3A_2842 = tpu.vector_load %arg6[%get3A_2840, %get3A_2841] {strides = array<i32>} : memref<80x128xf32, #tpu.memory_space<vmem>>, vector<1x16xf32>,
      %get3A_2843 = vector.shape_cast %get3A_2842 : vector<1x16xf32> to vector<16xf32>
      %add3A_2844 = arith.addf %add3A_2838, %get3A_2843 : vector<16xf32>
      %get3A_2845 = arith.constant 53 : i32
      %get3A_2846 = arith.index_cast %get3A_2845 : i32 to index
      %get3A_2847 = arith.constant 80 : index
      %get3A_2848 = tpu.vector_load %arg6[%get3A_2846, %get3A_2847] {strides = array<i32>} : memref<80x128xf32, #tpu.memory_space<vmem>>, vector<1x16xf32>,
      %get3A_2849 = vector.shape_cast %get3A_2848 : vector<1x16xf32> to vector<16xf32>
      %add3A_2850 = arith.addf %add3A_2844, %get3A_2849 : vector<16xf32>
      %get3A_2851 = arith.constant 54 : i32
      %get3A_2852 = arith.index_cast %get3A_2851 : i32 to index
      %get3A_2853 = arith.constant 80 : index
      %get3A_2854 = tpu.vector_load %arg6[%get3A_2852, %get3A_2853] {strides = array<i32>} : memref<80x128xf32, #tpu.memory_space<vmem>>, vector<1x16xf32>,
      %get3A_2855 = vector.shape_cast %get3A_2854 : vector<1x16xf32> to vector<16xf32>
      %add3A_2856 = arith.addf %add3A_2850, %get3A_2855 : vector<16xf32>
      %get3A_2857 = arith.constant 55 : i32
      %get3A_2858 = arith.index_cast %get3A_2857 : i32 to index
      %get3A_2859 = arith.constant 80 : index
      %get3A_2860 = tpu.vector_load %arg6[%get3A_2858, %get3A_2859] {strides = array<i32>} : memref<80x128xf32, #tpu.memory_space<vmem>>, vector<1x16xf32>,
      %get3A_2861 = vector.shape_cast %get3A_2860 : vector<1x16xf32> to vector<16xf32>
      %add3A_2862 = arith.addf %add3A_2856, %get3A_2861 : vector<16xf32>
      %get3A_2863 = arith.constant 56 : i32
      %get3A_2864 = arith.index_cast %get3A_2863 : i32 to index
      %get3A_2865 = arith.constant 80 : index
      %get3A_2866 = tpu.vector_load %arg6[%get3A_2864, %get3A_2865] {strides = array<i32>} : memref<80x128xf32, #tpu.memory_space<vmem>>, vector<1x16xf32>,
      %get3A_2867 = vector.shape_cast %get3A_2866 : vector<1x16xf32> to vector<16xf32>
      %add3A_2868 = arith.addf %add3A_2862, %get3A_2867 : vector<16xf32>
      %get3A_2869 = arith.constant 57 : i32
      %get3A_2870 = arith.index_cast %get3A_2869 : i32 to index
      %get3A_2871 = arith.constant 80 : index
      %get3A_2872 = tpu.vector_load %arg6[%get3A_2870, %get3A_2871] {strides = array<i32>} : memref<80x128xf32, #tpu.memory_space<vmem>>, vector<1x16xf32>,
      %get3A_2873 = vector.shape_cast %get3A_2872 : vector<1x16xf32> to vector<16xf32>
      %add3A_2874 = arith.addf %add3A_2868, %get3A_2873 : vector<16xf32>
      %get3A_2875 = arith.constant 58 : i32
      %get3A_2876 = arith.index_cast %get3A_2875 : i32 to index
      %get3A_2877 = arith.constant 80 : index
      %get3A_2878 = tpu.vector_load %arg6[%get3A_2876, %get3A_2877] {strides = array<i32>} : memref<80x128xf32, #tpu.memory_space<vmem>>, vector<1x16xf32>,
      %get3A_2879 = vector.shape_cast %get3A_2878 : vector<1x16xf32> to vector<16xf32>
      %add3A_2880 = arith.addf %add3A_2874, %get3A_2879 : vector<16xf32>
      %get3A_2881 = arith.constant 59 : i32
      %get3A_2882 = arith.index_cast %get3A_2881 : i32 to index
      %get3A_2883 = arith.constant 80 : index
      %get3A_2884 = tpu.vector_load %arg6[%get3A_2882, %get3A_2883] {strides = array<i32>} : memref<80x128xf32, #tpu.memory_space<vmem>>, vector<1x16xf32>,
      %get3A_2885 = vector.shape_cast %get3A_2884 : vector<1x16xf32> to vector<16xf32>
      %add3A_2886 = arith.addf %add3A_2880, %get3A_2885 : vector<16xf32>
      %mul3A_2887 = arith.constant 5.000000e-02 : f32
      %mul3A_2888 = vector.broadcast %mul3A_2887 : f32 to vector<16xf32>
      %mul3A_2889 = arith.mulf %add3A_2886, %mul3A_2888 : vector<16xf32>
      %mul3A_2890 = arith.constant 4 : i32
      %mul3A_2891 = arith.muli %scan3A_8, %mul3A_2890 : i32
      %add3A_2892 = arith.constant 2 : i32
      %add3A_2893 = arith.addi %mul3A_2891, %add3A_2892 : i32
      %swap3A_2894 = arith.index_cast %add3A_2893 : i32 to index
      %swap3A_2895 = arith.constant 80 : index
      %swap3A_2896 = tpu.vector_load %arg7[%swap3A_2894, %swap3A_2895] {strides = array<i32>} : memref<128x128xf32, #tpu.memory_space<vmem>>, vector<1x16xf32>,
      %swap3A_2897 = vector.shape_cast %swap3A_2896 : vector<1x16xf32> to vector<16xf32>
      %swap3A_2898 = vector.shape_cast %mul3A_2889 : vector<16xf32> to vector<1x16xf32>
      tpu.vector_store %arg7[%swap3A_2894, %swap3A_2895], %swap3A_2898 {strides = array<i32>} : memref<128x128xf32, #tpu.memory_space<vmem>>, vector<1x16xf32>,
      %get3A_2899 = arith.constant 40 : i32
      %get3A_2900 = arith.index_cast %get3A_2899 : i32 to index
      %get3A_2901 = arith.constant 96 : index
      %get3A_2902 = tpu.vector_load %arg6[%get3A_2900, %get3A_2901] {strides = array<i32>} : memref<80x128xf32, #tpu.memory_space<vmem>>, vector<1x16xf32>,
      %get3A_2903 = vector.shape_cast %get3A_2902 : vector<1x16xf32> to vector<16xf32>
      %get3A_2904 = arith.constant 41 : i32
      %get3A_2905 = arith.index_cast %get3A_2904 : i32 to index
      %get3A_2906 = arith.constant 96 : index
      %get3A_2907 = tpu.vector_load %arg6[%get3A_2905, %get3A_2906] {strides = array<i32>} : memref<80x128xf32, #tpu.memory_space<vmem>>, vector<1x16xf32>,
      %get3A_2908 = vector.shape_cast %get3A_2907 : vector<1x16xf32> to vector<16xf32>
      %add3A_2909 = arith.addf %get3A_2903, %get3A_2908 : vector<16xf32>
      %get3A_2910 = arith.constant 42 : i32
      %get3A_2911 = arith.index_cast %get3A_2910 : i32 to index
      %get3A_2912 = arith.constant 96 : index
      %get3A_2913 = tpu.vector_load %arg6[%get3A_2911, %get3A_2912] {strides = array<i32>} : memref<80x128xf32, #tpu.memory_space<vmem>>, vector<1x16xf32>,
      %get3A_2914 = vector.shape_cast %get3A_2913 : vector<1x16xf32> to vector<16xf32>
      %add3A_2915 = arith.addf %add3A_2909, %get3A_2914 : vector<16xf32>
      %get3A_2916 = arith.constant 43 : i32
      %get3A_2917 = arith.index_cast %get3A_2916 : i32 to index
      %get3A_2918 = arith.constant 96 : index
      %get3A_2919 = tpu.vector_load %arg6[%get3A_2917, %get3A_2918] {strides = array<i32>} : memref<80x128xf32, #tpu.memory_space<vmem>>, vector<1x16xf32>,
      %get3A_2920 = vector.shape_cast %get3A_2919 : vector<1x16xf32> to vector<16xf32>
      %add3A_2921 = arith.addf %add3A_2915, %get3A_2920 : vector<16xf32>
      %get3A_2922 = arith.constant 44 : i32
      %get3A_2923 = arith.index_cast %get3A_2922 : i32 to index
      %get3A_2924 = arith.constant 96 : index
      %get3A_2925 = tpu.vector_load %arg6[%get3A_2923, %get3A_2924] {strides = array<i32>} : memref<80x128xf32, #tpu.memory_space<vmem>>, vector<1x16xf32>,
      %get3A_2926 = vector.shape_cast %get3A_2925 : vector<1x16xf32> to vector<16xf32>
      %add3A_2927 = arith.addf %add3A_2921, %get3A_2926 : vector<16xf32>
      %get3A_2928 = arith.constant 45 : i32
      %get3A_2929 = arith.index_cast %get3A_2928 : i32 to index
      %get3A_2930 = arith.constant 96 : index
      %get3A_2931 = tpu.vector_load %arg6[%get3A_2929, %get3A_2930] {strides = array<i32>} : memref<80x128xf32, #tpu.memory_space<vmem>>, vector<1x16xf32>,
      %get3A_2932 = vector.shape_cast %get3A_2931 : vector<1x16xf32> to vector<16xf32>
      %add3A_2933 = arith.addf %add3A_2927, %get3A_2932 : vector<16xf32>
      %get3A_2934 = arith.constant 46 : i32
      %get3A_2935 = arith.index_cast %get3A_2934 : i32 to index
      %get3A_2936 = arith.constant 96 : index
      %get3A_2937 = tpu.vector_load %arg6[%get3A_2935, %get3A_2936] {strides = array<i32>} : memref<80x128xf32, #tpu.memory_space<vmem>>, vector<1x16xf32>,
      %get3A_2938 = vector.shape_cast %get3A_2937 : vector<1x16xf32> to vector<16xf32>
      %add3A_2939 = arith.addf %add3A_2933, %get3A_2938 : vector<16xf32>
      %get3A_2940 = arith.constant 47 : i32
      %get3A_2941 = arith.index_cast %get3A_2940 : i32 to index
      %get3A_2942 = arith.constant 96 : index
      %get3A_2943 = tpu.vector_load %arg6[%get3A_2941, %get3A_2942] {strides = array<i32>} : memref<80x128xf32, #tpu.memory_space<vmem>>, vector<1x16xf32>,
      %get3A_2944 = vector.shape_cast %get3A_2943 : vector<1x16xf32> to vector<16xf32>
      %add3A_2945 = arith.addf %add3A_2939, %get3A_2944 : vector<16xf32>
      %get3A_2946 = arith.constant 48 : i32
      %get3A_2947 = arith.index_cast %get3A_2946 : i32 to index
      %get3A_2948 = arith.constant 96 : index
      %get3A_2949 = tpu.vector_load %arg6[%get3A_2947, %get3A_2948] {strides = array<i32>} : memref<80x128xf32, #tpu.memory_space<vmem>>, vector<1x16xf32>,
      %get3A_2950 = vector.shape_cast %get3A_2949 : vector<1x16xf32> to vector<16xf32>
      %add3A_2951 = arith.addf %add3A_2945, %get3A_2950 : vector<16xf32>
      %get3A_2952 = arith.constant 49 : i32
      %get3A_2953 = arith.index_cast %get3A_2952 : i32 to index
      %get3A_2954 = arith.constant 96 : index
      %get3A_2955 = tpu.vector_load %arg6[%get3A_2953, %get3A_2954] {strides = array<i32>} : memref<80x128xf32, #tpu.memory_space<vmem>>, vector<1x16xf32>,
      %get3A_2956 = vector.shape_cast %get3A_2955 : vector<1x16xf32> to vector<16xf32>
      %add3A_2957 = arith.addf %add3A_2951, %get3A_2956 : vector<16xf32>
      %get3A_2958 = arith.constant 50 : i32
      %get3A_2959 = arith.index_cast %get3A_2958 : i32 to index
      %get3A_2960 = arith.constant 96 : index
      %get3A_2961 = tpu.vector_load %arg6[%get3A_2959, %get3A_2960] {strides = array<i32>} : memref<80x128xf32, #tpu.memory_space<vmem>>, vector<1x16xf32>,
      %get3A_2962 = vector.shape_cast %get3A_2961 : vector<1x16xf32> to vector<16xf32>
      %add3A_2963 = arith.addf %add3A_2957, %get3A_2962 : vector<16xf32>
      %get3A_2964 = arith.constant 51 : i32
      %get3A_2965 = arith.index_cast %get3A_2964 : i32 to index
      %get3A_2966 = arith.constant 96 : index
      %get3A_2967 = tpu.vector_load %arg6[%get3A_2965, %get3A_2966] {strides = array<i32>} : memref<80x128xf32, #tpu.memory_space<vmem>>, vector<1x16xf32>,
      %get3A_2968 = vector.shape_cast %get3A_2967 : vector<1x16xf32> to vector<16xf32>
      %add3A_2969 = arith.addf %add3A_2963, %get3A_2968 : vector<16xf32>
      %get3A_2970 = arith.constant 52 : i32
      %get3A_2971 = arith.index_cast %get3A_2970 : i32 to index
      %get3A_2972 = arith.constant 96 : index
      %get3A_2973 = tpu.vector_load %arg6[%get3A_2971, %get3A_2972] {strides = array<i32>} : memref<80x128xf32, #tpu.memory_space<vmem>>, vector<1x16xf32>,
      %get3A_2974 = vector.shape_cast %get3A_2973 : vector<1x16xf32> to vector<16xf32>
      %add3A_2975 = arith.addf %add3A_2969, %get3A_2974 : vector<16xf32>
      %get3A_2976 = arith.constant 53 : i32
      %get3A_2977 = arith.index_cast %get3A_2976 : i32 to index
      %get3A_2978 = arith.constant 96 : index
      %get3A_2979 = tpu.vector_load %arg6[%get3A_2977, %get3A_2978] {strides = array<i32>} : memref<80x128xf32, #tpu.memory_space<vmem>>, vector<1x16xf32>,
      %get3A_2980 = vector.shape_cast %get3A_2979 : vector<1x16xf32> to vector<16xf32>
      %add3A_2981 = arith.addf %add3A_2975, %get3A_2980 : vector<16xf32>
      %get3A_2982 = arith.constant 54 : i32
      %get3A_2983 = arith.index_cast %get3A_2982 : i32 to index
      %get3A_2984 = arith.constant 96 : index
      %get3A_2985 = tpu.vector_load %arg6[%get3A_2983, %get3A_2984] {strides = array<i32>} : memref<80x128xf32, #tpu.memory_space<vmem>>, vector<1x16xf32>,
      %get3A_2986 = vector.shape_cast %get3A_2985 : vector<1x16xf32> to vector<16xf32>
      %add3A_2987 = arith.addf %add3A_2981, %get3A_2986 : vector<16xf32>
      %get3A_2988 = arith.constant 55 : i32
      %get3A_2989 = arith.index_cast %get3A_2988 : i32 to index
      %get3A_2990 = arith.constant 96 : index
      %get3A_2991 = tpu.vector_load %arg6[%get3A_2989, %get3A_2990] {strides = array<i32>} : memref<80x128xf32, #tpu.memory_space<vmem>>, vector<1x16xf32>,
      %get3A_2992 = vector.shape_cast %get3A_2991 : vector<1x16xf32> to vector<16xf32>
      %add3A_2993 = arith.addf %add3A_2987, %get3A_2992 : vector<16xf32>
      %get3A_2994 = arith.constant 56 : i32
      %get3A_2995 = arith.index_cast %get3A_2994 : i32 to index
      %get3A_2996 = arith.constant 96 : index
      %get3A_2997 = tpu.vector_load %arg6[%get3A_2995, %get3A_2996] {strides = array<i32>} : memref<80x128xf32, #tpu.memory_space<vmem>>, vector<1x16xf32>,
      %get3A_2998 = vector.shape_cast %get3A_2997 : vector<1x16xf32> to vector<16xf32>
      %add3A_2999 = arith.addf %add3A_2993, %get3A_2998 : vector<16xf32>
      %get3A_3000 = arith.constant 57 : i32
      %get3A_3001 = arith.index_cast %get3A_3000 : i32 to index
      %get3A_3002 = arith.constant 96 : index
      %get3A_3003 = tpu.vector_load %arg6[%get3A_3001, %get3A_3002] {strides = array<i32>} : memref<80x128xf32, #tpu.memory_space<vmem>>, vector<1x16xf32>,
      %get3A_3004 = vector.shape_cast %get3A_3003 : vector<1x16xf32> to vector<16xf32>
      %add3A_3005 = arith.addf %add3A_2999, %get3A_3004 : vector<16xf32>
      %get3A_3006 = arith.constant 58 : i32
      %get3A_3007 = arith.index_cast %get3A_3006 : i32 to index
      %get3A_3008 = arith.constant 96 : index
      %get3A_3009 = tpu.vector_load %arg6[%get3A_3007, %get3A_3008] {strides = array<i32>} : memref<80x128xf32, #tpu.memory_space<vmem>>, vector<1x16xf32>,
      %get3A_3010 = vector.shape_cast %get3A_3009 : vector<1x16xf32> to vector<16xf32>
      %add3A_3011 = arith.addf %add3A_3005, %get3A_3010 : vector<16xf32>
      %get3A_3012 = arith.constant 59 : i32
      %get3A_3013 = arith.index_cast %get3A_3012 : i32 to index
      %get3A_3014 = arith.constant 96 : index
      %get3A_3015 = tpu.vector_load %arg6[%get3A_3013, %get3A_3014] {strides = array<i32>} : memref<80x128xf32, #tpu.memory_space<vmem>>, vector<1x16xf32>,
      %get3A_3016 = vector.shape_cast %get3A_3015 : vector<1x16xf32> to vector<16xf32>
      %add3A_3017 = arith.addf %add3A_3011, %get3A_3016 : vector<16xf32>
      %mul3A_3018 = arith.constant 5.000000e-02 : f32
      %mul3A_3019 = vector.broadcast %mul3A_3018 : f32 to vector<16xf32>
      %mul3A_3020 = arith.mulf %add3A_3017, %mul3A_3019 : vector<16xf32>
      %mul3A_3021 = arith.constant 4 : i32
      %mul3A_3022 = arith.muli %scan3A_8, %mul3A_3021 : i32
      %add3A_3023 = arith.constant 2 : i32
      %add3A_3024 = arith.addi %mul3A_3022, %add3A_3023 : i32
      %swap3A_3025 = arith.index_cast %add3A_3024 : i32 to index
      %swap3A_3026 = arith.constant 96 : index
      %swap3A_3027 = tpu.vector_load %arg7[%swap3A_3025, %swap3A_3026] {strides = array<i32>} : memref<128x128xf32, #tpu.memory_space<vmem>>, vector<1x16xf32>,
      %swap3A_3028 = vector.shape_cast %swap3A_3027 : vector<1x16xf32> to vector<16xf32>
      %swap3A_3029 = vector.shape_cast %mul3A_3020 : vector<16xf32> to vector<1x16xf32>
      tpu.vector_store %arg7[%swap3A_3025, %swap3A_3026], %swap3A_3029 {strides = array<i32>} : memref<128x128xf32, #tpu.memory_space<vmem>>, vector<1x16xf32>,
      %get3A_3030 = arith.constant 40 : i32
      %get3A_3031 = arith.index_cast %get3A_3030 : i32 to index
      %get3A_3032 = arith.constant 112 : index
      %get3A_3033 = tpu.vector_load %arg6[%get3A_3031, %get3A_3032] {strides = array<i32>} : memref<80x128xf32, #tpu.memory_space<vmem>>, vector<1x16xf32>,
      %get3A_3034 = vector.shape_cast %get3A_3033 : vector<1x16xf32> to vector<16xf32>
      %get3A_3035 = arith.constant 41 : i32
      %get3A_3036 = arith.index_cast %get3A_3035 : i32 to index
      %get3A_3037 = arith.constant 112 : index
      %get3A_3038 = tpu.vector_load %arg6[%get3A_3036, %get3A_3037] {strides = array<i32>} : memref<80x128xf32, #tpu.memory_space<vmem>>, vector<1x16xf32>,
      %get3A_3039 = vector.shape_cast %get3A_3038 : vector<1x16xf32> to vector<16xf32>
      %add3A_3040 = arith.addf %get3A_3034, %get3A_3039 : vector<16xf32>
      %get3A_3041 = arith.constant 42 : i32
      %get3A_3042 = arith.index_cast %get3A_3041 : i32 to index
      %get3A_3043 = arith.constant 112 : index
      %get3A_3044 = tpu.vector_load %arg6[%get3A_3042, %get3A_3043] {strides = array<i32>} : memref<80x128xf32, #tpu.memory_space<vmem>>, vector<1x16xf32>,
      %get3A_3045 = vector.shape_cast %get3A_3044 : vector<1x16xf32> to vector<16xf32>
      %add3A_3046 = arith.addf %add3A_3040, %get3A_3045 : vector<16xf32>
      %get3A_3047 = arith.constant 43 : i32
      %get3A_3048 = arith.index_cast %get3A_3047 : i32 to index
      %get3A_3049 = arith.constant 112 : index
      %get3A_3050 = tpu.vector_load %arg6[%get3A_3048, %get3A_3049] {strides = array<i32>} : memref<80x128xf32, #tpu.memory_space<vmem>>, vector<1x16xf32>,
      %get3A_3051 = vector.shape_cast %get3A_3050 : vector<1x16xf32> to vector<16xf32>
      %add3A_3052 = arith.addf %add3A_3046, %get3A_3051 : vector<16xf32>
      %get3A_3053 = arith.constant 44 : i32
      %get3A_3054 = arith.index_cast %get3A_3053 : i32 to index
      %get3A_3055 = arith.constant 112 : index
      %get3A_3056 = tpu.vector_load %arg6[%get3A_3054, %get3A_3055] {strides = array<i32>} : memref<80x128xf32, #tpu.memory_space<vmem>>, vector<1x16xf32>,
      %get3A_3057 = vector.shape_cast %get3A_3056 : vector<1x16xf32> to vector<16xf32>
      %add3A_3058 = arith.addf %add3A_3052, %get3A_3057 : vector<16xf32>
      %get3A_3059 = arith.constant 45 : i32
      %get3A_3060 = arith.index_cast %get3A_3059 : i32 to index
      %get3A_3061 = arith.constant 112 : index
      %get3A_3062 = tpu.vector_load %arg6[%get3A_3060, %get3A_3061] {strides = array<i32>} : memref<80x128xf32, #tpu.memory_space<vmem>>, vector<1x16xf32>,
      %get3A_3063 = vector.shape_cast %get3A_3062 : vector<1x16xf32> to vector<16xf32>
      %add3A_3064 = arith.addf %add3A_3058, %get3A_3063 : vector<16xf32>
      %get3A_3065 = arith.constant 46 : i32
      %get3A_3066 = arith.index_cast %get3A_3065 : i32 to index
      %get3A_3067 = arith.constant 112 : index
      %get3A_3068 = tpu.vector_load %arg6[%get3A_3066, %get3A_3067] {strides = array<i32>} : memref<80x128xf32, #tpu.memory_space<vmem>>, vector<1x16xf32>,
      %get3A_3069 = vector.shape_cast %get3A_3068 : vector<1x16xf32> to vector<16xf32>
      %add3A_3070 = arith.addf %add3A_3064, %get3A_3069 : vector<16xf32>
      %get3A_3071 = arith.constant 47 : i32
      %get3A_3072 = arith.index_cast %get3A_3071 : i32 to index
      %get3A_3073 = arith.constant 112 : index
      %get3A_3074 = tpu.vector_load %arg6[%get3A_3072, %get3A_3073] {strides = array<i32>} : memref<80x128xf32, #tpu.memory_space<vmem>>, vector<1x16xf32>,
      %get3A_3075 = vector.shape_cast %get3A_3074 : vector<1x16xf32> to vector<16xf32>
      %add3A_3076 = arith.addf %add3A_3070, %get3A_3075 : vector<16xf32>
      %get3A_3077 = arith.constant 48 : i32
      %get3A_3078 = arith.index_cast %get3A_3077 : i32 to index
      %get3A_3079 = arith.constant 112 : index
      %get3A_3080 = tpu.vector_load %arg6[%get3A_3078, %get3A_3079] {strides = array<i32>} : memref<80x128xf32, #tpu.memory_space<vmem>>, vector<1x16xf32>,
      %get3A_3081 = vector.shape_cast %get3A_3080 : vector<1x16xf32> to vector<16xf32>
      %add3A_3082 = arith.addf %add3A_3076, %get3A_3081 : vector<16xf32>
      %get3A_3083 = arith.constant 49 : i32
      %get3A_3084 = arith.index_cast %get3A_3083 : i32 to index
      %get3A_3085 = arith.constant 112 : index
      %get3A_3086 = tpu.vector_load %arg6[%get3A_3084, %get3A_3085] {strides = array<i32>} : memref<80x128xf32, #tpu.memory_space<vmem>>, vector<1x16xf32>,
      %get3A_3087 = vector.shape_cast %get3A_3086 : vector<1x16xf32> to vector<16xf32>
      %add3A_3088 = arith.addf %add3A_3082, %get3A_3087 : vector<16xf32>
      %get3A_3089 = arith.constant 50 : i32
      %get3A_3090 = arith.index_cast %get3A_3089 : i32 to index
      %get3A_3091 = arith.constant 112 : index
      %get3A_3092 = tpu.vector_load %arg6[%get3A_3090, %get3A_3091] {strides = array<i32>} : memref<80x128xf32, #tpu.memory_space<vmem>>, vector<1x16xf32>,
      %get3A_3093 = vector.shape_cast %get3A_3092 : vector<1x16xf32> to vector<16xf32>
      %add3A_3094 = arith.addf %add3A_3088, %get3A_3093 : vector<16xf32>
      %get3A_3095 = arith.constant 51 : i32
      %get3A_3096 = arith.index_cast %get3A_3095 : i32 to index
      %get3A_3097 = arith.constant 112 : index
      %get3A_3098 = tpu.vector_load %arg6[%get3A_3096, %get3A_3097] {strides = array<i32>} : memref<80x128xf32, #tpu.memory_space<vmem>>, vector<1x16xf32>,
      %get3A_3099 = vector.shape_cast %get3A_3098 : vector<1x16xf32> to vector<16xf32>
      %add3A_3100 = arith.addf %add3A_3094, %get3A_3099 : vector<16xf32>
      %get3A_3101 = arith.constant 52 : i32
      %get3A_3102 = arith.index_cast %get3A_3101 : i32 to index
      %get3A_3103 = arith.constant 112 : index
      %get3A_3104 = tpu.vector_load %arg6[%get3A_3102, %get3A_3103] {strides = array<i32>} : memref<80x128xf32, #tpu.memory_space<vmem>>, vector<1x16xf32>,
      %get3A_3105 = vector.shape_cast %get3A_3104 : vector<1x16xf32> to vector<16xf32>
      %add3A_3106 = arith.addf %add3A_3100, %get3A_3105 : vector<16xf32>
      %get3A_3107 = arith.constant 53 : i32
      %get3A_3108 = arith.index_cast %get3A_3107 : i32 to index
      %get3A_3109 = arith.constant 112 : index
      %get3A_3110 = tpu.vector_load %arg6[%get3A_3108, %get3A_3109] {strides = array<i32>} : memref<80x128xf32, #tpu.memory_space<vmem>>, vector<1x16xf32>,
      %get3A_3111 = vector.shape_cast %get3A_3110 : vector<1x16xf32> to vector<16xf32>
      %add3A_3112 = arith.addf %add3A_3106, %get3A_3111 : vector<16xf32>
      %get3A_3113 = arith.constant 54 : i32
      %get3A_3114 = arith.index_cast %get3A_3113 : i32 to index
      %get3A_3115 = arith.constant 112 : index
      %get3A_3116 = tpu.vector_load %arg6[%get3A_3114, %get3A_3115] {strides = array<i32>} : memref<80x128xf32, #tpu.memory_space<vmem>>, vector<1x16xf32>,
      %get3A_3117 = vector.shape_cast %get3A_3116 : vector<1x16xf32> to vector<16xf32>
      %add3A_3118 = arith.addf %add3A_3112, %get3A_3117 : vector<16xf32>
      %get3A_3119 = arith.constant 55 : i32
      %get3A_3120 = arith.index_cast %get3A_3119 : i32 to index
      %get3A_3121 = arith.constant 112 : index
      %get3A_3122 = tpu.vector_load %arg6[%get3A_3120, %get3A_3121] {strides = array<i32>} : memref<80x128xf32, #tpu.memory_space<vmem>>, vector<1x16xf32>,
      %get3A_3123 = vector.shape_cast %get3A_3122 : vector<1x16xf32> to vector<16xf32>
      %add3A_3124 = arith.addf %add3A_3118, %get3A_3123 : vector<16xf32>
      %get3A_3125 = arith.constant 56 : i32
      %get3A_3126 = arith.index_cast %get3A_3125 : i32 to index
      %get3A_3127 = arith.constant 112 : index
      %get3A_3128 = tpu.vector_load %arg6[%get3A_3126, %get3A_3127] {strides = array<i32>} : memref<80x128xf32, #tpu.memory_space<vmem>>, vector<1x16xf32>,
      %get3A_3129 = vector.shape_cast %get3A_3128 : vector<1x16xf32> to vector<16xf32>
      %add3A_3130 = arith.addf %add3A_3124, %get3A_3129 : vector<16xf32>
      %get3A_3131 = arith.constant 57 : i32
      %get3A_3132 = arith.index_cast %get3A_3131 : i32 to index
      %get3A_3133 = arith.constant 112 : index
      %get3A_3134 = tpu.vector_load %arg6[%get3A_3132, %get3A_3133] {strides = array<i32>} : memref<80x128xf32, #tpu.memory_space<vmem>>, vector<1x16xf32>,
      %get3A_3135 = vector.shape_cast %get3A_3134 : vector<1x16xf32> to vector<16xf32>
      %add3A_3136 = arith.addf %add3A_3130, %get3A_3135 : vector<16xf32>
      %get3A_3137 = arith.constant 58 : i32
      %get3A_3138 = arith.index_cast %get3A_3137 : i32 to index
      %get3A_3139 = arith.constant 112 : index
      %get3A_3140 = tpu.vector_load %arg6[%get3A_3138, %get3A_3139] {strides = array<i32>} : memref<80x128xf32, #tpu.memory_space<vmem>>, vector<1x16xf32>,
      %get3A_3141 = vector.shape_cast %get3A_3140 : vector<1x16xf32> to vector<16xf32>
      %add3A_3142 = arith.addf %add3A_3136, %get3A_3141 : vector<16xf32>
      %get3A_3143 = arith.constant 59 : i32
      %get3A_3144 = arith.index_cast %get3A_3143 : i32 to index
      %get3A_3145 = arith.constant 112 : index
      %get3A_3146 = tpu.vector_load %arg6[%get3A_3144, %get3A_3145] {strides = array<i32>} : memref<80x128xf32, #tpu.memory_space<vmem>>, vector<1x16xf32>,
      %get3A_3147 = vector.shape_cast %get3A_3146 : vector<1x16xf32> to vector<16xf32>
      %add3A_3148 = arith.addf %add3A_3142, %get3A_3147 : vector<16xf32>
      %mul3A_3149 = arith.constant 5.000000e-02 : f32
      %mul3A_3150 = vector.broadcast %mul3A_3149 : f32 to vector<16xf32>
      %mul3A_3151 = arith.mulf %add3A_3148, %mul3A_3150 : vector<16xf32>
      %mul3A_3152 = arith.constant 4 : i32
      %mul3A_3153 = arith.muli %scan3A_8, %mul3A_3152 : i32
      %add3A_3154 = arith.constant 2 : i32
      %add3A_3155 = arith.addi %mul3A_3153, %add3A_3154 : i32
      %swap3A_3156 = arith.index_cast %add3A_3155 : i32 to index
      %swap3A_3157 = arith.constant 112 : index
      %swap3A_3158 = tpu.vector_load %arg7[%swap3A_3156, %swap3A_3157] {strides = array<i32>} : memref<128x128xf32, #tpu.memory_space<vmem>>, vector<1x16xf32>,
      %swap3A_3159 = vector.shape_cast %swap3A_3158 : vector<1x16xf32> to vector<16xf32>
      %swap3A_3160 = vector.shape_cast %mul3A_3151 : vector<16xf32> to vector<1x16xf32>
      tpu.vector_store %arg7[%swap3A_3156, %swap3A_3157], %swap3A_3160 {strides = array<i32>} : memref<128x128xf32, #tpu.memory_space<vmem>>, vector<1x16xf32>,
      %get3A_3161 = arith.constant 60 : i32
      %get3A_3162 = arith.index_cast %get3A_3161 : i32 to index
      %get3A_3163 = arith.constant 0 : index
      %get3A_3164 = tpu.vector_load %arg6[%get3A_3162, %get3A_3163] {strides = array<i32>} : memref<80x128xf32, #tpu.memory_space<vmem>>, vector<1x16xf32>,
      %get3A_3165 = vector.shape_cast %get3A_3164 : vector<1x16xf32> to vector<16xf32>
      %get3A_3166 = arith.constant 61 : i32
      %get3A_3167 = arith.index_cast %get3A_3166 : i32 to index
      %get3A_3168 = arith.constant 0 : index
      %get3A_3169 = tpu.vector_load %arg6[%get3A_3167, %get3A_3168] {strides = array<i32>} : memref<80x128xf32, #tpu.memory_space<vmem>>, vector<1x16xf32>,
      %get3A_3170 = vector.shape_cast %get3A_3169 : vector<1x16xf32> to vector<16xf32>
      %add3A_3171 = arith.addf %get3A_3165, %get3A_3170 : vector<16xf32>
      %get3A_3172 = arith.constant 62 : i32
      %get3A_3173 = arith.index_cast %get3A_3172 : i32 to index
      %get3A_3174 = arith.constant 0 : index
      %get3A_3175 = tpu.vector_load %arg6[%get3A_3173, %get3A_3174] {strides = array<i32>} : memref<80x128xf32, #tpu.memory_space<vmem>>, vector<1x16xf32>,
      %get3A_3176 = vector.shape_cast %get3A_3175 : vector<1x16xf32> to vector<16xf32>
      %add3A_3177 = arith.addf %add3A_3171, %get3A_3176 : vector<16xf32>
      %get3A_3178 = arith.constant 63 : i32
      %get3A_3179 = arith.index_cast %get3A_3178 : i32 to index
      %get3A_3180 = arith.constant 0 : index
      %get3A_3181 = tpu.vector_load %arg6[%get3A_3179, %get3A_3180] {strides = array<i32>} : memref<80x128xf32, #tpu.memory_space<vmem>>, vector<1x16xf32>,
      %get3A_3182 = vector.shape_cast %get3A_3181 : vector<1x16xf32> to vector<16xf32>
      %add3A_3183 = arith.addf %add3A_3177, %get3A_3182 : vector<16xf32>
      %get3A_3184 = arith.constant 64 : i32
      %get3A_3185 = arith.index_cast %get3A_3184 : i32 to index
      %get3A_3186 = arith.constant 0 : index
      %get3A_3187 = tpu.vector_load %arg6[%get3A_3185, %get3A_3186] {strides = array<i32>} : memref<80x128xf32, #tpu.memory_space<vmem>>, vector<1x16xf32>,
      %get3A_3188 = vector.shape_cast %get3A_3187 : vector<1x16xf32> to vector<16xf32>
      %add3A_3189 = arith.addf %add3A_3183, %get3A_3188 : vector<16xf32>
      %get3A_3190 = arith.constant 65 : i32
      %get3A_3191 = arith.index_cast %get3A_3190 : i32 to index
      %get3A_3192 = arith.constant 0 : index
      %get3A_3193 = tpu.vector_load %arg6[%get3A_3191, %get3A_3192] {strides = array<i32>} : memref<80x128xf32, #tpu.memory_space<vmem>>, vector<1x16xf32>,
      %get3A_3194 = vector.shape_cast %get3A_3193 : vector<1x16xf32> to vector<16xf32>
      %add3A_3195 = arith.addf %add3A_3189, %get3A_3194 : vector<16xf32>
      %get3A_3196 = arith.constant 66 : i32
      %get3A_3197 = arith.index_cast %get3A_3196 : i32 to index
      %get3A_3198 = arith.constant 0 : index
      %get3A_3199 = tpu.vector_load %arg6[%get3A_3197, %get3A_3198] {strides = array<i32>} : memref<80x128xf32, #tpu.memory_space<vmem>>, vector<1x16xf32>,
      %get3A_3200 = vector.shape_cast %get3A_3199 : vector<1x16xf32> to vector<16xf32>
      %add3A_3201 = arith.addf %add3A_3195, %get3A_3200 : vector<16xf32>
      %get3A_3202 = arith.constant 67 : i32
      %get3A_3203 = arith.index_cast %get3A_3202 : i32 to index
      %get3A_3204 = arith.constant 0 : index
      %get3A_3205 = tpu.vector_load %arg6[%get3A_3203, %get3A_3204] {strides = array<i32>} : memref<80x128xf32, #tpu.memory_space<vmem>>, vector<1x16xf32>,
      %get3A_3206 = vector.shape_cast %get3A_3205 : vector<1x16xf32> to vector<16xf32>
      %add3A_3207 = arith.addf %add3A_3201, %get3A_3206 : vector<16xf32>
      %get3A_3208 = arith.constant 68 : i32
      %get3A_3209 = arith.index_cast %get3A_3208 : i32 to index
      %get3A_3210 = arith.constant 0 : index
      %get3A_3211 = tpu.vector_load %arg6[%get3A_3209, %get3A_3210] {strides = array<i32>} : memref<80x128xf32, #tpu.memory_space<vmem>>, vector<1x16xf32>,
      %get3A_3212 = vector.shape_cast %get3A_3211 : vector<1x16xf32> to vector<16xf32>
      %add3A_3213 = arith.addf %add3A_3207, %get3A_3212 : vector<16xf32>
      %get3A_3214 = arith.constant 69 : i32
      %get3A_3215 = arith.index_cast %get3A_3214 : i32 to index
      %get3A_3216 = arith.constant 0 : index
      %get3A_3217 = tpu.vector_load %arg6[%get3A_3215, %get3A_3216] {strides = array<i32>} : memref<80x128xf32, #tpu.memory_space<vmem>>, vector<1x16xf32>,
      %get3A_3218 = vector.shape_cast %get3A_3217 : vector<1x16xf32> to vector<16xf32>
      %add3A_3219 = arith.addf %add3A_3213, %get3A_3218 : vector<16xf32>
      %get3A_3220 = arith.constant 70 : i32
      %get3A_3221 = arith.index_cast %get3A_3220 : i32 to index
      %get3A_3222 = arith.constant 0 : index
      %get3A_3223 = tpu.vector_load %arg6[%get3A_3221, %get3A_3222] {strides = array<i32>} : memref<80x128xf32, #tpu.memory_space<vmem>>, vector<1x16xf32>,
      %get3A_3224 = vector.shape_cast %get3A_3223 : vector<1x16xf32> to vector<16xf32>
      %add3A_3225 = arith.addf %add3A_3219, %get3A_3224 : vector<16xf32>
      %get3A_3226 = arith.constant 71 : i32
      %get3A_3227 = arith.index_cast %get3A_3226 : i32 to index
      %get3A_3228 = arith.constant 0 : index
      %get3A_3229 = tpu.vector_load %arg6[%get3A_3227, %get3A_3228] {strides = array<i32>} : memref<80x128xf32, #tpu.memory_space<vmem>>, vector<1x16xf32>,
      %get3A_3230 = vector.shape_cast %get3A_3229 : vector<1x16xf32> to vector<16xf32>
      %add3A_3231 = arith.addf %add3A_3225, %get3A_3230 : vector<16xf32>
      %get3A_3232 = arith.constant 72 : i32
      %get3A_3233 = arith.index_cast %get3A_3232 : i32 to index
      %get3A_3234 = arith.constant 0 : index
      %get3A_3235 = tpu.vector_load %arg6[%get3A_3233, %get3A_3234] {strides = array<i32>} : memref<80x128xf32, #tpu.memory_space<vmem>>, vector<1x16xf32>,
      %get3A_3236 = vector.shape_cast %get3A_3235 : vector<1x16xf32> to vector<16xf32>
      %add3A_3237 = arith.addf %add3A_3231, %get3A_3236 : vector<16xf32>
      %get3A_3238 = arith.constant 73 : i32
      %get3A_3239 = arith.index_cast %get3A_3238 : i32 to index
      %get3A_3240 = arith.constant 0 : index
      %get3A_3241 = tpu.vector_load %arg6[%get3A_3239, %get3A_3240] {strides = array<i32>} : memref<80x128xf32, #tpu.memory_space<vmem>>, vector<1x16xf32>,
      %get3A_3242 = vector.shape_cast %get3A_3241 : vector<1x16xf32> to vector<16xf32>
      %add3A_3243 = arith.addf %add3A_3237, %get3A_3242 : vector<16xf32>
      %get3A_3244 = arith.constant 74 : i32
      %get3A_3245 = arith.index_cast %get3A_3244 : i32 to index
      %get3A_3246 = arith.constant 0 : index
      %get3A_3247 = tpu.vector_load %arg6[%get3A_3245, %get3A_3246] {strides = array<i32>} : memref<80x128xf32, #tpu.memory_space<vmem>>, vector<1x16xf32>,
      %get3A_3248 = vector.shape_cast %get3A_3247 : vector<1x16xf32> to vector<16xf32>
      %add3A_3249 = arith.addf %add3A_3243, %get3A_3248 : vector<16xf32>
      %get3A_3250 = arith.constant 75 : i32
      %get3A_3251 = arith.index_cast %get3A_3250 : i32 to index
      %get3A_3252 = arith.constant 0 : index
      %get3A_3253 = tpu.vector_load %arg6[%get3A_3251, %get3A_3252] {strides = array<i32>} : memref<80x128xf32, #tpu.memory_space<vmem>>, vector<1x16xf32>,
      %get3A_3254 = vector.shape_cast %get3A_3253 : vector<1x16xf32> to vector<16xf32>
      %add3A_3255 = arith.addf %add3A_3249, %get3A_3254 : vector<16xf32>
      %get3A_3256 = arith.constant 76 : i32
      %get3A_3257 = arith.index_cast %get3A_3256 : i32 to index
      %get3A_3258 = arith.constant 0 : index
      %get3A_3259 = tpu.vector_load %arg6[%get3A_3257, %get3A_3258] {strides = array<i32>} : memref<80x128xf32, #tpu.memory_space<vmem>>, vector<1x16xf32>,
      %get3A_3260 = vector.shape_cast %get3A_3259 : vector<1x16xf32> to vector<16xf32>
      %add3A_3261 = arith.addf %add3A_3255, %get3A_3260 : vector<16xf32>
      %get3A_3262 = arith.constant 77 : i32
      %get3A_3263 = arith.index_cast %get3A_3262 : i32 to index
      %get3A_3264 = arith.constant 0 : index
      %get3A_3265 = tpu.vector_load %arg6[%get3A_3263, %get3A_3264] {strides = array<i32>} : memref<80x128xf32, #tpu.memory_space<vmem>>, vector<1x16xf32>,
      %get3A_3266 = vector.shape_cast %get3A_3265 : vector<1x16xf32> to vector<16xf32>
      %add3A_3267 = arith.addf %add3A_3261, %get3A_3266 : vector<16xf32>
      %get3A_3268 = arith.constant 78 : i32
      %get3A_3269 = arith.index_cast %get3A_3268 : i32 to index
      %get3A_3270 = arith.constant 0 : index
      %get3A_3271 = tpu.vector_load %arg6[%get3A_3269, %get3A_3270] {strides = array<i32>} : memref<80x128xf32, #tpu.memory_space<vmem>>, vector<1x16xf32>,
      %get3A_3272 = vector.shape_cast %get3A_3271 : vector<1x16xf32> to vector<16xf32>
      %add3A_3273 = arith.addf %add3A_3267, %get3A_3272 : vector<16xf32>
      %get3A_3274 = arith.constant 79 : i32
      %get3A_3275 = arith.index_cast %get3A_3274 : i32 to index
      %get3A_3276 = arith.constant 0 : index
      %get3A_3277 = tpu.vector_load %arg6[%get3A_3275, %get3A_3276] {strides = array<i32>} : memref<80x128xf32, #tpu.memory_space<vmem>>, vector<1x16xf32>,
      %get3A_3278 = vector.shape_cast %get3A_3277 : vector<1x16xf32> to vector<16xf32>
      %add3A_3279 = arith.addf %add3A_3273, %get3A_3278 : vector<16xf32>
      %mul3A_3280 = arith.constant 5.000000e-02 : f32
      %mul3A_3281 = vector.broadcast %mul3A_3280 : f32 to vector<16xf32>
      %mul3A_3282 = arith.mulf %add3A_3279, %mul3A_3281 : vector<16xf32>
      %mul3A_3283 = arith.constant 4 : i32
      %mul3A_3284 = arith.muli %scan3A_8, %mul3A_3283 : i32
      %add3A_3285 = arith.constant 3 : i32
      %add3A_3286 = arith.addi %mul3A_3284, %add3A_3285 : i32
      %swap3A_3287 = arith.index_cast %add3A_3286 : i32 to index
      %swap3A_3288 = arith.constant 0 : index
      %swap3A_3289 = tpu.vector_load %arg7[%swap3A_3287, %swap3A_3288] {strides = array<i32>} : memref<128x128xf32, #tpu.memory_space<vmem>>, vector<1x16xf32>,
      %swap3A_3290 = vector.shape_cast %swap3A_3289 : vector<1x16xf32> to vector<16xf32>
      %swap3A_3291 = vector.shape_cast %mul3A_3282 : vector<16xf32> to vector<1x16xf32>
      tpu.vector_store %arg7[%swap3A_3287, %swap3A_3288], %swap3A_3291 {strides = array<i32>} : memref<128x128xf32, #tpu.memory_space<vmem>>, vector<1x16xf32>,
      %get3A_3292 = arith.constant 60 : i32
      %get3A_3293 = arith.index_cast %get3A_3292 : i32 to index
      %get3A_3294 = arith.constant 16 : index
      %get3A_3295 = tpu.vector_load %arg6[%get3A_3293, %get3A_3294] {strides = array<i32>} : memref<80x128xf32, #tpu.memory_space<vmem>>, vector<1x16xf32>,
      %get3A_3296 = vector.shape_cast %get3A_3295 : vector<1x16xf32> to vector<16xf32>
      %get3A_3297 = arith.constant 61 : i32
      %get3A_3298 = arith.index_cast %get3A_3297 : i32 to index
      %get3A_3299 = arith.constant 16 : index
      %get3A_3300 = tpu.vector_load %arg6[%get3A_3298, %get3A_3299] {strides = array<i32>} : memref<80x128xf32, #tpu.memory_space<vmem>>, vector<1x16xf32>,
      %get3A_3301 = vector.shape_cast %get3A_3300 : vector<1x16xf32> to vector<16xf32>
      %add3A_3302 = arith.addf %get3A_3296, %get3A_3301 : vector<16xf32>
      %get3A_3303 = arith.constant 62 : i32
      %get3A_3304 = arith.index_cast %get3A_3303 : i32 to index
      %get3A_3305 = arith.constant 16 : index
      %get3A_3306 = tpu.vector_load %arg6[%get3A_3304, %get3A_3305] {strides = array<i32>} : memref<80x128xf32, #tpu.memory_space<vmem>>, vector<1x16xf32>,
      %get3A_3307 = vector.shape_cast %get3A_3306 : vector<1x16xf32> to vector<16xf32>
      %add3A_3308 = arith.addf %add3A_3302, %get3A_3307 : vector<16xf32>
      %get3A_3309 = arith.constant 63 : i32
      %get3A_3310 = arith.index_cast %get3A_3309 : i32 to index
      %get3A_3311 = arith.constant 16 : index
      %get3A_3312 = tpu.vector_load %arg6[%get3A_3310, %get3A_3311] {strides = array<i32>} : memref<80x128xf32, #tpu.memory_space<vmem>>, vector<1x16xf32>,
      %get3A_3313 = vector.shape_cast %get3A_3312 : vector<1x16xf32> to vector<16xf32>
      %add3A_3314 = arith.addf %add3A_3308, %get3A_3313 : vector<16xf32>
      %get3A_3315 = arith.constant 64 : i32
      %get3A_3316 = arith.index_cast %get3A_3315 : i32 to index
      %get3A_3317 = arith.constant 16 : index
      %get3A_3318 = tpu.vector_load %arg6[%get3A_3316, %get3A_3317] {strides = array<i32>} : memref<80x128xf32, #tpu.memory_space<vmem>>, vector<1x16xf32>,
      %get3A_3319 = vector.shape_cast %get3A_3318 : vector<1x16xf32> to vector<16xf32>
      %add3A_3320 = arith.addf %add3A_3314, %get3A_3319 : vector<16xf32>
      %get3A_3321 = arith.constant 65 : i32
      %get3A_3322 = arith.index_cast %get3A_3321 : i32 to index
      %get3A_3323 = arith.constant 16 : index
      %get3A_3324 = tpu.vector_load %arg6[%get3A_3322, %get3A_3323] {strides = array<i32>} : memref<80x128xf32, #tpu.memory_space<vmem>>, vector<1x16xf32>,
      %get3A_3325 = vector.shape_cast %get3A_3324 : vector<1x16xf32> to vector<16xf32>
      %add3A_3326 = arith.addf %add3A_3320, %get3A_3325 : vector<16xf32>
      %get3A_3327 = arith.constant 66 : i32
      %get3A_3328 = arith.index_cast %get3A_3327 : i32 to index
      %get3A_3329 = arith.constant 16 : index
      %get3A_3330 = tpu.vector_load %arg6[%get3A_3328, %get3A_3329] {strides = array<i32>} : memref<80x128xf32, #tpu.memory_space<vmem>>, vector<1x16xf32>,
      %get3A_3331 = vector.shape_cast %get3A_3330 : vector<1x16xf32> to vector<16xf32>
      %add3A_3332 = arith.addf %add3A_3326, %get3A_3331 : vector<16xf32>
      %get3A_3333 = arith.constant 67 : i32
      %get3A_3334 = arith.index_cast %get3A_3333 : i32 to index
      %get3A_3335 = arith.constant 16 : index
      %get3A_3336 = tpu.vector_load %arg6[%get3A_3334, %get3A_3335] {strides = array<i32>} : memref<80x128xf32, #tpu.memory_space<vmem>>, vector<1x16xf32>,
      %get3A_3337 = vector.shape_cast %get3A_3336 : vector<1x16xf32> to vector<16xf32>
      %add3A_3338 = arith.addf %add3A_3332, %get3A_3337 : vector<16xf32>
      %get3A_3339 = arith.constant 68 : i32
      %get3A_3340 = arith.index_cast %get3A_3339 : i32 to index
      %get3A_3341 = arith.constant 16 : index
      %get3A_3342 = tpu.vector_load %arg6[%get3A_3340, %get3A_3341] {strides = array<i32>} : memref<80x128xf32, #tpu.memory_space<vmem>>, vector<1x16xf32>,
      %get3A_3343 = vector.shape_cast %get3A_3342 : vector<1x16xf32> to vector<16xf32>
      %add3A_3344 = arith.addf %add3A_3338, %get3A_3343 : vector<16xf32>
      %get3A_3345 = arith.constant 69 : i32
      %get3A_3346 = arith.index_cast %get3A_3345 : i32 to index
      %get3A_3347 = arith.constant 16 : index
      %get3A_3348 = tpu.vector_load %arg6[%get3A_3346, %get3A_3347] {strides = array<i32>} : memref<80x128xf32, #tpu.memory_space<vmem>>, vector<1x16xf32>,
      %get3A_3349 = vector.shape_cast %get3A_3348 : vector<1x16xf32> to vector<16xf32>
      %add3A_3350 = arith.addf %add3A_3344, %get3A_3349 : vector<16xf32>
      %get3A_3351 = arith.constant 70 : i32
      %get3A_3352 = arith.index_cast %get3A_3351 : i32 to index
      %get3A_3353 = arith.constant 16 : index
      %get3A_3354 = tpu.vector_load %arg6[%get3A_3352, %get3A_3353] {strides = array<i32>} : memref<80x128xf32, #tpu.memory_space<vmem>>, vector<1x16xf32>,
      %get3A_3355 = vector.shape_cast %get3A_3354 : vector<1x16xf32> to vector<16xf32>
      %add3A_3356 = arith.addf %add3A_3350, %get3A_3355 : vector<16xf32>
      %get3A_3357 = arith.constant 71 : i32
      %get3A_3358 = arith.index_cast %get3A_3357 : i32 to index
      %get3A_3359 = arith.constant 16 : index
      %get3A_3360 = tpu.vector_load %arg6[%get3A_3358, %get3A_3359] {strides = array<i32>} : memref<80x128xf32, #tpu.memory_space<vmem>>, vector<1x16xf32>,
      %get3A_3361 = vector.shape_cast %get3A_3360 : vector<1x16xf32> to vector<16xf32>
      %add3A_3362 = arith.addf %add3A_3356, %get3A_3361 : vector<16xf32>
      %get3A_3363 = arith.constant 72 : i32
      %get3A_3364 = arith.index_cast %get3A_3363 : i32 to index
      %get3A_3365 = arith.constant 16 : index
      %get3A_3366 = tpu.vector_load %arg6[%get3A_3364, %get3A_3365] {strides = array<i32>} : memref<80x128xf32, #tpu.memory_space<vmem>>, vector<1x16xf32>,
      %get3A_3367 = vector.shape_cast %get3A_3366 : vector<1x16xf32> to vector<16xf32>
      %add3A_3368 = arith.addf %add3A_3362, %get3A_3367 : vector<16xf32>
      %get3A_3369 = arith.constant 73 : i32
      %get3A_3370 = arith.index_cast %get3A_3369 : i32 to index
      %get3A_3371 = arith.constant 16 : index
      %get3A_3372 = tpu.vector_load %arg6[%get3A_3370, %get3A_3371] {strides = array<i32>} : memref<80x128xf32, #tpu.memory_space<vmem>>, vector<1x16xf32>,
      %get3A_3373 = vector.shape_cast %get3A_3372 : vector<1x16xf32> to vector<16xf32>
      %add3A_3374 = arith.addf %add3A_3368, %get3A_3373 : vector<16xf32>
      %get3A_3375 = arith.constant 74 : i32
      %get3A_3376 = arith.index_cast %get3A_3375 : i32 to index
      %get3A_3377 = arith.constant 16 : index
      %get3A_3378 = tpu.vector_load %arg6[%get3A_3376, %get3A_3377] {strides = array<i32>} : memref<80x128xf32, #tpu.memory_space<vmem>>, vector<1x16xf32>,
      %get3A_3379 = vector.shape_cast %get3A_3378 : vector<1x16xf32> to vector<16xf32>
      %add3A_3380 = arith.addf %add3A_3374, %get3A_3379 : vector<16xf32>
      %get3A_3381 = arith.constant 75 : i32
      %get3A_3382 = arith.index_cast %get3A_3381 : i32 to index
      %get3A_3383 = arith.constant 16 : index
      %get3A_3384 = tpu.vector_load %arg6[%get3A_3382, %get3A_3383] {strides = array<i32>} : memref<80x128xf32, #tpu.memory_space<vmem>>, vector<1x16xf32>,
      %get3A_3385 = vector.shape_cast %get3A_3384 : vector<1x16xf32> to vector<16xf32>
      %add3A_3386 = arith.addf %add3A_3380, %get3A_3385 : vector<16xf32>
      %get3A_3387 = arith.constant 76 : i32
      %get3A_3388 = arith.index_cast %get3A_3387 : i32 to index
      %get3A_3389 = arith.constant 16 : index
      %get3A_3390 = tpu.vector_load %arg6[%get3A_3388, %get3A_3389] {strides = array<i32>} : memref<80x128xf32, #tpu.memory_space<vmem>>, vector<1x16xf32>,
      %get3A_3391 = vector.shape_cast %get3A_3390 : vector<1x16xf32> to vector<16xf32>
      %add3A_3392 = arith.addf %add3A_3386, %get3A_3391 : vector<16xf32>
      %get3A_3393 = arith.constant 77 : i32
      %get3A_3394 = arith.index_cast %get3A_3393 : i32 to index
      %get3A_3395 = arith.constant 16 : index
      %get3A_3396 = tpu.vector_load %arg6[%get3A_3394, %get3A_3395] {strides = array<i32>} : memref<80x128xf32, #tpu.memory_space<vmem>>, vector<1x16xf32>,
      %get3A_3397 = vector.shape_cast %get3A_3396 : vector<1x16xf32> to vector<16xf32>
      %add3A_3398 = arith.addf %add3A_3392, %get3A_3397 : vector<16xf32>
      %get3A_3399 = arith.constant 78 : i32
      %get3A_3400 = arith.index_cast %get3A_3399 : i32 to index
      %get3A_3401 = arith.constant 16 : index
      %get3A_3402 = tpu.vector_load %arg6[%get3A_3400, %get3A_3401] {strides = array<i32>} : memref<80x128xf32, #tpu.memory_space<vmem>>, vector<1x16xf32>,
      %get3A_3403 = vector.shape_cast %get3A_3402 : vector<1x16xf32> to vector<16xf32>
      %add3A_3404 = arith.addf %add3A_3398, %get3A_3403 : vector<16xf32>
      %get3A_3405 = arith.constant 79 : i32
      %get3A_3406 = arith.index_cast %get3A_3405 : i32 to index
      %get3A_3407 = arith.constant 16 : index
      %get3A_3408 = tpu.vector_load %arg6[%get3A_3406, %get3A_3407] {strides = array<i32>} : memref<80x128xf32, #tpu.memory_space<vmem>>, vector<1x16xf32>,
      %get3A_3409 = vector.shape_cast %get3A_3408 : vector<1x16xf32> to vector<16xf32>
      %add3A_3410 = arith.addf %add3A_3404, %get3A_3409 : vector<16xf32>
      %mul3A_3411 = arith.constant 5.000000e-02 : f32
      %mul3A_3412 = vector.broadcast %mul3A_3411 : f32 to vector<16xf32>
      %mul3A_3413 = arith.mulf %add3A_3410, %mul3A_3412 : vector<16xf32>
      %mul3A_3414 = arith.constant 4 : i32
      %mul3A_3415 = arith.muli %scan3A_8, %mul3A_3414 : i32
      %add3A_3416 = arith.constant 3 : i32
      %add3A_3417 = arith.addi %mul3A_3415, %add3A_3416 : i32
      %swap3A_3418 = arith.index_cast %add3A_3417 : i32 to index
      %swap3A_3419 = arith.constant 16 : index
      %swap3A_3420 = tpu.vector_load %arg7[%swap3A_3418, %swap3A_3419] {strides = array<i32>} : memref<128x128xf32, #tpu.memory_space<vmem>>, vector<1x16xf32>,
      %swap3A_3421 = vector.shape_cast %swap3A_3420 : vector<1x16xf32> to vector<16xf32>
      %swap3A_3422 = vector.shape_cast %mul3A_3413 : vector<16xf32> to vector<1x16xf32>
      tpu.vector_store %arg7[%swap3A_3418, %swap3A_3419], %swap3A_3422 {strides = array<i32>} : memref<128x128xf32, #tpu.memory_space<vmem>>, vector<1x16xf32>,
      %get3A_3423 = arith.constant 60 : i32
      %get3A_3424 = arith.index_cast %get3A_3423 : i32 to index
      %get3A_3425 = arith.constant 32 : index
      %get3A_3426 = tpu.vector_load %arg6[%get3A_3424, %get3A_3425] {strides = array<i32>} : memref<80x128xf32, #tpu.memory_space<vmem>>, vector<1x16xf32>,
      %get3A_3427 = vector.shape_cast %get3A_3426 : vector<1x16xf32> to vector<16xf32>
      %get3A_3428 = arith.constant 61 : i32
      %get3A_3429 = arith.index_cast %get3A_3428 : i32 to index
      %get3A_3430 = arith.constant 32 : index
      %get3A_3431 = tpu.vector_load %arg6[%get3A_3429, %get3A_3430] {strides = array<i32>} : memref<80x128xf32, #tpu.memory_space<vmem>>, vector<1x16xf32>,
      %get3A_3432 = vector.shape_cast %get3A_3431 : vector<1x16xf32> to vector<16xf32>
      %add3A_3433 = arith.addf %get3A_3427, %get3A_3432 : vector<16xf32>
      %get3A_3434 = arith.constant 62 : i32
      %get3A_3435 = arith.index_cast %get3A_3434 : i32 to index
      %get3A_3436 = arith.constant 32 : index
      %get3A_3437 = tpu.vector_load %arg6[%get3A_3435, %get3A_3436] {strides = array<i32>} : memref<80x128xf32, #tpu.memory_space<vmem>>, vector<1x16xf32>,
      %get3A_3438 = vector.shape_cast %get3A_3437 : vector<1x16xf32> to vector<16xf32>
      %add3A_3439 = arith.addf %add3A_3433, %get3A_3438 : vector<16xf32>
      %get3A_3440 = arith.constant 63 : i32
      %get3A_3441 = arith.index_cast %get3A_3440 : i32 to index
      %get3A_3442 = arith.constant 32 : index
      %get3A_3443 = tpu.vector_load %arg6[%get3A_3441, %get3A_3442] {strides = array<i32>} : memref<80x128xf32, #tpu.memory_space<vmem>>, vector<1x16xf32>,
      %get3A_3444 = vector.shape_cast %get3A_3443 : vector<1x16xf32> to vector<16xf32>
      %add3A_3445 = arith.addf %add3A_3439, %get3A_3444 : vector<16xf32>
      %get3A_3446 = arith.constant 64 : i32
      %get3A_3447 = arith.index_cast %get3A_3446 : i32 to index
      %get3A_3448 = arith.constant 32 : index
      %get3A_3449 = tpu.vector_load %arg6[%get3A_3447, %get3A_3448] {strides = array<i32>} : memref<80x128xf32, #tpu.memory_space<vmem>>, vector<1x16xf32>,
      %get3A_3450 = vector.shape_cast %get3A_3449 : vector<1x16xf32> to vector<16xf32>
      %add3A_3451 = arith.addf %add3A_3445, %get3A_3450 : vector<16xf32>
      %get3A_3452 = arith.constant 65 : i32
      %get3A_3453 = arith.index_cast %get3A_3452 : i32 to index
      %get3A_3454 = arith.constant 32 : index
      %get3A_3455 = tpu.vector_load %arg6[%get3A_3453, %get3A_3454] {strides = array<i32>} : memref<80x128xf32, #tpu.memory_space<vmem>>, vector<1x16xf32>,
      %get3A_3456 = vector.shape_cast %get3A_3455 : vector<1x16xf32> to vector<16xf32>
      %add3A_3457 = arith.addf %add3A_3451, %get3A_3456 : vector<16xf32>
      %get3A_3458 = arith.constant 66 : i32
      %get3A_3459 = arith.index_cast %get3A_3458 : i32 to index
      %get3A_3460 = arith.constant 32 : index
      %get3A_3461 = tpu.vector_load %arg6[%get3A_3459, %get3A_3460] {strides = array<i32>} : memref<80x128xf32, #tpu.memory_space<vmem>>, vector<1x16xf32>,
      %get3A_3462 = vector.shape_cast %get3A_3461 : vector<1x16xf32> to vector<16xf32>
      %add3A_3463 = arith.addf %add3A_3457, %get3A_3462 : vector<16xf32>
      %get3A_3464 = arith.constant 67 : i32
      %get3A_3465 = arith.index_cast %get3A_3464 : i32 to index
      %get3A_3466 = arith.constant 32 : index
      %get3A_3467 = tpu.vector_load %arg6[%get3A_3465, %get3A_3466] {strides = array<i32>} : memref<80x128xf32, #tpu.memory_space<vmem>>, vector<1x16xf32>,
      %get3A_3468 = vector.shape_cast %get3A_3467 : vector<1x16xf32> to vector<16xf32>
      %add3A_3469 = arith.addf %add3A_3463, %get3A_3468 : vector<16xf32>
      %get3A_3470 = arith.constant 68 : i32
      %get3A_3471 = arith.index_cast %get3A_3470 : i32 to index
      %get3A_3472 = arith.constant 32 : index
      %get3A_3473 = tpu.vector_load %arg6[%get3A_3471, %get3A_3472] {strides = array<i32>} : memref<80x128xf32, #tpu.memory_space<vmem>>, vector<1x16xf32>,
      %get3A_3474 = vector.shape_cast %get3A_3473 : vector<1x16xf32> to vector<16xf32>
      %add3A_3475 = arith.addf %add3A_3469, %get3A_3474 : vector<16xf32>
      %get3A_3476 = arith.constant 69 : i32
      %get3A_3477 = arith.index_cast %get3A_3476 : i32 to index
      %get3A_3478 = arith.constant 32 : index
      %get3A_3479 = tpu.vector_load %arg6[%get3A_3477, %get3A_3478] {strides = array<i32>} : memref<80x128xf32, #tpu.memory_space<vmem>>, vector<1x16xf32>,
      %get3A_3480 = vector.shape_cast %get3A_3479 : vector<1x16xf32> to vector<16xf32>
      %add3A_3481 = arith.addf %add3A_3475, %get3A_3480 : vector<16xf32>
      %get3A_3482 = arith.constant 70 : i32
      %get3A_3483 = arith.index_cast %get3A_3482 : i32 to index
      %get3A_3484 = arith.constant 32 : index
      %get3A_3485 = tpu.vector_load %arg6[%get3A_3483, %get3A_3484] {strides = array<i32>} : memref<80x128xf32, #tpu.memory_space<vmem>>, vector<1x16xf32>,
      %get3A_3486 = vector.shape_cast %get3A_3485 : vector<1x16xf32> to vector<16xf32>
      %add3A_3487 = arith.addf %add3A_3481, %get3A_3486 : vector<16xf32>
      %get3A_3488 = arith.constant 71 : i32
      %get3A_3489 = arith.index_cast %get3A_3488 : i32 to index
      %get3A_3490 = arith.constant 32 : index
      %get3A_3491 = tpu.vector_load %arg6[%get3A_3489, %get3A_3490] {strides = array<i32>} : memref<80x128xf32, #tpu.memory_space<vmem>>, vector<1x16xf32>,
      %get3A_3492 = vector.shape_cast %get3A_3491 : vector<1x16xf32> to vector<16xf32>
      %add3A_3493 = arith.addf %add3A_3487, %get3A_3492 : vector<16xf32>
      %get3A_3494 = arith.constant 72 : i32
      %get3A_3495 = arith.index_cast %get3A_3494 : i32 to index
      %get3A_3496 = arith.constant 32 : index
      %get3A_3497 = tpu.vector_load %arg6[%get3A_3495, %get3A_3496] {strides = array<i32>} : memref<80x128xf32, #tpu.memory_space<vmem>>, vector<1x16xf32>,
      %get3A_3498 = vector.shape_cast %get3A_3497 : vector<1x16xf32> to vector<16xf32>
      %add3A_3499 = arith.addf %add3A_3493, %get3A_3498 : vector<16xf32>
      %get3A_3500 = arith.constant 73 : i32
      %get3A_3501 = arith.index_cast %get3A_3500 : i32 to index
      %get3A_3502 = arith.constant 32 : index
      %get3A_3503 = tpu.vector_load %arg6[%get3A_3501, %get3A_3502] {strides = array<i32>} : memref<80x128xf32, #tpu.memory_space<vmem>>, vector<1x16xf32>,
      %get3A_3504 = vector.shape_cast %get3A_3503 : vector<1x16xf32> to vector<16xf32>
      %add3A_3505 = arith.addf %add3A_3499, %get3A_3504 : vector<16xf32>
      %get3A_3506 = arith.constant 74 : i32
      %get3A_3507 = arith.index_cast %get3A_3506 : i32 to index
      %get3A_3508 = arith.constant 32 : index
      %get3A_3509 = tpu.vector_load %arg6[%get3A_3507, %get3A_3508] {strides = array<i32>} : memref<80x128xf32, #tpu.memory_space<vmem>>, vector<1x16xf32>,
      %get3A_3510 = vector.shape_cast %get3A_3509 : vector<1x16xf32> to vector<16xf32>
      %add3A_3511 = arith.addf %add3A_3505, %get3A_3510 : vector<16xf32>
      %get3A_3512 = arith.constant 75 : i32
      %get3A_3513 = arith.index_cast %get3A_3512 : i32 to index
      %get3A_3514 = arith.constant 32 : index
      %get3A_3515 = tpu.vector_load %arg6[%get3A_3513, %get3A_3514] {strides = array<i32>} : memref<80x128xf32, #tpu.memory_space<vmem>>, vector<1x16xf32>,
      %get3A_3516 = vector.shape_cast %get3A_3515 : vector<1x16xf32> to vector<16xf32>
      %add3A_3517 = arith.addf %add3A_3511, %get3A_3516 : vector<16xf32>
      %get3A_3518 = arith.constant 76 : i32
      %get3A_3519 = arith.index_cast %get3A_3518 : i32 to index
      %get3A_3520 = arith.constant 32 : index
      %get3A_3521 = tpu.vector_load %arg6[%get3A_3519, %get3A_3520] {strides = array<i32>} : memref<80x128xf32, #tpu.memory_space<vmem>>, vector<1x16xf32>,
      %get3A_3522 = vector.shape_cast %get3A_3521 : vector<1x16xf32> to vector<16xf32>
      %add3A_3523 = arith.addf %add3A_3517, %get3A_3522 : vector<16xf32>
      %get3A_3524 = arith.constant 77 : i32
      %get3A_3525 = arith.index_cast %get3A_3524 : i32 to index
      %get3A_3526 = arith.constant 32 : index
      %get3A_3527 = tpu.vector_load %arg6[%get3A_3525, %get3A_3526] {strides = array<i32>} : memref<80x128xf32, #tpu.memory_space<vmem>>, vector<1x16xf32>,
      %get3A_3528 = vector.shape_cast %get3A_3527 : vector<1x16xf32> to vector<16xf32>
      %add3A_3529 = arith.addf %add3A_3523, %get3A_3528 : vector<16xf32>
      %get3A_3530 = arith.constant 78 : i32
      %get3A_3531 = arith.index_cast %get3A_3530 : i32 to index
      %get3A_3532 = arith.constant 32 : index
      %get3A_3533 = tpu.vector_load %arg6[%get3A_3531, %get3A_3532] {strides = array<i32>} : memref<80x128xf32, #tpu.memory_space<vmem>>, vector<1x16xf32>,
      %get3A_3534 = vector.shape_cast %get3A_3533 : vector<1x16xf32> to vector<16xf32>
      %add3A_3535 = arith.addf %add3A_3529, %get3A_3534 : vector<16xf32>
      %get3A_3536 = arith.constant 79 : i32
      %get3A_3537 = arith.index_cast %get3A_3536 : i32 to index
      %get3A_3538 = arith.constant 32 : index
      %get3A_3539 = tpu.vector_load %arg6[%get3A_3537, %get3A_3538] {strides = array<i32>} : memref<80x128xf32, #tpu.memory_space<vmem>>, vector<1x16xf32>,
      %get3A_3540 = vector.shape_cast %get3A_3539 : vector<1x16xf32> to vector<16xf32>
      %add3A_3541 = arith.addf %add3A_3535, %get3A_3540 : vector<16xf32>
      %mul3A_3542 = arith.constant 5.000000e-02 : f32
      %mul3A_3543 = vector.broadcast %mul3A_3542 : f32 to vector<16xf32>
      %mul3A_3544 = arith.mulf %add3A_3541, %mul3A_3543 : vector<16xf32>
      %mul3A_3545 = arith.constant 4 : i32
      %mul3A_3546 = arith.muli %scan3A_8, %mul3A_3545 : i32
      %add3A_3547 = arith.constant 3 : i32
      %add3A_3548 = arith.addi %mul3A_3546, %add3A_3547 : i32
      %swap3A_3549 = arith.index_cast %add3A_3548 : i32 to index
      %swap3A_3550 = arith.constant 32 : index
      %swap3A_3551 = tpu.vector_load %arg7[%swap3A_3549, %swap3A_3550] {strides = array<i32>} : memref<128x128xf32, #tpu.memory_space<vmem>>, vector<1x16xf32>,
      %swap3A_3552 = vector.shape_cast %swap3A_3551 : vector<1x16xf32> to vector<16xf32>
      %swap3A_3553 = vector.shape_cast %mul3A_3544 : vector<16xf32> to vector<1x16xf32>
      tpu.vector_store %arg7[%swap3A_3549, %swap3A_3550], %swap3A_3553 {strides = array<i32>} : memref<128x128xf32, #tpu.memory_space<vmem>>, vector<1x16xf32>,
      %get3A_3554 = arith.constant 60 : i32
      %get3A_3555 = arith.index_cast %get3A_3554 : i32 to index
      %get3A_3556 = arith.constant 48 : index
      %get3A_3557 = tpu.vector_load %arg6[%get3A_3555, %get3A_3556] {strides = array<i32>} : memref<80x128xf32, #tpu.memory_space<vmem>>, vector<1x16xf32>,
      %get3A_3558 = vector.shape_cast %get3A_3557 : vector<1x16xf32> to vector<16xf32>
      %get3A_3559 = arith.constant 61 : i32
      %get3A_3560 = arith.index_cast %get3A_3559 : i32 to index
      %get3A_3561 = arith.constant 48 : index
      %get3A_3562 = tpu.vector_load %arg6[%get3A_3560, %get3A_3561] {strides = array<i32>} : memref<80x128xf32, #tpu.memory_space<vmem>>, vector<1x16xf32>,
      %get3A_3563 = vector.shape_cast %get3A_3562 : vector<1x16xf32> to vector<16xf32>
      %add3A_3564 = arith.addf %get3A_3558, %get3A_3563 : vector<16xf32>
      %get3A_3565 = arith.constant 62 : i32
      %get3A_3566 = arith.index_cast %get3A_3565 : i32 to index
      %get3A_3567 = arith.constant 48 : index
      %get3A_3568 = tpu.vector_load %arg6[%get3A_3566, %get3A_3567] {strides = array<i32>} : memref<80x128xf32, #tpu.memory_space<vmem>>, vector<1x16xf32>,
      %get3A_3569 = vector.shape_cast %get3A_3568 : vector<1x16xf32> to vector<16xf32>
      %add3A_3570 = arith.addf %add3A_3564, %get3A_3569 : vector<16xf32>
      %get3A_3571 = arith.constant 63 : i32
      %get3A_3572 = arith.index_cast %get3A_3571 : i32 to index
      %get3A_3573 = arith.constant 48 : index
      %get3A_3574 = tpu.vector_load %arg6[%get3A_3572, %get3A_3573] {strides = array<i32>} : memref<80x128xf32, #tpu.memory_space<vmem>>, vector<1x16xf32>,
      %get3A_3575 = vector.shape_cast %get3A_3574 : vector<1x16xf32> to vector<16xf32>
      %add3A_3576 = arith.addf %add3A_3570, %get3A_3575 : vector<16xf32>
      %get3A_3577 = arith.constant 64 : i32
      %get3A_3578 = arith.index_cast %get3A_3577 : i32 to index
      %get3A_3579 = arith.constant 48 : index
      %get3A_3580 = tpu.vector_load %arg6[%get3A_3578, %get3A_3579] {strides = array<i32>} : memref<80x128xf32, #tpu.memory_space<vmem>>, vector<1x16xf32>,
      %get3A_3581 = vector.shape_cast %get3A_3580 : vector<1x16xf32> to vector<16xf32>
      %add3A_3582 = arith.addf %add3A_3576, %get3A_3581 : vector<16xf32>
      %get3A_3583 = arith.constant 65 : i32
      %get3A_3584 = arith.index_cast %get3A_3583 : i32 to index
      %get3A_3585 = arith.constant 48 : index
      %get3A_3586 = tpu.vector_load %arg6[%get3A_3584, %get3A_3585] {strides = array<i32>} : memref<80x128xf32, #tpu.memory_space<vmem>>, vector<1x16xf32>,
      %get3A_3587 = vector.shape_cast %get3A_3586 : vector<1x16xf32> to vector<16xf32>
      %add3A_3588 = arith.addf %add3A_3582, %get3A_3587 : vector<16xf32>
      %get3A_3589 = arith.constant 66 : i32
      %get3A_3590 = arith.index_cast %get3A_3589 : i32 to index
      %get3A_3591 = arith.constant 48 : index
      %get3A_3592 = tpu.vector_load %arg6[%get3A_3590, %get3A_3591] {strides = array<i32>} : memref<80x128xf32, #tpu.memory_space<vmem>>, vector<1x16xf32>,
      %get3A_3593 = vector.shape_cast %get3A_3592 : vector<1x16xf32> to vector<16xf32>
      %add3A_3594 = arith.addf %add3A_3588, %get3A_3593 : vector<16xf32>
      %get3A_3595 = arith.constant 67 : i32
      %get3A_3596 = arith.index_cast %get3A_3595 : i32 to index
      %get3A_3597 = arith.constant 48 : index
      %get3A_3598 = tpu.vector_load %arg6[%get3A_3596, %get3A_3597] {strides = array<i32>} : memref<80x128xf32, #tpu.memory_space<vmem>>, vector<1x16xf32>,
      %get3A_3599 = vector.shape_cast %get3A_3598 : vector<1x16xf32> to vector<16xf32>
      %add3A_3600 = arith.addf %add3A_3594, %get3A_3599 : vector<16xf32>
      %get3A_3601 = arith.constant 68 : i32
      %get3A_3602 = arith.index_cast %get3A_3601 : i32 to index
      %get3A_3603 = arith.constant 48 : index
      %get3A_3604 = tpu.vector_load %arg6[%get3A_3602, %get3A_3603] {strides = array<i32>} : memref<80x128xf32, #tpu.memory_space<vmem>>, vector<1x16xf32>,
      %get3A_3605 = vector.shape_cast %get3A_3604 : vector<1x16xf32> to vector<16xf32>
      %add3A_3606 = arith.addf %add3A_3600, %get3A_3605 : vector<16xf32>
      %get3A_3607 = arith.constant 69 : i32
      %get3A_3608 = arith.index_cast %get3A_3607 : i32 to index
      %get3A_3609 = arith.constant 48 : index
      %get3A_3610 = tpu.vector_load %arg6[%get3A_3608, %get3A_3609] {strides = array<i32>} : memref<80x128xf32, #tpu.memory_space<vmem>>, vector<1x16xf32>,
      %get3A_3611 = vector.shape_cast %get3A_3610 : vector<1x16xf32> to vector<16xf32>
      %add3A_3612 = arith.addf %add3A_3606, %get3A_3611 : vector<16xf32>
      %get3A_3613 = arith.constant 70 : i32
      %get3A_3614 = arith.index_cast %get3A_3613 : i32 to index
      %get3A_3615 = arith.constant 48 : index
      %get3A_3616 = tpu.vector_load %arg6[%get3A_3614, %get3A_3615] {strides = array<i32>} : memref<80x128xf32, #tpu.memory_space<vmem>>, vector<1x16xf32>,
      %get3A_3617 = vector.shape_cast %get3A_3616 : vector<1x16xf32> to vector<16xf32>
      %add3A_3618 = arith.addf %add3A_3612, %get3A_3617 : vector<16xf32>
      %get3A_3619 = arith.constant 71 : i32
      %get3A_3620 = arith.index_cast %get3A_3619 : i32 to index
      %get3A_3621 = arith.constant 48 : index
      %get3A_3622 = tpu.vector_load %arg6[%get3A_3620, %get3A_3621] {strides = array<i32>} : memref<80x128xf32, #tpu.memory_space<vmem>>, vector<1x16xf32>,
      %get3A_3623 = vector.shape_cast %get3A_3622 : vector<1x16xf32> to vector<16xf32>
      %add3A_3624 = arith.addf %add3A_3618, %get3A_3623 : vector<16xf32>
      %get3A_3625 = arith.constant 72 : i32
      %get3A_3626 = arith.index_cast %get3A_3625 : i32 to index
      %get3A_3627 = arith.constant 48 : index
      %get3A_3628 = tpu.vector_load %arg6[%get3A_3626, %get3A_3627] {strides = array<i32>} : memref<80x128xf32, #tpu.memory_space<vmem>>, vector<1x16xf32>,
      %get3A_3629 = vector.shape_cast %get3A_3628 : vector<1x16xf32> to vector<16xf32>
      %add3A_3630 = arith.addf %add3A_3624, %get3A_3629 : vector<16xf32>
      %get3A_3631 = arith.constant 73 : i32
      %get3A_3632 = arith.index_cast %get3A_3631 : i32 to index
      %get3A_3633 = arith.constant 48 : index
      %get3A_3634 = tpu.vector_load %arg6[%get3A_3632, %get3A_3633] {strides = array<i32>} : memref<80x128xf32, #tpu.memory_space<vmem>>, vector<1x16xf32>,
      %get3A_3635 = vector.shape_cast %get3A_3634 : vector<1x16xf32> to vector<16xf32>
      %add3A_3636 = arith.addf %add3A_3630, %get3A_3635 : vector<16xf32>
      %get3A_3637 = arith.constant 74 : i32
      %get3A_3638 = arith.index_cast %get3A_3637 : i32 to index
      %get3A_3639 = arith.constant 48 : index
      %get3A_3640 = tpu.vector_load %arg6[%get3A_3638, %get3A_3639] {strides = array<i32>} : memref<80x128xf32, #tpu.memory_space<vmem>>, vector<1x16xf32>,
      %get3A_3641 = vector.shape_cast %get3A_3640 : vector<1x16xf32> to vector<16xf32>
      %add3A_3642 = arith.addf %add3A_3636, %get3A_3641 : vector<16xf32>
      %get3A_3643 = arith.constant 75 : i32
      %get3A_3644 = arith.index_cast %get3A_3643 : i32 to index
      %get3A_3645 = arith.constant 48 : index
      %get3A_3646 = tpu.vector_load %arg6[%get3A_3644, %get3A_3645] {strides = array<i32>} : memref<80x128xf32, #tpu.memory_space<vmem>>, vector<1x16xf32>,
      %get3A_3647 = vector.shape_cast %get3A_3646 : vector<1x16xf32> to vector<16xf32>
      %add3A_3648 = arith.addf %add3A_3642, %get3A_3647 : vector<16xf32>
      %get3A_3649 = arith.constant 76 : i32
      %get3A_3650 = arith.index_cast %get3A_3649 : i32 to index
      %get3A_3651 = arith.constant 48 : index
      %get3A_3652 = tpu.vector_load %arg6[%get3A_3650, %get3A_3651] {strides = array<i32>} : memref<80x128xf32, #tpu.memory_space<vmem>>, vector<1x16xf32>,
      %get3A_3653 = vector.shape_cast %get3A_3652 : vector<1x16xf32> to vector<16xf32>
      %add3A_3654 = arith.addf %add3A_3648, %get3A_3653 : vector<16xf32>
      %get3A_3655 = arith.constant 77 : i32
      %get3A_3656 = arith.index_cast %get3A_3655 : i32 to index
      %get3A_3657 = arith.constant 48 : index
      %get3A_3658 = tpu.vector_load %arg6[%get3A_3656, %get3A_3657] {strides = array<i32>} : memref<80x128xf32, #tpu.memory_space<vmem>>, vector<1x16xf32>,
      %get3A_3659 = vector.shape_cast %get3A_3658 : vector<1x16xf32> to vector<16xf32>
      %add3A_3660 = arith.addf %add3A_3654, %get3A_3659 : vector<16xf32>
      %get3A_3661 = arith.constant 78 : i32
      %get3A_3662 = arith.index_cast %get3A_3661 : i32 to index
      %get3A_3663 = arith.constant 48 : index
      %get3A_3664 = tpu.vector_load %arg6[%get3A_3662, %get3A_3663] {strides = array<i32>} : memref<80x128xf32, #tpu.memory_space<vmem>>, vector<1x16xf32>,
      %get3A_3665 = vector.shape_cast %get3A_3664 : vector<1x16xf32> to vector<16xf32>
      %add3A_3666 = arith.addf %add3A_3660, %get3A_3665 : vector<16xf32>
      %get3A_3667 = arith.constant 79 : i32
      %get3A_3668 = arith.index_cast %get3A_3667 : i32 to index
      %get3A_3669 = arith.constant 48 : index
      %get3A_3670 = tpu.vector_load %arg6[%get3A_3668, %get3A_3669] {strides = array<i32>} : memref<80x128xf32, #tpu.memory_space<vmem>>, vector<1x16xf32>,
      %get3A_3671 = vector.shape_cast %get3A_3670 : vector<1x16xf32> to vector<16xf32>
      %add3A_3672 = arith.addf %add3A_3666, %get3A_3671 : vector<16xf32>
      %mul3A_3673 = arith.constant 5.000000e-02 : f32
      %mul3A_3674 = vector.broadcast %mul3A_3673 : f32 to vector<16xf32>
      %mul3A_3675 = arith.mulf %add3A_3672, %mul3A_3674 : vector<16xf32>
      %mul3A_3676 = arith.constant 4 : i32
      %mul3A_3677 = arith.muli %scan3A_8, %mul3A_3676 : i32
      %add3A_3678 = arith.constant 3 : i32
      %add3A_3679 = arith.addi %mul3A_3677, %add3A_3678 : i32
      %swap3A_3680 = arith.index_cast %add3A_3679 : i32 to index
      %swap3A_3681 = arith.constant 48 : index
      %swap3A_3682 = tpu.vector_load %arg7[%swap3A_3680, %swap3A_3681] {strides = array<i32>} : memref<128x128xf32, #tpu.memory_space<vmem>>, vector<1x16xf32>,
      %swap3A_3683 = vector.shape_cast %swap3A_3682 : vector<1x16xf32> to vector<16xf32>
      %swap3A_3684 = vector.shape_cast %mul3A_3675 : vector<16xf32> to vector<1x16xf32>
      tpu.vector_store %arg7[%swap3A_3680, %swap3A_3681], %swap3A_3684 {strides = array<i32>} : memref<128x128xf32, #tpu.memory_space<vmem>>, vector<1x16xf32>,
      %get3A_3685 = arith.constant 60 : i32
      %get3A_3686 = arith.index_cast %get3A_3685 : i32 to index
      %get3A_3687 = arith.constant 64 : index
      %get3A_3688 = tpu.vector_load %arg6[%get3A_3686, %get3A_3687] {strides = array<i32>} : memref<80x128xf32, #tpu.memory_space<vmem>>, vector<1x16xf32>,
      %get3A_3689 = vector.shape_cast %get3A_3688 : vector<1x16xf32> to vector<16xf32>
      %get3A_3690 = arith.constant 61 : i32
      %get3A_3691 = arith.index_cast %get3A_3690 : i32 to index
      %get3A_3692 = arith.constant 64 : index
      %get3A_3693 = tpu.vector_load %arg6[%get3A_3691, %get3A_3692] {strides = array<i32>} : memref<80x128xf32, #tpu.memory_space<vmem>>, vector<1x16xf32>,
      %get3A_3694 = vector.shape_cast %get3A_3693 : vector<1x16xf32> to vector<16xf32>
      %add3A_3695 = arith.addf %get3A_3689, %get3A_3694 : vector<16xf32>
      %get3A_3696 = arith.constant 62 : i32
      %get3A_3697 = arith.index_cast %get3A_3696 : i32 to index
      %get3A_3698 = arith.constant 64 : index
      %get3A_3699 = tpu.vector_load %arg6[%get3A_3697, %get3A_3698] {strides = array<i32>} : memref<80x128xf32, #tpu.memory_space<vmem>>, vector<1x16xf32>,
      %get3A_3700 = vector.shape_cast %get3A_3699 : vector<1x16xf32> to vector<16xf32>
      %add3A_3701 = arith.addf %add3A_3695, %get3A_3700 : vector<16xf32>
      %get3A_3702 = arith.constant 63 : i32
      %get3A_3703 = arith.index_cast %get3A_3702 : i32 to index
      %get3A_3704 = arith.constant 64 : index
      %get3A_3705 = tpu.vector_load %arg6[%get3A_3703, %get3A_3704] {strides = array<i32>} : memref<80x128xf32, #tpu.memory_space<vmem>>, vector<1x16xf32>,
      %get3A_3706 = vector.shape_cast %get3A_3705 : vector<1x16xf32> to vector<16xf32>
      %add3A_3707 = arith.addf %add3A_3701, %get3A_3706 : vector<16xf32>
      %get3A_3708 = arith.constant 64 : i32
      %get3A_3709 = arith.index_cast %get3A_3708 : i32 to index
      %get3A_3710 = arith.constant 64 : index
      %get3A_3711 = tpu.vector_load %arg6[%get3A_3709, %get3A_3710] {strides = array<i32>} : memref<80x128xf32, #tpu.memory_space<vmem>>, vector<1x16xf32>,
      %get3A_3712 = vector.shape_cast %get3A_3711 : vector<1x16xf32> to vector<16xf32>
      %add3A_3713 = arith.addf %add3A_3707, %get3A_3712 : vector<16xf32>
      %get3A_3714 = arith.constant 65 : i32
      %get3A_3715 = arith.index_cast %get3A_3714 : i32 to index
      %get3A_3716 = arith.constant 64 : index
      %get3A_3717 = tpu.vector_load %arg6[%get3A_3715, %get3A_3716] {strides = array<i32>} : memref<80x128xf32, #tpu.memory_space<vmem>>, vector<1x16xf32>,
      %get3A_3718 = vector.shape_cast %get3A_3717 : vector<1x16xf32> to vector<16xf32>
      %add3A_3719 = arith.addf %add3A_3713, %get3A_3718 : vector<16xf32>
      %get3A_3720 = arith.constant 66 : i32
      %get3A_3721 = arith.index_cast %get3A_3720 : i32 to index
      %get3A_3722 = arith.constant 64 : index
      %get3A_3723 = tpu.vector_load %arg6[%get3A_3721, %get3A_3722] {strides = array<i32>} : memref<80x128xf32, #tpu.memory_space<vmem>>, vector<1x16xf32>,
      %get3A_3724 = vector.shape_cast %get3A_3723 : vector<1x16xf32> to vector<16xf32>
      %add3A_3725 = arith.addf %add3A_3719, %get3A_3724 : vector<16xf32>
      %get3A_3726 = arith.constant 67 : i32
      %get3A_3727 = arith.index_cast %get3A_3726 : i32 to index
      %get3A_3728 = arith.constant 64 : index
      %get3A_3729 = tpu.vector_load %arg6[%get3A_3727, %get3A_3728] {strides = array<i32>} : memref<80x128xf32, #tpu.memory_space<vmem>>, vector<1x16xf32>,
      %get3A_3730 = vector.shape_cast %get3A_3729 : vector<1x16xf32> to vector<16xf32>
      %add3A_3731 = arith.addf %add3A_3725, %get3A_3730 : vector<16xf32>
      %get3A_3732 = arith.constant 68 : i32
      %get3A_3733 = arith.index_cast %get3A_3732 : i32 to index
      %get3A_3734 = arith.constant 64 : index
      %get3A_3735 = tpu.vector_load %arg6[%get3A_3733, %get3A_3734] {strides = array<i32>} : memref<80x128xf32, #tpu.memory_space<vmem>>, vector<1x16xf32>,
      %get3A_3736 = vector.shape_cast %get3A_3735 : vector<1x16xf32> to vector<16xf32>
      %add3A_3737 = arith.addf %add3A_3731, %get3A_3736 : vector<16xf32>
      %get3A_3738 = arith.constant 69 : i32
      %get3A_3739 = arith.index_cast %get3A_3738 : i32 to index
      %get3A_3740 = arith.constant 64 : index
      %get3A_3741 = tpu.vector_load %arg6[%get3A_3739, %get3A_3740] {strides = array<i32>} : memref<80x128xf32, #tpu.memory_space<vmem>>, vector<1x16xf32>,
      %get3A_3742 = vector.shape_cast %get3A_3741 : vector<1x16xf32> to vector<16xf32>
      %add3A_3743 = arith.addf %add3A_3737, %get3A_3742 : vector<16xf32>
      %get3A_3744 = arith.constant 70 : i32
      %get3A_3745 = arith.index_cast %get3A_3744 : i32 to index
      %get3A_3746 = arith.constant 64 : index
      %get3A_3747 = tpu.vector_load %arg6[%get3A_3745, %get3A_3746] {strides = array<i32>} : memref<80x128xf32, #tpu.memory_space<vmem>>, vector<1x16xf32>,
      %get3A_3748 = vector.shape_cast %get3A_3747 : vector<1x16xf32> to vector<16xf32>
      %add3A_3749 = arith.addf %add3A_3743, %get3A_3748 : vector<16xf32>
      %get3A_3750 = arith.constant 71 : i32
      %get3A_3751 = arith.index_cast %get3A_3750 : i32 to index
      %get3A_3752 = arith.constant 64 : index
      %get3A_3753 = tpu.vector_load %arg6[%get3A_3751, %get3A_3752] {strides = array<i32>} : memref<80x128xf32, #tpu.memory_space<vmem>>, vector<1x16xf32>,
      %get3A_3754 = vector.shape_cast %get3A_3753 : vector<1x16xf32> to vector<16xf32>
      %add3A_3755 = arith.addf %add3A_3749, %get3A_3754 : vector<16xf32>
      %get3A_3756 = arith.constant 72 : i32
      %get3A_3757 = arith.index_cast %get3A_3756 : i32 to index
      %get3A_3758 = arith.constant 64 : index
      %get3A_3759 = tpu.vector_load %arg6[%get3A_3757, %get3A_3758] {strides = array<i32>} : memref<80x128xf32, #tpu.memory_space<vmem>>, vector<1x16xf32>,
      %get3A_3760 = vector.shape_cast %get3A_3759 : vector<1x16xf32> to vector<16xf32>
      %add3A_3761 = arith.addf %add3A_3755, %get3A_3760 : vector<16xf32>
      %get3A_3762 = arith.constant 73 : i32
      %get3A_3763 = arith.index_cast %get3A_3762 : i32 to index
      %get3A_3764 = arith.constant 64 : index
      %get3A_3765 = tpu.vector_load %arg6[%get3A_3763, %get3A_3764] {strides = array<i32>} : memref<80x128xf32, #tpu.memory_space<vmem>>, vector<1x16xf32>,
      %get3A_3766 = vector.shape_cast %get3A_3765 : vector<1x16xf32> to vector<16xf32>
      %add3A_3767 = arith.addf %add3A_3761, %get3A_3766 : vector<16xf32>
      %get3A_3768 = arith.constant 74 : i32
      %get3A_3769 = arith.index_cast %get3A_3768 : i32 to index
      %get3A_3770 = arith.constant 64 : index
      %get3A_3771 = tpu.vector_load %arg6[%get3A_3769, %get3A_3770] {strides = array<i32>} : memref<80x128xf32, #tpu.memory_space<vmem>>, vector<1x16xf32>,
      %get3A_3772 = vector.shape_cast %get3A_3771 : vector<1x16xf32> to vector<16xf32>
      %add3A_3773 = arith.addf %add3A_3767, %get3A_3772 : vector<16xf32>
      %get3A_3774 = arith.constant 75 : i32
      %get3A_3775 = arith.index_cast %get3A_3774 : i32 to index
      %get3A_3776 = arith.constant 64 : index
      %get3A_3777 = tpu.vector_load %arg6[%get3A_3775, %get3A_3776] {strides = array<i32>} : memref<80x128xf32, #tpu.memory_space<vmem>>, vector<1x16xf32>,
      %get3A_3778 = vector.shape_cast %get3A_3777 : vector<1x16xf32> to vector<16xf32>
      %add3A_3779 = arith.addf %add3A_3773, %get3A_3778 : vector<16xf32>
      %get3A_3780 = arith.constant 76 : i32
      %get3A_3781 = arith.index_cast %get3A_3780 : i32 to index
      %get3A_3782 = arith.constant 64 : index
      %get3A_3783 = tpu.vector_load %arg6[%get3A_3781, %get3A_3782] {strides = array<i32>} : memref<80x128xf32, #tpu.memory_space<vmem>>, vector<1x16xf32>,
      %get3A_3784 = vector.shape_cast %get3A_3783 : vector<1x16xf32> to vector<16xf32>
      %add3A_3785 = arith.addf %add3A_3779, %get3A_3784 : vector<16xf32>
      %get3A_3786 = arith.constant 77 : i32
      %get3A_3787 = arith.index_cast %get3A_3786 : i32 to index
      %get3A_3788 = arith.constant 64 : index
      %get3A_3789 = tpu.vector_load %arg6[%get3A_3787, %get3A_3788] {strides = array<i32>} : memref<80x128xf32, #tpu.memory_space<vmem>>, vector<1x16xf32>,
      %get3A_3790 = vector.shape_cast %get3A_3789 : vector<1x16xf32> to vector<16xf32>
      %add3A_3791 = arith.addf %add3A_3785, %get3A_3790 : vector<16xf32>
      %get3A_3792 = arith.constant 78 : i32
      %get3A_3793 = arith.index_cast %get3A_3792 : i32 to index
      %get3A_3794 = arith.constant 64 : index
      %get3A_3795 = tpu.vector_load %arg6[%get3A_3793, %get3A_3794] {strides = array<i32>} : memref<80x128xf32, #tpu.memory_space<vmem>>, vector<1x16xf32>,
      %get3A_3796 = vector.shape_cast %get3A_3795 : vector<1x16xf32> to vector<16xf32>
      %add3A_3797 = arith.addf %add3A_3791, %get3A_3796 : vector<16xf32>
      %get3A_3798 = arith.constant 79 : i32
      %get3A_3799 = arith.index_cast %get3A_3798 : i32 to index
      %get3A_3800 = arith.constant 64 : index
      %get3A_3801 = tpu.vector_load %arg6[%get3A_3799, %get3A_3800] {strides = array<i32>} : memref<80x128xf32, #tpu.memory_space<vmem>>, vector<1x16xf32>,
      %get3A_3802 = vector.shape_cast %get3A_3801 : vector<1x16xf32> to vector<16xf32>
      %add3A_3803 = arith.addf %add3A_3797, %get3A_3802 : vector<16xf32>
      %mul3A_3804 = arith.constant 5.000000e-02 : f32
      %mul3A_3805 = vector.broadcast %mul3A_3804 : f32 to vector<16xf32>
      %mul3A_3806 = arith.mulf %add3A_3803, %mul3A_3805 : vector<16xf32>
      %mul3A_3807 = arith.constant 4 : i32
      %mul3A_3808 = arith.muli %scan3A_8, %mul3A_3807 : i32
      %add3A_3809 = arith.constant 3 : i32
      %add3A_3810 = arith.addi %mul3A_3808, %add3A_3809 : i32
      %swap3A_3811 = arith.index_cast %add3A_3810 : i32 to index
      %swap3A_3812 = arith.constant 64 : index
      %swap3A_3813 = tpu.vector_load %arg7[%swap3A_3811, %swap3A_3812] {strides = array<i32>} : memref<128x128xf32, #tpu.memory_space<vmem>>, vector<1x16xf32>,
      %swap3A_3814 = vector.shape_cast %swap3A_3813 : vector<1x16xf32> to vector<16xf32>
      %swap3A_3815 = vector.shape_cast %mul3A_3806 : vector<16xf32> to vector<1x16xf32>
      tpu.vector_store %arg7[%swap3A_3811, %swap3A_3812], %swap3A_3815 {strides = array<i32>} : memref<128x128xf32, #tpu.memory_space<vmem>>, vector<1x16xf32>,
      %get3A_3816 = arith.constant 60 : i32
      %get3A_3817 = arith.index_cast %get3A_3816 : i32 to index
      %get3A_3818 = arith.constant 80 : index
      %get3A_3819 = tpu.vector_load %arg6[%get3A_3817, %get3A_3818] {strides = array<i32>} : memref<80x128xf32, #tpu.memory_space<vmem>>, vector<1x16xf32>,
      %get3A_3820 = vector.shape_cast %get3A_3819 : vector<1x16xf32> to vector<16xf32>
      %get3A_3821 = arith.constant 61 : i32
      %get3A_3822 = arith.index_cast %get3A_3821 : i32 to index
      %get3A_3823 = arith.constant 80 : index
      %get3A_3824 = tpu.vector_load %arg6[%get3A_3822, %get3A_3823] {strides = array<i32>} : memref<80x128xf32, #tpu.memory_space<vmem>>, vector<1x16xf32>,
      %get3A_3825 = vector.shape_cast %get3A_3824 : vector<1x16xf32> to vector<16xf32>
      %add3A_3826 = arith.addf %get3A_3820, %get3A_3825 : vector<16xf32>
      %get3A_3827 = arith.constant 62 : i32
      %get3A_3828 = arith.index_cast %get3A_3827 : i32 to index
      %get3A_3829 = arith.constant 80 : index
      %get3A_3830 = tpu.vector_load %arg6[%get3A_3828, %get3A_3829] {strides = array<i32>} : memref<80x128xf32, #tpu.memory_space<vmem>>, vector<1x16xf32>,
      %get3A_3831 = vector.shape_cast %get3A_3830 : vector<1x16xf32> to vector<16xf32>
      %add3A_3832 = arith.addf %add3A_3826, %get3A_3831 : vector<16xf32>
      %get3A_3833 = arith.constant 63 : i32
      %get3A_3834 = arith.index_cast %get3A_3833 : i32 to index
      %get3A_3835 = arith.constant 80 : index
      %get3A_3836 = tpu.vector_load %arg6[%get3A_3834, %get3A_3835] {strides = array<i32>} : memref<80x128xf32, #tpu.memory_space<vmem>>, vector<1x16xf32>,
      %get3A_3837 = vector.shape_cast %get3A_3836 : vector<1x16xf32> to vector<16xf32>
      %add3A_3838 = arith.addf %add3A_3832, %get3A_3837 : vector<16xf32>
      %get3A_3839 = arith.constant 64 : i32
      %get3A_3840 = arith.index_cast %get3A_3839 : i32 to index
      %get3A_3841 = arith.constant 80 : index
      %get3A_3842 = tpu.vector_load %arg6[%get3A_3840, %get3A_3841] {strides = array<i32>} : memref<80x128xf32, #tpu.memory_space<vmem>>, vector<1x16xf32>,
      %get3A_3843 = vector.shape_cast %get3A_3842 : vector<1x16xf32> to vector<16xf32>
      %add3A_3844 = arith.addf %add3A_3838, %get3A_3843 : vector<16xf32>
      %get3A_3845 = arith.constant 65 : i32
      %get3A_3846 = arith.index_cast %get3A_3845 : i32 to index
      %get3A_3847 = arith.constant 80 : index
      %get3A_3848 = tpu.vector_load %arg6[%get3A_3846, %get3A_3847] {strides = array<i32>} : memref<80x128xf32, #tpu.memory_space<vmem>>, vector<1x16xf32>,
      %get3A_3849 = vector.shape_cast %get3A_3848 : vector<1x16xf32> to vector<16xf32>
      %add3A_3850 = arith.addf %add3A_3844, %get3A_3849 : vector<16xf32>
      %get3A_3851 = arith.constant 66 : i32
      %get3A_3852 = arith.index_cast %get3A_3851 : i32 to index
      %get3A_3853 = arith.constant 80 : index
      %get3A_3854 = tpu.vector_load %arg6[%get3A_3852, %get3A_3853] {strides = array<i32>} : memref<80x128xf32, #tpu.memory_space<vmem>>, vector<1x16xf32>,
      %get3A_3855 = vector.shape_cast %get3A_3854 : vector<1x16xf32> to vector<16xf32>
      %add3A_3856 = arith.addf %add3A_3850, %get3A_3855 : vector<16xf32>
      %get3A_3857 = arith.constant 67 : i32
      %get3A_3858 = arith.index_cast %get3A_3857 : i32 to index
      %get3A_3859 = arith.constant 80 : index
      %get3A_3860 = tpu.vector_load %arg6[%get3A_3858, %get3A_3859] {strides = array<i32>} : memref<80x128xf32, #tpu.memory_space<vmem>>, vector<1x16xf32>,
      %get3A_3861 = vector.shape_cast %get3A_3860 : vector<1x16xf32> to vector<16xf32>
      %add3A_3862 = arith.addf %add3A_3856, %get3A_3861 : vector<16xf32>
      %get3A_3863 = arith.constant 68 : i32
      %get3A_3864 = arith.index_cast %get3A_3863 : i32 to index
      %get3A_3865 = arith.constant 80 : index
      %get3A_3866 = tpu.vector_load %arg6[%get3A_3864, %get3A_3865] {strides = array<i32>} : memref<80x128xf32, #tpu.memory_space<vmem>>, vector<1x16xf32>,
      %get3A_3867 = vector.shape_cast %get3A_3866 : vector<1x16xf32> to vector<16xf32>
      %add3A_3868 = arith.addf %add3A_3862, %get3A_3867 : vector<16xf32>
      %get3A_3869 = arith.constant 69 : i32
      %get3A_3870 = arith.index_cast %get3A_3869 : i32 to index
      %get3A_3871 = arith.constant 80 : index
      %get3A_3872 = tpu.vector_load %arg6[%get3A_3870, %get3A_3871] {strides = array<i32>} : memref<80x128xf32, #tpu.memory_space<vmem>>, vector<1x16xf32>,
      %get3A_3873 = vector.shape_cast %get3A_3872 : vector<1x16xf32> to vector<16xf32>
      %add3A_3874 = arith.addf %add3A_3868, %get3A_3873 : vector<16xf32>
      %get3A_3875 = arith.constant 70 : i32
      %get3A_3876 = arith.index_cast %get3A_3875 : i32 to index
      %get3A_3877 = arith.constant 80 : index
      %get3A_3878 = tpu.vector_load %arg6[%get3A_3876, %get3A_3877] {strides = array<i32>} : memref<80x128xf32, #tpu.memory_space<vmem>>, vector<1x16xf32>,
      %get3A_3879 = vector.shape_cast %get3A_3878 : vector<1x16xf32> to vector<16xf32>
      %add3A_3880 = arith.addf %add3A_3874, %get3A_3879 : vector<16xf32>
      %get3A_3881 = arith.constant 71 : i32
      %get3A_3882 = arith.index_cast %get3A_3881 : i32 to index
      %get3A_3883 = arith.constant 80 : index
      %get3A_3884 = tpu.vector_load %arg6[%get3A_3882, %get3A_3883] {strides = array<i32>} : memref<80x128xf32, #tpu.memory_space<vmem>>, vector<1x16xf32>,
      %get3A_3885 = vector.shape_cast %get3A_3884 : vector<1x16xf32> to vector<16xf32>
      %add3A_3886 = arith.addf %add3A_3880, %get3A_3885 : vector<16xf32>
      %get3A_3887 = arith.constant 72 : i32
      %get3A_3888 = arith.index_cast %get3A_3887 : i32 to index
      %get3A_3889 = arith.constant 80 : index
      %get3A_3890 = tpu.vector_load %arg6[%get3A_3888, %get3A_3889] {strides = array<i32>} : memref<80x128xf32, #tpu.memory_space<vmem>>, vector<1x16xf32>,
      %get3A_3891 = vector.shape_cast %get3A_3890 : vector<1x16xf32> to vector<16xf32>
      %add3A_3892 = arith.addf %add3A_3886, %get3A_3891 : vector<16xf32>
      %get3A_3893 = arith.constant 73 : i32
      %get3A_3894 = arith.index_cast %get3A_3893 : i32 to index
      %get3A_3895 = arith.constant 80 : index
      %get3A_3896 = tpu.vector_load %arg6[%get3A_3894, %get3A_3895] {strides = array<i32>} : memref<80x128xf32, #tpu.memory_space<vmem>>, vector<1x16xf32>,
      %get3A_3897 = vector.shape_cast %get3A_3896 : vector<1x16xf32> to vector<16xf32>
      %add3A_3898 = arith.addf %add3A_3892, %get3A_3897 : vector<16xf32>
      %get3A_3899 = arith.constant 74 : i32
      %get3A_3900 = arith.index_cast %get3A_3899 : i32 to index
      %get3A_3901 = arith.constant 80 : index
      %get3A_3902 = tpu.vector_load %arg6[%get3A_3900, %get3A_3901] {strides = array<i32>} : memref<80x128xf32, #tpu.memory_space<vmem>>, vector<1x16xf32>,
      %get3A_3903 = vector.shape_cast %get3A_3902 : vector<1x16xf32> to vector<16xf32>
      %add3A_3904 = arith.addf %add3A_3898, %get3A_3903 : vector<16xf32>
      %get3A_3905 = arith.constant 75 : i32
      %get3A_3906 = arith.index_cast %get3A_3905 : i32 to index
      %get3A_3907 = arith.constant 80 : index
      %get3A_3908 = tpu.vector_load %arg6[%get3A_3906, %get3A_3907] {strides = array<i32>} : memref<80x128xf32, #tpu.memory_space<vmem>>, vector<1x16xf32>,
      %get3A_3909 = vector.shape_cast %get3A_3908 : vector<1x16xf32> to vector<16xf32>
      %add3A_3910 = arith.addf %add3A_3904, %get3A_3909 : vector<16xf32>
      %get3A_3911 = arith.constant 76 : i32
      %get3A_3912 = arith.index_cast %get3A_3911 : i32 to index
      %get3A_3913 = arith.constant 80 : index
      %get3A_3914 = tpu.vector_load %arg6[%get3A_3912, %get3A_3913] {strides = array<i32>} : memref<80x128xf32, #tpu.memory_space<vmem>>, vector<1x16xf32>,
      %get3A_3915 = vector.shape_cast %get3A_3914 : vector<1x16xf32> to vector<16xf32>
      %add3A_3916 = arith.addf %add3A_3910, %get3A_3915 : vector<16xf32>
      %get3A_3917 = arith.constant 77 : i32
      %get3A_3918 = arith.index_cast %get3A_3917 : i32 to index
      %get3A_3919 = arith.constant 80 : index
      %get3A_3920 = tpu.vector_load %arg6[%get3A_3918, %get3A_3919] {strides = array<i32>} : memref<80x128xf32, #tpu.memory_space<vmem>>, vector<1x16xf32>,
      %get3A_3921 = vector.shape_cast %get3A_3920 : vector<1x16xf32> to vector<16xf32>
      %add3A_3922 = arith.addf %add3A_3916, %get3A_3921 : vector<16xf32>
      %get3A_3923 = arith.constant 78 : i32
      %get3A_3924 = arith.index_cast %get3A_3923 : i32 to index
      %get3A_3925 = arith.constant 80 : index
      %get3A_3926 = tpu.vector_load %arg6[%get3A_3924, %get3A_3925] {strides = array<i32>} : memref<80x128xf32, #tpu.memory_space<vmem>>, vector<1x16xf32>,
      %get3A_3927 = vector.shape_cast %get3A_3926 : vector<1x16xf32> to vector<16xf32>
      %add3A_3928 = arith.addf %add3A_3922, %get3A_3927 : vector<16xf32>
      %get3A_3929 = arith.constant 79 : i32
      %get3A_3930 = arith.index_cast %get3A_3929 : i32 to index
      %get3A_3931 = arith.constant 80 : index
      %get3A_3932 = tpu.vector_load %arg6[%get3A_3930, %get3A_3931] {strides = array<i32>} : memref<80x128xf32, #tpu.memory_space<vmem>>, vector<1x16xf32>,
      %get3A_3933 = vector.shape_cast %get3A_3932 : vector<1x16xf32> to vector<16xf32>
      %add3A_3934 = arith.addf %add3A_3928, %get3A_3933 : vector<16xf32>
      %mul3A_3935 = arith.constant 5.000000e-02 : f32
      %mul3A_3936 = vector.broadcast %mul3A_3935 : f32 to vector<16xf32>
      %mul3A_3937 = arith.mulf %add3A_3934, %mul3A_3936 : vector<16xf32>
      %mul3A_3938 = arith.constant 4 : i32
      %mul3A_3939 = arith.muli %scan3A_8, %mul3A_3938 : i32
      %add3A_3940 = arith.constant 3 : i32
      %add3A_3941 = arith.addi %mul3A_3939, %add3A_3940 : i32
      %swap3A_3942 = arith.index_cast %add3A_3941 : i32 to index
      %swap3A_3943 = arith.constant 80 : index
      %swap3A_3944 = tpu.vector_load %arg7[%swap3A_3942, %swap3A_3943] {strides = array<i32>} : memref<128x128xf32, #tpu.memory_space<vmem>>, vector<1x16xf32>,
      %swap3A_3945 = vector.shape_cast %swap3A_3944 : vector<1x16xf32> to vector<16xf32>
      %swap3A_3946 = vector.shape_cast %mul3A_3937 : vector<16xf32> to vector<1x16xf32>
      tpu.vector_store %arg7[%swap3A_3942, %swap3A_3943], %swap3A_3946 {strides = array<i32>} : memref<128x128xf32, #tpu.memory_space<vmem>>, vector<1x16xf32>,
      %get3A_3947 = arith.constant 60 : i32
      %get3A_3948 = arith.index_cast %get3A_3947 : i32 to index
      %get3A_3949 = arith.constant 96 : index
      %get3A_3950 = tpu.vector_load %arg6[%get3A_3948, %get3A_3949] {strides = array<i32>} : memref<80x128xf32, #tpu.memory_space<vmem>>, vector<1x16xf32>,
      %get3A_3951 = vector.shape_cast %get3A_3950 : vector<1x16xf32> to vector<16xf32>
      %get3A_3952 = arith.constant 61 : i32
      %get3A_3953 = arith.index_cast %get3A_3952 : i32 to index
      %get3A_3954 = arith.constant 96 : index
      %get3A_3955 = tpu.vector_load %arg6[%get3A_3953, %get3A_3954] {strides = array<i32>} : memref<80x128xf32, #tpu.memory_space<vmem>>, vector<1x16xf32>,
      %get3A_3956 = vector.shape_cast %get3A_3955 : vector<1x16xf32> to vector<16xf32>
      %add3A_3957 = arith.addf %get3A_3951, %get3A_3956 : vector<16xf32>
      %get3A_3958 = arith.constant 62 : i32
      %get3A_3959 = arith.index_cast %get3A_3958 : i32 to index
      %get3A_3960 = arith.constant 96 : index
      %get3A_3961 = tpu.vector_load %arg6[%get3A_3959, %get3A_3960] {strides = array<i32>} : memref<80x128xf32, #tpu.memory_space<vmem>>, vector<1x16xf32>,
      %get3A_3962 = vector.shape_cast %get3A_3961 : vector<1x16xf32> to vector<16xf32>
      %add3A_3963 = arith.addf %add3A_3957, %get3A_3962 : vector<16xf32>
      %get3A_3964 = arith.constant 63 : i32
      %get3A_3965 = arith.index_cast %get3A_3964 : i32 to index
      %get3A_3966 = arith.constant 96 : index
      %get3A_3967 = tpu.vector_load %arg6[%get3A_3965, %get3A_3966] {strides = array<i32>} : memref<80x128xf32, #tpu.memory_space<vmem>>, vector<1x16xf32>,
      %get3A_3968 = vector.shape_cast %get3A_3967 : vector<1x16xf32> to vector<16xf32>
      %add3A_3969 = arith.addf %add3A_3963, %get3A_3968 : vector<16xf32>
      %get3A_3970 = arith.constant 64 : i32
      %get3A_3971 = arith.index_cast %get3A_3970 : i32 to index
      %get3A_3972 = arith.constant 96 : index
      %get3A_3973 = tpu.vector_load %arg6[%get3A_3971, %get3A_3972] {strides = array<i32>} : memref<80x128xf32, #tpu.memory_space<vmem>>, vector<1x16xf32>,
      %get3A_3974 = vector.shape_cast %get3A_3973 : vector<1x16xf32> to vector<16xf32>
      %add3A_3975 = arith.addf %add3A_3969, %get3A_3974 : vector<16xf32>
      %get3A_3976 = arith.constant 65 : i32
      %get3A_3977 = arith.index_cast %get3A_3976 : i32 to index
      %get3A_3978 = arith.constant 96 : index
      %get3A_3979 = tpu.vector_load %arg6[%get3A_3977, %get3A_3978] {strides = array<i32>} : memref<80x128xf32, #tpu.memory_space<vmem>>, vector<1x16xf32>,
      %get3A_3980 = vector.shape_cast %get3A_3979 : vector<1x16xf32> to vector<16xf32>
      %add3A_3981 = arith.addf %add3A_3975, %get3A_3980 : vector<16xf32>
      %get3A_3982 = arith.constant 66 : i32
      %get3A_3983 = arith.index_cast %get3A_3982 : i32 to index
      %get3A_3984 = arith.constant 96 : index
      %get3A_3985 = tpu.vector_load %arg6[%get3A_3983, %get3A_3984] {strides = array<i32>} : memref<80x128xf32, #tpu.memory_space<vmem>>, vector<1x16xf32>,
      %get3A_3986 = vector.shape_cast %get3A_3985 : vector<1x16xf32> to vector<16xf32>
      %add3A_3987 = arith.addf %add3A_3981, %get3A_3986 : vector<16xf32>
      %get3A_3988 = arith.constant 67 : i32
      %get3A_3989 = arith.index_cast %get3A_3988 : i32 to index
      %get3A_3990 = arith.constant 96 : index
      %get3A_3991 = tpu.vector_load %arg6[%get3A_3989, %get3A_3990] {strides = array<i32>} : memref<80x128xf32, #tpu.memory_space<vmem>>, vector<1x16xf32>,
      %get3A_3992 = vector.shape_cast %get3A_3991 : vector<1x16xf32> to vector<16xf32>
      %add3A_3993 = arith.addf %add3A_3987, %get3A_3992 : vector<16xf32>
      %get3A_3994 = arith.constant 68 : i32
      %get3A_3995 = arith.index_cast %get3A_3994 : i32 to index
      %get3A_3996 = arith.constant 96 : index
      %get3A_3997 = tpu.vector_load %arg6[%get3A_3995, %get3A_3996] {strides = array<i32>} : memref<80x128xf32, #tpu.memory_space<vmem>>, vector<1x16xf32>,
      %get3A_3998 = vector.shape_cast %get3A_3997 : vector<1x16xf32> to vector<16xf32>
      %add3A_3999 = arith.addf %add3A_3993, %get3A_3998 : vector<16xf32>
      %get3A_4000 = arith.constant 69 : i32
      %get3A_4001 = arith.index_cast %get3A_4000 : i32 to index
      %get3A_4002 = arith.constant 96 : index
      %get3A_4003 = tpu.vector_load %arg6[%get3A_4001, %get3A_4002] {strides = array<i32>} : memref<80x128xf32, #tpu.memory_space<vmem>>, vector<1x16xf32>,
      %get3A_4004 = vector.shape_cast %get3A_4003 : vector<1x16xf32> to vector<16xf32>
      %add3A_4005 = arith.addf %add3A_3999, %get3A_4004 : vector<16xf32>
      %get3A_4006 = arith.constant 70 : i32
      %get3A_4007 = arith.index_cast %get3A_4006 : i32 to index
      %get3A_4008 = arith.constant 96 : index
      %get3A_4009 = tpu.vector_load %arg6[%get3A_4007, %get3A_4008] {strides = array<i32>} : memref<80x128xf32, #tpu.memory_space<vmem>>, vector<1x16xf32>,
      %get3A_4010 = vector.shape_cast %get3A_4009 : vector<1x16xf32> to vector<16xf32>
      %add3A_4011 = arith.addf %add3A_4005, %get3A_4010 : vector<16xf32>
      %get3A_4012 = arith.constant 71 : i32
      %get3A_4013 = arith.index_cast %get3A_4012 : i32 to index
      %get3A_4014 = arith.constant 96 : index
      %get3A_4015 = tpu.vector_load %arg6[%get3A_4013, %get3A_4014] {strides = array<i32>} : memref<80x128xf32, #tpu.memory_space<vmem>>, vector<1x16xf32>,
      %get3A_4016 = vector.shape_cast %get3A_4015 : vector<1x16xf32> to vector<16xf32>
      %add3A_4017 = arith.addf %add3A_4011, %get3A_4016 : vector<16xf32>
      %get3A_4018 = arith.constant 72 : i32
      %get3A_4019 = arith.index_cast %get3A_4018 : i32 to index
      %get3A_4020 = arith.constant 96 : index
      %get3A_4021 = tpu.vector_load %arg6[%get3A_4019, %get3A_4020] {strides = array<i32>} : memref<80x128xf32, #tpu.memory_space<vmem>>, vector<1x16xf32>,
      %get3A_4022 = vector.shape_cast %get3A_4021 : vector<1x16xf32> to vector<16xf32>
      %add3A_4023 = arith.addf %add3A_4017, %get3A_4022 : vector<16xf32>
      %get3A_4024 = arith.constant 73 : i32
      %get3A_4025 = arith.index_cast %get3A_4024 : i32 to index
      %get3A_4026 = arith.constant 96 : index
      %get3A_4027 = tpu.vector_load %arg6[%get3A_4025, %get3A_4026] {strides = array<i32>} : memref<80x128xf32, #tpu.memory_space<vmem>>, vector<1x16xf32>,
      %get3A_4028 = vector.shape_cast %get3A_4027 : vector<1x16xf32> to vector<16xf32>
      %add3A_4029 = arith.addf %add3A_4023, %get3A_4028 : vector<16xf32>
      %get3A_4030 = arith.constant 74 : i32
      %get3A_4031 = arith.index_cast %get3A_4030 : i32 to index
      %get3A_4032 = arith.constant 96 : index
      %get3A_4033 = tpu.vector_load %arg6[%get3A_4031, %get3A_4032] {strides = array<i32>} : memref<80x128xf32, #tpu.memory_space<vmem>>, vector<1x16xf32>,
      %get3A_4034 = vector.shape_cast %get3A_4033 : vector<1x16xf32> to vector<16xf32>
      %add3A_4035 = arith.addf %add3A_4029, %get3A_4034 : vector<16xf32>
      %get3A_4036 = arith.constant 75 : i32
      %get3A_4037 = arith.index_cast %get3A_4036 : i32 to index
      %get3A_4038 = arith.constant 96 : index
      %get3A_4039 = tpu.vector_load %arg6[%get3A_4037, %get3A_4038] {strides = array<i32>} : memref<80x128xf32, #tpu.memory_space<vmem>>, vector<1x16xf32>,
      %get3A_4040 = vector.shape_cast %get3A_4039 : vector<1x16xf32> to vector<16xf32>
      %add3A_4041 = arith.addf %add3A_4035, %get3A_4040 : vector<16xf32>
      %get3A_4042 = arith.constant 76 : i32
      %get3A_4043 = arith.index_cast %get3A_4042 : i32 to index
      %get3A_4044 = arith.constant 96 : index
      %get3A_4045 = tpu.vector_load %arg6[%get3A_4043, %get3A_4044] {strides = array<i32>} : memref<80x128xf32, #tpu.memory_space<vmem>>, vector<1x16xf32>,
      %get3A_4046 = vector.shape_cast %get3A_4045 : vector<1x16xf32> to vector<16xf32>
      %add3A_4047 = arith.addf %add3A_4041, %get3A_4046 : vector<16xf32>
      %get3A_4048 = arith.constant 77 : i32
      %get3A_4049 = arith.index_cast %get3A_4048 : i32 to index
      %get3A_4050 = arith.constant 96 : index
      %get3A_4051 = tpu.vector_load %arg6[%get3A_4049, %get3A_4050] {strides = array<i32>} : memref<80x128xf32, #tpu.memory_space<vmem>>, vector<1x16xf32>,
      %get3A_4052 = vector.shape_cast %get3A_4051 : vector<1x16xf32> to vector<16xf32>
      %add3A_4053 = arith.addf %add3A_4047, %get3A_4052 : vector<16xf32>
      %get3A_4054 = arith.constant 78 : i32
      %get3A_4055 = arith.index_cast %get3A_4054 : i32 to index
      %get3A_4056 = arith.constant 96 : index
      %get3A_4057 = tpu.vector_load %arg6[%get3A_4055, %get3A_4056] {strides = array<i32>} : memref<80x128xf32, #tpu.memory_space<vmem>>, vector<1x16xf32>,
      %get3A_4058 = vector.shape_cast %get3A_4057 : vector<1x16xf32> to vector<16xf32>
      %add3A_4059 = arith.addf %add3A_4053, %get3A_4058 : vector<16xf32>
      %get3A_4060 = arith.constant 79 : i32
      %get3A_4061 = arith.index_cast %get3A_4060 : i32 to index
      %get3A_4062 = arith.constant 96 : index
      %get3A_4063 = tpu.vector_load %arg6[%get3A_4061, %get3A_4062] {strides = array<i32>} : memref<80x128xf32, #tpu.memory_space<vmem>>, vector<1x16xf32>,
      %get3A_4064 = vector.shape_cast %get3A_4063 : vector<1x16xf32> to vector<16xf32>
      %add3A_4065 = arith.addf %add3A_4059, %get3A_4064 : vector<16xf32>
      %mul3A_4066 = arith.constant 5.000000e-02 : f32
      %mul3A_4067 = vector.broadcast %mul3A_4066 : f32 to vector<16xf32>
      %mul3A_4068 = arith.mulf %add3A_4065, %mul3A_4067 : vector<16xf32>
      %mul3A_4069 = arith.constant 4 : i32
      %mul3A_4070 = arith.muli %scan3A_8, %mul3A_4069 : i32
      %add3A_4071 = arith.constant 3 : i32
      %add3A_4072 = arith.addi %mul3A_4070, %add3A_4071 : i32
      %swap3A_4073 = arith.index_cast %add3A_4072 : i32 to index
      %swap3A_4074 = arith.constant 96 : index
      %swap3A_4075 = tpu.vector_load %arg7[%swap3A_4073, %swap3A_4074] {strides = array<i32>} : memref<128x128xf32, #tpu.memory_space<vmem>>, vector<1x16xf32>,
      %swap3A_4076 = vector.shape_cast %swap3A_4075 : vector<1x16xf32> to vector<16xf32>
      %swap3A_4077 = vector.shape_cast %mul3A_4068 : vector<16xf32> to vector<1x16xf32>
      tpu.vector_store %arg7[%swap3A_4073, %swap3A_4074], %swap3A_4077 {strides = array<i32>} : memref<128x128xf32, #tpu.memory_space<vmem>>, vector<1x16xf32>,
      %get3A_4078 = arith.constant 60 : i32
      %get3A_4079 = arith.index_cast %get3A_4078 : i32 to index
      %get3A_4080 = arith.constant 112 : index
      %get3A_4081 = tpu.vector_load %arg6[%get3A_4079, %get3A_4080] {strides = array<i32>} : memref<80x128xf32, #tpu.memory_space<vmem>>, vector<1x16xf32>,
      %get3A_4082 = vector.shape_cast %get3A_4081 : vector<1x16xf32> to vector<16xf32>
      %get3A_4083 = arith.constant 61 : i32
      %get3A_4084 = arith.index_cast %get3A_4083 : i32 to index
      %get3A_4085 = arith.constant 112 : index
      %get3A_4086 = tpu.vector_load %arg6[%get3A_4084, %get3A_4085] {strides = array<i32>} : memref<80x128xf32, #tpu.memory_space<vmem>>, vector<1x16xf32>,
      %get3A_4087 = vector.shape_cast %get3A_4086 : vector<1x16xf32> to vector<16xf32>
      %add3A_4088 = arith.addf %get3A_4082, %get3A_4087 : vector<16xf32>
      %get3A_4089 = arith.constant 62 : i32
      %get3A_4090 = arith.index_cast %get3A_4089 : i32 to index
      %get3A_4091 = arith.constant 112 : index
      %get3A_4092 = tpu.vector_load %arg6[%get3A_4090, %get3A_4091] {strides = array<i32>} : memref<80x128xf32, #tpu.memory_space<vmem>>, vector<1x16xf32>,
      %get3A_4093 = vector.shape_cast %get3A_4092 : vector<1x16xf32> to vector<16xf32>
      %add3A_4094 = arith.addf %add3A_4088, %get3A_4093 : vector<16xf32>
      %get3A_4095 = arith.constant 63 : i32
      %get3A_4096 = arith.index_cast %get3A_4095 : i32 to index
      %get3A_4097 = arith.constant 112 : index
      %get3A_4098 = tpu.vector_load %arg6[%get3A_4096, %get3A_4097] {strides = array<i32>} : memref<80x128xf32, #tpu.memory_space<vmem>>, vector<1x16xf32>,
      %get3A_4099 = vector.shape_cast %get3A_4098 : vector<1x16xf32> to vector<16xf32>
      %add3A_4100 = arith.addf %add3A_4094, %get3A_4099 : vector<16xf32>
      %get3A_4101 = arith.constant 64 : i32
      %get3A_4102 = arith.index_cast %get3A_4101 : i32 to index
      %get3A_4103 = arith.constant 112 : index
      %get3A_4104 = tpu.vector_load %arg6[%get3A_4102, %get3A_4103] {strides = array<i32>} : memref<80x128xf32, #tpu.memory_space<vmem>>, vector<1x16xf32>,
      %get3A_4105 = vector.shape_cast %get3A_4104 : vector<1x16xf32> to vector<16xf32>
      %add3A_4106 = arith.addf %add3A_4100, %get3A_4105 : vector<16xf32>
      %get3A_4107 = arith.constant 65 : i32
      %get3A_4108 = arith.index_cast %get3A_4107 : i32 to index
      %get3A_4109 = arith.constant 112 : index
      %get3A_4110 = tpu.vector_load %arg6[%get3A_4108, %get3A_4109] {strides = array<i32>} : memref<80x128xf32, #tpu.memory_space<vmem>>, vector<1x16xf32>,
      %get3A_4111 = vector.shape_cast %get3A_4110 : vector<1x16xf32> to vector<16xf32>
      %add3A_4112 = arith.addf %add3A_4106, %get3A_4111 : vector<16xf32>
      %get3A_4113 = arith.constant 66 : i32
      %get3A_4114 = arith.index_cast %get3A_4113 : i32 to index
      %get3A_4115 = arith.constant 112 : index
      %get3A_4116 = tpu.vector_load %arg6[%get3A_4114, %get3A_4115] {strides = array<i32>} : memref<80x128xf32, #tpu.memory_space<vmem>>, vector<1x16xf32>,
      %get3A_4117 = vector.shape_cast %get3A_4116 : vector<1x16xf32> to vector<16xf32>
      %add3A_4118 = arith.addf %add3A_4112, %get3A_4117 : vector<16xf32>
      %get3A_4119 = arith.constant 67 : i32
      %get3A_4120 = arith.index_cast %get3A_4119 : i32 to index
      %get3A_4121 = arith.constant 112 : index
      %get3A_4122 = tpu.vector_load %arg6[%get3A_4120, %get3A_4121] {strides = array<i32>} : memref<80x128xf32, #tpu.memory_space<vmem>>, vector<1x16xf32>,
      %get3A_4123 = vector.shape_cast %get3A_4122 : vector<1x16xf32> to vector<16xf32>
      %add3A_4124 = arith.addf %add3A_4118, %get3A_4123 : vector<16xf32>
      %get3A_4125 = arith.constant 68 : i32
      %get3A_4126 = arith.index_cast %get3A_4125 : i32 to index
      %get3A_4127 = arith.constant 112 : index
      %get3A_4128 = tpu.vector_load %arg6[%get3A_4126, %get3A_4127] {strides = array<i32>} : memref<80x128xf32, #tpu.memory_space<vmem>>, vector<1x16xf32>,
      %get3A_4129 = vector.shape_cast %get3A_4128 : vector<1x16xf32> to vector<16xf32>
      %add3A_4130 = arith.addf %add3A_4124, %get3A_4129 : vector<16xf32>
      %get3A_4131 = arith.constant 69 : i32
      %get3A_4132 = arith.index_cast %get3A_4131 : i32 to index
      %get3A_4133 = arith.constant 112 : index
      %get3A_4134 = tpu.vector_load %arg6[%get3A_4132, %get3A_4133] {strides = array<i32>} : memref<80x128xf32, #tpu.memory_space<vmem>>, vector<1x16xf32>,
      %get3A_4135 = vector.shape_cast %get3A_4134 : vector<1x16xf32> to vector<16xf32>
      %add3A_4136 = arith.addf %add3A_4130, %get3A_4135 : vector<16xf32>
      %get3A_4137 = arith.constant 70 : i32
      %get3A_4138 = arith.index_cast %get3A_4137 : i32 to index
      %get3A_4139 = arith.constant 112 : index
      %get3A_4140 = tpu.vector_load %arg6[%get3A_4138, %get3A_4139] {strides = array<i32>} : memref<80x128xf32, #tpu.memory_space<vmem>>, vector<1x16xf32>,
      %get3A_4141 = vector.shape_cast %get3A_4140 : vector<1x16xf32> to vector<16xf32>
      %add3A_4142 = arith.addf %add3A_4136, %get3A_4141 : vector<16xf32>
      %get3A_4143 = arith.constant 71 : i32
      %get3A_4144 = arith.index_cast %get3A_4143 : i32 to index
      %get3A_4145 = arith.constant 112 : index
      %get3A_4146 = tpu.vector_load %arg6[%get3A_4144, %get3A_4145] {strides = array<i32>} : memref<80x128xf32, #tpu.memory_space<vmem>>, vector<1x16xf32>,
      %get3A_4147 = vector.shape_cast %get3A_4146 : vector<1x16xf32> to vector<16xf32>
      %add3A_4148 = arith.addf %add3A_4142, %get3A_4147 : vector<16xf32>
      %get3A_4149 = arith.constant 72 : i32
      %get3A_4150 = arith.index_cast %get3A_4149 : i32 to index
      %get3A_4151 = arith.constant 112 : index
      %get3A_4152 = tpu.vector_load %arg6[%get3A_4150, %get3A_4151] {strides = array<i32>} : memref<80x128xf32, #tpu.memory_space<vmem>>, vector<1x16xf32>,
      %get3A_4153 = vector.shape_cast %get3A_4152 : vector<1x16xf32> to vector<16xf32>
      %add3A_4154 = arith.addf %add3A_4148, %get3A_4153 : vector<16xf32>
      %get3A_4155 = arith.constant 73 : i32
      %get3A_4156 = arith.index_cast %get3A_4155 : i32 to index
      %get3A_4157 = arith.constant 112 : index
      %get3A_4158 = tpu.vector_load %arg6[%get3A_4156, %get3A_4157] {strides = array<i32>} : memref<80x128xf32, #tpu.memory_space<vmem>>, vector<1x16xf32>,
      %get3A_4159 = vector.shape_cast %get3A_4158 : vector<1x16xf32> to vector<16xf32>
      %add3A_4160 = arith.addf %add3A_4154, %get3A_4159 : vector<16xf32>
      %get3A_4161 = arith.constant 74 : i32
      %get3A_4162 = arith.index_cast %get3A_4161 : i32 to index
      %get3A_4163 = arith.constant 112 : index
      %get3A_4164 = tpu.vector_load %arg6[%get3A_4162, %get3A_4163] {strides = array<i32>} : memref<80x128xf32, #tpu.memory_space<vmem>>, vector<1x16xf32>,
      %get3A_4165 = vector.shape_cast %get3A_4164 : vector<1x16xf32> to vector<16xf32>
      %add3A_4166 = arith.addf %add3A_4160, %get3A_4165 : vector<16xf32>
      %get3A_4167 = arith.constant 75 : i32
      %get3A_4168 = arith.index_cast %get3A_4167 : i32 to index
      %get3A_4169 = arith.constant 112 : index
      %get3A_4170 = tpu.vector_load %arg6[%get3A_4168, %get3A_4169] {strides = array<i32>} : memref<80x128xf32, #tpu.memory_space<vmem>>, vector<1x16xf32>,
      %get3A_4171 = vector.shape_cast %get3A_4170 : vector<1x16xf32> to vector<16xf32>
      %add3A_4172 = arith.addf %add3A_4166, %get3A_4171 : vector<16xf32>
      %get3A_4173 = arith.constant 76 : i32
      %get3A_4174 = arith.index_cast %get3A_4173 : i32 to index
      %get3A_4175 = arith.constant 112 : index
      %get3A_4176 = tpu.vector_load %arg6[%get3A_4174, %get3A_4175] {strides = array<i32>} : memref<80x128xf32, #tpu.memory_space<vmem>>, vector<1x16xf32>,
      %get3A_4177 = vector.shape_cast %get3A_4176 : vector<1x16xf32> to vector<16xf32>
      %add3A_4178 = arith.addf %add3A_4172, %get3A_4177 : vector<16xf32>
      %get3A_4179 = arith.constant 77 : i32
      %get3A_4180 = arith.index_cast %get3A_4179 : i32 to index
      %get3A_4181 = arith.constant 112 : index
      %get3A_4182 = tpu.vector_load %arg6[%get3A_4180, %get3A_4181] {strides = array<i32>} : memref<80x128xf32, #tpu.memory_space<vmem>>, vector<1x16xf32>,
      %get3A_4183 = vector.shape_cast %get3A_4182 : vector<1x16xf32> to vector<16xf32>
      %add3A_4184 = arith.addf %add3A_4178, %get3A_4183 : vector<16xf32>
      %get3A_4185 = arith.constant 78 : i32
      %get3A_4186 = arith.index_cast %get3A_4185 : i32 to index
      %get3A_4187 = arith.constant 112 : index
      %get3A_4188 = tpu.vector_load %arg6[%get3A_4186, %get3A_4187] {strides = array<i32>} : memref<80x128xf32, #tpu.memory_space<vmem>>, vector<1x16xf32>,
      %get3A_4189 = vector.shape_cast %get3A_4188 : vector<1x16xf32> to vector<16xf32>
      %add3A_4190 = arith.addf %add3A_4184, %get3A_4189 : vector<16xf32>
      %get3A_4191 = arith.constant 79 : i32
      %get3A_4192 = arith.index_cast %get3A_4191 : i32 to index
      %get3A_4193 = arith.constant 112 : index
      %get3A_4194 = tpu.vector_load %arg6[%get3A_4192, %get3A_4193] {strides = array<i32>} : memref<80x128xf32, #tpu.memory_space<vmem>>, vector<1x16xf32>,
      %get3A_4195 = vector.shape_cast %get3A_4194 : vector<1x16xf32> to vector<16xf32>
      %add3A_4196 = arith.addf %add3A_4190, %get3A_4195 : vector<16xf32>
      %mul3A_4197 = arith.constant 5.000000e-02 : f32
      %mul3A_4198 = vector.broadcast %mul3A_4197 : f32 to vector<16xf32>
      %mul3A_4199 = arith.mulf %add3A_4196, %mul3A_4198 : vector<16xf32>
      %mul3A_4200 = arith.constant 4 : i32
      %mul3A_4201 = arith.muli %scan3A_8, %mul3A_4200 : i32
      %add3A_4202 = arith.constant 3 : i32
      %add3A_4203 = arith.addi %mul3A_4201, %add3A_4202 : i32
      %swap3A_4204 = arith.index_cast %add3A_4203 : i32 to index
      %swap3A_4205 = arith.constant 112 : index
      %swap3A_4206 = tpu.vector_load %arg7[%swap3A_4204, %swap3A_4205] {strides = array<i32>} : memref<128x128xf32, #tpu.memory_space<vmem>>, vector<1x16xf32>,
      %swap3A_4207 = vector.shape_cast %swap3A_4206 : vector<1x16xf32> to vector<16xf32>
      %swap3A_4208 = vector.shape_cast %mul3A_4199 : vector<16xf32> to vector<1x16xf32>
      tpu.vector_store %arg7[%swap3A_4204, %swap3A_4205], %swap3A_4208 {strides = array<i32>} : memref<128x128xf32, #tpu.memory_space<vmem>>, vector<1x16xf32>,
    }
    %scan3A_5 = arith.constant 32 : i32
    %mul3A_6 = arith.constant 128 : i32
    %mul3A_7 = arith.muli %add3A, %mul3A_6 : i32
    "tpu.region"() ({
      %run_scoped3A = tpu.sem_alloc : memref<!tpu.dma_semaphore, #tpu.memory_space<semaphore_mem>>
      %dma_start3A = arith.constant 0 : i32
      %dma_start3A_8 = tpu.memref_slice %arg4[%mul3A_7, %dma_start3A] : memref<4096x128xf32, #tpu.memory_space<hbm>> -> memref<128x128xf32, #tpu.memory_space<hbm>>
      %dma_start3A_9 = arith.constant 0 : i32
      %dma_start3A_10 = tpu.memref_slice %arg4[%mul3A_7, %dma_start3A_9] : memref<4096x128xf32, #tpu.memory_space<hbm>> -> memref<128x128xf32, #tpu.memory_space<hbm>>
      tpu.enqueue_dma source(%arg7 : memref<128x128xf32, #tpu.memory_space<vmem>>) target(%dma_start3A_10 : memref<128x128xf32, #tpu.memory_space<hbm>>) target_semaphore(%run_scoped3A : memref<!tpu.dma_semaphore, #tpu.memory_space<semaphore_mem>>)
      %dma_wait3A = arith.constant 0 : i32
      %dma_wait3A_11 = tpu.memref_slice %arg4[%mul3A_7, %dma_wait3A] : memref<4096x128xf32, #tpu.memory_space<hbm>> -> memref<128x128xf32, #tpu.memory_space<hbm>>
      %dma_wait3A_12 = arith.constant 0 : i32
      %dma_wait3A_13 = tpu.memref_slice %arg4[%mul3A_7, %dma_wait3A_12] : memref<4096x128xf32, #tpu.memory_space<hbm>> -> memref<128x128xf32, #tpu.memory_space<hbm>>
      tpu.wait_dma2 semaphore(%run_scoped3A : memref<!tpu.dma_semaphore, #tpu.memory_space<semaphore_mem>>) src(%arg7 : memref<128x128xf32, #tpu.memory_space<vmem>>) dst(%dma_wait3A_13 : memref<128x128xf32, #tpu.memory_space<hbm>>)
      tpu.yield
    }) : () -> ()
    return
  }
}

</mosaic_0001>

<sc_bundles>
// kernel: _gather_mean.3.cloned.1.call-start
scs
__scs_entry_jumppad:
0x0: {  	(pc) =	sbr.rel $0x88, $3  }
0x1: {  	(tag) =	ssettag $0x0;
	lr =	simm.s32 $0x1  }
0x2: {  	[smem:$0x3F9F] =	sst lr;
	_ =	strace $0xD0000000  }
0x3: {  	_ = 	snop  }
0x4: {  	_ = 	snop  }
0x5: {  	_ = 	snop  }
0x6: {  	_ = 	snop  }
0x7: {  	_ = 	snop  }
__scs_overlays_trampoline_lowered:
0x8: {  	[smem:$0x3FAE] =	sst s0  }
0x9: {  	[smem:$0x3FAF] =	sst s1  }
0xa: {  	[smem:$0x3FB0] =	sst s2  }
0xb: {  	[smem:$0x3FB1] =	sst s3  }
0xc: {  	[smem:$0x3FB2] =	sst s4  }
0xd: {  	[smem:$0x3FB3] =	sst s5  }
0xe: {  	[smem:$0x3FB4] =	sst s6  }
0xf: {  	[smem:$0x3FB5] =	sst s7  }
0x10: {  	[smem:$0x3FB6] =	sst s8  }
0x11: {  	[smem:$0x3FB7] =	sst s9;
	s0 =	simm.s32 @!p0 $0x0  }
0x12: {  	s1 =	sld [smem:$0x3F9D];
	s0 =	simm.s32 @p0 $0x1  }
0x13: {  	[smem:$0x3FB8] =	sst s0;
	s0 =	simm.s32 @!p1 $0x0  }
0x14: {  	s2 =	sld [smem:$0x3F9C];
	s0 =	simm.s32 @p1 $0x1  }
0x15: {  	[smem:$0x3FB9] =	sst s0;
	s0 =	simm.s32 @!p2 $0x0  }
0x16: {  	s3 =	sld [smem:$0x3FDB];
	s0 =	simm.s32 @p2 $0x1  }
0x17: {  	s4 =	simm.s32 $0x1BF5;
	[smem:$0x3FBB] =	sst s0  }
0x18: {  	s0 =	sld [smem:$0x3F9E];
	_ =	swait.ge [sflag:s4], $0x0  }
0x19: {  	s7 =	sld [smem:$0x3F9F]  }
0x1a: {  	s8 =	sadd.s32 $0xFFFFE003, lr  }
0x1b: {  	s9 =	sadd.s32 $0xFFFFFEF7, lr;
	s5 =	simm.s32 $0xFFFFFFFF;
	p2 =	slt.u32 s8, $0xFFFFF086  }
0x1c: {  	p1 =	slt.u32 s9, $0xF7A;
	s5 =	simm.s32 @!p2 $0x0  }
0x1d: {  	s5 =	simm.s32 @p1 $0x1;
	p0 =	seq.s32 s7, s2  }
0x1e: {  	s7 =	smul.u32 @!p0 $0xF7A, s2;
	p2 =	seq.s32 @!p0 s5, $0x0  }
0x1f: {  	s9 =	smul.u32 $0xF7A, s1;
	s8 =	simm.s32 @!p0 $0x1BF5;
	p2 =	por !p2, p0  }
0x20: {  	[sflag:s8] =	ssyncset.s32 @!p0 $0xFFFFF086;
	s6 =	sadd.s32 @!p0 s3, s7;
	s7 =	simm.s32 @!p0 $0x108  }
0x21: {  	s3 =	sadd.s32 s3, s9;
	s6 =	sadd.s32 @!p0 $0x88, s6;
	s7 =	simm.s32 @p2 $0x1082  }
0x22: {  	[simem:s7], [sflag:s8] =	dma.local @!p0 [hbm:s6], $0xF7A  }
0x23: {  	s9 =	sor.u32 $0xD0000000, s2;
	s6 =	simm.s32 $0x108;
	_ =	swait.ge @!p0 [sflag:s8], $0x0  }
0x24: {  	s3 =	sadd.s32 $0x88, s3;
	s6 =	simm.s32 @!p1 $0x1082;
	[sflag:s4] =	ssyncset.s32 $0xFFFFF086  }
0x25: {  	[simem:s6], [sflag:s4] =	dma.local [hbm:s3], $0xF7A  }
0x26: {  	[smem:$0x3F9F] =	sst s1;
	(tag) =	ssettag s2;
	_ =	strace s9  }
0x27: {  	s1 =	sld [smem:$0x3FAF]  }
0x28: {  	s2 =	sld [smem:$0x3FB0]  }
0x29: {  	s4 =	sld [smem:$0x3FB2]  }
0x2a: {  	p0 =	seq.s32 s5, $0x0;
	s5 =	sld [smem:$0x3FB3]  }
0x2b: {  	s6 =	sld [smem:$0x3FB4]  }
0x2c: {  	s7 =	sld [smem:$0x3FB5]  }
0x2d: {  	s3 =	simm.s32 $0x108;
	s8 =	sld [smem:$0x3FB6]  }
0x2e: {  	s3 =	simm.s32 @!p0 $0x1082;
	s9 =	sld [smem:$0x3FB7]  }
0x2f: {  	lr =	sadd.s32 s0, s3;
	s0 =	sld [smem:$0x3FAE]  }
0x30: {  	s3 =	sld [smem:$0x3FB1]  }
0x31: {  	[smem:$0x3FBA] =	sst s10  }
0x32: {  	s10 =	sld [smem:$0x3FB8];
	_ =	sdelay $0x3  }
0x33: {  	p0 =	seq.s32 s10, $0x1;
	s10 =	sld [smem:$0x3FBA];
	_ =	sdelay $0x3  }
0x34: {  	[smem:$0x3FBA] =	sst s10  }
0x35: {  	s10 =	sld [smem:$0x3FB9];
	_ =	sdelay $0x3  }
0x36: {  	p1 =	seq.s32 s10, $0x1;
	s10 =	sld [smem:$0x3FBA];
	_ =	sdelay $0x3  }
0x37: {  	[smem:$0x3FBA] =	sst s10  }
0x38: {  	s10 =	sld [smem:$0x3FBB]  }
0x39: {  	_ = 	snop;
	(pc) =	sbr.ind lr, $3  }
0x3a: {  	_ = 	snop  }
0x3b: {  	_ = 	snop  }
0x3c: {  	p2 =	seq.s32 s10, $0x1;
	s10 =	sld [smem:$0x3FBA]  }
0x3d: {  	_ =	shalt  }
0x3e: {  	_ =	shalt  }
0x3f: {  	_ =	shalt  }
0x40: {  	_ =	shalt  }
0x41: {  	_ =	shalt  }
0x42: {  	_ =	shalt  }
0x43: {  	_ =	shalt  }
0x44: {  	_ =	shalt  }
0x45: {  	_ =	shalt  }
0x46: {  	_ =	shalt  }
0x47: {  	_ =	shalt  }
0x48: {  	_ =	shalt  }
0x49: {  	_ =	shalt  }
0x4a: {  	_ =	shalt  }
0x4b: {  	_ =	shalt  }
0x4c: {  	_ =	shalt  }
0x4d: {  	_ =	shalt  }
0x4e: {  	_ =	shalt  }
0x4f: {  	_ =	shalt  }
0x50: {  	_ =	shalt  }
0x51: {  	_ =	shalt  }
0x52: {  	_ =	shalt  }
0x53: {  	_ =	shalt  }
0x54: {  	_ =	shalt  }
0x55: {  	_ =	shalt  }
0x56: {  	_ =	shalt  }
0x57: {  	_ =	shalt  }
0x58: {  	_ =	shalt  }
0x59: {  	_ =	shalt  }
0x5a: {  	_ =	shalt  }
0x5b: {  	_ =	shalt  }
0x5c: {  	_ =	shalt  }
0x5d: {  	_ =	shalt  }
0x5e: {  	_ =	shalt  }
0x5f: {  	_ =	shalt  }
0x60: {  	_ =	shalt  }
0x61: {  	_ =	shalt  }
0x62: {  	_ =	shalt  }
0x63: {  	_ =	shalt  }
0x64: {  	_ =	shalt  }
0x65: {  	_ =	shalt  }
0x66: {  	_ =	shalt  }
0x67: {  	_ =	shalt  }
0x68: {  	_ =	shalt  }
0x69: {  	_ =	shalt  }
0x6a: {  	_ =	shalt  }
0x6b: {  	_ =	shalt  }
0x6c: {  	_ =	shalt  }
0x6d: {  	_ =	shalt  }
0x6e: {  	_ =	shalt  }
0x6f: {  	_ =	shalt  }
0x70: {  	_ =	shalt  }
0x71: {  	_ =	shalt  }
0x72: {  	_ =	shalt  }
0x73: {  	_ =	shalt  }
0x74: {  	_ =	shalt  }
0x75: {  	_ =	shalt  }
0x76: {  	_ =	shalt  }
0x77: {  	_ =	shalt  }
0x78: {  	_ =	shalt  }
0x79: {  	_ =	shalt  }
0x7a: {  	_ =	shalt  }
0x7b: {  	_ =	shalt  }
0x7c: {  	_ =	shalt  }
0x7d: {  	_ =	shalt  }
0x7e: {  	_ =	shalt  }
0x7f: {  	_ =	shalt  }
0x80: {  	_ =	shalt  }
0x81: {  	_ =	shalt  }
0x82: {  	_ =	shalt  }
0x83: {  	_ =	shalt  }
0x84: {  	_ =	shalt  }
0x85: {  	_ =	shalt  }
0x86: {  	_ =	shalt  }
0x87: {  	_ =	shalt  }
.Lfunc_end0:
.L_simem_size_0:
called_computation_lowered:
.L_overlay_start_0:
0x88: {  	s2 =	sld [smem:$0x3FD9]  }
0x89: {  	s3 =	sld [smem:$0x3FFE];
	_ =	sdelay $0x1  }
0x8a: {  	s1 =	srdreg.scid  }
0x8b: {  	s0 =	sand.u32 $0x1, s1  }
0x8c: {  	s18 =	sshll.u32 s0, $0xA;
	s2 =	sadd.s32 s3, s2  }
0x8d: {  	s2 =	sadd.s32 s2, s18  }
0x8e: {  	[smem:$0x3FC6] =	sst s2  }
0x8f: {  	_ = 	snop  }
0x90: {  	s2 =	sld [smem:$0x3FC9]  }
0x91: {  	s19 =	sld [smem:$0x3FC8]  }
0x92: {  	s4 =	sld [smem:$0x3FD0];
	(tm) =	ssettm $0x1  }
0x93: {  	s5 =	sld [smem:$0x3FFB];
	_ =	sdelay $0x3  }
0x94: {  	_ =	strace s5  }
0x95: {  	s5 =	sld [smem:$0x3FFC];
	_ =	sdelay $0x3  }
0x96: {  	_ =	strace s5  }
0x97: {  	s5 =	sld [smem:$0x3FFD];
	_ =	sdelay $0x3  }
0x98: {  	_ =	strace s5  }
0x99: {  	_ =	strace $0x8FFFFFFF  }
0x9a: {  	s20 =	sld [smem:$0x3FDB];
	_ =	sdelay $0x1  }
0x9b: {  	s6 =	simm.s32 $_scs_section_size  }
0x9c: {  	s7 =	simm.s32 $_size__tile_overlayer_lowered;
	s8 =	simm.s32 $_tile_overlayer_lowered  }
0x9d: {  	s23 =	simm.s32 $0x1BFF;
	s22 =	sshll.u32 s8, $0x1;
	s5 =	sadd.s32 s6, s20  }
0x9e: {  	s9 =	simm.s32 $0x0;
	s21 =	sshll.u32 s7, $0x1;
	s7 =	sadd.s32 s22, s5  }
0x9f: {  	[timem:s9], [sflag:s23] =	dma.local [hbm:s7], s21  }
0xa0: {  	_ =	swait.ge [sflag:s23], s21  }
0xa1: {  	s6 =	ssub.s32 $0x0, s21;
	[sflag:s23] =	ssyncset.done $0x0  }
0xa2: {  	[sflag:s23] =	ssyncadd.s32 s6;
	_ =	sdelay $0x1  }
0xa3: {  	s24 =	simm.s32 $0x1B8B  }
0xa4: {  	_ =	swait.ge [sflag:s24], $0x1  }
0xa5: {  	[sflag:s24] =	ssyncset.done $0x0  }
0xa6: {  	s25 =	simm.s32 $0x1B8E;
	[sflag:s24] =	ssyncadd.s32 $0xFFFFFFFF  }
0xa7: {  	s26 =	simm.s32 $execute0_lowered;
	[smem:$0x3FD2] =	sst s25  }
0xa8: {  	s6 =	sshll.u32 s26, $0x1;
	_ =	strace $0x80000046;
	[dreg:$0x1] =	wrdreg $0xFFFFFFFF  }
0xa9: {  	s28 =	simm.s32 $_size_execute0_lowered;
	s5 =	sadd.s32 s5, s6;
	[dreg:$0x0] =	wrdreg $0x0  }
0xaa: {  	s6 =	sshll.u32 s28, $0x1;
	[dreg:$0x2] =	wrdreg s5  }
0xab: {  	[dreg:$0x3] =	wrdreg s6  }
0xac: {  	[dreg:$0x4] =	wrdreg $0xC0  }
0xad: {  	_ =	task [dreg:s9], $0x5FFFF  }
0xae: {  	[dreg:$0x1] =	wrdreg $0xFFFFFFFF  }
0xaf: {  	[dreg:$0x0] =	wrdreg $0x60  }
0xb0: {  	[dreg:$0x2] =	wrdreg s2  }
0xb1: {  	[dreg:$0x3] =	wrdreg s19  }
0xb2: {  	[dreg:$0x4] =	wrdreg s4  }
0xb3: {  	[dreg:$0x5] =	wrdreg $0x9  }
0xb4: {  	_ =	task.clear_ibuf [dreg:s9], $0x6FFFF;
	_ =	strace $0x90000046  }
0xb5: {  	s29 =	simm.s32 $0x9;
	_ =	strace $0x80000048  }
0xb6: {  	_ =	swait.ge [sflag:s29], $0x1  }
0xb7: {  	[sflag:s29] =	ssyncadd.s32 $0xFFFFFFFF  }
0xb8: {  	_ =	strace $0x90000048  }
0xb9: {  	_ =	sfence  }
0xba: {  	s30 =	sld [smem:$0x0];
	_ =	sdelay $0x2  }
0xbb: {  	s31 =	sshll.u32 s1, $0xD;
	s1 =	sshrl.u32 s1, $0x2  }
0xbc: {  	s3 =	sand.u32 $0x4000, s31;
	s1 =	sadd.s32 s1, s30  }
0xbd: {  	s0 =	sor.u32 s3, s0;
	s1 =	sshll.u32 s1, $0x11  }
0xbe: {  	s0 =	sor.u32 s1, s0  }
0xbf: {  	s0 =	sadd.s32 $0x8F2B, s0  }
0xc0: {  	[sflag:s0] =	ssyncadd.remote.s32 $0x1  }
0xc1: {  	_ =	sfence.sel $0xFFFF  }
0xc2: {  	[dreg:$0x0] =	wrdreg $0xFFFFFFFF;
	(pc) =	sbr.abs _section_cstart, $3  }
0xc3: {  	[dreg:$0x1] =	wrdreg $0xFFFFFFFF  }
0xc4: {  	_ =	task.clear_ibuf [dreg:s9], $0x2FFFF;
	_ =	strace $0x9FFFFFFF  }
0xc5: {  	(tm) =	ssettm $0x7FFFFFFF  }
tec
execute0_lowered:
.L_overlay_start_1:
0x0: {  	(tag) =	ssettag $0x1  }
0x1: {  	s4 =	rddreg [dreg:$0x0]  }
0x2: {  	s1 =	rddreg [dreg:$0x1]  }
0x3: {  	s5 =	rddreg [dreg:$0x2]  }
0x4: {  	s0 =	rddreg [dreg:$0x3];
	s6 =	srdreg.scid  }
0x5: {  	s3 =	simm.s32 $0x0;
	s2 =	stileid.u32;
	s10 =	simm.s32 $0x1  }
0x6: {  	s11 =	simm.s32 $0x3800;
	s12 =	simm.s32 $0x0;
	s6 =	sand.u32 $0x1, s6  }
0x7: {  	[smem:$0x7FF] =	sst s3;
	s8 =	sshll.u32 s2, $0x1;
	s7 =	ssub.s32 $0x2, s6  }
0x8: {  	_ =	strace $0x80000047;
	s6 =	sor.u32 s6, s8;
	s9 =	sshrl.u32 s7, $0x1  }
0x9: {  	s8 =	sshll.u32 s6, $0x9;
	s6 =	sshll.u32 s6, $0xB;
	s7 =	ssub.s32 s7, s9  }
0xa: {  	s4 =	sadd.s32 s4, s8;
	s5 =	sadd.s32 s5, s6;
	s8 =	simm.s32 $0x50  }
0xb: {  	s9 =	simm.s32 $0x1000;
	s6 =	smax.u32 s7, $0x1;
	s7 =	simm.s32 $0x2  }
.LBB2_1:
0xc: {  	[tilespmem:s3], [sflag:$0x2] =	stream.linear.gather [hbm4b:s4+s3], $0x1000, $0x38;
	[tilespmem:$0x7800] =	vst v63  }
0xd: {  	_ =	swait.ge [sflag:s7], $0x1000  }
0xe: {  	[sflag:s7] =	ssyncset.done $0x0  }
0xf: {  	s13 =	simm.s32 $0x3900;
	s14 =	simm.s32 $0x0;
	[sflag:s7] =	ssyncadd.s32 $0xFFFFF000  }
.LBB2_2:
0x10: {  	s15 =	sshra.s32 s14, $0x2  }
0x11: {  	[tilespmem:s9], [sflag:$0x1] =	stream.indirect.gather [hbm4b:s1+s8], $0x80, s15, s8, $0xb8;
	[tilespmem:$0x7800] =	vst v63  }
0x12: {  	_ =	swait.ge [sflag:s10], $0x2800  }
0x13: {  	[sflag:s10] =	ssyncset.done $0x0  }
0x14: {  	[sflag:s10] =	ssyncadd.s32 $0xFFFFD800  }
0x15: {  	v0 =	vld [tilespmem:$0x1000]  }
0x16: {  	v1 =	vld [tilespmem:$0x1080];
	_ =	sdelay $0x1  }
0x17: {  	v2 =	vld [tilespmem:$0x1100];
	_ =	sdelay $0x1  }
0x18: {  	v3 =	vld [tilespmem:$0x1180]  }
0x19: {  	v0 =	vadd.f32 v1, v0  }
0x1a: {  	v39 =	vld [tilespmem:$0x1200]  }
0x1b: {  	v0 =	vadd.f32 v2, v0  }
0x1c: {  	v40 =	vld [tilespmem:$0x1280]  }
0x1d: {  	v0 =	vadd.f32 v3, v0  }
0x1e: {  	v41 =	vld [tilespmem:$0x1300]  }
0x1f: {  	v0 =	vadd.f32 v39, v0  }
0x20: {  	v42 =	vld [tilespmem:$0x1380]  }
0x21: {  	v0 =	vadd.f32 v40, v0  }
0x22: {  	v43 =	vld [tilespmem:$0x1400]  }
0x23: {  	v0 =	vadd.f32 v41, v0  }
0x24: {  	v44 =	vld [tilespmem:$0x1480]  }
0x25: {  	v0 =	vadd.f32 v42, v0  }
0x26: {  	v45 =	vld [tilespmem:$0x1500]  }
0x27: {  	v0 =	vadd.f32 v43, v0  }
0x28: {  	v46 =	vld [tilespmem:$0x1580]  }
0x29: {  	v0 =	vadd.f32 v44, v0  }
0x2a: {  	v47 =	vld [tilespmem:$0x1600]  }
0x2b: {  	v0 =	vadd.f32 v45, v0  }
0x2c: {  	v48 =	vld [tilespmem:$0x1680]  }
0x2d: {  	v0 =	vadd.f32 v46, v0  }
0x2e: {  	v49 =	vld [tilespmem:$0x1700]  }
0x2f: {  	v0 =	vadd.f32 v47, v0  }
0x30: {  	v50 =	vld [tilespmem:$0x1780]  }
0x31: {  	v0 =	vadd.f32 v48, v0  }
0x32: {  	v51 =	vld [tilespmem:$0x1800]  }
0x33: {  	v0 =	vadd.f32 v49, v0  }
0x34: {  	v52 =	vld [tilespmem:$0x1880]  }
0x35: {  	v0 =	vadd.f32 v50, v0  }
0x36: {  	v53 =	vld [tilespmem:$0x1900]  }
0x37: {  	v0 =	vadd.f32 v51, v0  }
0x38: {  	v54 =	vld [tilespmem:$0x1980]  }
0x39: {  	v0 =	vadd.f32 v52, v0;
	_ =	sdelay $0x1  }
0x3a: {  	v0 =	vadd.f32 v53, v0;
	_ =	sdelay $0x1  }
0x3b: {  	v0 =	vadd.f32 v54, v0;
	_ =	sdelay $0x1  }
0x3c: {  	v0 =	vmul.f32 $5.000000070e-02, v0;
	_ =	sdelay $0x1  }
0x3d: {  	[tilespmem:s13+$0xFFFFFF00] =	vst v0  }
0x3e: {  	v0 =	vld [tilespmem:$0x1010]  }
0x3f: {  	v55 =	vld [tilespmem:$0x1090];
	_ =	sdelay $0x1  }
0x40: {  	v56 =	vld [tilespmem:$0x1110];
	_ =	sdelay $0x1  }
0x41: {  	v57 =	vld [tilespmem:$0x1190]  }
0x42: {  	v0 =	vadd.f32 v55, v0  }
0x43: {  	v58 =	vld [tilespmem:$0x1210]  }
0x44: {  	v0 =	vadd.f32 v56, v0  }
0x45: {  	v59 =	vld [tilespmem:$0x1290]  }
0x46: {  	v0 =	vadd.f32 v57, v0  }
0x47: {  	v60 =	vld [tilespmem:$0x1310]  }
0x48: {  	v0 =	vadd.f32 v58, v0  }
0x49: {  	v61 =	vld [tilespmem:$0x1390]  }
0x4a: {  	v0 =	vadd.f32 v59, v0  }
0x4b: {  	v62 =	vld [tilespmem:$0x1410]  }
0x4c: {  	v0 =	vadd.f32 v60, v0  }
0x4d: {  	v63 =	vld [tilespmem:$0x1490]  }
0x4e: {  	v0 =	vadd.f32 v61, v0  }
0x4f: {  	v6 =	vld [tilespmem:$0x1510]  }
0x50: {  	v0 =	vadd.f32 v62, v0  }
0x51: {  	v7 =	vld [tilespmem:$0x1590]  }
0x52: {  	v0 =	vadd.f32 v63, v0  }
0x53: {  	v8 =	vld [tilespmem:$0x1610]  }
0x54: {  	v0 =	vadd.f32 v6, v0  }
0x55: {  	v9 =	vld [tilespmem:$0x1690]  }
0x56: {  	v0 =	vadd.f32 v7, v0  }
0x57: {  	v10 =	vld [tilespmem:$0x1710]  }
0x58: {  	v0 =	vadd.f32 v8, v0  }
0x59: {  	v11 =	vld [tilespmem:$0x1790]  }
0x5a: {  	v0 =	vadd.f32 v9, v0  }
0x5b: {  	v12 =	vld [tilespmem:$0x1810]  }
0x5c: {  	v0 =	vadd.f32 v10, v0  }
0x5d: {  	v13 =	vld [tilespmem:$0x1890]  }
0x5e: {  	v0 =	vadd.f32 v11, v0  }
0x5f: {  	v14 =	vld [tilespmem:$0x1910]  }
0x60: {  	v0 =	vadd.f32 v12, v0  }
0x61: {  	v15 =	vld [tilespmem:$0x1990]  }
0x62: {  	v0 =	vadd.f32 v13, v0;
	_ =	sdelay $0x1  }
0x63: {  	v0 =	vadd.f32 v14, v0;
	_ =	sdelay $0x1  }
0x64: {  	v0 =	vadd.f32 v15, v0;
	_ =	sdelay $0x1  }
0x65: {  	v0 =	vmul.f32 $5.000000070e-02, v0;
	_ =	sdelay $0x1  }
0x66: {  	[tilespmem:s13+$0xFFFFFF10] =	vst v0  }
0x67: {  	v0 =	vld [tilespmem:$0x1020]  }
0x68: {  	v16 =	vld [tilespmem:$0x10A0];
	_ =	sdelay $0x1  }
0x69: {  	v17 =	vld [tilespmem:$0x1120];
	_ =	sdelay $0x1  }
0x6a: {  	v18 =	vld [tilespmem:$0x11A0]  }
0x6b: {  	v0 =	vadd.f32 v16, v0  }
0x6c: {  	v19 =	vld [tilespmem:$0x1220]  }
0x6d: {  	v0 =	vadd.f32 v17, v0  }
0x6e: {  	v20 =	vld [tilespmem:$0x12A0]  }
0x6f: {  	v0 =	vadd.f32 v18, v0  }
0x70: {  	v21 =	vld [tilespmem:$0x1320]  }
0x71: {  	v0 =	vadd.f32 v19, v0  }
0x72: {  	v22 =	vld [tilespmem:$0x13A0]  }
0x73: {  	v0 =	vadd.f32 v20, v0  }
0x74: {  	v23 =	vld [tilespmem:$0x1420]  }
0x75: {  	v0 =	vadd.f32 v21, v0  }
0x76: {  	v24 =	vld [tilespmem:$0x14A0]  }
0x77: {  	v0 =	vadd.f32 v22, v0  }
0x78: {  	v25 =	vld [tilespmem:$0x1520]  }
0x79: {  	v0 =	vadd.f32 v23, v0  }
0x7a: {  	v26 =	vld [tilespmem:$0x15A0]  }
0x7b: {  	v0 =	vadd.f32 v24, v0  }
0x7c: {  	v27 =	vld [tilespmem:$0x1620]  }
0x7d: {  	v0 =	vadd.f32 v25, v0  }
0x7e: {  	v28 =	vld [tilespmem:$0x16A0]  }
0x7f: {  	v0 =	vadd.f32 v26, v0  }
0x80: {  	v29 =	vld [tilespmem:$0x1720]  }
0x81: {  	v0 =	vadd.f32 v27, v0  }
0x82: {  	v30 =	vld [tilespmem:$0x17A0]  }
0x83: {  	v0 =	vadd.f32 v28, v0  }
0x84: {  	v31 =	vld [tilespmem:$0x1820]  }
0x85: {  	v0 =	vadd.f32 v29, v0  }
0x86: {  	v32 =	vld [tilespmem:$0x18A0]  }
0x87: {  	v0 =	vadd.f32 v30, v0  }
0x88: {  	v33 =	vld [tilespmem:$0x1920]  }
0x89: {  	v0 =	vadd.f32 v31, v0  }
0x8a: {  	v34 =	vld [tilespmem:$0x19A0]  }
0x8b: {  	v0 =	vadd.f32 v32, v0;
	_ =	sdelay $0x1  }
0x8c: {  	v0 =	vadd.f32 v33, v0;
	_ =	sdelay $0x1  }
0x8d: {  	v0 =	vadd.f32 v34, v0;
	_ =	sdelay $0x1  }
0x8e: {  	v0 =	vmul.f32 $5.000000070e-02, v0;
	_ =	sdelay $0x1  }
0x8f: {  	[tilespmem:s13+$0xFFFFFF20] =	vst v0  }
0x90: {  	v0 =	vld [tilespmem:$0x1030]  }
0x91: {  	v35 =	vld [tilespmem:$0x10B0];
	_ =	sdelay $0x1  }
0x92: {  	v36 =	vld [tilespmem:$0x1130];
	_ =	sdelay $0x1  }
0x93: {  	v37 =	vld [tilespmem:$0x11B0]  }
0x94: {  	v0 =	vadd.f32 v35, v0  }
0x95: {  	v38 =	vld [tilespmem:$0x1230]  }
0x96: {  	v0 =	vadd.f32 v36, v0  }
0x97: {  	v39 =	vld [tilespmem:$0x12B0]  }
0x98: {  	v0 =	vadd.f32 v37, v0  }
0x99: {  	v40 =	vld [tilespmem:$0x1330]  }
0x9a: {  	v0 =	vadd.f32 v38, v0  }
0x9b: {  	v41 =	vld [tilespmem:$0x13B0]  }
0x9c: {  	v0 =	vadd.f32 v39, v0  }
0x9d: {  	v42 =	vld [tilespmem:$0x1430]  }
0x9e: {  	v0 =	vadd.f32 v40, v0  }
0x9f: {  	v43 =	vld [tilespmem:$0x14B0]  }
0xa0: {  	v0 =	vadd.f32 v41, v0  }
0xa1: {  	v44 =	vld [tilespmem:$0x1530]  }
0xa2: {  	v0 =	vadd.f32 v42, v0  }
0xa3: {  	v45 =	vld [tilespmem:$0x15B0]  }
0xa4: {  	v0 =	vadd.f32 v43, v0  }
0xa5: {  	v46 =	vld [tilespmem:$0x1630]  }
0xa6: {  	v0 =	vadd.f32 v44, v0  }
0xa7: {  	v47 =	vld [tilespmem:$0x16B0]  }
0xa8: {  	v0 =	vadd.f32 v45, v0  }
0xa9: {  	v48 =	vld [tilespmem:$0x1730]  }
0xaa: {  	v0 =	vadd.f32 v46, v0  }
0xab: {  	v49 =	vld [tilespmem:$0x17B0]  }
0xac: {  	v0 =	vadd.f32 v47, v0  }
0xad: {  	v50 =	vld [tilespmem:$0x1830]  }
0xae: {  	v0 =	vadd.f32 v48, v0  }
0xaf: {  	v51 =	vld [tilespmem:$0x18B0]  }
0xb0: {  	v0 =	vadd.f32 v49, v0  }
0xb1: {  	v52 =	vld [tilespmem:$0x1930]  }
0xb2: {  	v0 =	vadd.f32 v50, v0  }
0xb3: {  	v53 =	vld [tilespmem:$0x19B0]  }
0xb4: {  	v0 =	vadd.f32 v51, v0;
	_ =	sdelay $0x1  }
0xb5: {  	v0 =	vadd.f32 v52, v0;
	_ =	sdelay $0x1  }
0xb6: {  	v0 =	vadd.f32 v53, v0;
	_ =	sdelay $0x1  }
0xb7: {  	v0 =	vmul.f32 $5.000000070e-02, v0;
	_ =	sdelay $0x1  }
0xb8: {  	[tilespmem:s13+$0xFFFFFF30] =	vst v0  }
0xb9: {  	v0 =	vld [tilespmem:$0x1040]  }
0xba: {  	v54 =	vld [tilespmem:$0x10C0];
	_ =	sdelay $0x1  }
0xbb: {  	v55 =	vld [tilespmem:$0x1140];
	_ =	sdelay $0x1  }
0xbc: {  	v56 =	vld [tilespmem:$0x11C0]  }
0xbd: {  	v0 =	vadd.f32 v54, v0  }
0xbe: {  	v57 =	vld [tilespmem:$0x1240]  }
0xbf: {  	v0 =	vadd.f32 v55, v0  }
0xc0: {  	v58 =	vld [tilespmem:$0x12C0]  }
0xc1: {  	v0 =	vadd.f32 v56, v0  }
0xc2: {  	v59 =	vld [tilespmem:$0x1340]  }
0xc3: {  	v0 =	vadd.f32 v57, v0  }
0xc4: {  	v60 =	vld [tilespmem:$0x13C0]  }
0xc5: {  	v0 =	vadd.f32 v58, v0  }
0xc6: {  	v61 =	vld [tilespmem:$0x1440]  }
0xc7: {  	v0 =	vadd.f32 v59, v0  }
0xc8: {  	v62 =	vld [tilespmem:$0x14C0]  }
0xc9: {  	v0 =	vadd.f32 v60, v0  }
0xca: {  	v63 =	vld [tilespmem:$0x1540]  }
0xcb: {  	v0 =	vadd.f32 v61, v0  }
0xcc: {  	v6 =	vld [tilespmem:$0x15C0]  }
0xcd: {  	v0 =	vadd.f32 v62, v0  }
0xce: {  	v7 =	vld [tilespmem:$0x1640]  }
0xcf: {  	v0 =	vadd.f32 v63, v0  }
0xd0: {  	v8 =	vld [tilespmem:$0x16C0]  }
0xd1: {  	v0 =	vadd.f32 v6, v0  }
0xd2: {  	v9 =	vld [tilespmem:$0x1740]  }
0xd3: {  	v0 =	vadd.f32 v7, v0  }
0xd4: {  	v10 =	vld [tilespmem:$0x17C0]  }
0xd5: {  	v0 =	vadd.f32 v8, v0  }
0xd6: {  	v11 =	vld [tilespmem:$0x1840]  }
0xd7: {  	v0 =	vadd.f32 v9, v0  }
0xd8: {  	v12 =	vld [tilespmem:$0x18C0]  }
0xd9: {  	v0 =	vadd.f32 v10, v0  }
0xda: {  	v13 =	vld [tilespmem:$0x1940]  }
0xdb: {  	v0 =	vadd.f32 v11, v0  }
0xdc: {  	v14 =	vld [tilespmem:$0x19C0]  }
0xdd: {  	v0 =	vadd.f32 v12, v0;
	_ =	sdelay $0x1  }
0xde: {  	v0 =	vadd.f32 v13, v0;
	_ =	sdelay $0x1  }
0xdf: {  	v0 =	vadd.f32 v14, v0;
	_ =	sdelay $0x1  }
0xe0: {  	v0 =	vmul.f32 $5.000000070e-02, v0;
	_ =	sdelay $0x1  }
0xe1: {  	[tilespmem:s13+$0xFFFFFF40] =	vst v0  }
0xe2: {  	v0 =	vld [tilespmem:$0x1050]  }
0xe3: {  	v15 =	vld [tilespmem:$0x10D0];
	_ =	sdelay $0x1  }
0xe4: {  	v16 =	vld [tilespmem:$0x1150];
	_ =	sdelay $0x1  }
0xe5: {  	v17 =	vld [tilespmem:$0x11D0]  }
0xe6: {  	v0 =	vadd.f32 v15, v0  }
0xe7: {  	v18 =	vld [tilespmem:$0x1250]  }
0xe8: {  	v0 =	vadd.f32 v16, v0  }
0xe9: {  	v19 =	vld [tilespmem:$0x12D0]  }
0xea: {  	v0 =	vadd.f32 v17, v0  }
0xeb: {  	v20 =	vld [tilespmem:$0x1350]  }
0xec: {  	v0 =	vadd.f32 v18, v0  }
0xed: {  	v21 =	vld [tilespmem:$0x13D0]  }
0xee: {  	v0 =	vadd.f32 v19, v0  }
0xef: {  	v22 =	vld [tilespmem:$0x1450]  }
0xf0: {  	v0 =	vadd.f32 v20, v0  }
0xf1: {  	v23 =	vld [tilespmem:$0x14D0]  }
0xf2: {  	v0 =	vadd.f32 v21, v0  }
0xf3: {  	v24 =	vld [tilespmem:$0x1550]  }
0xf4: {  	v0 =	vadd.f32 v22, v0  }
0xf5: {  	v25 =	vld [tilespmem:$0x15D0]  }
0xf6: {  	v0 =	vadd.f32 v23, v0  }
0xf7: {  	v26 =	vld [tilespmem:$0x1650]  }
0xf8: {  	v0 =	vadd.f32 v24, v0  }
0xf9: {  	v27 =	vld [tilespmem:$0x16D0]  }
0xfa: {  	v0 =	vadd.f32 v25, v0  }
0xfb: {  	v28 =	vld [tilespmem:$0x1750]  }
0xfc: {  	v0 =	vadd.f32 v26, v0  }
0xfd: {  	v29 =	vld [tilespmem:$0x17D0]  }
0xfe: {  	v0 =	vadd.f32 v27, v0  }
0xff: {  	v30 =	vld [tilespmem:$0x1850]  }
0x100: {  	v0 =	vadd.f32 v28, v0  }
0x101: {  	v31 =	vld [tilespmem:$0x18D0]  }
0x102: {  	v0 =	vadd.f32 v29, v0  }
0x103: {  	v32 =	vld [tilespmem:$0x1950]  }
0x104: {  	v0 =	vadd.f32 v30, v0  }
0x105: {  	v33 =	vld [tilespmem:$0x19D0]  }
0x106: {  	v0 =	vadd.f32 v31, v0;
	_ =	sdelay $0x1  }
0x107: {  	v0 =	vadd.f32 v32, v0;
	_ =	sdelay $0x1  }
0x108: {  	v0 =	vadd.f32 v33, v0;
	_ =	sdelay $0x1  }
0x109: {  	v0 =	vmul.f32 $5.000000070e-02, v0;
	_ =	sdelay $0x1  }
0x10a: {  	[tilespmem:s13+$0xFFFFFF50] =	vst v0  }
0x10b: {  	v0 =	vld [tilespmem:$0x1060]  }
0x10c: {  	v34 =	vld [tilespmem:$0x10E0];
	_ =	sdelay $0x1  }
0x10d: {  	v35 =	vld [tilespmem:$0x1160];
	_ =	sdelay $0x1  }
0x10e: {  	v36 =	vld [tilespmem:$0x11E0]  }
0x10f: {  	v0 =	vadd.f32 v34, v0  }
0x110: {  	v37 =	vld [tilespmem:$0x1260]  }
0x111: {  	v0 =	vadd.f32 v35, v0  }
0x112: {  	v38 =	vld [tilespmem:$0x12E0]  }
0x113: {  	v0 =	vadd.f32 v36, v0  }
0x114: {  	v39 =	vld [tilespmem:$0x1360]  }
0x115: {  	v0 =	vadd.f32 v37, v0  }
0x116: {  	v40 =	vld [tilespmem:$0x13E0]  }
0x117: {  	v0 =	vadd.f32 v38, v0  }
0x118: {  	v41 =	vld [tilespmem:$0x1460]  }
0x119: {  	v0 =	vadd.f32 v39, v0  }
0x11a: {  	v42 =	vld [tilespmem:$0x14E0]  }
0x11b: {  	v0 =	vadd.f32 v40, v0  }
0x11c: {  	v43 =	vld [tilespmem:$0x1560]  }
0x11d: {  	v0 =	vadd.f32 v41, v0  }
0x11e: {  	v44 =	vld [tilespmem:$0x15E0]  }
0x11f: {  	v0 =	vadd.f32 v42, v0  }
0x120: {  	v45 =	vld [tilespmem:$0x1660]  }
0x121: {  	v0 =	vadd.f32 v43, v0  }
0x122: {  	v46 =	vld [tilespmem:$0x16E0]  }
0x123: {  	v0 =	vadd.f32 v44, v0  }
0x124: {  	v47 =	vld [tilespmem:$0x1760]  }
0x125: {  	v0 =	vadd.f32 v45, v0  }
0x126: {  	v48 =	vld [tilespmem:$0x17E0]  }
0x127: {  	v0 =	vadd.f32 v46, v0  }
0x128: {  	v49 =	vld [tilespmem:$0x1860]  }
0x129: {  	v0 =	vadd.f32 v47, v0  }
0x12a: {  	v50 =	vld [tilespmem:$0x18E0]  }
0x12b: {  	v0 =	vadd.f32 v48, v0  }
0x12c: {  	v51 =	vld [tilespmem:$0x1960]  }
0x12d: {  	v0 =	vadd.f32 v49, v0  }
0x12e: {  	v52 =	vld [tilespmem:$0x19E0]  }
0x12f: {  	v0 =	vadd.f32 v50, v0;
	_ =	sdelay $0x1  }
0x130: {  	v0 =	vadd.f32 v51, v0;
	_ =	sdelay $0x1  }
0x131: {  	v0 =	vadd.f32 v52, v0;
	_ =	sdelay $0x1  }
0x132: {  	v0 =	vmul.f32 $5.000000070e-02, v0;
	_ =	sdelay $0x1  }
0x133: {  	[tilespmem:s13+$0xFFFFFF60] =	vst v0  }
0x134: {  	v0 =	vld [tilespmem:$0x1070]  }
0x135: {  	v53 =	vld [tilespmem:$0x10F0];
	_ =	sdelay $0x1  }
0x136: {  	v54 =	vld [tilespmem:$0x1170];
	_ =	sdelay $0x1  }
0x137: {  	v55 =	vld [tilespmem:$0x11F0]  }
0x138: {  	v0 =	vadd.f32 v53, v0  }
0x139: {  	v56 =	vld [tilespmem:$0x1270]  }
0x13a: {  	v0 =	vadd.f32 v54, v0  }
0x13b: {  	v57 =	vld [tilespmem:$0x12F0]  }
0x13c: {  	v0 =	vadd.f32 v55, v0  }
0x13d: {  	v58 =	vld [tilespmem:$0x1370]  }
0x13e: {  	v0 =	vadd.f32 v56, v0  }
0x13f: {  	v59 =	vld [tilespmem:$0x13F0]  }
0x140: {  	v0 =	vadd.f32 v57, v0  }
0x141: {  	v60 =	vld [tilespmem:$0x1470]  }
0x142: {  	v0 =	vadd.f32 v58, v0  }
0x143: {  	v61 =	vld [tilespmem:$0x14F0]  }
0x144: {  	v0 =	vadd.f32 v59, v0  }
0x145: {  	v62 =	vld [tilespmem:$0x1570]  }
0x146: {  	v0 =	vadd.f32 v60, v0  }
0x147: {  	v63 =	vld [tilespmem:$0x15F0]  }
0x148: {  	v0 =	vadd.f32 v61, v0  }
0x149: {  	v6 =	vld [tilespmem:$0x1670]  }
0x14a: {  	v0 =	vadd.f32 v62, v0  }
0x14b: {  	v7 =	vld [tilespmem:$0x16F0]  }
0x14c: {  	v0 =	vadd.f32 v63, v0  }
0x14d: {  	v8 =	vld [tilespmem:$0x1770]  }
0x14e: {  	v0 =	vadd.f32 v6, v0  }
0x14f: {  	v9 =	vld [tilespmem:$0x17F0]  }
0x150: {  	v0 =	vadd.f32 v7, v0  }
0x151: {  	v10 =	vld [tilespmem:$0x1870]  }
0x152: {  	v0 =	vadd.f32 v8, v0  }
0x153: {  	v11 =	vld [tilespmem:$0x18F0]  }
0x154: {  	v0 =	vadd.f32 v9, v0  }
0x155: {  	v12 =	vld [tilespmem:$0x1970]  }
0x156: {  	v0 =	vadd.f32 v10, v0  }
0x157: {  	v13 =	vld [tilespmem:$0x19F0]  }
0x158: {  	v0 =	vadd.f32 v11, v0;
	_ =	sdelay $0x1  }
0x159: {  	v0 =	vadd.f32 v12, v0;
	_ =	sdelay $0x1  }
0x15a: {  	v0 =	vadd.f32 v13, v0;
	_ =	sdelay $0x1  }
0x15b: {  	v0 =	vmul.f32 $5.000000070e-02, v0;
	_ =	sdelay $0x1  }
0x15c: {  	[tilespmem:s13+$0xFFFFFF70] =	vst v0  }
0x15d: {  	v0 =	vld [tilespmem:$0x1A00]  }
0x15e: {  	v14 =	vld [tilespmem:$0x1A80];
	_ =	sdelay $0x1  }
0x15f: {  	v15 =	vld [tilespmem:$0x1B00];
	_ =	sdelay $0x1  }
0x160: {  	v16 =	vld [tilespmem:$0x1B80]  }
0x161: {  	v0 =	vadd.f32 v14, v0  }
0x162: {  	v17 =	vld [tilespmem:$0x1C00]  }
0x163: {  	v0 =	vadd.f32 v15, v0  }
0x164: {  	v18 =	vld [tilespmem:$0x1C80]  }
0x165: {  	v0 =	vadd.f32 v16, v0  }
0x166: {  	v19 =	vld [tilespmem:$0x1D00]  }
0x167: {  	v0 =	vadd.f32 v17, v0  }
0x168: {  	v20 =	vld [tilespmem:$0x1D80]  }
0x169: {  	v0 =	vadd.f32 v18, v0  }
0x16a: {  	v21 =	vld [tilespmem:$0x1E00]  }
0x16b: {  	v0 =	vadd.f32 v19, v0  }
0x16c: {  	v22 =	vld [tilespmem:$0x1E80]  }
0x16d: {  	v0 =	vadd.f32 v20, v0  }
0x16e: {  	v23 =	vld [tilespmem:$0x1F00]  }
0x16f: {  	v0 =	vadd.f32 v21, v0  }
0x170: {  	v24 =	vld [tilespmem:$0x1F80]  }
0x171: {  	v0 =	vadd.f32 v22, v0  }
0x172: {  	v25 =	vld [tilespmem:$0x2000]  }
0x173: {  	v0 =	vadd.f32 v23, v0  }
0x174: {  	v26 =	vld [tilespmem:$0x2080]  }
0x175: {  	v0 =	vadd.f32 v24, v0  }
0x176: {  	v27 =	vld [tilespmem:$0x2100]  }
0x177: {  	v0 =	vadd.f32 v25, v0  }
0x178: {  	v28 =	vld [tilespmem:$0x2180]  }
0x179: {  	v0 =	vadd.f32 v26, v0  }
0x17a: {  	v29 =	vld [tilespmem:$0x2200]  }
0x17b: {  	v0 =	vadd.f32 v27, v0  }
0x17c: {  	v30 =	vld [tilespmem:$0x2280]  }
0x17d: {  	v0 =	vadd.f32 v28, v0  }
0x17e: {  	v31 =	vld [tilespmem:$0x2300]  }
0x17f: {  	v0 =	vadd.f32 v29, v0  }
0x180: {  	v32 =	vld [tilespmem:$0x2380]  }
0x181: {  	v0 =	vadd.f32 v30, v0;
	_ =	sdelay $0x1  }
0x182: {  	v0 =	vadd.f32 v31, v0;
	_ =	sdelay $0x1  }
0x183: {  	v0 =	vadd.f32 v32, v0;
	_ =	sdelay $0x1  }
0x184: {  	v0 =	vmul.f32 $5.000000070e-02, v0;
	_ =	sdelay $0x1  }
0x185: {  	[tilespmem:s13+$0xFFFFFF80] =	vst v0  }
0x186: {  	v0 =	vld [tilespmem:$0x1A10]  }
0x187: {  	v33 =	vld [tilespmem:$0x1A90];
	_ =	sdelay $0x1  }
0x188: {  	v34 =	vld [tilespmem:$0x1B10];
	_ =	sdelay $0x1  }
0x189: {  	v35 =	vld [tilespmem:$0x1B90]  }
0x18a: {  	v0 =	vadd.f32 v33, v0  }
0x18b: {  	v36 =	vld [tilespmem:$0x1C10]  }
0x18c: {  	v0 =	vadd.f32 v34, v0  }
0x18d: {  	v37 =	vld [tilespmem:$0x1C90]  }
0x18e: {  	v0 =	vadd.f32 v35, v0  }
0x18f: {  	v38 =	vld [tilespmem:$0x1D10]  }
0x190: {  	v0 =	vadd.f32 v36, v0  }
0x191: {  	v39 =	vld [tilespmem:$0x1D90]  }
0x192: {  	v0 =	vadd.f32 v37, v0  }
0x193: {  	v40 =	vld [tilespmem:$0x1E10]  }
0x194: {  	v0 =	vadd.f32 v38, v0  }
0x195: {  	v41 =	vld [tilespmem:$0x1E90]  }
0x196: {  	v0 =	vadd.f32 v39, v0  }
0x197: {  	v42 =	vld [tilespmem:$0x1F10]  }
0x198: {  	v0 =	vadd.f32 v40, v0  }
0x199: {  	v43 =	vld [tilespmem:$0x1F90]  }
0x19a: {  	v0 =	vadd.f32 v41, v0  }
0x19b: {  	v44 =	vld [tilespmem:$0x2010]  }
0x19c: {  	v0 =	vadd.f32 v42, v0  }
0x19d: {  	v45 =	vld [tilespmem:$0x2090]  }
0x19e: {  	v0 =	vadd.f32 v43, v0  }
0x19f: {  	v46 =	vld [tilespmem:$0x2110]  }
0x1a0: {  	v0 =	vadd.f32 v44, v0  }
0x1a1: {  	v47 =	vld [tilespmem:$0x2190]  }
0x1a2: {  	v0 =	vadd.f32 v45, v0  }
0x1a3: {  	v48 =	vld [tilespmem:$0x2210]  }
0x1a4: {  	v0 =	vadd.f32 v46, v0  }
0x1a5: {  	v49 =	vld [tilespmem:$0x2290]  }
0x1a6: {  	v0 =	vadd.f32 v47, v0  }
0x1a7: {  	v50 =	vld [tilespmem:$0x2310]  }
0x1a8: {  	v0 =	vadd.f32 v48, v0  }
0x1a9: {  	v51 =	vld [tilespmem:$0x2390]  }
0x1aa: {  	v0 =	vadd.f32 v49, v0;
	_ =	sdelay $0x1  }
0x1ab: {  	v0 =	vadd.f32 v50, v0;
	_ =	sdelay $0x1  }
0x1ac: {  	v0 =	vadd.f32 v51, v0;
	_ =	sdelay $0x1  }
0x1ad: {  	v0 =	vmul.f32 $5.000000070e-02, v0;
	_ =	sdelay $0x1  }
0x1ae: {  	[tilespmem:s13+$0xFFFFFF90] =	vst v0  }
0x1af: {  	v0 =	vld [tilespmem:$0x1A20]  }
0x1b0: {  	v52 =	vld [tilespmem:$0x1AA0];
	_ =	sdelay $0x1  }
0x1b1: {  	v53 =	vld [tilespmem:$0x1B20];
	_ =	sdelay $0x1  }
0x1b2: {  	v54 =	vld [tilespmem:$0x1BA0]  }
0x1b3: {  	v0 =	vadd.f32 v52, v0  }
0x1b4: {  	v55 =	vld [tilespmem:$0x1C20]  }
0x1b5: {  	v0 =	vadd.f32 v53, v0  }
0x1b6: {  	v56 =	vld [tilespmem:$0x1CA0]  }
0x1b7: {  	v0 =	vadd.f32 v54, v0  }
0x1b8: {  	v57 =	vld [tilespmem:$0x1D20]  }
0x1b9: {  	v0 =	vadd.f32 v55, v0  }
0x1ba: {  	v58 =	vld [tilespmem:$0x1DA0]  }
0x1bb: {  	v0 =	vadd.f32 v56, v0  }
0x1bc: {  	v59 =	vld [tilespmem:$0x1E20]  }
0x1bd: {  	v0 =	vadd.f32 v57, v0  }
0x1be: {  	v60 =	vld [tilespmem:$0x1EA0]  }
0x1bf: {  	v0 =	vadd.f32 v58, v0  }
0x1c0: {  	v61 =	vld [tilespmem:$0x1F20]  }
0x1c1: {  	v0 =	vadd.f32 v59, v0  }
0x1c2: {  	v62 =	vld [tilespmem:$0x1FA0]  }
0x1c3: {  	v0 =	vadd.f32 v60, v0  }
0x1c4: {  	v63 =	vld [tilespmem:$0x2020]  }
0x1c5: {  	v0 =	vadd.f32 v61, v0  }
0x1c6: {  	v6 =	vld [tilespmem:$0x20A0]  }
0x1c7: {  	v0 =	vadd.f32 v62, v0  }
0x1c8: {  	v7 =	vld [tilespmem:$0x2120]  }
0x1c9: {  	v0 =	vadd.f32 v63, v0  }
0x1ca: {  	v8 =	vld [tilespmem:$0x21A0]  }
0x1cb: {  	v0 =	vadd.f32 v6, v0  }
0x1cc: {  	v9 =	vld [tilespmem:$0x2220]  }
0x1cd: {  	v0 =	vadd.f32 v7, v0  }
0x1ce: {  	v10 =	vld [tilespmem:$0x22A0]  }
0x1cf: {  	v0 =	vadd.f32 v8, v0  }
0x1d0: {  	v11 =	vld [tilespmem:$0x2320]  }
0x1d1: {  	v0 =	vadd.f32 v9, v0  }
0x1d2: {  	v12 =	vld [tilespmem:$0x23A0]  }
0x1d3: {  	v0 =	vadd.f32 v10, v0;
	_ =	sdelay $0x1  }
0x1d4: {  	v0 =	vadd.f32 v11, v0;
	_ =	sdelay $0x1  }
0x1d5: {  	v0 =	vadd.f32 v12, v0;
	_ =	sdelay $0x1  }
0x1d6: {  	v0 =	vmul.f32 $5.000000070e-02, v0;
	_ =	sdelay $0x1  }
0x1d7: {  	[tilespmem:s13+$0xFFFFFFA0] =	vst v0  }
0x1d8: {  	v0 =	vld [tilespmem:$0x1A30]  }
0x1d9: {  	v13 =	vld [tilespmem:$0x1AB0];
	_ =	sdelay $0x1  }
0x1da: {  	v14 =	vld [tilespmem:$0x1B30];
	_ =	sdelay $0x1  }
0x1db: {  	v15 =	vld [tilespmem:$0x1BB0]  }
0x1dc: {  	v0 =	vadd.f32 v13, v0  }
0x1dd: {  	v16 =	vld [tilespmem:$0x1C30]  }
0x1de: {  	v0 =	vadd.f32 v14, v0  }
0x1df: {  	v17 =	vld [tilespmem:$0x1CB0]  }
0x1e0: {  	v0 =	vadd.f32 v15, v0  }
0x1e1: {  	v18 =	vld [tilespmem:$0x1D30]  }
0x1e2: {  	v0 =	vadd.f32 v16, v0  }
0x1e3: {  	v19 =	vld [tilespmem:$0x1DB0]  }
0x1e4: {  	v0 =	vadd.f32 v17, v0  }
0x1e5: {  	v20 =	vld [tilespmem:$0x1E30]  }
0x1e6: {  	v0 =	vadd.f32 v18, v0  }
0x1e7: {  	v21 =	vld [tilespmem:$0x1EB0]  }
0x1e8: {  	v0 =	vadd.f32 v19, v0  }
0x1e9: {  	v22 =	vld [tilespmem:$0x1F30]  }
0x1ea: {  	v0 =	vadd.f32 v20, v0  }
0x1eb: {  	v23 =	vld [tilespmem:$0x1FB0]  }
0x1ec: {  	v0 =	vadd.f32 v21, v0  }
0x1ed: {  	v24 =	vld [tilespmem:$0x2030]  }
0x1ee: {  	v0 =	vadd.f32 v22, v0  }
0x1ef: {  	v25 =	vld [tilespmem:$0x20B0]  }
0x1f0: {  	v0 =	vadd.f32 v23, v0  }
0x1f1: {  	v26 =	vld [tilespmem:$0x2130]  }
0x1f2: {  	v0 =	vadd.f32 v24, v0  }
0x1f3: {  	v27 =	vld [tilespmem:$0x21B0]  }
0x1f4: {  	v0 =	vadd.f32 v25, v0  }
0x1f5: {  	v28 =	vld [tilespmem:$0x2230]  }
0x1f6: {  	v0 =	vadd.f32 v26, v0  }
0x1f7: {  	v29 =	vld [tilespmem:$0x22B0]  }
0x1f8: {  	v0 =	vadd.f32 v27, v0  }
0x1f9: {  	v30 =	vld [tilespmem:$0x2330]  }
0x1fa: {  	v0 =	vadd.f32 v28, v0  }
0x1fb: {  	v31 =	vld [tilespmem:$0x23B0]  }
0x1fc: {  	v0 =	vadd.f32 v29, v0;
	_ =	sdelay $0x1  }
0x1fd: {  	v0 =	vadd.f32 v30, v0;
	_ =	sdelay $0x1  }
0x1fe: {  	v0 =	vadd.f32 v31, v0;
	_ =	sdelay $0x1  }
0x1ff: {  	v0 =	vmul.f32 $5.000000070e-02, v0;
	_ =	sdelay $0x1  }
0x200: {  	[tilespmem:s13+$0xFFFFFFB0] =	vst v0  }
0x201: {  	v0 =	vld [tilespmem:$0x1A40]  }
0x202: {  	v32 =	vld [tilespmem:$0x1AC0];
	_ =	sdelay $0x1  }
0x203: {  	v33 =	vld [tilespmem:$0x1B40];
	_ =	sdelay $0x1  }
0x204: {  	v34 =	vld [tilespmem:$0x1BC0]  }
0x205: {  	v0 =	vadd.f32 v32, v0  }
0x206: {  	v35 =	vld [tilespmem:$0x1C40]  }
0x207: {  	v0 =	vadd.f32 v33, v0  }
0x208: {  	v36 =	vld [tilespmem:$0x1CC0]  }
0x209: {  	v0 =	vadd.f32 v34, v0  }
0x20a: {  	v37 =	vld [tilespmem:$0x1D40]  }
0x20b: {  	v0 =	vadd.f32 v35, v0  }
0x20c: {  	v38 =	vld [tilespmem:$0x1DC0]  }
0x20d: {  	v0 =	vadd.f32 v36, v0  }
0x20e: {  	v39 =	vld [tilespmem:$0x1E40]  }
0x20f: {  	v0 =	vadd.f32 v37, v0  }
0x210: {  	v40 =	vld [tilespmem:$0x1EC0]  }
0x211: {  	v0 =	vadd.f32 v38, v0  }
0x212: {  	v41 =	vld [tilespmem:$0x1F40]  }
0x213: {  	v0 =	vadd.f32 v39, v0  }
0x214: {  	v42 =	vld [tilespmem:$0x1FC0]  }
0x215: {  	v0 =	vadd.f32 v40, v0  }
0x216: {  	v43 =	vld [tilespmem:$0x2040]  }
0x217: {  	v0 =	vadd.f32 v41, v0  }
0x218: {  	v44 =	vld [tilespmem:$0x20C0]  }
0x219: {  	v0 =	vadd.f32 v42, v0  }
0x21a: {  	v45 =	vld [tilespmem:$0x2140]  }
0x21b: {  	v0 =	vadd.f32 v43, v0  }
0x21c: {  	v46 =	vld [tilespmem:$0x21C0]  }
0x21d: {  	v0 =	vadd.f32 v44, v0  }
0x21e: {  	v47 =	vld [tilespmem:$0x2240]  }
0x21f: {  	v0 =	vadd.f32 v45, v0  }
0x220: {  	v48 =	vld [tilespmem:$0x22C0]  }
0x221: {  	v0 =	vadd.f32 v46, v0  }
0x222: {  	v49 =	vld [tilespmem:$0x2340]  }
0x223: {  	v0 =	vadd.f32 v47, v0  }
0x224: {  	v50 =	vld [tilespmem:$0x23C0]  }
0x225: {  	v0 =	vadd.f32 v48, v0;
	_ =	sdelay $0x1  }
0x226: {  	v0 =	vadd.f32 v49, v0;
	_ =	sdelay $0x1  }
0x227: {  	v0 =	vadd.f32 v50, v0;
	_ =	sdelay $0x1  }
0x228: {  	v0 =	vmul.f32 $5.000000070e-02, v0;
	_ =	sdelay $0x1  }
0x229: {  	[tilespmem:s13+$0xFFFFFFC0] =	vst v0  }
0x22a: {  	v0 =	vld [tilespmem:$0x1A50]  }
0x22b: {  	v51 =	vld [tilespmem:$0x1AD0];
	_ =	sdelay $0x1  }
0x22c: {  	v52 =	vld [tilespmem:$0x1B50];
	_ =	sdelay $0x1  }
0x22d: {  	v53 =	vld [tilespmem:$0x1BD0]  }
0x22e: {  	v0 =	vadd.f32 v51, v0  }
0x22f: {  	v54 =	vld [tilespmem:$0x1C50]  }
0x230: {  	v0 =	vadd.f32 v52, v0  }
0x231: {  	v55 =	vld [tilespmem:$0x1CD0]  }
0x232: {  	v0 =	vadd.f32 v53, v0  }
0x233: {  	v56 =	vld [tilespmem:$0x1D50]  }
0x234: {  	v0 =	vadd.f32 v54, v0  }
0x235: {  	v57 =	vld [tilespmem:$0x1DD0]  }
0x236: {  	v0 =	vadd.f32 v55, v0  }
0x237: {  	v58 =	vld [tilespmem:$0x1E50]  }
0x238: {  	v0 =	vadd.f32 v56, v0  }
0x239: {  	v59 =	vld [tilespmem:$0x1ED0]  }
0x23a: {  	v0 =	vadd.f32 v57, v0  }
0x23b: {  	v60 =	vld [tilespmem:$0x1F50]  }
0x23c: {  	v0 =	vadd.f32 v58, v0  }
0x23d: {  	v61 =	vld [tilespmem:$0x1FD0]  }
0x23e: {  	v0 =	vadd.f32 v59, v0  }
0x23f: {  	v62 =	vld [tilespmem:$0x2050]  }
0x240: {  	v0 =	vadd.f32 v60, v0  }
0x241: {  	v63 =	vld [tilespmem:$0x20D0]  }
0x242: {  	v0 =	vadd.f32 v61, v0  }
0x243: {  	v6 =	vld [tilespmem:$0x2150]  }
0x244: {  	v0 =	vadd.f32 v62, v0  }
0x245: {  	v7 =	vld [tilespmem:$0x21D0]  }
0x246: {  	v0 =	vadd.f32 v63, v0  }
0x247: {  	v8 =	vld [tilespmem:$0x2250]  }
0x248: {  	v0 =	vadd.f32 v6, v0  }
0x249: {  	v9 =	vld [tilespmem:$0x22D0]  }
0x24a: {  	v0 =	vadd.f32 v7, v0  }
0x24b: {  	v10 =	vld [tilespmem:$0x2350]  }
0x24c: {  	v0 =	vadd.f32 v8, v0  }
0x24d: {  	v11 =	vld [tilespmem:$0x23D0]  }
0x24e: {  	v0 =	vadd.f32 v9, v0;
	_ =	sdelay $0x1  }
0x24f: {  	v0 =	vadd.f32 v10, v0;
	_ =	sdelay $0x1  }
0x250: {  	v0 =	vadd.f32 v11, v0;
	_ =	sdelay $0x1  }
0x251: {  	v0 =	vmul.f32 $5.000000070e-02, v0;
	_ =	sdelay $0x1  }
0x252: {  	[tilespmem:s13+$0xFFFFFFD0] =	vst v0  }
0x253: {  	v0 =	vld [tilespmem:$0x1A60]  }
0x254: {  	v12 =	vld [tilespmem:$0x1AE0];
	_ =	sdelay $0x1  }
0x255: {  	v13 =	vld [tilespmem:$0x1B60];
	_ =	sdelay $0x1  }
0x256: {  	v14 =	vld [tilespmem:$0x1BE0]  }
0x257: {  	v0 =	vadd.f32 v12, v0  }
0x258: {  	v15 =	vld [tilespmem:$0x1C60]  }
0x259: {  	v0 =	vadd.f32 v13, v0  }
0x25a: {  	v16 =	vld [tilespmem:$0x1CE0]  }
0x25b: {  	v0 =	vadd.f32 v14, v0  }
0x25c: {  	v17 =	vld [tilespmem:$0x1D60]  }
0x25d: {  	v0 =	vadd.f32 v15, v0  }
0x25e: {  	v18 =	vld [tilespmem:$0x1DE0]  }
0x25f: {  	v0 =	vadd.f32 v16, v0  }
0x260: {  	v19 =	vld [tilespmem:$0x1E60]  }
0x261: {  	v0 =	vadd.f32 v17, v0  }
0x262: {  	v20 =	vld [tilespmem:$0x1EE0]  }
0x263: {  	v0 =	vadd.f32 v18, v0  }
0x264: {  	v21 =	vld [tilespmem:$0x1F60]  }
0x265: {  	v0 =	vadd.f32 v19, v0  }
0x266: {  	v22 =	vld [tilespmem:$0x1FE0]  }
0x267: {  	v0 =	vadd.f32 v20, v0  }
0x268: {  	v23 =	vld [tilespmem:$0x2060]  }
0x269: {  	v0 =	vadd.f32 v21, v0  }
0x26a: {  	v24 =	vld [tilespmem:$0x20E0]  }
0x26b: {  	v0 =	vadd.f32 v22, v0  }
0x26c: {  	v25 =	vld [tilespmem:$0x2160]  }
0x26d: {  	v0 =	vadd.f32 v23, v0  }
0x26e: {  	v26 =	vld [tilespmem:$0x21E0]  }
0x26f: {  	v0 =	vadd.f32 v24, v0  }
0x270: {  	v27 =	vld [tilespmem:$0x2260]  }
0x271: {  	v0 =	vadd.f32 v25, v0  }
0x272: {  	v28 =	vld [tilespmem:$0x22E0]  }
0x273: {  	v0 =	vadd.f32 v26, v0  }
0x274: {  	v29 =	vld [tilespmem:$0x2360]  }
0x275: {  	v0 =	vadd.f32 v27, v0  }
0x276: {  	v30 =	vld [tilespmem:$0x23E0]  }
0x277: {  	v0 =	vadd.f32 v28, v0;
	_ =	sdelay $0x1  }
0x278: {  	v0 =	vadd.f32 v29, v0;
	_ =	sdelay $0x1  }
0x279: {  	v0 =	vadd.f32 v30, v0;
	_ =	sdelay $0x1  }
0x27a: {  	v0 =	vmul.f32 $5.000000070e-02, v0;
	_ =	sdelay $0x1  }
0x27b: {  	[tilespmem:s13+$0xFFFFFFE0] =	vst v0  }
0x27c: {  	v0 =	vld [tilespmem:$0x1A70]  }
0x27d: {  	v31 =	vld [tilespmem:$0x1AF0];
	_ =	sdelay $0x1  }
0x27e: {  	v32 =	vld [tilespmem:$0x1B70];
	_ =	sdelay $0x1  }
0x27f: {  	v33 =	vld [tilespmem:$0x1BF0]  }
0x280: {  	v0 =	vadd.f32 v31, v0  }
0x281: {  	v34 =	vld [tilespmem:$0x1C70]  }
0x282: {  	v0 =	vadd.f32 v32, v0  }
0x283: {  	v35 =	vld [tilespmem:$0x1CF0]  }
0x284: {  	v0 =	vadd.f32 v33, v0  }
0x285: {  	v36 =	vld [tilespmem:$0x1D70]  }
0x286: {  	v0 =	vadd.f32 v34, v0  }
0x287: {  	v37 =	vld [tilespmem:$0x1DF0]  }
0x288: {  	v0 =	vadd.f32 v35, v0  }
0x289: {  	v38 =	vld [tilespmem:$0x1E70]  }
0x28a: {  	v0 =	vadd.f32 v36, v0  }
0x28b: {  	v39 =	vld [tilespmem:$0x1EF0]  }
0x28c: {  	v0 =	vadd.f32 v37, v0  }
0x28d: {  	v40 =	vld [tilespmem:$0x1F70]  }
0x28e: {  	v0 =	vadd.f32 v38, v0  }
0x28f: {  	v41 =	vld [tilespmem:$0x1FF0]  }
0x290: {  	v0 =	vadd.f32 v39, v0  }
0x291: {  	v42 =	vld [tilespmem:$0x2070]  }
0x292: {  	v0 =	vadd.f32 v40, v0  }
0x293: {  	v43 =	vld [tilespmem:$0x20F0]  }
0x294: {  	v0 =	vadd.f32 v41, v0  }
0x295: {  	v44 =	vld [tilespmem:$0x2170]  }
0x296: {  	v0 =	vadd.f32 v42, v0  }
0x297: {  	v45 =	vld [tilespmem:$0x21F0]  }
0x298: {  	v0 =	vadd.f32 v43, v0  }
0x299: {  	v46 =	vld [tilespmem:$0x2270]  }
0x29a: {  	v0 =	vadd.f32 v44, v0  }
0x29b: {  	v47 =	vld [tilespmem:$0x22F0]  }
0x29c: {  	v0 =	vadd.f32 v45, v0  }
0x29d: {  	v48 =	vld [tilespmem:$0x2370]  }
0x29e: {  	v0 =	vadd.f32 v46, v0  }
0x29f: {  	v49 =	vld [tilespmem:$0x23F0]  }
0x2a0: {  	v0 =	vadd.f32 v47, v0;
	_ =	sdelay $0x1  }
0x2a1: {  	v0 =	vadd.f32 v48, v0;
	_ =	sdelay $0x1  }
0x2a2: {  	v0 =	vadd.f32 v49, v0;
	_ =	sdelay $0x1  }
0x2a3: {  	v0 =	vmul.f32 $5.000000070e-02, v0;
	_ =	sdelay $0x1  }
0x2a4: {  	[tilespmem:s13+$0xFFFFFFF0] =	vst v0  }
0x2a5: {  	v0 =	vld [tilespmem:$0x2400]  }
0x2a6: {  	v50 =	vld [tilespmem:$0x2480];
	_ =	sdelay $0x1  }
0x2a7: {  	v51 =	vld [tilespmem:$0x2500];
	_ =	sdelay $0x1  }
0x2a8: {  	v52 =	vld [tilespmem:$0x2580]  }
0x2a9: {  	v0 =	vadd.f32 v50, v0  }
0x2aa: {  	v53 =	vld [tilespmem:$0x2600]  }
0x2ab: {  	v0 =	vadd.f32 v51, v0  }
0x2ac: {  	v54 =	vld [tilespmem:$0x2680]  }
0x2ad: {  	v0 =	vadd.f32 v52, v0  }
0x2ae: {  	v55 =	vld [tilespmem:$0x2700]  }
0x2af: {  	v0 =	vadd.f32 v53, v0  }
0x2b0: {  	v56 =	vld [tilespmem:$0x2780]  }
0x2b1: {  	v0 =	vadd.f32 v54, v0  }
0x2b2: {  	v57 =	vld [tilespmem:$0x2800]  }
0x2b3: {  	v0 =	vadd.f32 v55, v0  }
0x2b4: {  	v58 =	vld [tilespmem:$0x2880]  }
0x2b5: {  	v0 =	vadd.f32 v56, v0  }
0x2b6: {  	v59 =	vld [tilespmem:$0x2900]  }
0x2b7: {  	v0 =	vadd.f32 v57, v0  }
0x2b8: {  	v60 =	vld [tilespmem:$0x2980]  }
0x2b9: {  	v0 =	vadd.f32 v58, v0  }
0x2ba: {  	v61 =	vld [tilespmem:$0x2A00]  }
0x2bb: {  	v0 =	vadd.f32 v59, v0  }
0x2bc: {  	v62 =	vld [tilespmem:$0x2A80]  }
0x2bd: {  	v0 =	vadd.f32 v60, v0  }
0x2be: {  	v63 =	vld [tilespmem:$0x2B00]  }
0x2bf: {  	v0 =	vadd.f32 v61, v0  }
0x2c0: {  	v6 =	vld [tilespmem:$0x2B80]  }
0x2c1: {  	v0 =	vadd.f32 v62, v0  }
0x2c2: {  	v7 =	vld [tilespmem:$0x2C00]  }
0x2c3: {  	v0 =	vadd.f32 v63, v0  }
0x2c4: {  	v8 =	vld [tilespmem:$0x2C80]  }
0x2c5: {  	v0 =	vadd.f32 v6, v0  }
0x2c6: {  	v9 =	vld [tilespmem:$0x2D00]  }
0x2c7: {  	v0 =	vadd.f32 v7, v0  }
0x2c8: {  	v10 =	vld [tilespmem:$0x2D80]  }
0x2c9: {  	v0 =	vadd.f32 v8, v0;
	_ =	sdelay $0x1  }
0x2ca: {  	v0 =	vadd.f32 v9, v0;
	_ =	sdelay $0x1  }
0x2cb: {  	v0 =	vadd.f32 v10, v0;
	_ =	sdelay $0x1  }
0x2cc: {  	v0 =	vmul.f32 $5.000000070e-02, v0;
	_ =	sdelay $0x1  }
0x2cd: {  	[tilespmem:s13+$0x0] =	vst v0  }
0x2ce: {  	v0 =	vld [tilespmem:$0x2410]  }
0x2cf: {  	v11 =	vld [tilespmem:$0x2490];
	_ =	sdelay $0x1  }
0x2d0: {  	v12 =	vld [tilespmem:$0x2510];
	_ =	sdelay $0x1  }
0x2d1: {  	v13 =	vld [tilespmem:$0x2590]  }
0x2d2: {  	v0 =	vadd.f32 v11, v0  }
0x2d3: {  	v14 =	vld [tilespmem:$0x2610]  }
0x2d4: {  	v0 =	vadd.f32 v12, v0  }
0x2d5: {  	v15 =	vld [tilespmem:$0x2690]  }
0x2d6: {  	v0 =	vadd.f32 v13, v0  }
0x2d7: {  	v16 =	vld [tilespmem:$0x2710]  }
0x2d8: {  	v0 =	vadd.f32 v14, v0  }
0x2d9: {  	v17 =	vld [tilespmem:$0x2790]  }
0x2da: {  	v0 =	vadd.f32 v15, v0  }
0x2db: {  	v18 =	vld [tilespmem:$0x2810]  }
0x2dc: {  	v0 =	vadd.f32 v16, v0  }
0x2dd: {  	v19 =	vld [tilespmem:$0x2890]  }
0x2de: {  	v0 =	vadd.f32 v17, v0  }
0x2df: {  	v20 =	vld [tilespmem:$0x2910]  }
0x2e0: {  	v0 =	vadd.f32 v18, v0  }
0x2e1: {  	v21 =	vld [tilespmem:$0x2990]  }
0x2e2: {  	v0 =	vadd.f32 v19, v0  }
0x2e3: {  	v22 =	vld [tilespmem:$0x2A10]  }
0x2e4: {  	v0 =	vadd.f32 v20, v0  }
0x2e5: {  	v23 =	vld [tilespmem:$0x2A90]  }
0x2e6: {  	v0 =	vadd.f32 v21, v0  }
0x2e7: {  	v24 =	vld [tilespmem:$0x2B10]  }
0x2e8: {  	v0 =	vadd.f32 v22, v0  }
0x2e9: {  	v25 =	vld [tilespmem:$0x2B90]  }
0x2ea: {  	v0 =	vadd.f32 v23, v0  }
0x2eb: {  	v26 =	vld [tilespmem:$0x2C10]  }
0x2ec: {  	v0 =	vadd.f32 v24, v0  }
0x2ed: {  	v27 =	vld [tilespmem:$0x2C90]  }
0x2ee: {  	v0 =	vadd.f32 v25, v0  }
0x2ef: {  	v28 =	vld [tilespmem:$0x2D10]  }
0x2f0: {  	v0 =	vadd.f32 v26, v0  }
0x2f1: {  	v29 =	vld [tilespmem:$0x2D90]  }
0x2f2: {  	v0 =	vadd.f32 v27, v0;
	_ =	sdelay $0x1  }
0x2f3: {  	v0 =	vadd.f32 v28, v0;
	_ =	sdelay $0x1  }
0x2f4: {  	v0 =	vadd.f32 v29, v0;
	_ =	sdelay $0x1  }
0x2f5: {  	v0 =	vmul.f32 $5.000000070e-02, v0;
	_ =	sdelay $0x1  }
0x2f6: {  	[tilespmem:s13+$0x10] =	vst v0  }
0x2f7: {  	v0 =	vld [tilespmem:$0x2420]  }
0x2f8: {  	v30 =	vld [tilespmem:$0x24A0];
	_ =	sdelay $0x1  }
0x2f9: {  	v31 =	vld [tilespmem:$0x2520];
	_ =	sdelay $0x1  }
0x2fa: {  	v32 =	vld [tilespmem:$0x25A0]  }
0x2fb: {  	v0 =	vadd.f32 v30, v0  }
0x2fc: {  	v33 =	vld [tilespmem:$0x2620]  }
0x2fd: {  	v0 =	vadd.f32 v31, v0  }
0x2fe: {  	v34 =	vld [tilespmem:$0x26A0]  }
0x2ff: {  	v0 =	vadd.f32 v32, v0  }
0x300: {  	v35 =	vld [tilespmem:$0x2720]  }
0x301: {  	v0 =	vadd.f32 v33, v0  }
0x302: {  	v36 =	vld [tilespmem:$0x27A0]  }
0x303: {  	v0 =	vadd.f32 v34, v0  }
0x304: {  	v37 =	vld [tilespmem:$0x2820]  }
0x305: {  	v0 =	vadd.f32 v35, v0  }
0x306: {  	v38 =	vld [tilespmem:$0x28A0]  }
0x307: {  	v0 =	vadd.f32 v36, v0  }
0x308: {  	v39 =	vld [tilespmem:$0x2920]  }
0x309: {  	v0 =	vadd.f32 v37, v0  }
0x30a: {  	v40 =	vld [tilespmem:$0x29A0]  }
0x30b: {  	v0 =	vadd.f32 v38, v0  }
0x30c: {  	v41 =	vld [tilespmem:$0x2A20]  }
0x30d: {  	v0 =	vadd.f32 v39, v0  }
0x30e: {  	v42 =	vld [tilespmem:$0x2AA0]  }
0x30f: {  	v0 =	vadd.f32 v40, v0  }
0x310: {  	v43 =	vld [tilespmem:$0x2B20]  }
0x311: {  	v0 =	vadd.f32 v41, v0  }
0x312: {  	v44 =	vld [tilespmem:$0x2BA0]  }
0x313: {  	v0 =	vadd.f32 v42, v0  }
0x314: {  	v45 =	vld [tilespmem:$0x2C20]  }
0x315: {  	v0 =	vadd.f32 v43, v0  }
0x316: {  	v46 =	vld [tilespmem:$0x2CA0]  }
0x317: {  	v0 =	vadd.f32 v44, v0  }
0x318: {  	v47 =	vld [tilespmem:$0x2D20]  }
0x319: {  	v0 =	vadd.f32 v45, v0  }
0x31a: {  	v48 =	vld [tilespmem:$0x2DA0]  }
0x31b: {  	v0 =	vadd.f32 v46, v0;
	_ =	sdelay $0x1  }
0x31c: {  	v0 =	vadd.f32 v47, v0;
	_ =	sdelay $0x1  }
0x31d: {  	v0 =	vadd.f32 v48, v0;
	_ =	sdelay $0x1  }
0x31e: {  	v0 =	vmul.f32 $5.000000070e-02, v0;
	_ =	sdelay $0x1  }
0x31f: {  	[tilespmem:s13+$0x20] =	vst v0  }
0x320: {  	v0 =	vld [tilespmem:$0x2430]  }
0x321: {  	v49 =	vld [tilespmem:$0x24B0];
	_ =	sdelay $0x1  }
0x322: {  	v50 =	vld [tilespmem:$0x2530];
	_ =	sdelay $0x1  }
0x323: {  	v51 =	vld [tilespmem:$0x25B0]  }
0x324: {  	v0 =	vadd.f32 v49, v0  }
0x325: {  	v52 =	vld [tilespmem:$0x2630]  }
0x326: {  	v0 =	vadd.f32 v50, v0  }
0x327: {  	v53 =	vld [tilespmem:$0x26B0]  }
0x328: {  	v0 =	vadd.f32 v51, v0  }
0x329: {  	v54 =	vld [tilespmem:$0x2730]  }
0x32a: {  	v0 =	vadd.f32 v52, v0  }
0x32b: {  	v55 =	vld [tilespmem:$0x27B0]  }
0x32c: {  	v0 =	vadd.f32 v53, v0  }
0x32d: {  	v56 =	vld [tilespmem:$0x2830]  }
0x32e: {  	v0 =	vadd.f32 v54, v0  }
0x32f: {  	v57 =	vld [tilespmem:$0x28B0]  }
0x330: {  	v0 =	vadd.f32 v55, v0  }
0x331: {  	v58 =	vld [tilespmem:$0x2930]  }
0x332: {  	v0 =	vadd.f32 v56, v0  }
0x333: {  	v59 =	vld [tilespmem:$0x29B0]  }
0x334: {  	v0 =	vadd.f32 v57, v0  }
0x335: {  	v60 =	vld [tilespmem:$0x2A30]  }
0x336: {  	v0 =	vadd.f32 v58, v0  }
0x337: {  	v61 =	vld [tilespmem:$0x2AB0]  }
0x338: {  	v0 =	vadd.f32 v59, v0  }
0x339: {  	v62 =	vld [tilespmem:$0x2B30]  }
0x33a: {  	v0 =	vadd.f32 v60, v0  }
0x33b: {  	v63 =	vld [tilespmem:$0x2BB0]  }
0x33c: {  	v0 =	vadd.f32 v61, v0  }
0x33d: {  	v6 =	vld [tilespmem:$0x2C30]  }
0x33e: {  	v0 =	vadd.f32 v62, v0  }
0x33f: {  	v7 =	vld [tilespmem:$0x2CB0]  }
0x340: {  	v0 =	vadd.f32 v63, v0  }
0x341: {  	v8 =	vld [tilespmem:$0x2D30]  }
0x342: {  	v0 =	vadd.f32 v6, v0  }
0x343: {  	v9 =	vld [tilespmem:$0x2DB0]  }
0x344: {  	v0 =	vadd.f32 v7, v0;
	_ =	sdelay $0x1  }
0x345: {  	v0 =	vadd.f32 v8, v0;
	_ =	sdelay $0x1  }
0x346: {  	v0 =	vadd.f32 v9, v0;
	_ =	sdelay $0x1  }
0x347: {  	v0 =	vmul.f32 $5.000000070e-02, v0;
	_ =	sdelay $0x1  }
0x348: {  	[tilespmem:s13+$0x30] =	vst v0  }
0x349: {  	v0 =	vld [tilespmem:$0x2440]  }
0x34a: {  	v10 =	vld [tilespmem:$0x24C0];
	_ =	sdelay $0x1  }
0x34b: {  	v11 =	vld [tilespmem:$0x2540];
	_ =	sdelay $0x1  }
0x34c: {  	v12 =	vld [tilespmem:$0x25C0]  }
0x34d: {  	v0 =	vadd.f32 v10, v0  }
0x34e: {  	v13 =	vld [tilespmem:$0x2640]  }
0x34f: {  	v0 =	vadd.f32 v11, v0  }
0x350: {  	v14 =	vld [tilespmem:$0x26C0]  }
0x351: {  	v0 =	vadd.f32 v12, v0  }
0x352: {  	v15 =	vld [tilespmem:$0x2740]  }
0x353: {  	v0 =	vadd.f32 v13, v0  }
0x354: {  	v16 =	vld [tilespmem:$0x27C0]  }
0x355: {  	v0 =	vadd.f32 v14, v0  }
0x356: {  	v17 =	vld [tilespmem:$0x2840]  }
0x357: {  	v0 =	vadd.f32 v15, v0  }
0x358: {  	v18 =	vld [tilespmem:$0x28C0]  }
0x359: {  	v0 =	vadd.f32 v16, v0  }
0x35a: {  	v19 =	vld [tilespmem:$0x2940]  }
0x35b: {  	v0 =	vadd.f32 v17, v0  }
0x35c: {  	v20 =	vld [tilespmem:$0x29C0]  }
0x35d: {  	v0 =	vadd.f32 v18, v0  }
0x35e: {  	v21 =	vld [tilespmem:$0x2A40]  }
0x35f: {  	v0 =	vadd.f32 v19, v0  }
0x360: {  	v22 =	vld [tilespmem:$0x2AC0]  }
0x361: {  	v0 =	vadd.f32 v20, v0  }
0x362: {  	v23 =	vld [tilespmem:$0x2B40]  }
0x363: {  	v0 =	vadd.f32 v21, v0  }
0x364: {  	v24 =	vld [tilespmem:$0x2BC0]  }
0x365: {  	v0 =	vadd.f32 v22, v0  }
0x366: {  	v25 =	vld [tilespmem:$0x2C40]  }
0x367: {  	v0 =	vadd.f32 v23, v0  }
0x368: {  	v26 =	vld [tilespmem:$0x2CC0]  }
0x369: {  	v0 =	vadd.f32 v24, v0  }
0x36a: {  	v27 =	vld [tilespmem:$0x2D40]  }
0x36b: {  	v0 =	vadd.f32 v25, v0  }
0x36c: {  	v28 =	vld [tilespmem:$0x2DC0]  }
0x36d: {  	v0 =	vadd.f32 v26, v0;
	_ =	sdelay $0x1  }
0x36e: {  	v0 =	vadd.f32 v27, v0;
	_ =	sdelay $0x1  }
0x36f: {  	v0 =	vadd.f32 v28, v0;
	_ =	sdelay $0x1  }
0x370: {  	v0 =	vmul.f32 $5.000000070e-02, v0;
	_ =	sdelay $0x1  }
0x371: {  	[tilespmem:s13+$0x40] =	vst v0  }
0x372: {  	v0 =	vld [tilespmem:$0x2450]  }
0x373: {  	v29 =	vld [tilespmem:$0x24D0];
	_ =	sdelay $0x1  }
0x374: {  	v30 =	vld [tilespmem:$0x2550];
	_ =	sdelay $0x1  }
0x375: {  	v31 =	vld [tilespmem:$0x25D0]  }
0x376: {  	v0 =	vadd.f32 v29, v0  }
0x377: {  	v32 =	vld [tilespmem:$0x2650]  }
0x378: {  	v0 =	vadd.f32 v30, v0  }
0x379: {  	v33 =	vld [tilespmem:$0x26D0]  }
0x37a: {  	v0 =	vadd.f32 v31, v0  }
0x37b: {  	v34 =	vld [tilespmem:$0x2750]  }
0x37c: {  	v0 =	vadd.f32 v32, v0  }
0x37d: {  	v35 =	vld [tilespmem:$0x27D0]  }
0x37e: {  	v0 =	vadd.f32 v33, v0  }
0x37f: {  	v36 =	vld [tilespmem:$0x2850]  }
0x380: {  	v0 =	vadd.f32 v34, v0  }
0x381: {  	v37 =	vld [tilespmem:$0x28D0]  }
0x382: {  	v0 =	vadd.f32 v35, v0  }
0x383: {  	v38 =	vld [tilespmem:$0x2950]  }
0x384: {  	v0 =	vadd.f32 v36, v0  }
0x385: {  	v39 =	vld [tilespmem:$0x29D0]  }
0x386: {  	v0 =	vadd.f32 v37, v0  }
0x387: {  	v40 =	vld [tilespmem:$0x2A50]  }
0x388: {  	v0 =	vadd.f32 v38, v0  }
0x389: {  	v41 =	vld [tilespmem:$0x2AD0]  }
0x38a: {  	v0 =	vadd.f32 v39, v0  }
0x38b: {  	v42 =	vld [tilespmem:$0x2B50]  }
0x38c: {  	v0 =	vadd.f32 v40, v0  }
0x38d: {  	v43 =	vld [tilespmem:$0x2BD0]  }
0x38e: {  	v0 =	vadd.f32 v41, v0  }
0x38f: {  	v44 =	vld [tilespmem:$0x2C50]  }
0x390: {  	v0 =	vadd.f32 v42, v0  }
0x391: {  	v45 =	vld [tilespmem:$0x2CD0]  }
0x392: {  	v0 =	vadd.f32 v43, v0  }
0x393: {  	v46 =	vld [tilespmem:$0x2D50]  }
0x394: {  	v0 =	vadd.f32 v44, v0  }
0x395: {  	v47 =	vld [tilespmem:$0x2DD0]  }
0x396: {  	v0 =	vadd.f32 v45, v0;
	_ =	sdelay $0x1  }
0x397: {  	v0 =	vadd.f32 v46, v0;
	_ =	sdelay $0x1  }
0x398: {  	v0 =	vadd.f32 v47, v0;
	_ =	sdelay $0x1  }
0x399: {  	v0 =	vmul.f32 $5.000000070e-02, v0;
	_ =	sdelay $0x1  }
0x39a: {  	[tilespmem:s13+$0x50] =	vst v0  }
0x39b: {  	v0 =	vld [tilespmem:$0x2460]  }
0x39c: {  	v48 =	vld [tilespmem:$0x24E0];
	_ =	sdelay $0x1  }
0x39d: {  	v49 =	vld [tilespmem:$0x2560];
	_ =	sdelay $0x1  }
0x39e: {  	v50 =	vld [tilespmem:$0x25E0]  }
0x39f: {  	v0 =	vadd.f32 v48, v0  }
0x3a0: {  	v51 =	vld [tilespmem:$0x2660]  }
0x3a1: {  	v0 =	vadd.f32 v49, v0  }
0x3a2: {  	v52 =	vld [tilespmem:$0x26E0]  }
0x3a3: {  	v0 =	vadd.f32 v50, v0  }
0x3a4: {  	v53 =	vld [tilespmem:$0x2760]  }
0x3a5: {  	v0 =	vadd.f32 v51, v0  }
0x3a6: {  	v54 =	vld [tilespmem:$0x27E0]  }
0x3a7: {  	v0 =	vadd.f32 v52, v0  }
0x3a8: {  	v55 =	vld [tilespmem:$0x2860]  }
0x3a9: {  	v0 =	vadd.f32 v53, v0  }
0x3aa: {  	v56 =	vld [tilespmem:$0x28E0]  }
0x3ab: {  	v0 =	vadd.f32 v54, v0  }
0x3ac: {  	v57 =	vld [tilespmem:$0x2960]  }
0x3ad: {  	v0 =	vadd.f32 v55, v0  }
0x3ae: {  	v58 =	vld [tilespmem:$0x29E0]  }
0x3af: {  	v0 =	vadd.f32 v56, v0  }
0x3b0: {  	v59 =	vld [tilespmem:$0x2A60]  }
0x3b1: {  	v0 =	vadd.f32 v57, v0  }
0x3b2: {  	v60 =	vld [tilespmem:$0x2AE0]  }
0x3b3: {  	v0 =	vadd.f32 v58, v0  }
0x3b4: {  	v61 =	vld [tilespmem:$0x2B60]  }
0x3b5: {  	v0 =	vadd.f32 v59, v0  }
0x3b6: {  	v62 =	vld [tilespmem:$0x2BE0]  }
0x3b7: {  	v0 =	vadd.f32 v60, v0  }
0x3b8: {  	v63 =	vld [tilespmem:$0x2C60]  }
0x3b9: {  	v0 =	vadd.f32 v61, v0  }
0x3ba: {  	v6 =	vld [tilespmem:$0x2CE0]  }
0x3bb: {  	v0 =	vadd.f32 v62, v0  }
0x3bc: {  	v7 =	vld [tilespmem:$0x2D60]  }
0x3bd: {  	v0 =	vadd.f32 v63, v0  }
0x3be: {  	v8 =	vld [tilespmem:$0x2DE0]  }
0x3bf: {  	v0 =	vadd.f32 v6, v0;
	_ =	sdelay $0x1  }
0x3c0: {  	v0 =	vadd.f32 v7, v0;
	_ =	sdelay $0x1  }
0x3c1: {  	v0 =	vadd.f32 v8, v0;
	_ =	sdelay $0x1  }
0x3c2: {  	v0 =	vmul.f32 $5.000000070e-02, v0;
	_ =	sdelay $0x1  }
0x3c3: {  	[tilespmem:s13+$0x60] =	vst v0  }
0x3c4: {  	v0 =	vld [tilespmem:$0x2470]  }
0x3c5: {  	v9 =	vld [tilespmem:$0x24F0];
	_ =	sdelay $0x1  }
0x3c6: {  	v10 =	vld [tilespmem:$0x2570];
	_ =	sdelay $0x1  }
0x3c7: {  	v11 =	vld [tilespmem:$0x25F0]  }
0x3c8: {  	v0 =	vadd.f32 v9, v0  }
0x3c9: {  	v12 =	vld [tilespmem:$0x2670]  }
0x3ca: {  	v0 =	vadd.f32 v10, v0  }
0x3cb: {  	v13 =	vld [tilespmem:$0x26F0]  }
0x3cc: {  	v0 =	vadd.f32 v11, v0  }
0x3cd: {  	v14 =	vld [tilespmem:$0x2770]  }
0x3ce: {  	v0 =	vadd.f32 v12, v0  }
0x3cf: {  	v15 =	vld [tilespmem:$0x27F0]  }
0x3d0: {  	v0 =	vadd.f32 v13, v0  }
0x3d1: {  	v16 =	vld [tilespmem:$0x2870]  }
0x3d2: {  	v0 =	vadd.f32 v14, v0  }
0x3d3: {  	v17 =	vld [tilespmem:$0x28F0]  }
0x3d4: {  	v0 =	vadd.f32 v15, v0  }
0x3d5: {  	v18 =	vld [tilespmem:$0x2970]  }
0x3d6: {  	v0 =	vadd.f32 v16, v0  }
0x3d7: {  	v19 =	vld [tilespmem:$0x29F0]  }
0x3d8: {  	v0 =	vadd.f32 v17, v0  }
0x3d9: {  	v20 =	vld [tilespmem:$0x2A70]  }
0x3da: {  	v0 =	vadd.f32 v18, v0  }
0x3db: {  	v21 =	vld [tilespmem:$0x2AF0]  }
0x3dc: {  	v0 =	vadd.f32 v19, v0  }
0x3dd: {  	v22 =	vld [tilespmem:$0x2B70]  }
0x3de: {  	v0 =	vadd.f32 v20, v0  }
0x3df: {  	v23 =	vld [tilespmem:$0x2BF0]  }
0x3e0: {  	v0 =	vadd.f32 v21, v0  }
0x3e1: {  	v24 =	vld [tilespmem:$0x2C70]  }
0x3e2: {  	v0 =	vadd.f32 v22, v0  }
0x3e3: {  	v25 =	vld [tilespmem:$0x2CF0]  }
0x3e4: {  	v0 =	vadd.f32 v23, v0  }
0x3e5: {  	v26 =	vld [tilespmem:$0x2D70]  }
0x3e6: {  	v0 =	vadd.f32 v24, v0  }
0x3e7: {  	v27 =	vld [tilespmem:$0x2DF0]  }
0x3e8: {  	v0 =	vadd.f32 v25, v0;
	_ =	sdelay $0x1  }
0x3e9: {  	v0 =	vadd.f32 v26, v0;
	_ =	sdelay $0x1  }
0x3ea: {  	v0 =	vadd.f32 v27, v0;
	_ =	sdelay $0x1  }
0x3eb: {  	v0 =	vmul.f32 $5.000000070e-02, v0;
	_ =	sdelay $0x1  }
0x3ec: {  	[tilespmem:s13+$0x70] =	vst v0  }
0x3ed: {  	v0 =	vld [tilespmem:$0x2E00]  }
0x3ee: {  	v28 =	vld [tilespmem:$0x2E80];
	_ =	sdelay $0x1  }
0x3ef: {  	v29 =	vld [tilespmem:$0x2F00];
	_ =	sdelay $0x1  }
0x3f0: {  	v30 =	vld [tilespmem:$0x2F80]  }
0x3f1: {  	v0 =	vadd.f32 v28, v0  }
0x3f2: {  	v31 =	vld [tilespmem:$0x3000]  }
0x3f3: {  	v0 =	vadd.f32 v29, v0  }
0x3f4: {  	v32 =	vld [tilespmem:$0x3080]  }
0x3f5: {  	v0 =	vadd.f32 v30, v0  }
0x3f6: {  	v33 =	vld [tilespmem:$0x3100]  }
0x3f7: {  	v0 =	vadd.f32 v31, v0  }
0x3f8: {  	v34 =	vld [tilespmem:$0x3180]  }
0x3f9: {  	v0 =	vadd.f32 v32, v0  }
0x3fa: {  	v35 =	vld [tilespmem:$0x3200]  }
0x3fb: {  	v0 =	vadd.f32 v33, v0  }
0x3fc: {  	v36 =	vld [tilespmem:$0x3280]  }
0x3fd: {  	v0 =	vadd.f32 v34, v0  }
0x3fe: {  	v37 =	vld [tilespmem:$0x3300]  }
0x3ff: {  	v0 =	vadd.f32 v35, v0  }
0x400: {  	v38 =	vld [tilespmem:$0x3380]  }
0x401: {  	v0 =	vadd.f32 v36, v0  }
0x402: {  	v39 =	vld [tilespmem:$0x3400]  }
0x403: {  	v0 =	vadd.f32 v37, v0  }
0x404: {  	v40 =	vld [tilespmem:$0x3480]  }
0x405: {  	v0 =	vadd.f32 v38, v0  }
0x406: {  	v41 =	vld [tilespmem:$0x3500]  }
0x407: {  	v0 =	vadd.f32 v39, v0  }
0x408: {  	v42 =	vld [tilespmem:$0x3580]  }
0x409: {  	v0 =	vadd.f32 v40, v0  }
0x40a: {  	v43 =	vld [tilespmem:$0x3600]  }
0x40b: {  	v0 =	vadd.f32 v41, v0  }
0x40c: {  	v44 =	vld [tilespmem:$0x3680]  }
0x40d: {  	v0 =	vadd.f32 v42, v0  }
0x40e: {  	v45 =	vld [tilespmem:$0x3700]  }
0x40f: {  	v0 =	vadd.f32 v43, v0  }
0x410: {  	v46 =	vld [tilespmem:$0x3780]  }
0x411: {  	v0 =	vadd.f32 v44, v0;
	_ =	sdelay $0x1  }
0x412: {  	v0 =	vadd.f32 v45, v0;
	_ =	sdelay $0x1  }
0x413: {  	v0 =	vadd.f32 v46, v0;
	_ =	sdelay $0x1  }
0x414: {  	v0 =	vmul.f32 $5.000000070e-02, v0;
	_ =	sdelay $0x1  }
0x415: {  	[tilespmem:s13+$0x80] =	vst v0  }
0x416: {  	v0 =	vld [tilespmem:$0x2E10]  }
0x417: {  	v47 =	vld [tilespmem:$0x2E90];
	_ =	sdelay $0x1  }
0x418: {  	v48 =	vld [tilespmem:$0x2F10];
	_ =	sdelay $0x1  }
0x419: {  	v49 =	vld [tilespmem:$0x2F90]  }
0x41a: {  	v0 =	vadd.f32 v47, v0  }
0x41b: {  	v50 =	vld [tilespmem:$0x3010]  }
0x41c: {  	v0 =	vadd.f32 v48, v0  }
0x41d: {  	v51 =	vld [tilespmem:$0x3090]  }
0x41e: {  	v0 =	vadd.f32 v49, v0  }
0x41f: {  	v52 =	vld [tilespmem:$0x3110]  }
0x420: {  	v0 =	vadd.f32 v50, v0  }
0x421: {  	v53 =	vld [tilespmem:$0x3190]  }
0x422: {  	v0 =	vadd.f32 v51, v0  }
0x423: {  	v54 =	vld [tilespmem:$0x3210]  }
0x424: {  	v0 =	vadd.f32 v52, v0  }
0x425: {  	v55 =	vld [tilespmem:$0x3290]  }
0x426: {  	v0 =	vadd.f32 v53, v0  }
0x427: {  	v56 =	vld [tilespmem:$0x3310]  }
0x428: {  	v0 =	vadd.f32 v54, v0  }
0x429: {  	v57 =	vld [tilespmem:$0x3390]  }
0x42a: {  	v0 =	vadd.f32 v55, v0  }
0x42b: {  	v58 =	vld [tilespmem:$0x3410]  }
0x42c: {  	v0 =	vadd.f32 v56, v0  }
0x42d: {  	v59 =	vld [tilespmem:$0x3490]  }
0x42e: {  	v0 =	vadd.f32 v57, v0  }
0x42f: {  	v60 =	vld [tilespmem:$0x3510]  }
0x430: {  	v0 =	vadd.f32 v58, v0  }
0x431: {  	v61 =	vld [tilespmem:$0x3590]  }
0x432: {  	v0 =	vadd.f32 v59, v0  }
0x433: {  	v62 =	vld [tilespmem:$0x3610]  }
0x434: {  	v0 =	vadd.f32 v60, v0  }
0x435: {  	v63 =	vld [tilespmem:$0x3690]  }
0x436: {  	v0 =	vadd.f32 v61, v0  }
0x437: {  	v6 =	vld [tilespmem:$0x3710]  }
0x438: {  	v0 =	vadd.f32 v62, v0  }
0x439: {  	v7 =	vld [tilespmem:$0x3790]  }
0x43a: {  	v0 =	vadd.f32 v63, v0;
	_ =	sdelay $0x1  }
0x43b: {  	v0 =	vadd.f32 v6, v0;
	_ =	sdelay $0x1  }
0x43c: {  	v0 =	vadd.f32 v7, v0;
	_ =	sdelay $0x1  }
0x43d: {  	v0 =	vmul.f32 $5.000000070e-02, v0;
	_ =	sdelay $0x1  }
0x43e: {  	[tilespmem:s13+$0x90] =	vst v0  }
0x43f: {  	v0 =	vld [tilespmem:$0x2E20]  }
0x440: {  	v8 =	vld [tilespmem:$0x2EA0];
	_ =	sdelay $0x1  }
0x441: {  	v9 =	vld [tilespmem:$0x2F20];
	_ =	sdelay $0x1  }
0x442: {  	v10 =	vld [tilespmem:$0x2FA0]  }
0x443: {  	v0 =	vadd.f32 v8, v0  }
0x444: {  	v11 =	vld [tilespmem:$0x3020]  }
0x445: {  	v0 =	vadd.f32 v9, v0  }
0x446: {  	v12 =	vld [tilespmem:$0x30A0]  }
0x447: {  	v0 =	vadd.f32 v10, v0  }
0x448: {  	v13 =	vld [tilespmem:$0x3120]  }
0x449: {  	v0 =	vadd.f32 v11, v0  }
0x44a: {  	v14 =	vld [tilespmem:$0x31A0]  }
0x44b: {  	v0 =	vadd.f32 v12, v0  }
0x44c: {  	v15 =	vld [tilespmem:$0x3220]  }
0x44d: {  	v0 =	vadd.f32 v13, v0  }
0x44e: {  	v16 =	vld [tilespmem:$0x32A0]  }
0x44f: {  	v0 =	vadd.f32 v14, v0  }
0x450: {  	v17 =	vld [tilespmem:$0x3320]  }
0x451: {  	v0 =	vadd.f32 v15, v0  }
0x452: {  	v18 =	vld [tilespmem:$0x33A0]  }
0x453: {  	v0 =	vadd.f32 v16, v0  }
0x454: {  	v19 =	vld [tilespmem:$0x3420]  }
0x455: {  	v0 =	vadd.f32 v17, v0  }
0x456: {  	v20 =	vld [tilespmem:$0x34A0]  }
0x457: {  	v0 =	vadd.f32 v18, v0  }
0x458: {  	v21 =	vld [tilespmem:$0x3520]  }
0x459: {  	v0 =	vadd.f32 v19, v0  }
0x45a: {  	v22 =	vld [tilespmem:$0x35A0]  }
0x45b: {  	v0 =	vadd.f32 v20, v0  }
0x45c: {  	v23 =	vld [tilespmem:$0x3620]  }
0x45d: {  	v0 =	vadd.f32 v21, v0  }
0x45e: {  	v24 =	vld [tilespmem:$0x36A0]  }
0x45f: {  	v0 =	vadd.f32 v22, v0  }
0x460: {  	v25 =	vld [tilespmem:$0x3720]  }
0x461: {  	v0 =	vadd.f32 v23, v0  }
0x462: {  	v26 =	vld [tilespmem:$0x37A0]  }
0x463: {  	v0 =	vadd.f32 v24, v0;
	_ =	sdelay $0x1  }
0x464: {  	v0 =	vadd.f32 v25, v0;
	_ =	sdelay $0x1  }
0x465: {  	v0 =	vadd.f32 v26, v0;
	_ =	sdelay $0x1  }
0x466: {  	v0 =	vmul.f32 $5.000000070e-02, v0;
	_ =	sdelay $0x1  }
0x467: {  	[tilespmem:s13+$0xA0] =	vst v0  }
0x468: {  	v0 =	vld [tilespmem:$0x2E30]  }
0x469: {  	v27 =	vld [tilespmem:$0x2EB0];
	_ =	sdelay $0x1  }
0x46a: {  	v28 =	vld [tilespmem:$0x2F30];
	_ =	sdelay $0x1  }
0x46b: {  	v29 =	vld [tilespmem:$0x2FB0]  }
0x46c: {  	v0 =	vadd.f32 v27, v0  }
0x46d: {  	v30 =	vld [tilespmem:$0x3030]  }
0x46e: {  	v0 =	vadd.f32 v28, v0  }
0x46f: {  	v31 =	vld [tilespmem:$0x30B0]  }
0x470: {  	v0 =	vadd.f32 v29, v0  }
0x471: {  	v32 =	vld [tilespmem:$0x3130]  }
0x472: {  	v0 =	vadd.f32 v30, v0  }
0x473: {  	v33 =	vld [tilespmem:$0x31B0]  }
0x474: {  	v0 =	vadd.f32 v31, v0  }
0x475: {  	v34 =	vld [tilespmem:$0x3230]  }
0x476: {  	v0 =	vadd.f32 v32, v0  }
0x477: {  	v35 =	vld [tilespmem:$0x32B0]  }
0x478: {  	v0 =	vadd.f32 v33, v0  }
0x479: {  	v36 =	vld [tilespmem:$0x3330]  }
0x47a: {  	v0 =	vadd.f32 v34, v0  }
0x47b: {  	v37 =	vld [tilespmem:$0x33B0]  }
0x47c: {  	v0 =	vadd.f32 v35, v0  }
0x47d: {  	v38 =	vld [tilespmem:$0x3430]  }
0x47e: {  	v0 =	vadd.f32 v36, v0  }
0x47f: {  	v39 =	vld [tilespmem:$0x34B0]  }
0x480: {  	v0 =	vadd.f32 v37, v0  }
0x481: {  	v40 =	vld [tilespmem:$0x3530]  }
0x482: {  	v0 =	vadd.f32 v38, v0  }
0x483: {  	v41 =	vld [tilespmem:$0x35B0]  }
0x484: {  	v0 =	vadd.f32 v39, v0  }
0x485: {  	v42 =	vld [tilespmem:$0x3630]  }
0x486: {  	v0 =	vadd.f32 v40, v0  }
0x487: {  	v43 =	vld [tilespmem:$0x36B0]  }
0x488: {  	v0 =	vadd.f32 v41, v0  }
0x489: {  	v44 =	vld [tilespmem:$0x3730]  }
0x48a: {  	v0 =	vadd.f32 v42, v0  }
0x48b: {  	v45 =	vld [tilespmem:$0x37B0]  }
0x48c: {  	v0 =	vadd.f32 v43, v0;
	_ =	sdelay $0x1  }
0x48d: {  	v0 =	vadd.f32 v44, v0;
	_ =	sdelay $0x1  }
0x48e: {  	v0 =	vadd.f32 v45, v0;
	_ =	sdelay $0x1  }
0x48f: {  	v0 =	vmul.f32 $5.000000070e-02, v0;
	_ =	sdelay $0x1  }
0x490: {  	[tilespmem:s13+$0xB0] =	vst v0  }
0x491: {  	v0 =	vld [tilespmem:$0x2E40]  }
0x492: {  	v46 =	vld [tilespmem:$0x2EC0];
	_ =	sdelay $0x1  }
0x493: {  	v47 =	vld [tilespmem:$0x2F40];
	_ =	sdelay $0x1  }
0x494: {  	v48 =	vld [tilespmem:$0x2FC0]  }
0x495: {  	v0 =	vadd.f32 v46, v0  }
0x496: {  	v49 =	vld [tilespmem:$0x3040]  }
0x497: {  	v0 =	vadd.f32 v47, v0  }
0x498: {  	v50 =	vld [tilespmem:$0x30C0]  }
0x499: {  	v0 =	vadd.f32 v48, v0  }
0x49a: {  	v51 =	vld [tilespmem:$0x3140]  }
0x49b: {  	v0 =	vadd.f32 v49, v0  }
0x49c: {  	v52 =	vld [tilespmem:$0x31C0]  }
0x49d: {  	v0 =	vadd.f32 v50, v0  }
0x49e: {  	v53 =	vld [tilespmem:$0x3240]  }
0x49f: {  	v0 =	vadd.f32 v51, v0  }
0x4a0: {  	v54 =	vld [tilespmem:$0x32C0]  }
0x4a1: {  	v0 =	vadd.f32 v52, v0  }
0x4a2: {  	v55 =	vld [tilespmem:$0x3340]  }
0x4a3: {  	v0 =	vadd.f32 v53, v0  }
0x4a4: {  	v56 =	vld [tilespmem:$0x33C0]  }
0x4a5: {  	v0 =	vadd.f32 v54, v0  }
0x4a6: {  	v57 =	vld [tilespmem:$0x3440]  }
0x4a7: {  	v0 =	vadd.f32 v55, v0  }
0x4a8: {  	v58 =	vld [tilespmem:$0x34C0]  }
0x4a9: {  	v0 =	vadd.f32 v56, v0  }
0x4aa: {  	v59 =	vld [tilespmem:$0x3540]  }
0x4ab: {  	v0 =	vadd.f32 v57, v0  }
0x4ac: {  	v60 =	vld [tilespmem:$0x35C0]  }
0x4ad: {  	v0 =	vadd.f32 v58, v0  }
0x4ae: {  	v61 =	vld [tilespmem:$0x3640]  }
0x4af: {  	v0 =	vadd.f32 v59, v0  }
0x4b0: {  	v62 =	vld [tilespmem:$0x36C0]  }
0x4b1: {  	v0 =	vadd.f32 v60, v0  }
0x4b2: {  	v63 =	vld [tilespmem:$0x3740]  }
0x4b3: {  	v0 =	vadd.f32 v61, v0  }
0x4b4: {  	v6 =	vld [tilespmem:$0x37C0]  }
0x4b5: {  	v0 =	vadd.f32 v62, v0;
	_ =	sdelay $0x1  }
0x4b6: {  	v0 =	vadd.f32 v63, v0;
	_ =	sdelay $0x1  }
0x4b7: {  	v0 =	vadd.f32 v6, v0;
	_ =	sdelay $0x1  }
0x4b8: {  	v0 =	vmul.f32 $5.000000070e-02, v0;
	_ =	sdelay $0x1  }
0x4b9: {  	[tilespmem:s13+$0xC0] =	vst v0  }
0x4ba: {  	v0 =	vld [tilespmem:$0x2E50]  }
0x4bb: {  	v7 =	vld [tilespmem:$0x2ED0];
	_ =	sdelay $0x1  }
0x4bc: {  	v8 =	vld [tilespmem:$0x2F50];
	_ =	sdelay $0x1  }
0x4bd: {  	v9 =	vld [tilespmem:$0x2FD0]  }
0x4be: {  	v0 =	vadd.f32 v7, v0  }
0x4bf: {  	v10 =	vld [tilespmem:$0x3050]  }
0x4c0: {  	v0 =	vadd.f32 v8, v0  }
0x4c1: {  	v11 =	vld [tilespmem:$0x30D0]  }
0x4c2: {  	v0 =	vadd.f32 v9, v0  }
0x4c3: {  	v12 =	vld [tilespmem:$0x3150]  }
0x4c4: {  	v0 =	vadd.f32 v10, v0  }
0x4c5: {  	v13 =	vld [tilespmem:$0x31D0]  }
0x4c6: {  	v0 =	vadd.f32 v11, v0  }
0x4c7: {  	v14 =	vld [tilespmem:$0x3250]  }
0x4c8: {  	v0 =	vadd.f32 v12, v0  }
0x4c9: {  	v15 =	vld [tilespmem:$0x32D0]  }
0x4ca: {  	v0 =	vadd.f32 v13, v0  }
0x4cb: {  	v16 =	vld [tilespmem:$0x3350]  }
0x4cc: {  	v0 =	vadd.f32 v14, v0  }
0x4cd: {  	v17 =	vld [tilespmem:$0x33D0]  }
0x4ce: {  	v0 =	vadd.f32 v15, v0  }
0x4cf: {  	v18 =	vld [tilespmem:$0x3450]  }
0x4d0: {  	v0 =	vadd.f32 v16, v0  }
0x4d1: {  	v19 =	vld [tilespmem:$0x34D0]  }
0x4d2: {  	v0 =	vadd.f32 v17, v0  }
0x4d3: {  	v20 =	vld [tilespmem:$0x3550]  }
0x4d4: {  	v0 =	vadd.f32 v18, v0  }
0x4d5: {  	v21 =	vld [tilespmem:$0x35D0]  }
0x4d6: {  	v0 =	vadd.f32 v19, v0  }
0x4d7: {  	v22 =	vld [tilespmem:$0x3650]  }
0x4d8: {  	v0 =	vadd.f32 v20, v0  }
0x4d9: {  	v23 =	vld [tilespmem:$0x36D0]  }
0x4da: {  	v0 =	vadd.f32 v21, v0  }
0x4db: {  	v24 =	vld [tilespmem:$0x3750]  }
0x4dc: {  	v0 =	vadd.f32 v22, v0  }
0x4dd: {  	v25 =	vld [tilespmem:$0x37D0]  }
0x4de: {  	v0 =	vadd.f32 v23, v0;
	_ =	sdelay $0x1  }
0x4df: {  	v0 =	vadd.f32 v24, v0;
	_ =	sdelay $0x1  }
0x4e0: {  	v0 =	vadd.f32 v25, v0;
	_ =	sdelay $0x1  }
0x4e1: {  	v0 =	vmul.f32 $5.000000070e-02, v0;
	_ =	sdelay $0x1  }
0x4e2: {  	[tilespmem:s13+$0xD0] =	vst v0  }
0x4e3: {  	v0 =	vld [tilespmem:$0x2E60]  }
0x4e4: {  	v26 =	vld [tilespmem:$0x2EE0];
	_ =	sdelay $0x1  }
0x4e5: {  	v27 =	vld [tilespmem:$0x2F60];
	_ =	sdelay $0x1  }
0x4e6: {  	v28 =	vld [tilespmem:$0x2FE0]  }
0x4e7: {  	v0 =	vadd.f32 v26, v0  }
0x4e8: {  	v29 =	vld [tilespmem:$0x3060]  }
0x4e9: {  	v0 =	vadd.f32 v27, v0  }
0x4ea: {  	v30 =	vld [tilespmem:$0x30E0]  }
0x4eb: {  	v0 =	vadd.f32 v28, v0  }
0x4ec: {  	v31 =	vld [tilespmem:$0x3160]  }
0x4ed: {  	v0 =	vadd.f32 v29, v0  }
0x4ee: {  	v32 =	vld [tilespmem:$0x31E0]  }
0x4ef: {  	v0 =	vadd.f32 v30, v0  }
0x4f0: {  	v33 =	vld [tilespmem:$0x3260]  }
0x4f1: {  	v0 =	vadd.f32 v31, v0  }
0x4f2: {  	v34 =	vld [tilespmem:$0x32E0]  }
0x4f3: {  	v0 =	vadd.f32 v32, v0  }
0x4f4: {  	v35 =	vld [tilespmem:$0x3360]  }
0x4f5: {  	v0 =	vadd.f32 v33, v0  }
0x4f6: {  	v36 =	vld [tilespmem:$0x33E0]  }
0x4f7: {  	v0 =	vadd.f32 v34, v0  }
0x4f8: {  	v37 =	vld [tilespmem:$0x3460]  }
0x4f9: {  	v0 =	vadd.f32 v35, v0  }
0x4fa: {  	v38 =	vld [tilespmem:$0x34E0]  }
0x4fb: {  	v0 =	vadd.f32 v36, v0  }
0x4fc: {  	v39 =	vld [tilespmem:$0x3560]  }
0x4fd: {  	v0 =	vadd.f32 v37, v0  }
0x4fe: {  	v40 =	vld [tilespmem:$0x35E0]  }
0x4ff: {  	v0 =	vadd.f32 v38, v0  }
0x500: {  	v41 =	vld [tilespmem:$0x3660]  }
0x501: {  	v0 =	vadd.f32 v39, v0  }
0x502: {  	v42 =	vld [tilespmem:$0x36E0]  }
0x503: {  	v0 =	vadd.f32 v40, v0  }
0x504: {  	v43 =	vld [tilespmem:$0x3760]  }
0x505: {  	v0 =	vadd.f32 v41, v0  }
0x506: {  	v44 =	vld [tilespmem:$0x37E0]  }
0x507: {  	v0 =	vadd.f32 v42, v0;
	_ =	sdelay $0x1  }
0x508: {  	v0 =	vadd.f32 v43, v0;
	_ =	sdelay $0x1  }
0x509: {  	v0 =	vadd.f32 v44, v0;
	_ =	sdelay $0x1  }
0x50a: {  	v0 =	vmul.f32 $5.000000070e-02, v0;
	_ =	sdelay $0x1  }
0x50b: {  	[tilespmem:s13+$0xE0] =	vst v0  }
0x50c: {  	v0 =	vld [tilespmem:$0x2E70]  }
0x50d: {  	v45 =	vld [tilespmem:$0x2EF0];
	_ =	sdelay $0x1  }
0x50e: {  	v46 =	vld [tilespmem:$0x2F70];
	_ =	sdelay $0x1  }
0x50f: {  	v47 =	vld [tilespmem:$0x2FF0]  }
0x510: {  	v0 =	vadd.f32 v45, v0  }
0x511: {  	v48 =	vld [tilespmem:$0x3070]  }
0x512: {  	v0 =	vadd.f32 v46, v0  }
0x513: {  	v49 =	vld [tilespmem:$0x30F0]  }
0x514: {  	v0 =	vadd.f32 v47, v0  }
0x515: {  	v50 =	vld [tilespmem:$0x3170]  }
0x516: {  	v0 =	vadd.f32 v48, v0  }
0x517: {  	v51 =	vld [tilespmem:$0x31F0]  }
0x518: {  	v0 =	vadd.f32 v49, v0  }
0x519: {  	v52 =	vld [tilespmem:$0x3270]  }
0x51a: {  	v0 =	vadd.f32 v50, v0  }
0x51b: {  	v53 =	vld [tilespmem:$0x32F0]  }
0x51c: {  	v0 =	vadd.f32 v51, v0  }
0x51d: {  	v54 =	vld [tilespmem:$0x3370]  }
0x51e: {  	v0 =	vadd.f32 v52, v0  }
0x51f: {  	v55 =	vld [tilespmem:$0x33F0]  }
0x520: {  	v0 =	vadd.f32 v53, v0  }
0x521: {  	v56 =	vld [tilespmem:$0x3470]  }
0x522: {  	v0 =	vadd.f32 v54, v0  }
0x523: {  	v57 =	vld [tilespmem:$0x34F0]  }
0x524: {  	v0 =	vadd.f32 v55, v0  }
0x525: {  	v58 =	vld [tilespmem:$0x3570]  }
0x526: {  	v0 =	vadd.f32 v56, v0  }
0x527: {  	v59 =	vld [tilespmem:$0x35F0]  }
0x528: {  	v0 =	vadd.f32 v57, v0  }
0x529: {  	v60 =	vld [tilespmem:$0x3670]  }
0x52a: {  	v0 =	vadd.f32 v58, v0  }
0x52b: {  	v61 =	vld [tilespmem:$0x36F0]  }
0x52c: {  	v0 =	vadd.f32 v59, v0  }
0x52d: {  	v62 =	vld [tilespmem:$0x3770]  }
0x52e: {  	v0 =	vadd.f32 v60, v0  }
0x52f: {  	v63 =	vld [tilespmem:$0x37F0]  }
0x530: {  	v0 =	vadd.f32 v61, v0;
	_ =	sdelay $0x1  }
0x531: {  	v0 =	vadd.f32 v62, v0  }
0x532: {  	p0 =	sne.s32 s14, $0x3E00  }
.Ltmp0:
0x533: {  	v0 =	vadd.f32 v63, v0;
	(pc) =	sbr.rel @p0 .LBB2_2-.Ltmp0, $3  }
0x534: {  	_ = 	snop  }
0x535: {  	v0 =	vmul.f32 $5.000000070e-02, v0;
	_ =	sdelay $0x1  }
0x536: {  	s14 =	sadd.s32 $0x200, s14;
	[tilespmem:s13+$0xF0] =	vst v0;
	s13 =	sadd.s32 $0x200, s13  }
0x537: {  	s12 =	sadd.s32 $0x1, s12  }
0x538: {  	p0 =	sne.s32 s12, s6  }
.Ltmp1:
0x539: {  	_ = 	snop;
	(pc) =	sbr.rel @p0 .LBB2_1-.Ltmp1, $4  }
0x53a: {  	[hbm4b:s5+s3] =	stream.linear.scatter [tilespmem:s11], [sflag:$0x2], $0x4000, $0x38;
	[tilespmem:$0x7800] =	vst v63  }
0x53b: {  	_ =	swait.ge [sflag:s7], $0x4000  }
0x53c: {  	[sflag:s7] =	ssyncset.done $0x0  }
0x53d: {  	[sflag:s7] =	ssyncadd.s32 $0xFFFFC000  }
0x53e: {  	_ =	sfence.sel $0x180000  }
0x53f: {  	[bflag:$0x0] =	sbarrier.arrive $0xFFFF  }
0x540: {  	p0 =	sne.s32 s2, $0x0;
	_ =	strace $0x90000047  }
0x541: {  	s0 =	sadd.s32 @!p0 $0x100000, s0;
	[bflag:$0x2] =	sbarrier.arrive $0xFFFF  }
0x542: {  	[sflag:s0] =	ssyncadd.tile.s32 @!p0 $0x1;
	_ =	shalt  }
.Lfunc_end2:
_tile_overlayer_lowered:
.L_overlay_start_2:
0x543: {  	(tag) =	ssettag $0x2  }
0x544: {  	s0 =	rddreg [dreg:$0x0];
	s2 =	stileid.u32  }
0x545: {  	s1 =	rddreg [dreg:$0x1];
	p0 =	sne.s32 s2, $0x0  }
0x546: {  	s3 =	rddreg [dreg:$0x2];
	[bflag:$0x3] =	sbarrier.arrive $0xFFFF;
	s2 =	simm.s32 @!p0 $0x1C02  }
0x547: {  	[timem:s3], [sflag:s2] =	dma.local @!p0 [hbm:s0], s1  }
0x548: {  	s0 =	simm.s32 @!p0 $0x2  }
0x549: {  	_ =	swait.ge @!p0 [sflag:s0], s1  }
0x54a: {  	s1 =	ssub.s32 @!p0 $0x0, s1;
	[sflag:s0] =	ssyncset.done @!p0 $0x0  }
0x54b: {  	[sflag:s0] =	ssyncadd.s32 @!p0 s1  }
0x54c: {  	[bflag:$0x3] =	sbarrier.arrive $0xFFFF  }
0x54d: {  	_ =	shalt  }

</sc_bundles>
